<compile_context>
chip_gen: v7x
topology: tpu7x:2x2x1
jax: 0.10.2.dev20260603
libtpu: 0.0.44.dev20260713+nightly
codegen_flags: <defaults>
</compile_context>

<pallas_src>
import jax
import jax.numpy as jnp
from jax import lax
from jax.experimental import pallas as pl
from jax.experimental.pallas import tpu as pltpu
from jax.experimental.pallas import tpu_sc as plsc

_N = 10000
_E = 320000
_D = 128
_G = 64
_NC = 2
_NS = 16
_NW = _NC * _NS
_FW = _D // _NS
_EH = _E // _NC
_C = 128
_CH = 50
_NSC = _EH // (_CH * _C)
_EW = _E // _NW
_NPAD = 10240
_TBL = _NPAD * _FW
_NB = 1000
_GRID = _N // _NB

_sc_mesh = plsc.VectorSubcoreMesh(core_axis_name="c", subcore_axis_name="s")
_sc_params = pltpu.CompilerParams(needs_layout_passes=False,
                                  use_tc_tiling_on_sc=False)



def _deg_body(dst_hbm, out_hbm, idx_v, table):
    c = lax.axis_index("c")
    s = lax.axis_index("s")
    wid = c * _NS + s

    def _zero(i, carry):
        table[pl.ds(i * 16, 16)] = jnp.zeros((16,), jnp.float32)
        return carry

    lax.fori_loop(0, _NPAD // 16, _zero, 0)
    pltpu.sync_copy(dst_hbm.at[wid], idx_v)
    ones = jnp.ones((16,), jnp.float32)

    def _count(k, carry):
        dst16 = idx_v[pl.ds(k * 16, 16)]
        plsc.addupdate_scatter(table, [dst16], ones)
        return carry

    lax.fori_loop(0, _EW // 16, _count, 0)
    pltpu.sync_copy(table, out_hbm.at[wid])


_deg_call = pl.kernel(
    _deg_body,
    out_type=jax.ShapeDtypeStruct((_NW, _NPAD), jnp.float32),
    mesh=_sc_mesh,
    compiler_params=_sc_params,
    scratch_types=[
        pltpu.VMEM((_EW,), jnp.int32),
        pltpu.VMEM((_NPAD,), jnp.float32),
    ],
)


def _agg_body(hp_hbm, comb_hbm, out_hbm, cbuf, rows0, rows1,
              tbl_a, tbl_b, tbl_c, tbl_d, tbl_e, tbl_f, tbl_g, tbl_h,
              sem0, sem1):
    c = lax.axis_index("c")
    s = lax.axis_index("s")
    wid = c * _NS + s
    tbls = (tbl_a, tbl_b, tbl_c, tbl_d, tbl_e, tbl_f, tbl_g, tbl_h)

    def _zero(i, carry):
        for t in tbls:
            t[pl.ds(i * 16, 16)] = jnp.zeros((16,), jnp.float32)
        return carry

    lax.fori_loop(0, _NPAD // 16, _zero, 0)

    iota16 = lax.iota(jnp.int32, 16)

    def _compute(j, rows):
        for g in range(_C // 16):
            dst16 = cbuf[j, 1, pl.ds(g * 16, 16)]
            row16 = g * 16 + iota16
            vs = [plsc.load_gather(rows, [row16, jnp.full((16,), f, jnp.int32)])
                  for f in range(_FW)]
            for f in range(_FW):
                plsc.addupdate_scatter(tbls[f], [dst16], vs[f])

    def _gather(j, rows, sem):
        return pltpu.async_copy(hp_hbm.at[cbuf.at[j, 0]], rows, sem)

    def _super(sc, carry):
        pltpu.sync_copy(comb_hbm.at[wid, sc], cbuf)
        _gather(0, rows0, sem0)

        def _pair(jj, carry2):
            a = 2 * jj
            _gather(a + 1, rows1, sem1)
            pltpu.make_async_copy(hp_hbm.at[cbuf.at[a, 0]], rows0, sem0).wait()
            _compute(a, rows0)

            @pl.when(jj < _CH // 2 - 1)
            def _():
                _gather(a + 2, rows0, sem0)

            pltpu.make_async_copy(
                hp_hbm.at[cbuf.at[a + 1, 0]], rows1, sem1).wait()
            _compute(a + 1, rows1)
            return carry2

        lax.fori_loop(0, _CH // 2, _pair, 0)
        return carry

    lax.fori_loop(0, _NSC, _super, 0)
    for f in range(_FW):
        pltpu.sync_copy(tbls[f], out_hbm.at[c, s, f])


_agg_call = pl.kernel(
    _agg_body,
    out_type=jax.ShapeDtypeStruct((_NC, _NS, _FW, _NPAD), jnp.float32),
    mesh=_sc_mesh,
    compiler_params=_sc_params,
    scratch_types=[
        pltpu.VMEM((_CH, 2, _C), jnp.int32),
        pltpu.VMEM((_C, _FW), jnp.float32),
        pltpu.VMEM((_C, _FW), jnp.float32),
    ] + [pltpu.VMEM((_NPAD,), jnp.float32)] * _FW + [
        pltpu.SemaphoreType.DMA,
        pltpu.SemaphoreType.DMA,
    ],
)



def _lin_body(x_ref, wt_ref, b_ref, disb_ref, hp_ref):
    h = jnp.dot(x_ref[...], wt_ref[...], preferred_element_type=jnp.float32)
    hp_ref[...] = (h + b_ref[...]) * disb_ref[...]


_lin_call = pl.pallas_call(
    _lin_body,
    grid=(_GRID,),
    in_specs=[
        pl.BlockSpec((_NB, _D), lambda i: (i, 0)),
        pl.BlockSpec((_D, _D), lambda i: (0, 0)),
        pl.BlockSpec((1, _D), lambda i: (0, 0)),
        pl.BlockSpec((_NB, _D), lambda i: (i, 0)),
    ],
    out_specs=pl.BlockSpec((_NB, _D), lambda i: (i, 0)),
    out_shape=jax.ShapeDtypeStruct((_N, _D), jnp.float32),
)


def _conv_body(p0_ref, p1_ref, hp_ref, disb_ref, bias_ref, r_ref, st_ref, acc):
    i = pl.program_id(0)
    conv = disb_ref[...] * (p0_ref[0] + p1_ref[0] + hp_ref[...]) + bias_ref[...]
    r = jnp.maximum(conv, 0.0)
    r_ref[...] = r

    @pl.when(i == 0)
    def _():
        acc[...] = jnp.zeros_like(acc)

    acc[0:1, :] += jnp.sum(r, axis=0, keepdims=True)
    acc[1:2, :] += jnp.sum(r * r, axis=0, keepdims=True)

    @pl.when(i == _GRID - 1)
    def _():
        st_ref[...] = acc[...]


_conv_call = pl.pallas_call(
    _conv_body,
    grid=(_GRID,),
    in_specs=[
        pl.BlockSpec((1, _NB, _D), lambda i: (0, i, 0)),
        pl.BlockSpec((1, _NB, _D), lambda i: (1, i, 0)),
        pl.BlockSpec((_NB, _D), lambda i: (i, 0)),
        pl.BlockSpec((_NB, _D), lambda i: (i, 0)),
        pl.BlockSpec((1, _D), lambda i: (0, 0)),
    ],
    out_specs=[
        pl.BlockSpec((_NB, _D), lambda i: (i, 0)),
        pl.BlockSpec((8, _D), lambda i: (0, 0)),
    ],
    out_shape=[
        jax.ShapeDtypeStruct((_N, _D), jnp.float32),
        jax.ShapeDtypeStruct((8, _D), jnp.float32),
    ],
    scratch_shapes=[pltpu.VMEM((8, _D), jnp.float32)],
)


def _bn_math(r, st_ref, gamma_ref, beta_ref):
    m = st_ref[0:1, :] * (1.0 / _N)
    var = st_ref[1:2, :] * (1.0 / _N) - m * m
    a = lax.rsqrt(var + 1e-5) * gamma_ref[...]
    return r * a + (beta_ref[...] - m * a)


def _pool_block(z, batch_ref):
    bt = batch_ref[0]
    ids = lax.broadcasted_iota(jnp.int32, (_G, 1), 0)
    onehot = (bt == ids).astype(jnp.float32)
    return jnp.dot(onehot, z, preferred_element_type=jnp.float32)


def _bn_body(r_ref, st_ref, gamma_ref, beta_ref, batch_ref, wt_ref, bn_ref,
             disb_ref, z_ref, g_ref, h_ref, gacc):
    i = pl.program_id(0)
    z = _bn_math(r_ref[...], st_ref, gamma_ref, beta_ref)
    z_ref[...] = z

    @pl.when(i == 0)
    def _():
        gacc[...] = jnp.zeros_like(gacc)

    gacc[...] += _pool_block(z, batch_ref)

    @pl.when(i == _GRID - 1)
    def _():
        g_ref[...] = gacc[...]

    h = jnp.dot(z, wt_ref[...], preferred_element_type=jnp.float32)
    h_ref[...] = (h + bn_ref[...]) * disb_ref[...]


_bn_call = pl.pallas_call(
    _bn_body,
    grid=(_GRID,),
    in_specs=[
        pl.BlockSpec((_NB, _D), lambda i: (i, 0)),
        pl.BlockSpec((8, _D), lambda i: (0, 0)),
        pl.BlockSpec((1, _D), lambda i: (0, 0)),
        pl.BlockSpec((1, _D), lambda i: (0, 0)),
        pl.BlockSpec((1, 1, _NB), lambda i: (i, 0, 0)),
        pl.BlockSpec((_D, _D), lambda i: (0, 0)),
        pl.BlockSpec((1, _D), lambda i: (0, 0)),
        pl.BlockSpec((_NB, _D), lambda i: (i, 0)),
    ],
    out_specs=[
        pl.BlockSpec((_NB, _D), lambda i: (i, 0)),
        pl.BlockSpec((_G, _D), lambda i: (0, 0)),
        pl.BlockSpec((_NB, _D), lambda i: (i, 0)),
    ],
    out_shape=[
        jax.ShapeDtypeStruct((_N, _D), jnp.float32),
        jax.ShapeDtypeStruct((_G, _D), jnp.float32),
        jax.ShapeDtypeStruct((_N, _D), jnp.float32),
    ],
    scratch_shapes=[pltpu.VMEM((_G, _D), jnp.float32)],
)


def _bn_last_body(r_ref, st_ref, gamma_ref, beta_ref, batch_ref,
                  z_ref, g_ref, gacc):
    i = pl.program_id(0)
    z = _bn_math(r_ref[...], st_ref, gamma_ref, beta_ref)
    z_ref[...] = z

    @pl.when(i == 0)
    def _():
        gacc[...] = jnp.zeros_like(gacc)

    gacc[...] += _pool_block(z, batch_ref)

    @pl.when(i == _GRID - 1)
    def _():
        g_ref[...] = gacc[...]


_bn_last_call = pl.pallas_call(
    _bn_last_body,
    grid=(_GRID,),
    in_specs=[
        pl.BlockSpec((_NB, _D), lambda i: (i, 0)),
        pl.BlockSpec((8, _D), lambda i: (0, 0)),
        pl.BlockSpec((1, _D), lambda i: (0, 0)),
        pl.BlockSpec((1, _D), lambda i: (0, 0)),
        pl.BlockSpec((1, 1, _NB), lambda i: (i, 0, 0)),
    ],
    out_specs=[
        pl.BlockSpec((_NB, _D), lambda i: (i, 0)),
        pl.BlockSpec((_G, _D), lambda i: (0, 0)),
    ],
    out_shape=[
        jax.ShapeDtypeStruct((_N, _D), jnp.float32),
        jax.ShapeDtypeStruct((_G, _D), jnp.float32),
    ],
    scratch_shapes=[pltpu.VMEM((_G, _D), jnp.float32)],
)



def _edge_plan(edge_index):
    src2 = edge_index[0].reshape(_NC, _EH)
    dst2 = edge_index[1].reshape(_NC, _EH)
    h_idx = jnp.arange(_NW, dtype=jnp.int32) // _NS
    g_idx = jnp.arange(_NW, dtype=jnp.int32) % _NS
    src_rows = src2[h_idx] * 16 + g_idx[:, None]
    dst_rows = dst2[h_idx] + jnp.zeros((_NW, 1), jnp.int32)
    comb = jnp.stack(
        [src_rows.reshape(_NW, _NSC, _CH, _C),
         dst_rows.reshape(_NW, _NSC, _CH, _C)], axis=3)
    return comb


def _merge_partials(p):
    return (p.reshape(_NC, _NS, _FW, _NPAD)
            .transpose(0, 3, 1, 2)
            .reshape(_NC, _NPAD, _D)[:, :_N, :])


def kernel(x, edge_index, batch, W0, b0, bias0, gamma0, beta0,
           W1, b1, bias1, gamma1, beta1, W2, b2, bias2, gamma2, beta2):
    dstw = edge_index[1].reshape(_NW, _EW)
    comb = _edge_plan(edge_index)
    batch3 = batch.reshape(_GRID, 1, _NB)
    row = lambda v: v.reshape(1, _D)

    degp = _deg_call(dstw)
    deg = jnp.sum(degp, axis=0)[:_N] + 1.0
    disb = jnp.broadcast_to((deg ** -0.5)[:, None], (_N, _D))

    hp = _lin_call(x, W0.T, row(b0), disb)
    p = _merge_partials(_agg_call(hp.reshape(_N * _NS, _FW), comb))
    r, st = _conv_call(p, p, hp, disb, row(bias0))
    z0, g0, hp = _bn_call(r, st, row(gamma0), row(beta0), batch3,
                          W1.T, row(b1), disb)

    p = _merge_partials(_agg_call(hp.reshape(_N * _NS, _FW), comb))
    r, st = _conv_call(p, p, hp, disb, row(bias1))
    z1, g1, hp = _bn_call(r, st, row(gamma1), row(beta1), batch3,
                          W2.T, row(b2), disb)

    p = _merge_partials(_agg_call(hp.reshape(_N * _NS, _FW), comb))
    r, st = _conv_call(p, p, hp, disb, row(bias2))
    z2, g2 = _bn_last_call(r, st, row(gamma2), row(beta2), batch3)

    return (jnp.concatenate([z0, z1, z2], axis=1),
            jnp.concatenate([g0, g1, g2], axis=1))

# --- scband reference (transcript-rebuilt; emitter-appended) ---
"""Pipeline reference for scband-gcnv-5471788335165 (READ-ONLY COPY).

The authoritative reference and input builder live on the scoring server;
editing this copy changes nothing except your own understanding.
"""

import jax, jax.numpy as jnp
import numpy as np

N = 10000
E = 320000
D_IN = 128
HID = 128
L = 3
G = 64


def setup_inputs(seed: int = 0) -> dict:
    key = jax.random.key(seed)
    ks = jax.random.split(key, 4 + 5 * L)
    inp = {}
    inp["x"] = jax.random.normal(ks[0], (N, D_IN), dtype=jnp.float32)
    inp["edge_index"] = jax.random.randint(ks[1], (2, E), 0, N, dtype=jnp.int32)
    inp["batch"] = jnp.sort(jax.random.randint(ks[2], (N,), 0, G, dtype=jnp.int32))
    for i in range(L):
        in_dim = D_IN if i == 0 else HID
        base = 3 + 5 * i
        inp[f"W{i}"] = jax.random.normal(ks[base], (HID, in_dim), dtype=jnp.float32) * (1.0 / np.sqrt(in_dim))
        inp[f"b{i}"] = jax.random.normal(ks[base + 1], (HID,), dtype=jnp.float32) * 0.02
        inp[f"bias{i}"] = jax.random.normal(ks[base + 2], (HID,), dtype=jnp.float32) * 0.02
        inp[f"gamma{i}"] = jnp.ones((HID,), dtype=jnp.float32)
        inp[f"beta{i}"] = jnp.zeros((HID,), dtype=jnp.float32)
    return inp


def _gcn_norm(edge_index):
    # add self loops, compute symmetric normalization (PyG GCNConv default)
    loop = jnp.arange(N, dtype=edge_index.dtype)
    src = jnp.concatenate([edge_index[0], loop])
    dst = jnp.concatenate([edge_index[1], loop])
    w = jnp.ones((src.shape[0],), dtype=jnp.float32)
    deg = jax.ops.segment_sum(w, dst, num_segments=N)
    dis = jnp.where(deg > 0, deg ** -0.5, 0.0)
    norm = dis[src] * dis[dst]
    return src, dst, norm


def _gcn_conv(h_in, W, b, bias, src, dst, norm):
    h = h_in @ W.T + b  # prune_linear with prune_flag=False == plain linear
    msg = h[src] * norm[:, None]
    agg = jax.ops.segment_sum(msg, dst, num_segments=N)
    return agg + bias


def _bn(z, gamma, beta):
    m = jnp.mean(z, axis=0)
    v = jnp.var(z, axis=0)
    return (z - m) / jnp.sqrt(v + 1e-5) * gamma + beta


def reference(x, edge_index, batch, W0, b0, bias0, gamma0, beta0, W1, b1, bias1, gamma1, beta1, W2, b2, bias2, gamma2, beta2):
    src, dst, norm = _gcn_norm(edge_index)
    params = [(W0, b0, bias0, gamma0, beta0), (W1, b1, bias1, gamma1, beta1), (W2, b2, bias2, gamma2, beta2)]
    z = x
    zs = []
    for (W, b, bias, gamma, beta) in params:
        z = _gcn_conv(z, W, b, bias, src, dst, norm)
        z = jax.nn.relu(z)
        z = _bn(z, gamma, beta)
        zs.append(z)
    gs = [jax.ops.segment_sum(zi, batch, num_segments=G) for zi in zs]
    z_cat = jnp.concatenate(zs, axis=1)
    g_cat = jnp.concatenate(gs, axis=1)
    return (z_cat, g_cat)

if __name__ == "__main__":
    import jax
    _d = setup_inputs()
    print(jax.jit(kernel)(*tuple(_d.values())))

</pallas_src>

<mosaic_0001>
#map = affine_map<(d0, d1) -> (0, 0)>
#map1 = affine_map<(d0, d1) -> (0, 0, 0, 0, 0)>
#map2 = affine_map<(d0, d1) -> (0, 0, 0, 0)>
module attributes {stable_mosaic.version = 14 : i64} {
  func.func @_agg_body(%arg0: i32, %arg1: i32, %arg2: memref<160000x8xf32, #tpu.memory_space<hbm>>, %arg3: memref<32x25x50x2x128xi32, #tpu.memory_space<hbm>>, %arg4: memref<2x16x8x10240xf32, #tpu.memory_space<hbm>>, %arg5: memref<50x2x128xi32, #tpu.memory_space<vmem>>, %arg6: memref<128x8xf32, #tpu.memory_space<vmem>>, %arg7: memref<128x8xf32, #tpu.memory_space<vmem>>, %arg8: memref<10240xf32, #tpu.memory_space<vmem>>, %arg9: memref<10240xf32, #tpu.memory_space<vmem>>, %arg10: memref<10240xf32, #tpu.memory_space<vmem>>, %arg11: memref<10240xf32, #tpu.memory_space<vmem>>, %arg12: memref<10240xf32, #tpu.memory_space<vmem>>, %arg13: memref<10240xf32, #tpu.memory_space<vmem>>, %arg14: memref<10240xf32, #tpu.memory_space<vmem>>, %arg15: memref<10240xf32, #tpu.memory_space<vmem>>, %arg16: memref<!tpu.dma_semaphore, #tpu.memory_space<semaphore_mem>>, %arg17: memref<!tpu.dma_semaphore, #tpu.memory_space<semaphore_mem>>) attributes {dimension_semantics = [#tpu.dimension_semantics<core_parallel>, #tpu.dimension_semantics<subcore_parallel>], iteration_bounds = array<i64: 2, 16>, scalar_prefetch = 0 : i64, scratch_operands = 13 : i64, tpu.core_type = #tpu.core_type<sc_vector_subcore>, window_params = [{transform_indices = #map}, {transform_indices = #map1}, {transform_indices = #map2}]} {
    %mul3A = arith.constant 16 : i32
    %mul3A_0 = arith.muli %arg0, %mul3A : i32
    %add3A = arith.addi %mul3A_0, %arg1 : i32
    %scan3A = arith.constant 0 : i32
    %scan3A_1 = arith.constant 0 : i32
    %scan3A_2 = arith.constant 640 : i32
    %scan3A_3 = arith.addi %scan3A_1, %scan3A_2 : i32
    %scan3A_4 = arith.constant 1 : i32
    scf.for %scan3A_19 = %scan3A_1 to %scan3A_3 step %scan3A_4  : i32 {
      %broadcast_in_dim3A = arith.constant 0.000000e+00 : f32
      %broadcast_in_dim3A_20 = vector.broadcast %broadcast_in_dim3A : f32 to vector<16xf32>
      %mul3A_21 = arith.constant 16 : i32
      %mul3A_22 = arith.muli %scan3A_19, %mul3A_21 : i32
      %swap3A = arith.index_cast %mul3A_22 : i32 to index
      %swap3A_23 = tpu.vector_load %arg8[%swap3A] {strides = array<i32>} : memref<10240xf32, #tpu.memory_space<vmem>>, vector<16xf32>,
      tpu.vector_store %arg8[%swap3A], %broadcast_in_dim3A_20 {strides = array<i32>} : memref<10240xf32, #tpu.memory_space<vmem>>, vector<16xf32>,
      %broadcast_in_dim3A_24 = arith.constant 0.000000e+00 : f32
      %broadcast_in_dim3A_25 = vector.broadcast %broadcast_in_dim3A_24 : f32 to vector<16xf32>
      %mul3A_26 = arith.constant 16 : i32
      %mul3A_27 = arith.muli %scan3A_19, %mul3A_26 : i32
      %swap3A_28 = arith.index_cast %mul3A_27 : i32 to index
      %swap3A_29 = tpu.vector_load %arg9[%swap3A_28] {strides = array<i32>} : memref<10240xf32, #tpu.memory_space<vmem>>, vector<16xf32>,
      tpu.vector_store %arg9[%swap3A_28], %broadcast_in_dim3A_25 {strides = array<i32>} : memref<10240xf32, #tpu.memory_space<vmem>>, vector<16xf32>,
      %broadcast_in_dim3A_30 = arith.constant 0.000000e+00 : f32
      %broadcast_in_dim3A_31 = vector.broadcast %broadcast_in_dim3A_30 : f32 to vector<16xf32>
      %mul3A_32 = arith.constant 16 : i32
      %mul3A_33 = arith.muli %scan3A_19, %mul3A_32 : i32
      %swap3A_34 = arith.index_cast %mul3A_33 : i32 to index
      %swap3A_35 = tpu.vector_load %arg10[%swap3A_34] {strides = array<i32>} : memref<10240xf32, #tpu.memory_space<vmem>>, vector<16xf32>,
      tpu.vector_store %arg10[%swap3A_34], %broadcast_in_dim3A_31 {strides = array<i32>} : memref<10240xf32, #tpu.memory_space<vmem>>, vector<16xf32>,
      %broadcast_in_dim3A_36 = arith.constant 0.000000e+00 : f32
      %broadcast_in_dim3A_37 = vector.broadcast %broadcast_in_dim3A_36 : f32 to vector<16xf32>
      %mul3A_38 = arith.constant 16 : i32
      %mul3A_39 = arith.muli %scan3A_19, %mul3A_38 : i32
      %swap3A_40 = arith.index_cast %mul3A_39 : i32 to index
      %swap3A_41 = tpu.vector_load %arg11[%swap3A_40] {strides = array<i32>} : memref<10240xf32, #tpu.memory_space<vmem>>, vector<16xf32>,
      tpu.vector_store %arg11[%swap3A_40], %broadcast_in_dim3A_37 {strides = array<i32>} : memref<10240xf32, #tpu.memory_space<vmem>>, vector<16xf32>,
      %broadcast_in_dim3A_42 = arith.constant 0.000000e+00 : f32
      %broadcast_in_dim3A_43 = vector.broadcast %broadcast_in_dim3A_42 : f32 to vector<16xf32>
      %mul3A_44 = arith.constant 16 : i32
      %mul3A_45 = arith.muli %scan3A_19, %mul3A_44 : i32
      %swap3A_46 = arith.index_cast %mul3A_45 : i32 to index
      %swap3A_47 = tpu.vector_load %arg12[%swap3A_46] {strides = array<i32>} : memref<10240xf32, #tpu.memory_space<vmem>>, vector<16xf32>,
      tpu.vector_store %arg12[%swap3A_46], %broadcast_in_dim3A_43 {strides = array<i32>} : memref<10240xf32, #tpu.memory_space<vmem>>, vector<16xf32>,
      %broadcast_in_dim3A_48 = arith.constant 0.000000e+00 : f32
      %broadcast_in_dim3A_49 = vector.broadcast %broadcast_in_dim3A_48 : f32 to vector<16xf32>
      %mul3A_50 = arith.constant 16 : i32
      %mul3A_51 = arith.muli %scan3A_19, %mul3A_50 : i32
      %swap3A_52 = arith.index_cast %mul3A_51 : i32 to index
      %swap3A_53 = tpu.vector_load %arg13[%swap3A_52] {strides = array<i32>} : memref<10240xf32, #tpu.memory_space<vmem>>, vector<16xf32>,
      tpu.vector_store %arg13[%swap3A_52], %broadcast_in_dim3A_49 {strides = array<i32>} : memref<10240xf32, #tpu.memory_space<vmem>>, vector<16xf32>,
      %broadcast_in_dim3A_54 = arith.constant 0.000000e+00 : f32
      %broadcast_in_dim3A_55 = vector.broadcast %broadcast_in_dim3A_54 : f32 to vector<16xf32>
      %mul3A_56 = arith.constant 16 : i32
      %mul3A_57 = arith.muli %scan3A_19, %mul3A_56 : i32
      %swap3A_58 = arith.index_cast %mul3A_57 : i32 to index
      %swap3A_59 = tpu.vector_load %arg14[%swap3A_58] {strides = array<i32>} : memref<10240xf32, #tpu.memory_space<vmem>>, vector<16xf32>,
      tpu.vector_store %arg14[%swap3A_58], %broadcast_in_dim3A_55 {strides = array<i32>} : memref<10240xf32, #tpu.memory_space<vmem>>, vector<16xf32>,
      %broadcast_in_dim3A_60 = arith.constant 0.000000e+00 : f32
      %broadcast_in_dim3A_61 = vector.broadcast %broadcast_in_dim3A_60 : f32 to vector<16xf32>
      %mul3A_62 = arith.constant 16 : i32
      %mul3A_63 = arith.muli %scan3A_19, %mul3A_62 : i32
      %swap3A_64 = arith.index_cast %mul3A_63 : i32 to index
      %swap3A_65 = tpu.vector_load %arg15[%swap3A_64] {strides = array<i32>} : memref<10240xf32, #tpu.memory_space<vmem>>, vector<16xf32>,
      tpu.vector_store %arg15[%swap3A_64], %broadcast_in_dim3A_61 {strides = array<i32>} : memref<10240xf32, #tpu.memory_space<vmem>>, vector<16xf32>,
    }
    %scan3A_5 = arith.constant 640 : i32
    %iota3A = tpu.iota {dimensions = array<i32: 0>} : vector<16xi32>
    %scan3A_6 = arith.constant 0 : i32
    %scan3A_7 = arith.constant 0 : i32
    %scan3A_8 = arith.constant 25 : i32
    %scan3A_9 = arith.addi %scan3A_7, %scan3A_8 : i32
    %scan3A_10 = arith.constant 1 : i32
    scf.for %scan3A_19 = %scan3A_7 to %scan3A_9 step %scan3A_10  : i32 {
      "tpu.region"() ({
        %run_scoped3A_33 = tpu.sem_alloc : memref<!tpu.dma_semaphore, #tpu.memory_space<semaphore_mem>>
        %dma_start3A_34 = arith.constant 0 : i32
        %dma_start3A_35 = arith.constant 0 : i32
        %dma_start3A_36 = arith.constant 0 : i32
        %dma_start3A_37 = tpu.memref_slice %arg3[%add3A, %scan3A_19, %dma_start3A_34, %dma_start3A_35, %dma_start3A_36] : memref<32x25x50x2x128xi32, #tpu.memory_space<hbm>> -> memref<1x1x50x2x128xi32, #tpu.memory_space<hbm>>
        %dma_start3A_38 = tpu.memref_squeeze %dma_start3A_37 : memref<1x1x50x2x128xi32, #tpu.memory_space<hbm>> -> memref<50x2x128xi32, #tpu.memory_space<hbm>>
        %dma_start3A_39 = arith.constant 0 : i32
        %dma_start3A_40 = arith.constant 0 : i32
        %dma_start3A_41 = arith.constant 0 : i32
        %dma_start3A_42 = tpu.memref_slice %arg3[%add3A, %scan3A_19, %dma_start3A_39, %dma_start3A_40, %dma_start3A_41] : memref<32x25x50x2x128xi32, #tpu.memory_space<hbm>> -> memref<1x1x50x2x128xi32, #tpu.memory_space<hbm>>
        %dma_start3A_43 = tpu.memref_squeeze %dma_start3A_42 : memref<1x1x50x2x128xi32, #tpu.memory_space<hbm>> -> memref<50x2x128xi32, #tpu.memory_space<hbm>>
        tpu.enqueue_dma source(%dma_start3A_43 : memref<50x2x128xi32, #tpu.memory_space<hbm>>) target(%arg5 : memref<50x2x128xi32, #tpu.memory_space<vmem>>) target_semaphore(%run_scoped3A_33 : memref<!tpu.dma_semaphore, #tpu.memory_space<semaphore_mem>>)
        %dma_wait3A = arith.constant 0 : i32
        %dma_wait3A_44 = arith.constant 0 : i32
        %dma_wait3A_45 = arith.constant 0 : i32
        %dma_wait3A_46 = tpu.memref_slice %arg3[%add3A, %scan3A_19, %dma_wait3A, %dma_wait3A_44, %dma_wait3A_45] : memref<32x25x50x2x128xi32, #tpu.memory_space<hbm>> -> memref<1x1x50x2x128xi32, #tpu.memory_space<hbm>>
        %dma_wait3A_47 = tpu.memref_squeeze %dma_wait3A_46 : memref<1x1x50x2x128xi32, #tpu.memory_space<hbm>> -> memref<50x2x128xi32, #tpu.memory_space<hbm>>
        %dma_wait3A_48 = arith.constant 0 : i32
        %dma_wait3A_49 = arith.constant 0 : i32
        %dma_wait3A_50 = arith.constant 0 : i32
        %dma_wait3A_51 = tpu.memref_slice %arg3[%add3A, %scan3A_19, %dma_wait3A_48, %dma_wait3A_49, %dma_wait3A_50] : memref<32x25x50x2x128xi32, #tpu.memory_space<hbm>> -> memref<1x1x50x2x128xi32, #tpu.memory_space<hbm>>
        %dma_wait3A_52 = tpu.memref_squeeze %dma_wait3A_51 : memref<1x1x50x2x128xi32, #tpu.memory_space<hbm>> -> memref<50x2x128xi32, #tpu.memory_space<hbm>>
        tpu.wait_dma2 semaphore(%run_scoped3A_33 : memref<!tpu.dma_semaphore, #tpu.memory_space<semaphore_mem>>) src(%dma_wait3A_52 : memref<50x2x128xi32, #tpu.memory_space<hbm>>) dst(%arg5 : memref<50x2x128xi32, #tpu.memory_space<vmem>>)
        tpu.yield
      }) : () -> ()
      %dma_start3A = arith.constant 0 : i32
      %dma_start3A_20 = arith.constant 0 : i32
      %dma_start3A_21 = arith.constant 0 : i32
      %dma_start3A_22 = tpu.memref_slice %arg5[%dma_start3A, %dma_start3A_20, %dma_start3A_21] : memref<50x2x128xi32, #tpu.memory_space<vmem>> -> memref<1x1x128xi32, #tpu.memory_space<vmem>>
      %dma_start3A_23 = tpu.memref_squeeze %dma_start3A_22 : memref<1x1x128xi32, #tpu.memory_space<vmem>> -> memref<128xi32, #tpu.memory_space<vmem>>
      %dma_start3A_24 = arith.constant 0 : i32
      %dma_start3A_25 = arith.constant 0 : i32
      %dma_start3A_26 = tpu.memref_slice %arg2[%dma_start3A_24, %dma_start3A_25] : memref<160000x8xf32, #tpu.memory_space<hbm>> -> memref<160000x8xf32, #tpu.memory_space<hbm>>
      tpu.enqueue_indirect_dma source(%dma_start3A_26 : memref<160000x8xf32, #tpu.memory_space<hbm>>) target(%arg6 : memref<128x8xf32, #tpu.memory_space<vmem>>) offsets(%dma_start3A_23 : memref<128xi32, #tpu.memory_space<vmem>>) semaphore(%arg16 : memref<!tpu.dma_semaphore, #tpu.memory_space<semaphore_mem>>)
      %scan3A_27 = arith.constant 0 : i32
      %scan3A_28 = arith.constant 0 : i32
      %scan3A_29 = arith.constant 25 : i32
      %scan3A_30 = arith.addi %scan3A_28, %scan3A_29 : i32
      %scan3A_31 = arith.constant 1 : i32
      scf.for %scan3A_33 = %scan3A_28 to %scan3A_30 step %scan3A_31  : i32 {
        %mul3A_34 = arith.constant 2 : i32
        %mul3A_35 = arith.muli %mul3A_34, %scan3A_33 : i32
        %add3A_36 = arith.constant 1 : i32
        %add3A_37 = arith.addi %mul3A_35, %add3A_36 : i32
        %dma_start3A_38 = arith.constant 0 : i32
        %dma_start3A_39 = arith.constant 0 : i32
        %dma_start3A_40 = tpu.memref_slice %arg5[%add3A_37, %dma_start3A_38, %dma_start3A_39] : memref<50x2x128xi32, #tpu.memory_space<vmem>> -> memref<1x1x128xi32, #tpu.memory_space<vmem>>
        %dma_start3A_41 = tpu.memref_squeeze %dma_start3A_40 : memref<1x1x128xi32, #tpu.memory_space<vmem>> -> memref<128xi32, #tpu.memory_space<vmem>>
        %dma_start3A_42 = arith.constant 0 : i32
        %dma_start3A_43 = arith.constant 0 : i32
        %dma_start3A_44 = tpu.memref_slice %arg2[%dma_start3A_42, %dma_start3A_43] : memref<160000x8xf32, #tpu.memory_space<hbm>> -> memref<160000x8xf32, #tpu.memory_space<hbm>>
        tpu.enqueue_indirect_dma source(%dma_start3A_44 : memref<160000x8xf32, #tpu.memory_space<hbm>>) target(%arg7 : memref<128x8xf32, #tpu.memory_space<vmem>>) offsets(%dma_start3A_41 : memref<128xi32, #tpu.memory_space<vmem>>) semaphore(%arg17 : memref<!tpu.dma_semaphore, #tpu.memory_space<semaphore_mem>>)
        %dma_wait3A = arith.constant 0 : i32
        %dma_wait3A_45 = arith.constant 0 : i32
        %dma_wait3A_46 = tpu.memref_slice %arg5[%mul3A_35, %dma_wait3A, %dma_wait3A_45] : memref<50x2x128xi32, #tpu.memory_space<vmem>> -> memref<1x1x128xi32, #tpu.memory_space<vmem>>
        %dma_wait3A_47 = tpu.memref_squeeze %dma_wait3A_46 : memref<1x1x128xi32, #tpu.memory_space<vmem>> -> memref<128xi32, #tpu.memory_space<vmem>>
        %dma_wait3A_48 = arith.constant 0 : i32
        %dma_wait3A_49 = arith.constant 0 : i32
        %dma_wait3A_50 = tpu.memref_slice %arg2[%dma_wait3A_48, %dma_wait3A_49] : memref<160000x8xf32, #tpu.memory_space<hbm>> -> memref<160000x8xf32, #tpu.memory_space<hbm>>
        tpu.wait_indirect_dma semaphore(%arg16 : memref<!tpu.dma_semaphore, #tpu.memory_space<semaphore_mem>>) src(%dma_wait3A_50 : memref<160000x8xf32, #tpu.memory_space<hbm>>) dst(%arg6 : memref<128x8xf32, #tpu.memory_space<vmem>>)
        %get3A = arith.constant 1 : i32
        %get3A_51 = arith.index_cast %mul3A_35 : i32 to index
        %get3A_52 = arith.index_cast %get3A : i32 to index
        %get3A_53 = arith.constant 0 : index
        %get3A_54 = tpu.vector_load %arg5[%get3A_51, %get3A_52, %get3A_53] {strides = array<i32>} : memref<50x2x128xi32, #tpu.memory_space<vmem>>, vector<16xi32>,
        %add3A_55 = arith.constant 0 : i32
        %add3A_56 = vector.broadcast %add3A_55 : i32 to vector<16xi32>
        %add3A_57 = arith.addi %add3A_56, %iota3A : vector<16xi32>
        %broadcast_in_dim3A = arith.constant 0 : i32
        %broadcast_in_dim3A_58 = vector.broadcast %broadcast_in_dim3A : i32 to vector<16xi32>
        %gather3A = tpu.vector_load_idx %arg6[%add3A_57, %broadcast_in_dim3A_58] : memref<128x8xf32, #tpu.memory_space<vmem>>[vector<16xi32>, vector<16xi32>], vector<16xf32>,
        %broadcast_in_dim3A_59 = arith.constant 1 : i32
        %broadcast_in_dim3A_60 = vector.broadcast %broadcast_in_dim3A_59 : i32 to vector<16xi32>
        %gather3A_61 = tpu.vector_load_idx %arg6[%add3A_57, %broadcast_in_dim3A_60] : memref<128x8xf32, #tpu.memory_space<vmem>>[vector<16xi32>, vector<16xi32>], vector<16xf32>,
        %broadcast_in_dim3A_62 = arith.constant 2 : i32
        %broadcast_in_dim3A_63 = vector.broadcast %broadcast_in_dim3A_62 : i32 to vector<16xi32>
        %gather3A_64 = tpu.vector_load_idx %arg6[%add3A_57, %broadcast_in_dim3A_63] : memref<128x8xf32, #tpu.memory_space<vmem>>[vector<16xi32>, vector<16xi32>], vector<16xf32>,
        %broadcast_in_dim3A_65 = arith.constant 3 : i32
        %broadcast_in_dim3A_66 = vector.broadcast %broadcast_in_dim3A_65 : i32 to vector<16xi32>
        %gather3A_67 = tpu.vector_load_idx %arg6[%add3A_57, %broadcast_in_dim3A_66] : memref<128x8xf32, #tpu.memory_space<vmem>>[vector<16xi32>, vector<16xi32>], vector<16xf32>,
        %broadcast_in_dim3A_68 = arith.constant 4 : i32
        %broadcast_in_dim3A_69 = vector.broadcast %broadcast_in_dim3A_68 : i32 to vector<16xi32>
        %gather3A_70 = tpu.vector_load_idx %arg6[%add3A_57, %broadcast_in_dim3A_69] : memref<128x8xf32, #tpu.memory_space<vmem>>[vector<16xi32>, vector<16xi32>], vector<16xf32>,
        %broadcast_in_dim3A_71 = arith.constant 5 : i32
        %broadcast_in_dim3A_72 = vector.broadcast %broadcast_in_dim3A_71 : i32 to vector<16xi32>
        %gather3A_73 = tpu.vector_load_idx %arg6[%add3A_57, %broadcast_in_dim3A_72] : memref<128x8xf32, #tpu.memory_space<vmem>>[vector<16xi32>, vector<16xi32>], vector<16xf32>,
        %broadcast_in_dim3A_74 = arith.constant 6 : i32
        %broadcast_in_dim3A_75 = vector.broadcast %broadcast_in_dim3A_74 : i32 to vector<16xi32>
        %gather3A_76 = tpu.vector_load_idx %arg6[%add3A_57, %broadcast_in_dim3A_75] : memref<128x8xf32, #tpu.memory_space<vmem>>[vector<16xi32>, vector<16xi32>], vector<16xf32>,
        %broadcast_in_dim3A_77 = arith.constant 7 : i32
        %broadcast_in_dim3A_78 = vector.broadcast %broadcast_in_dim3A_77 : i32 to vector<16xi32>
        %gather3A_79 = tpu.vector_load_idx %arg6[%add3A_57, %broadcast_in_dim3A_78] : memref<128x8xf32, #tpu.memory_space<vmem>>[vector<16xi32>, vector<16xi32>], vector<16xf32>,
        tpu.vector_store_idx %arg8[%get3A_54], %gather3A {add = true} : memref<10240xf32, #tpu.memory_space<vmem>>[vector<16xi32>], vector<16xf32>,
        tpu.vector_store_idx %arg9[%get3A_54], %gather3A_61 {add = true} : memref<10240xf32, #tpu.memory_space<vmem>>[vector<16xi32>], vector<16xf32>,
        tpu.vector_store_idx %arg10[%get3A_54], %gather3A_64 {add = true} : memref<10240xf32, #tpu.memory_space<vmem>>[vector<16xi32>], vector<16xf32>,
        tpu.vector_store_idx %arg11[%get3A_54], %gather3A_67 {add = true} : memref<10240xf32, #tpu.memory_space<vmem>>[vector<16xi32>], vector<16xf32>,
        tpu.vector_store_idx %arg12[%get3A_54], %gather3A_70 {add = true} : memref<10240xf32, #tpu.memory_space<vmem>>[vector<16xi32>], vector<16xf32>,
        tpu.vector_store_idx %arg13[%get3A_54], %gather3A_73 {add = true} : memref<10240xf32, #tpu.memory_space<vmem>>[vector<16xi32>], vector<16xf32>,
        tpu.vector_store_idx %arg14[%get3A_54], %gather3A_76 {add = true} : memref<10240xf32, #tpu.memory_space<vmem>>[vector<16xi32>], vector<16xf32>,
        tpu.vector_store_idx %arg15[%get3A_54], %gather3A_79 {add = true} : memref<10240xf32, #tpu.memory_space<vmem>>[vector<16xi32>], vector<16xf32>,
        %get3A_80 = arith.constant 1 : i32
        %get3A_81 = arith.index_cast %mul3A_35 : i32 to index
        %get3A_82 = arith.index_cast %get3A_80 : i32 to index
        %get3A_83 = arith.constant 16 : index
        %get3A_84 = tpu.vector_load %arg5[%get3A_81, %get3A_82, %get3A_83] {strides = array<i32>} : memref<50x2x128xi32, #tpu.memory_space<vmem>>, vector<16xi32>,
        %add3A_85 = arith.constant 16 : i32
        %add3A_86 = vector.broadcast %add3A_85 : i32 to vector<16xi32>
        %add3A_87 = arith.addi %add3A_86, %iota3A : vector<16xi32>
        %broadcast_in_dim3A_88 = arith.constant 0 : i32
        %broadcast_in_dim3A_89 = vector.broadcast %broadcast_in_dim3A_88 : i32 to vector<16xi32>
        %gather3A_90 = tpu.vector_load_idx %arg6[%add3A_87, %broadcast_in_dim3A_89] : memref<128x8xf32, #tpu.memory_space<vmem>>[vector<16xi32>, vector<16xi32>], vector<16xf32>,
        %broadcast_in_dim3A_91 = arith.constant 1 : i32
        %broadcast_in_dim3A_92 = vector.broadcast %broadcast_in_dim3A_91 : i32 to vector<16xi32>
        %gather3A_93 = tpu.vector_load_idx %arg6[%add3A_87, %broadcast_in_dim3A_92] : memref<128x8xf32, #tpu.memory_space<vmem>>[vector<16xi32>, vector<16xi32>], vector<16xf32>,
        %broadcast_in_dim3A_94 = arith.constant 2 : i32
        %broadcast_in_dim3A_95 = vector.broadcast %broadcast_in_dim3A_94 : i32 to vector<16xi32>
        %gather3A_96 = tpu.vector_load_idx %arg6[%add3A_87, %broadcast_in_dim3A_95] : memref<128x8xf32, #tpu.memory_space<vmem>>[vector<16xi32>, vector<16xi32>], vector<16xf32>,
        %broadcast_in_dim3A_97 = arith.constant 3 : i32
        %broadcast_in_dim3A_98 = vector.broadcast %broadcast_in_dim3A_97 : i32 to vector<16xi32>
        %gather3A_99 = tpu.vector_load_idx %arg6[%add3A_87, %broadcast_in_dim3A_98] : memref<128x8xf32, #tpu.memory_space<vmem>>[vector<16xi32>, vector<16xi32>], vector<16xf32>,
        %broadcast_in_dim3A_100 = arith.constant 4 : i32
        %broadcast_in_dim3A_101 = vector.broadcast %broadcast_in_dim3A_100 : i32 to vector<16xi32>
        %gather3A_102 = tpu.vector_load_idx %arg6[%add3A_87, %broadcast_in_dim3A_101] : memref<128x8xf32, #tpu.memory_space<vmem>>[vector<16xi32>, vector<16xi32>], vector<16xf32>,
        %broadcast_in_dim3A_103 = arith.constant 5 : i32
        %broadcast_in_dim3A_104 = vector.broadcast %broadcast_in_dim3A_103 : i32 to vector<16xi32>
        %gather3A_105 = tpu.vector_load_idx %arg6[%add3A_87, %broadcast_in_dim3A_104] : memref<128x8xf32, #tpu.memory_space<vmem>>[vector<16xi32>, vector<16xi32>], vector<16xf32>,
        %broadcast_in_dim3A_106 = arith.constant 6 : i32
        %broadcast_in_dim3A_107 = vector.broadcast %broadcast_in_dim3A_106 : i32 to vector<16xi32>
        %gather3A_108 = tpu.vector_load_idx %arg6[%add3A_87, %broadcast_in_dim3A_107] : memref<128x8xf32, #tpu.memory_space<vmem>>[vector<16xi32>, vector<16xi32>], vector<16xf32>,
        %broadcast_in_dim3A_109 = arith.constant 7 : i32
        %broadcast_in_dim3A_110 = vector.broadcast %broadcast_in_dim3A_109 : i32 to vector<16xi32>
        %gather3A_111 = tpu.vector_load_idx %arg6[%add3A_87, %broadcast_in_dim3A_110] : memref<128x8xf32, #tpu.memory_space<vmem>>[vector<16xi32>, vector<16xi32>], vector<16xf32>,
        tpu.vector_store_idx %arg8[%get3A_84], %gather3A_90 {add = true} : memref<10240xf32, #tpu.memory_space<vmem>>[vector<16xi32>], vector<16xf32>,
        tpu.vector_store_idx %arg9[%get3A_84], %gather3A_93 {add = true} : memref<10240xf32, #tpu.memory_space<vmem>>[vector<16xi32>], vector<16xf32>,
        tpu.vector_store_idx %arg10[%get3A_84], %gather3A_96 {add = true} : memref<10240xf32, #tpu.memory_space<vmem>>[vector<16xi32>], vector<16xf32>,
        tpu.vector_store_idx %arg11[%get3A_84], %gather3A_99 {add = true} : memref<10240xf32, #tpu.memory_space<vmem>>[vector<16xi32>], vector<16xf32>,
        tpu.vector_store_idx %arg12[%get3A_84], %gather3A_102 {add = true} : memref<10240xf32, #tpu.memory_space<vmem>>[vector<16xi32>], vector<16xf32>,
        tpu.vector_store_idx %arg13[%get3A_84], %gather3A_105 {add = true} : memref<10240xf32, #tpu.memory_space<vmem>>[vector<16xi32>], vector<16xf32>,
        tpu.vector_store_idx %arg14[%get3A_84], %gather3A_108 {add = true} : memref<10240xf32, #tpu.memory_space<vmem>>[vector<16xi32>], vector<16xf32>,
        tpu.vector_store_idx %arg15[%get3A_84], %gather3A_111 {add = true} : memref<10240xf32, #tpu.memory_space<vmem>>[vector<16xi32>], vector<16xf32>,
        %get3A_112 = arith.constant 1 : i32
        %get3A_113 = arith.index_cast %mul3A_35 : i32 to index
        %get3A_114 = arith.index_cast %get3A_112 : i32 to index
        %get3A_115 = arith.constant 32 : index
        %get3A_116 = tpu.vector_load %arg5[%get3A_113, %get3A_114, %get3A_115] {strides = array<i32>} : memref<50x2x128xi32, #tpu.memory_space<vmem>>, vector<16xi32>,
        %add3A_117 = arith.constant 32 : i32
        %add3A_118 = vector.broadcast %add3A_117 : i32 to vector<16xi32>
        %add3A_119 = arith.addi %add3A_118, %iota3A : vector<16xi32>
        %broadcast_in_dim3A_120 = arith.constant 0 : i32
        %broadcast_in_dim3A_121 = vector.broadcast %broadcast_in_dim3A_120 : i32 to vector<16xi32>
        %gather3A_122 = tpu.vector_load_idx %arg6[%add3A_119, %broadcast_in_dim3A_121] : memref<128x8xf32, #tpu.memory_space<vmem>>[vector<16xi32>, vector<16xi32>], vector<16xf32>,
        %broadcast_in_dim3A_123 = arith.constant 1 : i32
        %broadcast_in_dim3A_124 = vector.broadcast %broadcast_in_dim3A_123 : i32 to vector<16xi32>
        %gather3A_125 = tpu.vector_load_idx %arg6[%add3A_119, %broadcast_in_dim3A_124] : memref<128x8xf32, #tpu.memory_space<vmem>>[vector<16xi32>, vector<16xi32>], vector<16xf32>,
        %broadcast_in_dim3A_126 = arith.constant 2 : i32
        %broadcast_in_dim3A_127 = vector.broadcast %broadcast_in_dim3A_126 : i32 to vector<16xi32>
        %gather3A_128 = tpu.vector_load_idx %arg6[%add3A_119, %broadcast_in_dim3A_127] : memref<128x8xf32, #tpu.memory_space<vmem>>[vector<16xi32>, vector<16xi32>], vector<16xf32>,
        %broadcast_in_dim3A_129 = arith.constant 3 : i32
        %broadcast_in_dim3A_130 = vector.broadcast %broadcast_in_dim3A_129 : i32 to vector<16xi32>
        %gather3A_131 = tpu.vector_load_idx %arg6[%add3A_119, %broadcast_in_dim3A_130] : memref<128x8xf32, #tpu.memory_space<vmem>>[vector<16xi32>, vector<16xi32>], vector<16xf32>,
        %broadcast_in_dim3A_132 = arith.constant 4 : i32
        %broadcast_in_dim3A_133 = vector.broadcast %broadcast_in_dim3A_132 : i32 to vector<16xi32>
        %gather3A_134 = tpu.vector_load_idx %arg6[%add3A_119, %broadcast_in_dim3A_133] : memref<128x8xf32, #tpu.memory_space<vmem>>[vector<16xi32>, vector<16xi32>], vector<16xf32>,
        %broadcast_in_dim3A_135 = arith.constant 5 : i32
        %broadcast_in_dim3A_136 = vector.broadcast %broadcast_in_dim3A_135 : i32 to vector<16xi32>
        %gather3A_137 = tpu.vector_load_idx %arg6[%add3A_119, %broadcast_in_dim3A_136] : memref<128x8xf32, #tpu.memory_space<vmem>>[vector<16xi32>, vector<16xi32>], vector<16xf32>,
        %broadcast_in_dim3A_138 = arith.constant 6 : i32
        %broadcast_in_dim3A_139 = vector.broadcast %broadcast_in_dim3A_138 : i32 to vector<16xi32>
        %gather3A_140 = tpu.vector_load_idx %arg6[%add3A_119, %broadcast_in_dim3A_139] : memref<128x8xf32, #tpu.memory_space<vmem>>[vector<16xi32>, vector<16xi32>], vector<16xf32>,
        %broadcast_in_dim3A_141 = arith.constant 7 : i32
        %broadcast_in_dim3A_142 = vector.broadcast %broadcast_in_dim3A_141 : i32 to vector<16xi32>
        %gather3A_143 = tpu.vector_load_idx %arg6[%add3A_119, %broadcast_in_dim3A_142] : memref<128x8xf32, #tpu.memory_space<vmem>>[vector<16xi32>, vector<16xi32>], vector<16xf32>,
        tpu.vector_store_idx %arg8[%get3A_116], %gather3A_122 {add = true} : memref<10240xf32, #tpu.memory_space<vmem>>[vector<16xi32>], vector<16xf32>,
        tpu.vector_store_idx %arg9[%get3A_116], %gather3A_125 {add = true} : memref<10240xf32, #tpu.memory_space<vmem>>[vector<16xi32>], vector<16xf32>,
        tpu.vector_store_idx %arg10[%get3A_116], %gather3A_128 {add = true} : memref<10240xf32, #tpu.memory_space<vmem>>[vector<16xi32>], vector<16xf32>,
        tpu.vector_store_idx %arg11[%get3A_116], %gather3A_131 {add = true} : memref<10240xf32, #tpu.memory_space<vmem>>[vector<16xi32>], vector<16xf32>,
        tpu.vector_store_idx %arg12[%get3A_116], %gather3A_134 {add = true} : memref<10240xf32, #tpu.memory_space<vmem>>[vector<16xi32>], vector<16xf32>,
        tpu.vector_store_idx %arg13[%get3A_116], %gather3A_137 {add = true} : memref<10240xf32, #tpu.memory_space<vmem>>[vector<16xi32>], vector<16xf32>,
        tpu.vector_store_idx %arg14[%get3A_116], %gather3A_140 {add = true} : memref<10240xf32, #tpu.memory_space<vmem>>[vector<16xi32>], vector<16xf32>,
        tpu.vector_store_idx %arg15[%get3A_116], %gather3A_143 {add = true} : memref<10240xf32, #tpu.memory_space<vmem>>[vector<16xi32>], vector<16xf32>,
        %get3A_144 = arith.constant 1 : i32
        %get3A_145 = arith.index_cast %mul3A_35 : i32 to index
        %get3A_146 = arith.index_cast %get3A_144 : i32 to index
        %get3A_147 = arith.constant 48 : index
        %get3A_148 = tpu.vector_load %arg5[%get3A_145, %get3A_146, %get3A_147] {strides = array<i32>} : memref<50x2x128xi32, #tpu.memory_space<vmem>>, vector<16xi32>,
        %add3A_149 = arith.constant 48 : i32
        %add3A_150 = vector.broadcast %add3A_149 : i32 to vector<16xi32>
        %add3A_151 = arith.addi %add3A_150, %iota3A : vector<16xi32>
        %broadcast_in_dim3A_152 = arith.constant 0 : i32
        %broadcast_in_dim3A_153 = vector.broadcast %broadcast_in_dim3A_152 : i32 to vector<16xi32>
        %gather3A_154 = tpu.vector_load_idx %arg6[%add3A_151, %broadcast_in_dim3A_153] : memref<128x8xf32, #tpu.memory_space<vmem>>[vector<16xi32>, vector<16xi32>], vector<16xf32>,
        %broadcast_in_dim3A_155 = arith.constant 1 : i32
        %broadcast_in_dim3A_156 = vector.broadcast %broadcast_in_dim3A_155 : i32 to vector<16xi32>
        %gather3A_157 = tpu.vector_load_idx %arg6[%add3A_151, %broadcast_in_dim3A_156] : memref<128x8xf32, #tpu.memory_space<vmem>>[vector<16xi32>, vector<16xi32>], vector<16xf32>,
        %broadcast_in_dim3A_158 = arith.constant 2 : i32
        %broadcast_in_dim3A_159 = vector.broadcast %broadcast_in_dim3A_158 : i32 to vector<16xi32>
        %gather3A_160 = tpu.vector_load_idx %arg6[%add3A_151, %broadcast_in_dim3A_159] : memref<128x8xf32, #tpu.memory_space<vmem>>[vector<16xi32>, vector<16xi32>], vector<16xf32>,
        %broadcast_in_dim3A_161 = arith.constant 3 : i32
        %broadcast_in_dim3A_162 = vector.broadcast %broadcast_in_dim3A_161 : i32 to vector<16xi32>
        %gather3A_163 = tpu.vector_load_idx %arg6[%add3A_151, %broadcast_in_dim3A_162] : memref<128x8xf32, #tpu.memory_space<vmem>>[vector<16xi32>, vector<16xi32>], vector<16xf32>,
        %broadcast_in_dim3A_164 = arith.constant 4 : i32
        %broadcast_in_dim3A_165 = vector.broadcast %broadcast_in_dim3A_164 : i32 to vector<16xi32>
        %gather3A_166 = tpu.vector_load_idx %arg6[%add3A_151, %broadcast_in_dim3A_165] : memref<128x8xf32, #tpu.memory_space<vmem>>[vector<16xi32>, vector<16xi32>], vector<16xf32>,
        %broadcast_in_dim3A_167 = arith.constant 5 : i32
        %broadcast_in_dim3A_168 = vector.broadcast %broadcast_in_dim3A_167 : i32 to vector<16xi32>
        %gather3A_169 = tpu.vector_load_idx %arg6[%add3A_151, %broadcast_in_dim3A_168] : memref<128x8xf32, #tpu.memory_space<vmem>>[vector<16xi32>, vector<16xi32>], vector<16xf32>,
        %broadcast_in_dim3A_170 = arith.constant 6 : i32
        %broadcast_in_dim3A_171 = vector.broadcast %broadcast_in_dim3A_170 : i32 to vector<16xi32>
        %gather3A_172 = tpu.vector_load_idx %arg6[%add3A_151, %broadcast_in_dim3A_171] : memref<128x8xf32, #tpu.memory_space<vmem>>[vector<16xi32>, vector<16xi32>], vector<16xf32>,
        %broadcast_in_dim3A_173 = arith.constant 7 : i32
        %broadcast_in_dim3A_174 = vector.broadcast %broadcast_in_dim3A_173 : i32 to vector<16xi32>
        %gather3A_175 = tpu.vector_load_idx %arg6[%add3A_151, %broadcast_in_dim3A_174] : memref<128x8xf32, #tpu.memory_space<vmem>>[vector<16xi32>, vector<16xi32>], vector<16xf32>,
        tpu.vector_store_idx %arg8[%get3A_148], %gather3A_154 {add = true} : memref<10240xf32, #tpu.memory_space<vmem>>[vector<16xi32>], vector<16xf32>,
        tpu.vector_store_idx %arg9[%get3A_148], %gather3A_157 {add = true} : memref<10240xf32, #tpu.memory_space<vmem>>[vector<16xi32>], vector<16xf32>,
        tpu.vector_store_idx %arg10[%get3A_148], %gather3A_160 {add = true} : memref<10240xf32, #tpu.memory_space<vmem>>[vector<16xi32>], vector<16xf32>,
        tpu.vector_store_idx %arg11[%get3A_148], %gather3A_163 {add = true} : memref<10240xf32, #tpu.memory_space<vmem>>[vector<16xi32>], vector<16xf32>,
        tpu.vector_store_idx %arg12[%get3A_148], %gather3A_166 {add = true} : memref<10240xf32, #tpu.memory_space<vmem>>[vector<16xi32>], vector<16xf32>,
        tpu.vector_store_idx %arg13[%get3A_148], %gather3A_169 {add = true} : memref<10240xf32, #tpu.memory_space<vmem>>[vector<16xi32>], vector<16xf32>,
        tpu.vector_store_idx %arg14[%get3A_148], %gather3A_172 {add = true} : memref<10240xf32, #tpu.memory_space<vmem>>[vector<16xi32>], vector<16xf32>,
        tpu.vector_store_idx %arg15[%get3A_148], %gather3A_175 {add = true} : memref<10240xf32, #tpu.memory_space<vmem>>[vector<16xi32>], vector<16xf32>,
        %get3A_176 = arith.constant 1 : i32
        %get3A_177 = arith.index_cast %mul3A_35 : i32 to index
        %get3A_178 = arith.index_cast %get3A_176 : i32 to index
        %get3A_179 = arith.constant 64 : index
        %get3A_180 = tpu.vector_load %arg5[%get3A_177, %get3A_178, %get3A_179] {strides = array<i32>} : memref<50x2x128xi32, #tpu.memory_space<vmem>>, vector<16xi32>,
        %add3A_181 = arith.constant 64 : i32
        %add3A_182 = vector.broadcast %add3A_181 : i32 to vector<16xi32>
        %add3A_183 = arith.addi %add3A_182, %iota3A : vector<16xi32>
        %broadcast_in_dim3A_184 = arith.constant 0 : i32
        %broadcast_in_dim3A_185 = vector.broadcast %broadcast_in_dim3A_184 : i32 to vector<16xi32>
        %gather3A_186 = tpu.vector_load_idx %arg6[%add3A_183, %broadcast_in_dim3A_185] : memref<128x8xf32, #tpu.memory_space<vmem>>[vector<16xi32>, vector<16xi32>], vector<16xf32>,
        %broadcast_in_dim3A_187 = arith.constant 1 : i32
        %broadcast_in_dim3A_188 = vector.broadcast %broadcast_in_dim3A_187 : i32 to vector<16xi32>
        %gather3A_189 = tpu.vector_load_idx %arg6[%add3A_183, %broadcast_in_dim3A_188] : memref<128x8xf32, #tpu.memory_space<vmem>>[vector<16xi32>, vector<16xi32>], vector<16xf32>,
        %broadcast_in_dim3A_190 = arith.constant 2 : i32
        %broadcast_in_dim3A_191 = vector.broadcast %broadcast_in_dim3A_190 : i32 to vector<16xi32>
        %gather3A_192 = tpu.vector_load_idx %arg6[%add3A_183, %broadcast_in_dim3A_191] : memref<128x8xf32, #tpu.memory_space<vmem>>[vector<16xi32>, vector<16xi32>], vector<16xf32>,
        %broadcast_in_dim3A_193 = arith.constant 3 : i32
        %broadcast_in_dim3A_194 = vector.broadcast %broadcast_in_dim3A_193 : i32 to vector<16xi32>
        %gather3A_195 = tpu.vector_load_idx %arg6[%add3A_183, %broadcast_in_dim3A_194] : memref<128x8xf32, #tpu.memory_space<vmem>>[vector<16xi32>, vector<16xi32>], vector<16xf32>,
        %broadcast_in_dim3A_196 = arith.constant 4 : i32
        %broadcast_in_dim3A_197 = vector.broadcast %broadcast_in_dim3A_196 : i32 to vector<16xi32>
        %gather3A_198 = tpu.vector_load_idx %arg6[%add3A_183, %broadcast_in_dim3A_197] : memref<128x8xf32, #tpu.memory_space<vmem>>[vector<16xi32>, vector<16xi32>], vector<16xf32>,
        %broadcast_in_dim3A_199 = arith.constant 5 : i32
        %broadcast_in_dim3A_200 = vector.broadcast %broadcast_in_dim3A_199 : i32 to vector<16xi32>
        %gather3A_201 = tpu.vector_load_idx %arg6[%add3A_183, %broadcast_in_dim3A_200] : memref<128x8xf32, #tpu.memory_space<vmem>>[vector<16xi32>, vector<16xi32>], vector<16xf32>,
        %broadcast_in_dim3A_202 = arith.constant 6 : i32
        %broadcast_in_dim3A_203 = vector.broadcast %broadcast_in_dim3A_202 : i32 to vector<16xi32>
        %gather3A_204 = tpu.vector_load_idx %arg6[%add3A_183, %broadcast_in_dim3A_203] : memref<128x8xf32, #tpu.memory_space<vmem>>[vector<16xi32>, vector<16xi32>], vector<16xf32>,
        %broadcast_in_dim3A_205 = arith.constant 7 : i32
        %broadcast_in_dim3A_206 = vector.broadcast %broadcast_in_dim3A_205 : i32 to vector<16xi32>
        %gather3A_207 = tpu.vector_load_idx %arg6[%add3A_183, %broadcast_in_dim3A_206] : memref<128x8xf32, #tpu.memory_space<vmem>>[vector<16xi32>, vector<16xi32>], vector<16xf32>,
        tpu.vector_store_idx %arg8[%get3A_180], %gather3A_186 {add = true} : memref<10240xf32, #tpu.memory_space<vmem>>[vector<16xi32>], vector<16xf32>,
        tpu.vector_store_idx %arg9[%get3A_180], %gather3A_189 {add = true} : memref<10240xf32, #tpu.memory_space<vmem>>[vector<16xi32>], vector<16xf32>,
        tpu.vector_store_idx %arg10[%get3A_180], %gather3A_192 {add = true} : memref<10240xf32, #tpu.memory_space<vmem>>[vector<16xi32>], vector<16xf32>,
        tpu.vector_store_idx %arg11[%get3A_180], %gather3A_195 {add = true} : memref<10240xf32, #tpu.memory_space<vmem>>[vector<16xi32>], vector<16xf32>,
        tpu.vector_store_idx %arg12[%get3A_180], %gather3A_198 {add = true} : memref<10240xf32, #tpu.memory_space<vmem>>[vector<16xi32>], vector<16xf32>,
        tpu.vector_store_idx %arg13[%get3A_180], %gather3A_201 {add = true} : memref<10240xf32, #tpu.memory_space<vmem>>[vector<16xi32>], vector<16xf32>,
        tpu.vector_store_idx %arg14[%get3A_180], %gather3A_204 {add = true} : memref<10240xf32, #tpu.memory_space<vmem>>[vector<16xi32>], vector<16xf32>,
        tpu.vector_store_idx %arg15[%get3A_180], %gather3A_207 {add = true} : memref<10240xf32, #tpu.memory_space<vmem>>[vector<16xi32>], vector<16xf32>,
        %get3A_208 = arith.constant 1 : i32
        %get3A_209 = arith.index_cast %mul3A_35 : i32 to index
        %get3A_210 = arith.index_cast %get3A_208 : i32 to index
        %get3A_211 = arith.constant 80 : index
        %get3A_212 = tpu.vector_load %arg5[%get3A_209, %get3A_210, %get3A_211] {strides = array<i32>} : memref<50x2x128xi32, #tpu.memory_space<vmem>>, vector<16xi32>,
        %add3A_213 = arith.constant 80 : i32
        %add3A_214 = vector.broadcast %add3A_213 : i32 to vector<16xi32>
        %add3A_215 = arith.addi %add3A_214, %iota3A : vector<16xi32>
        %broadcast_in_dim3A_216 = arith.constant 0 : i32
        %broadcast_in_dim3A_217 = vector.broadcast %broadcast_in_dim3A_216 : i32 to vector<16xi32>
        %gather3A_218 = tpu.vector_load_idx %arg6[%add3A_215, %broadcast_in_dim3A_217] : memref<128x8xf32, #tpu.memory_space<vmem>>[vector<16xi32>, vector<16xi32>], vector<16xf32>,
        %broadcast_in_dim3A_219 = arith.constant 1 : i32
        %broadcast_in_dim3A_220 = vector.broadcast %broadcast_in_dim3A_219 : i32 to vector<16xi32>
        %gather3A_221 = tpu.vector_load_idx %arg6[%add3A_215, %broadcast_in_dim3A_220] : memref<128x8xf32, #tpu.memory_space<vmem>>[vector<16xi32>, vector<16xi32>], vector<16xf32>,
        %broadcast_in_dim3A_222 = arith.constant 2 : i32
        %broadcast_in_dim3A_223 = vector.broadcast %broadcast_in_dim3A_222 : i32 to vector<16xi32>
        %gather3A_224 = tpu.vector_load_idx %arg6[%add3A_215, %broadcast_in_dim3A_223] : memref<128x8xf32, #tpu.memory_space<vmem>>[vector<16xi32>, vector<16xi32>], vector<16xf32>,
        %broadcast_in_dim3A_225 = arith.constant 3 : i32
        %broadcast_in_dim3A_226 = vector.broadcast %broadcast_in_dim3A_225 : i32 to vector<16xi32>
        %gather3A_227 = tpu.vector_load_idx %arg6[%add3A_215, %broadcast_in_dim3A_226] : memref<128x8xf32, #tpu.memory_space<vmem>>[vector<16xi32>, vector<16xi32>], vector<16xf32>,
        %broadcast_in_dim3A_228 = arith.constant 4 : i32
        %broadcast_in_dim3A_229 = vector.broadcast %broadcast_in_dim3A_228 : i32 to vector<16xi32>
        %gather3A_230 = tpu.vector_load_idx %arg6[%add3A_215, %broadcast_in_dim3A_229] : memref<128x8xf32, #tpu.memory_space<vmem>>[vector<16xi32>, vector<16xi32>], vector<16xf32>,
        %broadcast_in_dim3A_231 = arith.constant 5 : i32
        %broadcast_in_dim3A_232 = vector.broadcast %broadcast_in_dim3A_231 : i32 to vector<16xi32>
        %gather3A_233 = tpu.vector_load_idx %arg6[%add3A_215, %broadcast_in_dim3A_232] : memref<128x8xf32, #tpu.memory_space<vmem>>[vector<16xi32>, vector<16xi32>], vector<16xf32>,
        %broadcast_in_dim3A_234 = arith.constant 6 : i32
        %broadcast_in_dim3A_235 = vector.broadcast %broadcast_in_dim3A_234 : i32 to vector<16xi32>
        %gather3A_236 = tpu.vector_load_idx %arg6[%add3A_215, %broadcast_in_dim3A_235] : memref<128x8xf32, #tpu.memory_space<vmem>>[vector<16xi32>, vector<16xi32>], vector<16xf32>,
        %broadcast_in_dim3A_237 = arith.constant 7 : i32
        %broadcast_in_dim3A_238 = vector.broadcast %broadcast_in_dim3A_237 : i32 to vector<16xi32>
        %gather3A_239 = tpu.vector_load_idx %arg6[%add3A_215, %broadcast_in_dim3A_238] : memref<128x8xf32, #tpu.memory_space<vmem>>[vector<16xi32>, vector<16xi32>], vector<16xf32>,
        tpu.vector_store_idx %arg8[%get3A_212], %gather3A_218 {add = true} : memref<10240xf32, #tpu.memory_space<vmem>>[vector<16xi32>], vector<16xf32>,
        tpu.vector_store_idx %arg9[%get3A_212], %gather3A_221 {add = true} : memref<10240xf32, #tpu.memory_space<vmem>>[vector<16xi32>], vector<16xf32>,
        tpu.vector_store_idx %arg10[%get3A_212], %gather3A_224 {add = true} : memref<10240xf32, #tpu.memory_space<vmem>>[vector<16xi32>], vector<16xf32>,
        tpu.vector_store_idx %arg11[%get3A_212], %gather3A_227 {add = true} : memref<10240xf32, #tpu.memory_space<vmem>>[vector<16xi32>], vector<16xf32>,
        tpu.vector_store_idx %arg12[%get3A_212], %gather3A_230 {add = true} : memref<10240xf32, #tpu.memory_space<vmem>>[vector<16xi32>], vector<16xf32>,
        tpu.vector_store_idx %arg13[%get3A_212], %gather3A_233 {add = true} : memref<10240xf32, #tpu.memory_space<vmem>>[vector<16xi32>], vector<16xf32>,
        tpu.vector_store_idx %arg14[%get3A_212], %gather3A_236 {add = true} : memref<10240xf32, #tpu.memory_space<vmem>>[vector<16xi32>], vector<16xf32>,
        tpu.vector_store_idx %arg15[%get3A_212], %gather3A_239 {add = true} : memref<10240xf32, #tpu.memory_space<vmem>>[vector<16xi32>], vector<16xf32>,
        %get3A_240 = arith.constant 1 : i32
        %get3A_241 = arith.index_cast %mul3A_35 : i32 to index
        %get3A_242 = arith.index_cast %get3A_240 : i32 to index
        %get3A_243 = arith.constant 96 : index
        %get3A_244 = tpu.vector_load %arg5[%get3A_241, %get3A_242, %get3A_243] {strides = array<i32>} : memref<50x2x128xi32, #tpu.memory_space<vmem>>, vector<16xi32>,
        %add3A_245 = arith.constant 96 : i32
        %add3A_246 = vector.broadcast %add3A_245 : i32 to vector<16xi32>
        %add3A_247 = arith.addi %add3A_246, %iota3A : vector<16xi32>
        %broadcast_in_dim3A_248 = arith.constant 0 : i32
        %broadcast_in_dim3A_249 = vector.broadcast %broadcast_in_dim3A_248 : i32 to vector<16xi32>
        %gather3A_250 = tpu.vector_load_idx %arg6[%add3A_247, %broadcast_in_dim3A_249] : memref<128x8xf32, #tpu.memory_space<vmem>>[vector<16xi32>, vector<16xi32>], vector<16xf32>,
        %broadcast_in_dim3A_251 = arith.constant 1 : i32
        %broadcast_in_dim3A_252 = vector.broadcast %broadcast_in_dim3A_251 : i32 to vector<16xi32>
        %gather3A_253 = tpu.vector_load_idx %arg6[%add3A_247, %broadcast_in_dim3A_252] : memref<128x8xf32, #tpu.memory_space<vmem>>[vector<16xi32>, vector<16xi32>], vector<16xf32>,
        %broadcast_in_dim3A_254 = arith.constant 2 : i32
        %broadcast_in_dim3A_255 = vector.broadcast %broadcast_in_dim3A_254 : i32 to vector<16xi32>
        %gather3A_256 = tpu.vector_load_idx %arg6[%add3A_247, %broadcast_in_dim3A_255] : memref<128x8xf32, #tpu.memory_space<vmem>>[vector<16xi32>, vector<16xi32>], vector<16xf32>,
        %broadcast_in_dim3A_257 = arith.constant 3 : i32
        %broadcast_in_dim3A_258 = vector.broadcast %broadcast_in_dim3A_257 : i32 to vector<16xi32>
        %gather3A_259 = tpu.vector_load_idx %arg6[%add3A_247, %broadcast_in_dim3A_258] : memref<128x8xf32, #tpu.memory_space<vmem>>[vector<16xi32>, vector<16xi32>], vector<16xf32>,
        %broadcast_in_dim3A_260 = arith.constant 4 : i32
        %broadcast_in_dim3A_261 = vector.broadcast %broadcast_in_dim3A_260 : i32 to vector<16xi32>
        %gather3A_262 = tpu.vector_load_idx %arg6[%add3A_247, %broadcast_in_dim3A_261] : memref<128x8xf32, #tpu.memory_space<vmem>>[vector<16xi32>, vector<16xi32>], vector<16xf32>,
        %broadcast_in_dim3A_263 = arith.constant 5 : i32
        %broadcast_in_dim3A_264 = vector.broadcast %broadcast_in_dim3A_263 : i32 to vector<16xi32>
        %gather3A_265 = tpu.vector_load_idx %arg6[%add3A_247, %broadcast_in_dim3A_264] : memref<128x8xf32, #tpu.memory_space<vmem>>[vector<16xi32>, vector<16xi32>], vector<16xf32>,
        %broadcast_in_dim3A_266 = arith.constant 6 : i32
        %broadcast_in_dim3A_267 = vector.broadcast %broadcast_in_dim3A_266 : i32 to vector<16xi32>
        %gather3A_268 = tpu.vector_load_idx %arg6[%add3A_247, %broadcast_in_dim3A_267] : memref<128x8xf32, #tpu.memory_space<vmem>>[vector<16xi32>, vector<16xi32>], vector<16xf32>,
        %broadcast_in_dim3A_269 = arith.constant 7 : i32
        %broadcast_in_dim3A_270 = vector.broadcast %broadcast_in_dim3A_269 : i32 to vector<16xi32>
        %gather3A_271 = tpu.vector_load_idx %arg6[%add3A_247, %broadcast_in_dim3A_270] : memref<128x8xf32, #tpu.memory_space<vmem>>[vector<16xi32>, vector<16xi32>], vector<16xf32>,
        tpu.vector_store_idx %arg8[%get3A_244], %gather3A_250 {add = true} : memref<10240xf32, #tpu.memory_space<vmem>>[vector<16xi32>], vector<16xf32>,
        tpu.vector_store_idx %arg9[%get3A_244], %gather3A_253 {add = true} : memref<10240xf32, #tpu.memory_space<vmem>>[vector<16xi32>], vector<16xf32>,
        tpu.vector_store_idx %arg10[%get3A_244], %gather3A_256 {add = true} : memref<10240xf32, #tpu.memory_space<vmem>>[vector<16xi32>], vector<16xf32>,
        tpu.vector_store_idx %arg11[%get3A_244], %gather3A_259 {add = true} : memref<10240xf32, #tpu.memory_space<vmem>>[vector<16xi32>], vector<16xf32>,
        tpu.vector_store_idx %arg12[%get3A_244], %gather3A_262 {add = true} : memref<10240xf32, #tpu.memory_space<vmem>>[vector<16xi32>], vector<16xf32>,
        tpu.vector_store_idx %arg13[%get3A_244], %gather3A_265 {add = true} : memref<10240xf32, #tpu.memory_space<vmem>>[vector<16xi32>], vector<16xf32>,
        tpu.vector_store_idx %arg14[%get3A_244], %gather3A_268 {add = true} : memref<10240xf32, #tpu.memory_space<vmem>>[vector<16xi32>], vector<16xf32>,
        tpu.vector_store_idx %arg15[%get3A_244], %gather3A_271 {add = true} : memref<10240xf32, #tpu.memory_space<vmem>>[vector<16xi32>], vector<16xf32>,
        %get3A_272 = arith.constant 1 : i32
        %get3A_273 = arith.index_cast %mul3A_35 : i32 to index
        %get3A_274 = arith.index_cast %get3A_272 : i32 to index
        %get3A_275 = arith.constant 112 : index
        %get3A_276 = tpu.vector_load %arg5[%get3A_273, %get3A_274, %get3A_275] {strides = array<i32>} : memref<50x2x128xi32, #tpu.memory_space<vmem>>, vector<16xi32>,
        %add3A_277 = arith.constant 112 : i32
        %add3A_278 = vector.broadcast %add3A_277 : i32 to vector<16xi32>
        %add3A_279 = arith.addi %add3A_278, %iota3A : vector<16xi32>
        %broadcast_in_dim3A_280 = arith.constant 0 : i32
        %broadcast_in_dim3A_281 = vector.broadcast %broadcast_in_dim3A_280 : i32 to vector<16xi32>
        %gather3A_282 = tpu.vector_load_idx %arg6[%add3A_279, %broadcast_in_dim3A_281] : memref<128x8xf32, #tpu.memory_space<vmem>>[vector<16xi32>, vector<16xi32>], vector<16xf32>,
        %broadcast_in_dim3A_283 = arith.constant 1 : i32
        %broadcast_in_dim3A_284 = vector.broadcast %broadcast_in_dim3A_283 : i32 to vector<16xi32>
        %gather3A_285 = tpu.vector_load_idx %arg6[%add3A_279, %broadcast_in_dim3A_284] : memref<128x8xf32, #tpu.memory_space<vmem>>[vector<16xi32>, vector<16xi32>], vector<16xf32>,
        %broadcast_in_dim3A_286 = arith.constant 2 : i32
        %broadcast_in_dim3A_287 = vector.broadcast %broadcast_in_dim3A_286 : i32 to vector<16xi32>
        %gather3A_288 = tpu.vector_load_idx %arg6[%add3A_279, %broadcast_in_dim3A_287] : memref<128x8xf32, #tpu.memory_space<vmem>>[vector<16xi32>, vector<16xi32>], vector<16xf32>,
        %broadcast_in_dim3A_289 = arith.constant 3 : i32
        %broadcast_in_dim3A_290 = vector.broadcast %broadcast_in_dim3A_289 : i32 to vector<16xi32>
        %gather3A_291 = tpu.vector_load_idx %arg6[%add3A_279, %broadcast_in_dim3A_290] : memref<128x8xf32, #tpu.memory_space<vmem>>[vector<16xi32>, vector<16xi32>], vector<16xf32>,
        %broadcast_in_dim3A_292 = arith.constant 4 : i32
        %broadcast_in_dim3A_293 = vector.broadcast %broadcast_in_dim3A_292 : i32 to vector<16xi32>
        %gather3A_294 = tpu.vector_load_idx %arg6[%add3A_279, %broadcast_in_dim3A_293] : memref<128x8xf32, #tpu.memory_space<vmem>>[vector<16xi32>, vector<16xi32>], vector<16xf32>,
        %broadcast_in_dim3A_295 = arith.constant 5 : i32
        %broadcast_in_dim3A_296 = vector.broadcast %broadcast_in_dim3A_295 : i32 to vector<16xi32>
        %gather3A_297 = tpu.vector_load_idx %arg6[%add3A_279, %broadcast_in_dim3A_296] : memref<128x8xf32, #tpu.memory_space<vmem>>[vector<16xi32>, vector<16xi32>], vector<16xf32>,
        %broadcast_in_dim3A_298 = arith.constant 6 : i32
        %broadcast_in_dim3A_299 = vector.broadcast %broadcast_in_dim3A_298 : i32 to vector<16xi32>
        %gather3A_300 = tpu.vector_load_idx %arg6[%add3A_279, %broadcast_in_dim3A_299] : memref<128x8xf32, #tpu.memory_space<vmem>>[vector<16xi32>, vector<16xi32>], vector<16xf32>,
        %broadcast_in_dim3A_301 = arith.constant 7 : i32
        %broadcast_in_dim3A_302 = vector.broadcast %broadcast_in_dim3A_301 : i32 to vector<16xi32>
        %gather3A_303 = tpu.vector_load_idx %arg6[%add3A_279, %broadcast_in_dim3A_302] : memref<128x8xf32, #tpu.memory_space<vmem>>[vector<16xi32>, vector<16xi32>], vector<16xf32>,
        tpu.vector_store_idx %arg8[%get3A_276], %gather3A_282 {add = true} : memref<10240xf32, #tpu.memory_space<vmem>>[vector<16xi32>], vector<16xf32>,
        tpu.vector_store_idx %arg9[%get3A_276], %gather3A_285 {add = true} : memref<10240xf32, #tpu.memory_space<vmem>>[vector<16xi32>], vector<16xf32>,
        tpu.vector_store_idx %arg10[%get3A_276], %gather3A_288 {add = true} : memref<10240xf32, #tpu.memory_space<vmem>>[vector<16xi32>], vector<16xf32>,
        tpu.vector_store_idx %arg11[%get3A_276], %gather3A_291 {add = true} : memref<10240xf32, #tpu.memory_space<vmem>>[vector<16xi32>], vector<16xf32>,
        tpu.vector_store_idx %arg12[%get3A_276], %gather3A_294 {add = true} : memref<10240xf32, #tpu.memory_space<vmem>>[vector<16xi32>], vector<16xf32>,
        tpu.vector_store_idx %arg13[%get3A_276], %gather3A_297 {add = true} : memref<10240xf32, #tpu.memory_space<vmem>>[vector<16xi32>], vector<16xf32>,
        tpu.vector_store_idx %arg14[%get3A_276], %gather3A_300 {add = true} : memref<10240xf32, #tpu.memory_space<vmem>>[vector<16xi32>], vector<16xf32>,
        tpu.vector_store_idx %arg15[%get3A_276], %gather3A_303 {add = true} : memref<10240xf32, #tpu.memory_space<vmem>>[vector<16xi32>], vector<16xf32>,
        %lt3A = arith.constant 24 : i32
        %lt3A_304 = arith.cmpi slt, %scan3A_33, %lt3A : i32
        %convert_element_type3A = arith.extui %lt3A_304 : i1 to i32
        %cond3A = arith.constant 0 : i32
        %cond3A_305 = arith.cmpi ne, %convert_element_type3A, %cond3A : i32
        scf.if %cond3A_305 {
          %add3A_573 = arith.constant 2 : i32
          %add3A_574 = arith.addi %mul3A_35, %add3A_573 : i32
          %dma_start3A_575 = arith.constant 0 : i32
          %dma_start3A_576 = arith.constant 0 : i32
          %dma_start3A_577 = tpu.memref_slice %arg5[%add3A_574, %dma_start3A_575, %dma_start3A_576] : memref<50x2x128xi32, #tpu.memory_space<vmem>> -> memref<1x1x128xi32, #tpu.memory_space<vmem>>
          %dma_start3A_578 = tpu.memref_squeeze %dma_start3A_577 : memref<1x1x128xi32, #tpu.memory_space<vmem>> -> memref<128xi32, #tpu.memory_space<vmem>>
          %dma_start3A_579 = arith.constant 0 : i32
          %dma_start3A_580 = arith.constant 0 : i32
          %dma_start3A_581 = tpu.memref_slice %arg2[%dma_start3A_579, %dma_start3A_580] : memref<160000x8xf32, #tpu.memory_space<hbm>> -> memref<160000x8xf32, #tpu.memory_space<hbm>>
          tpu.enqueue_indirect_dma source(%dma_start3A_581 : memref<160000x8xf32, #tpu.memory_space<hbm>>) target(%arg6 : memref<128x8xf32, #tpu.memory_space<vmem>>) offsets(%dma_start3A_578 : memref<128xi32, #tpu.memory_space<vmem>>) semaphore(%arg16 : memref<!tpu.dma_semaphore, #tpu.memory_space<semaphore_mem>>)
        } else {
        }
        %add3A_306 = arith.constant 1 : i32
        %add3A_307 = arith.addi %mul3A_35, %add3A_306 : i32
        %dma_wait3A_308 = arith.constant 0 : i32
        %dma_wait3A_309 = arith.constant 0 : i32
        %dma_wait3A_310 = tpu.memref_slice %arg5[%add3A_307, %dma_wait3A_308, %dma_wait3A_309] : memref<50x2x128xi32, #tpu.memory_space<vmem>> -> memref<1x1x128xi32, #tpu.memory_space<vmem>>
        %dma_wait3A_311 = tpu.memref_squeeze %dma_wait3A_310 : memref<1x1x128xi32, #tpu.memory_space<vmem>> -> memref<128xi32, #tpu.memory_space<vmem>>
        %dma_wait3A_312 = arith.constant 0 : i32
        %dma_wait3A_313 = arith.constant 0 : i32
        %dma_wait3A_314 = tpu.memref_slice %arg2[%dma_wait3A_312, %dma_wait3A_313] : memref<160000x8xf32, #tpu.memory_space<hbm>> -> memref<160000x8xf32, #tpu.memory_space<hbm>>
        tpu.wait_indirect_dma semaphore(%arg17 : memref<!tpu.dma_semaphore, #tpu.memory_space<semaphore_mem>>) src(%dma_wait3A_314 : memref<160000x8xf32, #tpu.memory_space<hbm>>) dst(%arg7 : memref<128x8xf32, #tpu.memory_space<vmem>>)
        %add3A_315 = arith.constant 1 : i32
        %add3A_316 = arith.addi %mul3A_35, %add3A_315 : i32
        %get3A_317 = arith.constant 1 : i32
        %get3A_318 = arith.index_cast %add3A_316 : i32 to index
        %get3A_319 = arith.index_cast %get3A_317 : i32 to index
        %get3A_320 = arith.constant 0 : index
        %get3A_321 = tpu.vector_load %arg5[%get3A_318, %get3A_319, %get3A_320] {strides = array<i32>} : memref<50x2x128xi32, #tpu.memory_space<vmem>>, vector<16xi32>,
        %add3A_322 = arith.constant 0 : i32
        %add3A_323 = vector.broadcast %add3A_322 : i32 to vector<16xi32>
        %add3A_324 = arith.addi %add3A_323, %iota3A : vector<16xi32>
        %broadcast_in_dim3A_325 = arith.constant 0 : i32
        %broadcast_in_dim3A_326 = vector.broadcast %broadcast_in_dim3A_325 : i32 to vector<16xi32>
        %gather3A_327 = tpu.vector_load_idx %arg7[%add3A_324, %broadcast_in_dim3A_326] : memref<128x8xf32, #tpu.memory_space<vmem>>[vector<16xi32>, vector<16xi32>], vector<16xf32>,
        %broadcast_in_dim3A_328 = arith.constant 1 : i32
        %broadcast_in_dim3A_329 = vector.broadcast %broadcast_in_dim3A_328 : i32 to vector<16xi32>
        %gather3A_330 = tpu.vector_load_idx %arg7[%add3A_324, %broadcast_in_dim3A_329] : memref<128x8xf32, #tpu.memory_space<vmem>>[vector<16xi32>, vector<16xi32>], vector<16xf32>,
        %broadcast_in_dim3A_331 = arith.constant 2 : i32
        %broadcast_in_dim3A_332 = vector.broadcast %broadcast_in_dim3A_331 : i32 to vector<16xi32>
        %gather3A_333 = tpu.vector_load_idx %arg7[%add3A_324, %broadcast_in_dim3A_332] : memref<128x8xf32, #tpu.memory_space<vmem>>[vector<16xi32>, vector<16xi32>], vector<16xf32>,
        %broadcast_in_dim3A_334 = arith.constant 3 : i32
        %broadcast_in_dim3A_335 = vector.broadcast %broadcast_in_dim3A_334 : i32 to vector<16xi32>
        %gather3A_336 = tpu.vector_load_idx %arg7[%add3A_324, %broadcast_in_dim3A_335] : memref<128x8xf32, #tpu.memory_space<vmem>>[vector<16xi32>, vector<16xi32>], vector<16xf32>,
        %broadcast_in_dim3A_337 = arith.constant 4 : i32
        %broadcast_in_dim3A_338 = vector.broadcast %broadcast_in_dim3A_337 : i32 to vector<16xi32>
        %gather3A_339 = tpu.vector_load_idx %arg7[%add3A_324, %broadcast_in_dim3A_338] : memref<128x8xf32, #tpu.memory_space<vmem>>[vector<16xi32>, vector<16xi32>], vector<16xf32>,
        %broadcast_in_dim3A_340 = arith.constant 5 : i32
        %broadcast_in_dim3A_341 = vector.broadcast %broadcast_in_dim3A_340 : i32 to vector<16xi32>
        %gather3A_342 = tpu.vector_load_idx %arg7[%add3A_324, %broadcast_in_dim3A_341] : memref<128x8xf32, #tpu.memory_space<vmem>>[vector<16xi32>, vector<16xi32>], vector<16xf32>,
        %broadcast_in_dim3A_343 = arith.constant 6 : i32
        %broadcast_in_dim3A_344 = vector.broadcast %broadcast_in_dim3A_343 : i32 to vector<16xi32>
        %gather3A_345 = tpu.vector_load_idx %arg7[%add3A_324, %broadcast_in_dim3A_344] : memref<128x8xf32, #tpu.memory_space<vmem>>[vector<16xi32>, vector<16xi32>], vector<16xf32>,
        %broadcast_in_dim3A_346 = arith.constant 7 : i32
        %broadcast_in_dim3A_347 = vector.broadcast %broadcast_in_dim3A_346 : i32 to vector<16xi32>
        %gather3A_348 = tpu.vector_load_idx %arg7[%add3A_324, %broadcast_in_dim3A_347] : memref<128x8xf32, #tpu.memory_space<vmem>>[vector<16xi32>, vector<16xi32>], vector<16xf32>,
        tpu.vector_store_idx %arg8[%get3A_321], %gather3A_327 {add = true} : memref<10240xf32, #tpu.memory_space<vmem>>[vector<16xi32>], vector<16xf32>,
        tpu.vector_store_idx %arg9[%get3A_321], %gather3A_330 {add = true} : memref<10240xf32, #tpu.memory_space<vmem>>[vector<16xi32>], vector<16xf32>,
        tpu.vector_store_idx %arg10[%get3A_321], %gather3A_333 {add = true} : memref<10240xf32, #tpu.memory_space<vmem>>[vector<16xi32>], vector<16xf32>,
        tpu.vector_store_idx %arg11[%get3A_321], %gather3A_336 {add = true} : memref<10240xf32, #tpu.memory_space<vmem>>[vector<16xi32>], vector<16xf32>,
        tpu.vector_store_idx %arg12[%get3A_321], %gather3A_339 {add = true} : memref<10240xf32, #tpu.memory_space<vmem>>[vector<16xi32>], vector<16xf32>,
        tpu.vector_store_idx %arg13[%get3A_321], %gather3A_342 {add = true} : memref<10240xf32, #tpu.memory_space<vmem>>[vector<16xi32>], vector<16xf32>,
        tpu.vector_store_idx %arg14[%get3A_321], %gather3A_345 {add = true} : memref<10240xf32, #tpu.memory_space<vmem>>[vector<16xi32>], vector<16xf32>,
        tpu.vector_store_idx %arg15[%get3A_321], %gather3A_348 {add = true} : memref<10240xf32, #tpu.memory_space<vmem>>[vector<16xi32>], vector<16xf32>,
        %get3A_349 = arith.constant 1 : i32
        %get3A_350 = arith.index_cast %add3A_316 : i32 to index
        %get3A_351 = arith.index_cast %get3A_349 : i32 to index
        %get3A_352 = arith.constant 16 : index
        %get3A_353 = tpu.vector_load %arg5[%get3A_350, %get3A_351, %get3A_352] {strides = array<i32>} : memref<50x2x128xi32, #tpu.memory_space<vmem>>, vector<16xi32>,
        %add3A_354 = arith.constant 16 : i32
        %add3A_355 = vector.broadcast %add3A_354 : i32 to vector<16xi32>
        %add3A_356 = arith.addi %add3A_355, %iota3A : vector<16xi32>
        %broadcast_in_dim3A_357 = arith.constant 0 : i32
        %broadcast_in_dim3A_358 = vector.broadcast %broadcast_in_dim3A_357 : i32 to vector<16xi32>
        %gather3A_359 = tpu.vector_load_idx %arg7[%add3A_356, %broadcast_in_dim3A_358] : memref<128x8xf32, #tpu.memory_space<vmem>>[vector<16xi32>, vector<16xi32>], vector<16xf32>,
        %broadcast_in_dim3A_360 = arith.constant 1 : i32
        %broadcast_in_dim3A_361 = vector.broadcast %broadcast_in_dim3A_360 : i32 to vector<16xi32>
        %gather3A_362 = tpu.vector_load_idx %arg7[%add3A_356, %broadcast_in_dim3A_361] : memref<128x8xf32, #tpu.memory_space<vmem>>[vector<16xi32>, vector<16xi32>], vector<16xf32>,
        %broadcast_in_dim3A_363 = arith.constant 2 : i32
        %broadcast_in_dim3A_364 = vector.broadcast %broadcast_in_dim3A_363 : i32 to vector<16xi32>
        %gather3A_365 = tpu.vector_load_idx %arg7[%add3A_356, %broadcast_in_dim3A_364] : memref<128x8xf32, #tpu.memory_space<vmem>>[vector<16xi32>, vector<16xi32>], vector<16xf32>,
        %broadcast_in_dim3A_366 = arith.constant 3 : i32
        %broadcast_in_dim3A_367 = vector.broadcast %broadcast_in_dim3A_366 : i32 to vector<16xi32>
        %gather3A_368 = tpu.vector_load_idx %arg7[%add3A_356, %broadcast_in_dim3A_367] : memref<128x8xf32, #tpu.memory_space<vmem>>[vector<16xi32>, vector<16xi32>], vector<16xf32>,
        %broadcast_in_dim3A_369 = arith.constant 4 : i32
        %broadcast_in_dim3A_370 = vector.broadcast %broadcast_in_dim3A_369 : i32 to vector<16xi32>
        %gather3A_371 = tpu.vector_load_idx %arg7[%add3A_356, %broadcast_in_dim3A_370] : memref<128x8xf32, #tpu.memory_space<vmem>>[vector<16xi32>, vector<16xi32>], vector<16xf32>,
        %broadcast_in_dim3A_372 = arith.constant 5 : i32
        %broadcast_in_dim3A_373 = vector.broadcast %broadcast_in_dim3A_372 : i32 to vector<16xi32>
        %gather3A_374 = tpu.vector_load_idx %arg7[%add3A_356, %broadcast_in_dim3A_373] : memref<128x8xf32, #tpu.memory_space<vmem>>[vector<16xi32>, vector<16xi32>], vector<16xf32>,
        %broadcast_in_dim3A_375 = arith.constant 6 : i32
        %broadcast_in_dim3A_376 = vector.broadcast %broadcast_in_dim3A_375 : i32 to vector<16xi32>
        %gather3A_377 = tpu.vector_load_idx %arg7[%add3A_356, %broadcast_in_dim3A_376] : memref<128x8xf32, #tpu.memory_space<vmem>>[vector<16xi32>, vector<16xi32>], vector<16xf32>,
        %broadcast_in_dim3A_378 = arith.constant 7 : i32
        %broadcast_in_dim3A_379 = vector.broadcast %broadcast_in_dim3A_378 : i32 to vector<16xi32>
        %gather3A_380 = tpu.vector_load_idx %arg7[%add3A_356, %broadcast_in_dim3A_379] : memref<128x8xf32, #tpu.memory_space<vmem>>[vector<16xi32>, vector<16xi32>], vector<16xf32>,
        tpu.vector_store_idx %arg8[%get3A_353], %gather3A_359 {add = true} : memref<10240xf32, #tpu.memory_space<vmem>>[vector<16xi32>], vector<16xf32>,
        tpu.vector_store_idx %arg9[%get3A_353], %gather3A_362 {add = true} : memref<10240xf32, #tpu.memory_space<vmem>>[vector<16xi32>], vector<16xf32>,
        tpu.vector_store_idx %arg10[%get3A_353], %gather3A_365 {add = true} : memref<10240xf32, #tpu.memory_space<vmem>>[vector<16xi32>], vector<16xf32>,
        tpu.vector_store_idx %arg11[%get3A_353], %gather3A_368 {add = true} : memref<10240xf32, #tpu.memory_space<vmem>>[vector<16xi32>], vector<16xf32>,
        tpu.vector_store_idx %arg12[%get3A_353], %gather3A_371 {add = true} : memref<10240xf32, #tpu.memory_space<vmem>>[vector<16xi32>], vector<16xf32>,
        tpu.vector_store_idx %arg13[%get3A_353], %gather3A_374 {add = true} : memref<10240xf32, #tpu.memory_space<vmem>>[vector<16xi32>], vector<16xf32>,
        tpu.vector_store_idx %arg14[%get3A_353], %gather3A_377 {add = true} : memref<10240xf32, #tpu.memory_space<vmem>>[vector<16xi32>], vector<16xf32>,
        tpu.vector_store_idx %arg15[%get3A_353], %gather3A_380 {add = true} : memref<10240xf32, #tpu.memory_space<vmem>>[vector<16xi32>], vector<16xf32>,
        %get3A_381 = arith.constant 1 : i32
        %get3A_382 = arith.index_cast %add3A_316 : i32 to index
        %get3A_383 = arith.index_cast %get3A_381 : i32 to index
        %get3A_384 = arith.constant 32 : index
        %get3A_385 = tpu.vector_load %arg5[%get3A_382, %get3A_383, %get3A_384] {strides = array<i32>} : memref<50x2x128xi32, #tpu.memory_space<vmem>>, vector<16xi32>,
        %add3A_386 = arith.constant 32 : i32
        %add3A_387 = vector.broadcast %add3A_386 : i32 to vector<16xi32>
        %add3A_388 = arith.addi %add3A_387, %iota3A : vector<16xi32>
        %broadcast_in_dim3A_389 = arith.constant 0 : i32
        %broadcast_in_dim3A_390 = vector.broadcast %broadcast_in_dim3A_389 : i32 to vector<16xi32>
        %gather3A_391 = tpu.vector_load_idx %arg7[%add3A_388, %broadcast_in_dim3A_390] : memref<128x8xf32, #tpu.memory_space<vmem>>[vector<16xi32>, vector<16xi32>], vector<16xf32>,
        %broadcast_in_dim3A_392 = arith.constant 1 : i32
        %broadcast_in_dim3A_393 = vector.broadcast %broadcast_in_dim3A_392 : i32 to vector<16xi32>
        %gather3A_394 = tpu.vector_load_idx %arg7[%add3A_388, %broadcast_in_dim3A_393] : memref<128x8xf32, #tpu.memory_space<vmem>>[vector<16xi32>, vector<16xi32>], vector<16xf32>,
        %broadcast_in_dim3A_395 = arith.constant 2 : i32
        %broadcast_in_dim3A_396 = vector.broadcast %broadcast_in_dim3A_395 : i32 to vector<16xi32>
        %gather3A_397 = tpu.vector_load_idx %arg7[%add3A_388, %broadcast_in_dim3A_396] : memref<128x8xf32, #tpu.memory_space<vmem>>[vector<16xi32>, vector<16xi32>], vector<16xf32>,
        %broadcast_in_dim3A_398 = arith.constant 3 : i32
        %broadcast_in_dim3A_399 = vector.broadcast %broadcast_in_dim3A_398 : i32 to vector<16xi32>
        %gather3A_400 = tpu.vector_load_idx %arg7[%add3A_388, %broadcast_in_dim3A_399] : memref<128x8xf32, #tpu.memory_space<vmem>>[vector<16xi32>, vector<16xi32>], vector<16xf32>,
        %broadcast_in_dim3A_401 = arith.constant 4 : i32
        %broadcast_in_dim3A_402 = vector.broadcast %broadcast_in_dim3A_401 : i32 to vector<16xi32>
        %gather3A_403 = tpu.vector_load_idx %arg7[%add3A_388, %broadcast_in_dim3A_402] : memref<128x8xf32, #tpu.memory_space<vmem>>[vector<16xi32>, vector<16xi32>], vector<16xf32>,
        %broadcast_in_dim3A_404 = arith.constant 5 : i32
        %broadcast_in_dim3A_405 = vector.broadcast %broadcast_in_dim3A_404 : i32 to vector<16xi32>
        %gather3A_406 = tpu.vector_load_idx %arg7[%add3A_388, %broadcast_in_dim3A_405] : memref<128x8xf32, #tpu.memory_space<vmem>>[vector<16xi32>, vector<16xi32>], vector<16xf32>,
        %broadcast_in_dim3A_407 = arith.constant 6 : i32
        %broadcast_in_dim3A_408 = vector.broadcast %broadcast_in_dim3A_407 : i32 to vector<16xi32>
        %gather3A_409 = tpu.vector_load_idx %arg7[%add3A_388, %broadcast_in_dim3A_408] : memref<128x8xf32, #tpu.memory_space<vmem>>[vector<16xi32>, vector<16xi32>], vector<16xf32>,
        %broadcast_in_dim3A_410 = arith.constant 7 : i32
        %broadcast_in_dim3A_411 = vector.broadcast %broadcast_in_dim3A_410 : i32 to vector<16xi32>
        %gather3A_412 = tpu.vector_load_idx %arg7[%add3A_388, %broadcast_in_dim3A_411] : memref<128x8xf32, #tpu.memory_space<vmem>>[vector<16xi32>, vector<16xi32>], vector<16xf32>,
        tpu.vector_store_idx %arg8[%get3A_385], %gather3A_391 {add = true} : memref<10240xf32, #tpu.memory_space<vmem>>[vector<16xi32>], vector<16xf32>,
        tpu.vector_store_idx %arg9[%get3A_385], %gather3A_394 {add = true} : memref<10240xf32, #tpu.memory_space<vmem>>[vector<16xi32>], vector<16xf32>,
        tpu.vector_store_idx %arg10[%get3A_385], %gather3A_397 {add = true} : memref<10240xf32, #tpu.memory_space<vmem>>[vector<16xi32>], vector<16xf32>,
        tpu.vector_store_idx %arg11[%get3A_385], %gather3A_400 {add = true} : memref<10240xf32, #tpu.memory_space<vmem>>[vector<16xi32>], vector<16xf32>,
        tpu.vector_store_idx %arg12[%get3A_385], %gather3A_403 {add = true} : memref<10240xf32, #tpu.memory_space<vmem>>[vector<16xi32>], vector<16xf32>,
        tpu.vector_store_idx %arg13[%get3A_385], %gather3A_406 {add = true} : memref<10240xf32, #tpu.memory_space<vmem>>[vector<16xi32>], vector<16xf32>,
        tpu.vector_store_idx %arg14[%get3A_385], %gather3A_409 {add = true} : memref<10240xf32, #tpu.memory_space<vmem>>[vector<16xi32>], vector<16xf32>,
        tpu.vector_store_idx %arg15[%get3A_385], %gather3A_412 {add = true} : memref<10240xf32, #tpu.memory_space<vmem>>[vector<16xi32>], vector<16xf32>,
        %get3A_413 = arith.constant 1 : i32
        %get3A_414 = arith.index_cast %add3A_316 : i32 to index
        %get3A_415 = arith.index_cast %get3A_413 : i32 to index
        %get3A_416 = arith.constant 48 : index
        %get3A_417 = tpu.vector_load %arg5[%get3A_414, %get3A_415, %get3A_416] {strides = array<i32>} : memref<50x2x128xi32, #tpu.memory_space<vmem>>, vector<16xi32>,
        %add3A_418 = arith.constant 48 : i32
        %add3A_419 = vector.broadcast %add3A_418 : i32 to vector<16xi32>
        %add3A_420 = arith.addi %add3A_419, %iota3A : vector<16xi32>
        %broadcast_in_dim3A_421 = arith.constant 0 : i32
        %broadcast_in_dim3A_422 = vector.broadcast %broadcast_in_dim3A_421 : i32 to vector<16xi32>
        %gather3A_423 = tpu.vector_load_idx %arg7[%add3A_420, %broadcast_in_dim3A_422] : memref<128x8xf32, #tpu.memory_space<vmem>>[vector<16xi32>, vector<16xi32>], vector<16xf32>,
        %broadcast_in_dim3A_424 = arith.constant 1 : i32
        %broadcast_in_dim3A_425 = vector.broadcast %broadcast_in_dim3A_424 : i32 to vector<16xi32>
        %gather3A_426 = tpu.vector_load_idx %arg7[%add3A_420, %broadcast_in_dim3A_425] : memref<128x8xf32, #tpu.memory_space<vmem>>[vector<16xi32>, vector<16xi32>], vector<16xf32>,
        %broadcast_in_dim3A_427 = arith.constant 2 : i32
        %broadcast_in_dim3A_428 = vector.broadcast %broadcast_in_dim3A_427 : i32 to vector<16xi32>
        %gather3A_429 = tpu.vector_load_idx %arg7[%add3A_420, %broadcast_in_dim3A_428] : memref<128x8xf32, #tpu.memory_space<vmem>>[vector<16xi32>, vector<16xi32>], vector<16xf32>,
        %broadcast_in_dim3A_430 = arith.constant 3 : i32
        %broadcast_in_dim3A_431 = vector.broadcast %broadcast_in_dim3A_430 : i32 to vector<16xi32>
        %gather3A_432 = tpu.vector_load_idx %arg7[%add3A_420, %broadcast_in_dim3A_431] : memref<128x8xf32, #tpu.memory_space<vmem>>[vector<16xi32>, vector<16xi32>], vector<16xf32>,
        %broadcast_in_dim3A_433 = arith.constant 4 : i32
        %broadcast_in_dim3A_434 = vector.broadcast %broadcast_in_dim3A_433 : i32 to vector<16xi32>
        %gather3A_435 = tpu.vector_load_idx %arg7[%add3A_420, %broadcast_in_dim3A_434] : memref<128x8xf32, #tpu.memory_space<vmem>>[vector<16xi32>, vector<16xi32>], vector<16xf32>,
        %broadcast_in_dim3A_436 = arith.constant 5 : i32
        %broadcast_in_dim3A_437 = vector.broadcast %broadcast_in_dim3A_436 : i32 to vector<16xi32>
        %gather3A_438 = tpu.vector_load_idx %arg7[%add3A_420, %broadcast_in_dim3A_437] : memref<128x8xf32, #tpu.memory_space<vmem>>[vector<16xi32>, vector<16xi32>], vector<16xf32>,
        %broadcast_in_dim3A_439 = arith.constant 6 : i32
        %broadcast_in_dim3A_440 = vector.broadcast %broadcast_in_dim3A_439 : i32 to vector<16xi32>
        %gather3A_441 = tpu.vector_load_idx %arg7[%add3A_420, %broadcast_in_dim3A_440] : memref<128x8xf32, #tpu.memory_space<vmem>>[vector<16xi32>, vector<16xi32>], vector<16xf32>,
        %broadcast_in_dim3A_442 = arith.constant 7 : i32
        %broadcast_in_dim3A_443 = vector.broadcast %broadcast_in_dim3A_442 : i32 to vector<16xi32>
        %gather3A_444 = tpu.vector_load_idx %arg7[%add3A_420, %broadcast_in_dim3A_443] : memref<128x8xf32, #tpu.memory_space<vmem>>[vector<16xi32>, vector<16xi32>], vector<16xf32>,
        tpu.vector_store_idx %arg8[%get3A_417], %gather3A_423 {add = true} : memref<10240xf32, #tpu.memory_space<vmem>>[vector<16xi32>], vector<16xf32>,
        tpu.vector_store_idx %arg9[%get3A_417], %gather3A_426 {add = true} : memref<10240xf32, #tpu.memory_space<vmem>>[vector<16xi32>], vector<16xf32>,
        tpu.vector_store_idx %arg10[%get3A_417], %gather3A_429 {add = true} : memref<10240xf32, #tpu.memory_space<vmem>>[vector<16xi32>], vector<16xf32>,
        tpu.vector_store_idx %arg11[%get3A_417], %gather3A_432 {add = true} : memref<10240xf32, #tpu.memory_space<vmem>>[vector<16xi32>], vector<16xf32>,
        tpu.vector_store_idx %arg12[%get3A_417], %gather3A_435 {add = true} : memref<10240xf32, #tpu.memory_space<vmem>>[vector<16xi32>], vector<16xf32>,
        tpu.vector_store_idx %arg13[%get3A_417], %gather3A_438 {add = true} : memref<10240xf32, #tpu.memory_space<vmem>>[vector<16xi32>], vector<16xf32>,
        tpu.vector_store_idx %arg14[%get3A_417], %gather3A_441 {add = true} : memref<10240xf32, #tpu.memory_space<vmem>>[vector<16xi32>], vector<16xf32>,
        tpu.vector_store_idx %arg15[%get3A_417], %gather3A_444 {add = true} : memref<10240xf32, #tpu.memory_space<vmem>>[vector<16xi32>], vector<16xf32>,
        %get3A_445 = arith.constant 1 : i32
        %get3A_446 = arith.index_cast %add3A_316 : i32 to index
        %get3A_447 = arith.index_cast %get3A_445 : i32 to index
        %get3A_448 = arith.constant 64 : index
        %get3A_449 = tpu.vector_load %arg5[%get3A_446, %get3A_447, %get3A_448] {strides = array<i32>} : memref<50x2x128xi32, #tpu.memory_space<vmem>>, vector<16xi32>,
        %add3A_450 = arith.constant 64 : i32
        %add3A_451 = vector.broadcast %add3A_450 : i32 to vector<16xi32>
        %add3A_452 = arith.addi %add3A_451, %iota3A : vector<16xi32>
        %broadcast_in_dim3A_453 = arith.constant 0 : i32
        %broadcast_in_dim3A_454 = vector.broadcast %broadcast_in_dim3A_453 : i32 to vector<16xi32>
        %gather3A_455 = tpu.vector_load_idx %arg7[%add3A_452, %broadcast_in_dim3A_454] : memref<128x8xf32, #tpu.memory_space<vmem>>[vector<16xi32>, vector<16xi32>], vector<16xf32>,
        %broadcast_in_dim3A_456 = arith.constant 1 : i32
        %broadcast_in_dim3A_457 = vector.broadcast %broadcast_in_dim3A_456 : i32 to vector<16xi32>
        %gather3A_458 = tpu.vector_load_idx %arg7[%add3A_452, %broadcast_in_dim3A_457] : memref<128x8xf32, #tpu.memory_space<vmem>>[vector<16xi32>, vector<16xi32>], vector<16xf32>,
        %broadcast_in_dim3A_459 = arith.constant 2 : i32
        %broadcast_in_dim3A_460 = vector.broadcast %broadcast_in_dim3A_459 : i32 to vector<16xi32>
        %gather3A_461 = tpu.vector_load_idx %arg7[%add3A_452, %broadcast_in_dim3A_460] : memref<128x8xf32, #tpu.memory_space<vmem>>[vector<16xi32>, vector<16xi32>], vector<16xf32>,
        %broadcast_in_dim3A_462 = arith.constant 3 : i32
        %broadcast_in_dim3A_463 = vector.broadcast %broadcast_in_dim3A_462 : i32 to vector<16xi32>
        %gather3A_464 = tpu.vector_load_idx %arg7[%add3A_452, %broadcast_in_dim3A_463] : memref<128x8xf32, #tpu.memory_space<vmem>>[vector<16xi32>, vector<16xi32>], vector<16xf32>,
        %broadcast_in_dim3A_465 = arith.constant 4 : i32
        %broadcast_in_dim3A_466 = vector.broadcast %broadcast_in_dim3A_465 : i32 to vector<16xi32>
        %gather3A_467 = tpu.vector_load_idx %arg7[%add3A_452, %broadcast_in_dim3A_466] : memref<128x8xf32, #tpu.memory_space<vmem>>[vector<16xi32>, vector<16xi32>], vector<16xf32>,
        %broadcast_in_dim3A_468 = arith.constant 5 : i32
        %broadcast_in_dim3A_469 = vector.broadcast %broadcast_in_dim3A_468 : i32 to vector<16xi32>
        %gather3A_470 = tpu.vector_load_idx %arg7[%add3A_452, %broadcast_in_dim3A_469] : memref<128x8xf32, #tpu.memory_space<vmem>>[vector<16xi32>, vector<16xi32>], vector<16xf32>,
        %broadcast_in_dim3A_471 = arith.constant 6 : i32
        %broadcast_in_dim3A_472 = vector.broadcast %broadcast_in_dim3A_471 : i32 to vector<16xi32>
        %gather3A_473 = tpu.vector_load_idx %arg7[%add3A_452, %broadcast_in_dim3A_472] : memref<128x8xf32, #tpu.memory_space<vmem>>[vector<16xi32>, vector<16xi32>], vector<16xf32>,
        %broadcast_in_dim3A_474 = arith.constant 7 : i32
        %broadcast_in_dim3A_475 = vector.broadcast %broadcast_in_dim3A_474 : i32 to vector<16xi32>
        %gather3A_476 = tpu.vector_load_idx %arg7[%add3A_452, %broadcast_in_dim3A_475] : memref<128x8xf32, #tpu.memory_space<vmem>>[vector<16xi32>, vector<16xi32>], vector<16xf32>,
        tpu.vector_store_idx %arg8[%get3A_449], %gather3A_455 {add = true} : memref<10240xf32, #tpu.memory_space<vmem>>[vector<16xi32>], vector<16xf32>,
        tpu.vector_store_idx %arg9[%get3A_449], %gather3A_458 {add = true} : memref<10240xf32, #tpu.memory_space<vmem>>[vector<16xi32>], vector<16xf32>,
        tpu.vector_store_idx %arg10[%get3A_449], %gather3A_461 {add = true} : memref<10240xf32, #tpu.memory_space<vmem>>[vector<16xi32>], vector<16xf32>,
        tpu.vector_store_idx %arg11[%get3A_449], %gather3A_464 {add = true} : memref<10240xf32, #tpu.memory_space<vmem>>[vector<16xi32>], vector<16xf32>,
        tpu.vector_store_idx %arg12[%get3A_449], %gather3A_467 {add = true} : memref<10240xf32, #tpu.memory_space<vmem>>[vector<16xi32>], vector<16xf32>,
        tpu.vector_store_idx %arg13[%get3A_449], %gather3A_470 {add = true} : memref<10240xf32, #tpu.memory_space<vmem>>[vector<16xi32>], vector<16xf32>,
        tpu.vector_store_idx %arg14[%get3A_449], %gather3A_473 {add = true} : memref<10240xf32, #tpu.memory_space<vmem>>[vector<16xi32>], vector<16xf32>,
        tpu.vector_store_idx %arg15[%get3A_449], %gather3A_476 {add = true} : memref<10240xf32, #tpu.memory_space<vmem>>[vector<16xi32>], vector<16xf32>,
        %get3A_477 = arith.constant 1 : i32
        %get3A_478 = arith.index_cast %add3A_316 : i32 to index
        %get3A_479 = arith.index_cast %get3A_477 : i32 to index
        %get3A_480 = arith.constant 80 : index
        %get3A_481 = tpu.vector_load %arg5[%get3A_478, %get3A_479, %get3A_480] {strides = array<i32>} : memref<50x2x128xi32, #tpu.memory_space<vmem>>, vector<16xi32>,
        %add3A_482 = arith.constant 80 : i32
        %add3A_483 = vector.broadcast %add3A_482 : i32 to vector<16xi32>
        %add3A_484 = arith.addi %add3A_483, %iota3A : vector<16xi32>
        %broadcast_in_dim3A_485 = arith.constant 0 : i32
        %broadcast_in_dim3A_486 = vector.broadcast %broadcast_in_dim3A_485 : i32 to vector<16xi32>
        %gather3A_487 = tpu.vector_load_idx %arg7[%add3A_484, %broadcast_in_dim3A_486] : memref<128x8xf32, #tpu.memory_space<vmem>>[vector<16xi32>, vector<16xi32>], vector<16xf32>,
        %broadcast_in_dim3A_488 = arith.constant 1 : i32
        %broadcast_in_dim3A_489 = vector.broadcast %broadcast_in_dim3A_488 : i32 to vector<16xi32>
        %gather3A_490 = tpu.vector_load_idx %arg7[%add3A_484, %broadcast_in_dim3A_489] : memref<128x8xf32, #tpu.memory_space<vmem>>[vector<16xi32>, vector<16xi32>], vector<16xf32>,
        %broadcast_in_dim3A_491 = arith.constant 2 : i32
        %broadcast_in_dim3A_492 = vector.broadcast %broadcast_in_dim3A_491 : i32 to vector<16xi32>
        %gather3A_493 = tpu.vector_load_idx %arg7[%add3A_484, %broadcast_in_dim3A_492] : memref<128x8xf32, #tpu.memory_space<vmem>>[vector<16xi32>, vector<16xi32>], vector<16xf32>,
        %broadcast_in_dim3A_494 = arith.constant 3 : i32
        %broadcast_in_dim3A_495 = vector.broadcast %broadcast_in_dim3A_494 : i32 to vector<16xi32>
        %gather3A_496 = tpu.vector_load_idx %arg7[%add3A_484, %broadcast_in_dim3A_495] : memref<128x8xf32, #tpu.memory_space<vmem>>[vector<16xi32>, vector<16xi32>], vector<16xf32>,
        %broadcast_in_dim3A_497 = arith.constant 4 : i32
        %broadcast_in_dim3A_498 = vector.broadcast %broadcast_in_dim3A_497 : i32 to vector<16xi32>
        %gather3A_499 = tpu.vector_load_idx %arg7[%add3A_484, %broadcast_in_dim3A_498] : memref<128x8xf32, #tpu.memory_space<vmem>>[vector<16xi32>, vector<16xi32>], vector<16xf32>,
        %broadcast_in_dim3A_500 = arith.constant 5 : i32
        %broadcast_in_dim3A_501 = vector.broadcast %broadcast_in_dim3A_500 : i32 to vector<16xi32>
        %gather3A_502 = tpu.vector_load_idx %arg7[%add3A_484, %broadcast_in_dim3A_501] : memref<128x8xf32, #tpu.memory_space<vmem>>[vector<16xi32>, vector<16xi32>], vector<16xf32>,
        %broadcast_in_dim3A_503 = arith.constant 6 : i32
        %broadcast_in_dim3A_504 = vector.broadcast %broadcast_in_dim3A_503 : i32 to vector<16xi32>
        %gather3A_505 = tpu.vector_load_idx %arg7[%add3A_484, %broadcast_in_dim3A_504] : memref<128x8xf32, #tpu.memory_space<vmem>>[vector<16xi32>, vector<16xi32>], vector<16xf32>,
        %broadcast_in_dim3A_506 = arith.constant 7 : i32
        %broadcast_in_dim3A_507 = vector.broadcast %broadcast_in_dim3A_506 : i32 to vector<16xi32>
        %gather3A_508 = tpu.vector_load_idx %arg7[%add3A_484, %broadcast_in_dim3A_507] : memref<128x8xf32, #tpu.memory_space<vmem>>[vector<16xi32>, vector<16xi32>], vector<16xf32>,
        tpu.vector_store_idx %arg8[%get3A_481], %gather3A_487 {add = true} : memref<10240xf32, #tpu.memory_space<vmem>>[vector<16xi32>], vector<16xf32>,
        tpu.vector_store_idx %arg9[%get3A_481], %gather3A_490 {add = true} : memref<10240xf32, #tpu.memory_space<vmem>>[vector<16xi32>], vector<16xf32>,
        tpu.vector_store_idx %arg10[%get3A_481], %gather3A_493 {add = true} : memref<10240xf32, #tpu.memory_space<vmem>>[vector<16xi32>], vector<16xf32>,
        tpu.vector_store_idx %arg11[%get3A_481], %gather3A_496 {add = true} : memref<10240xf32, #tpu.memory_space<vmem>>[vector<16xi32>], vector<16xf32>,
        tpu.vector_store_idx %arg12[%get3A_481], %gather3A_499 {add = true} : memref<10240xf32, #tpu.memory_space<vmem>>[vector<16xi32>], vector<16xf32>,
        tpu.vector_store_idx %arg13[%get3A_481], %gather3A_502 {add = true} : memref<10240xf32, #tpu.memory_space<vmem>>[vector<16xi32>], vector<16xf32>,
        tpu.vector_store_idx %arg14[%get3A_481], %gather3A_505 {add = true} : memref<10240xf32, #tpu.memory_space<vmem>>[vector<16xi32>], vector<16xf32>,
        tpu.vector_store_idx %arg15[%get3A_481], %gather3A_508 {add = true} : memref<10240xf32, #tpu.memory_space<vmem>>[vector<16xi32>], vector<16xf32>,
        %get3A_509 = arith.constant 1 : i32
        %get3A_510 = arith.index_cast %add3A_316 : i32 to index
        %get3A_511 = arith.index_cast %get3A_509 : i32 to index
        %get3A_512 = arith.constant 96 : index
        %get3A_513 = tpu.vector_load %arg5[%get3A_510, %get3A_511, %get3A_512] {strides = array<i32>} : memref<50x2x128xi32, #tpu.memory_space<vmem>>, vector<16xi32>,
        %add3A_514 = arith.constant 96 : i32
        %add3A_515 = vector.broadcast %add3A_514 : i32 to vector<16xi32>
        %add3A_516 = arith.addi %add3A_515, %iota3A : vector<16xi32>
        %broadcast_in_dim3A_517 = arith.constant 0 : i32
        %broadcast_in_dim3A_518 = vector.broadcast %broadcast_in_dim3A_517 : i32 to vector<16xi32>
        %gather3A_519 = tpu.vector_load_idx %arg7[%add3A_516, %broadcast_in_dim3A_518] : memref<128x8xf32, #tpu.memory_space<vmem>>[vector<16xi32>, vector<16xi32>], vector<16xf32>,
        %broadcast_in_dim3A_520 = arith.constant 1 : i32
        %broadcast_in_dim3A_521 = vector.broadcast %broadcast_in_dim3A_520 : i32 to vector<16xi32>
        %gather3A_522 = tpu.vector_load_idx %arg7[%add3A_516, %broadcast_in_dim3A_521] : memref<128x8xf32, #tpu.memory_space<vmem>>[vector<16xi32>, vector<16xi32>], vector<16xf32>,
        %broadcast_in_dim3A_523 = arith.constant 2 : i32
        %broadcast_in_dim3A_524 = vector.broadcast %broadcast_in_dim3A_523 : i32 to vector<16xi32>
        %gather3A_525 = tpu.vector_load_idx %arg7[%add3A_516, %broadcast_in_dim3A_524] : memref<128x8xf32, #tpu.memory_space<vmem>>[vector<16xi32>, vector<16xi32>], vector<16xf32>,
        %broadcast_in_dim3A_526 = arith.constant 3 : i32
        %broadcast_in_dim3A_527 = vector.broadcast %broadcast_in_dim3A_526 : i32 to vector<16xi32>
        %gather3A_528 = tpu.vector_load_idx %arg7[%add3A_516, %broadcast_in_dim3A_527] : memref<128x8xf32, #tpu.memory_space<vmem>>[vector<16xi32>, vector<16xi32>], vector<16xf32>,
        %broadcast_in_dim3A_529 = arith.constant 4 : i32
        %broadcast_in_dim3A_530 = vector.broadcast %broadcast_in_dim3A_529 : i32 to vector<16xi32>
        %gather3A_531 = tpu.vector_load_idx %arg7[%add3A_516, %broadcast_in_dim3A_530] : memref<128x8xf32, #tpu.memory_space<vmem>>[vector<16xi32>, vector<16xi32>], vector<16xf32>,
        %broadcast_in_dim3A_532 = arith.constant 5 : i32
        %broadcast_in_dim3A_533 = vector.broadcast %broadcast_in_dim3A_532 : i32 to vector<16xi32>
        %gather3A_534 = tpu.vector_load_idx %arg7[%add3A_516, %broadcast_in_dim3A_533] : memref<128x8xf32, #tpu.memory_space<vmem>>[vector<16xi32>, vector<16xi32>], vector<16xf32>,
        %broadcast_in_dim3A_535 = arith.constant 6 : i32
        %broadcast_in_dim3A_536 = vector.broadcast %broadcast_in_dim3A_535 : i32 to vector<16xi32>
        %gather3A_537 = tpu.vector_load_idx %arg7[%add3A_516, %broadcast_in_dim3A_536] : memref<128x8xf32, #tpu.memory_space<vmem>>[vector<16xi32>, vector<16xi32>], vector<16xf32>,
        %broadcast_in_dim3A_538 = arith.constant 7 : i32
        %broadcast_in_dim3A_539 = vector.broadcast %broadcast_in_dim3A_538 : i32 to vector<16xi32>
        %gather3A_540 = tpu.vector_load_idx %arg7[%add3A_516, %broadcast_in_dim3A_539] : memref<128x8xf32, #tpu.memory_space<vmem>>[vector<16xi32>, vector<16xi32>], vector<16xf32>,
        tpu.vector_store_idx %arg8[%get3A_513], %gather3A_519 {add = true} : memref<10240xf32, #tpu.memory_space<vmem>>[vector<16xi32>], vector<16xf32>,
        tpu.vector_store_idx %arg9[%get3A_513], %gather3A_522 {add = true} : memref<10240xf32, #tpu.memory_space<vmem>>[vector<16xi32>], vector<16xf32>,
        tpu.vector_store_idx %arg10[%get3A_513], %gather3A_525 {add = true} : memref<10240xf32, #tpu.memory_space<vmem>>[vector<16xi32>], vector<16xf32>,
        tpu.vector_store_idx %arg11[%get3A_513], %gather3A_528 {add = true} : memref<10240xf32, #tpu.memory_space<vmem>>[vector<16xi32>], vector<16xf32>,
        tpu.vector_store_idx %arg12[%get3A_513], %gather3A_531 {add = true} : memref<10240xf32, #tpu.memory_space<vmem>>[vector<16xi32>], vector<16xf32>,
        tpu.vector_store_idx %arg13[%get3A_513], %gather3A_534 {add = true} : memref<10240xf32, #tpu.memory_space<vmem>>[vector<16xi32>], vector<16xf32>,
        tpu.vector_store_idx %arg14[%get3A_513], %gather3A_537 {add = true} : memref<10240xf32, #tpu.memory_space<vmem>>[vector<16xi32>], vector<16xf32>,
        tpu.vector_store_idx %arg15[%get3A_513], %gather3A_540 {add = true} : memref<10240xf32, #tpu.memory_space<vmem>>[vector<16xi32>], vector<16xf32>,
        %get3A_541 = arith.constant 1 : i32
        %get3A_542 = arith.index_cast %add3A_316 : i32 to index
        %get3A_543 = arith.index_cast %get3A_541 : i32 to index
        %get3A_544 = arith.constant 112 : index
        %get3A_545 = tpu.vector_load %arg5[%get3A_542, %get3A_543, %get3A_544] {strides = array<i32>} : memref<50x2x128xi32, #tpu.memory_space<vmem>>, vector<16xi32>,
        %add3A_546 = arith.constant 112 : i32
        %add3A_547 = vector.broadcast %add3A_546 : i32 to vector<16xi32>
        %add3A_548 = arith.addi %add3A_547, %iota3A : vector<16xi32>
        %broadcast_in_dim3A_549 = arith.constant 0 : i32
        %broadcast_in_dim3A_550 = vector.broadcast %broadcast_in_dim3A_549 : i32 to vector<16xi32>
        %gather3A_551 = tpu.vector_load_idx %arg7[%add3A_548, %broadcast_in_dim3A_550] : memref<128x8xf32, #tpu.memory_space<vmem>>[vector<16xi32>, vector<16xi32>], vector<16xf32>,
        %broadcast_in_dim3A_552 = arith.constant 1 : i32
        %broadcast_in_dim3A_553 = vector.broadcast %broadcast_in_dim3A_552 : i32 to vector<16xi32>
        %gather3A_554 = tpu.vector_load_idx %arg7[%add3A_548, %broadcast_in_dim3A_553] : memref<128x8xf32, #tpu.memory_space<vmem>>[vector<16xi32>, vector<16xi32>], vector<16xf32>,
        %broadcast_in_dim3A_555 = arith.constant 2 : i32
        %broadcast_in_dim3A_556 = vector.broadcast %broadcast_in_dim3A_555 : i32 to vector<16xi32>
        %gather3A_557 = tpu.vector_load_idx %arg7[%add3A_548, %broadcast_in_dim3A_556] : memref<128x8xf32, #tpu.memory_space<vmem>>[vector<16xi32>, vector<16xi32>], vector<16xf32>,
        %broadcast_in_dim3A_558 = arith.constant 3 : i32
        %broadcast_in_dim3A_559 = vector.broadcast %broadcast_in_dim3A_558 : i32 to vector<16xi32>
        %gather3A_560 = tpu.vector_load_idx %arg7[%add3A_548, %broadcast_in_dim3A_559] : memref<128x8xf32, #tpu.memory_space<vmem>>[vector<16xi32>, vector<16xi32>], vector<16xf32>,
        %broadcast_in_dim3A_561 = arith.constant 4 : i32
        %broadcast_in_dim3A_562 = vector.broadcast %broadcast_in_dim3A_561 : i32 to vector<16xi32>
        %gather3A_563 = tpu.vector_load_idx %arg7[%add3A_548, %broadcast_in_dim3A_562] : memref<128x8xf32, #tpu.memory_space<vmem>>[vector<16xi32>, vector<16xi32>], vector<16xf32>,
        %broadcast_in_dim3A_564 = arith.constant 5 : i32
        %broadcast_in_dim3A_565 = vector.broadcast %broadcast_in_dim3A_564 : i32 to vector<16xi32>
        %gather3A_566 = tpu.vector_load_idx %arg7[%add3A_548, %broadcast_in_dim3A_565] : memref<128x8xf32, #tpu.memory_space<vmem>>[vector<16xi32>, vector<16xi32>], vector<16xf32>,
        %broadcast_in_dim3A_567 = arith.constant 6 : i32
        %broadcast_in_dim3A_568 = vector.broadcast %broadcast_in_dim3A_567 : i32 to vector<16xi32>
        %gather3A_569 = tpu.vector_load_idx %arg7[%add3A_548, %broadcast_in_dim3A_568] : memref<128x8xf32, #tpu.memory_space<vmem>>[vector<16xi32>, vector<16xi32>], vector<16xf32>,
        %broadcast_in_dim3A_570 = arith.constant 7 : i32
        %broadcast_in_dim3A_571 = vector.broadcast %broadcast_in_dim3A_570 : i32 to vector<16xi32>
        %gather3A_572 = tpu.vector_load_idx %arg7[%add3A_548, %broadcast_in_dim3A_571] : memref<128x8xf32, #tpu.memory_space<vmem>>[vector<16xi32>, vector<16xi32>], vector<16xf32>,
        tpu.vector_store_idx %arg8[%get3A_545], %gather3A_551 {add = true} : memref<10240xf32, #tpu.memory_space<vmem>>[vector<16xi32>], vector<16xf32>,
        tpu.vector_store_idx %arg9[%get3A_545], %gather3A_554 {add = true} : memref<10240xf32, #tpu.memory_space<vmem>>[vector<16xi32>], vector<16xf32>,
        tpu.vector_store_idx %arg10[%get3A_545], %gather3A_557 {add = true} : memref<10240xf32, #tpu.memory_space<vmem>>[vector<16xi32>], vector<16xf32>,
        tpu.vector_store_idx %arg11[%get3A_545], %gather3A_560 {add = true} : memref<10240xf32, #tpu.memory_space<vmem>>[vector<16xi32>], vector<16xf32>,
        tpu.vector_store_idx %arg12[%get3A_545], %gather3A_563 {add = true} : memref<10240xf32, #tpu.memory_space<vmem>>[vector<16xi32>], vector<16xf32>,
        tpu.vector_store_idx %arg13[%get3A_545], %gather3A_566 {add = true} : memref<10240xf32, #tpu.memory_space<vmem>>[vector<16xi32>], vector<16xf32>,
        tpu.vector_store_idx %arg14[%get3A_545], %gather3A_569 {add = true} : memref<10240xf32, #tpu.memory_space<vmem>>[vector<16xi32>], vector<16xf32>,
        tpu.vector_store_idx %arg15[%get3A_545], %gather3A_572 {add = true} : memref<10240xf32, #tpu.memory_space<vmem>>[vector<16xi32>], vector<16xf32>,
      }
      %scan3A_32 = arith.constant 25 : i32
    }
    %scan3A_11 = arith.constant 25 : i32
    %run_scoped3A = arith.constant 0 : i32
    "tpu.region"() ({
      %run_scoped3A_19 = tpu.sem_alloc : memref<!tpu.dma_semaphore, #tpu.memory_space<semaphore_mem>>
      %dma_start3A = arith.constant 0 : i32
      %dma_start3A_20 = tpu.memref_slice %arg4[%arg0, %arg1, %run_scoped3A, %dma_start3A] : memref<2x16x8x10240xf32, #tpu.memory_space<hbm>> -> memref<1x1x1x10240xf32, #tpu.memory_space<hbm>>
      %dma_start3A_21 = tpu.memref_squeeze %dma_start3A_20 : memref<1x1x1x10240xf32, #tpu.memory_space<hbm>> -> memref<10240xf32, #tpu.memory_space<hbm>>
      %dma_start3A_22 = arith.constant 0 : i32
      %dma_start3A_23 = tpu.memref_slice %arg4[%arg0, %arg1, %run_scoped3A, %dma_start3A_22] : memref<2x16x8x10240xf32, #tpu.memory_space<hbm>> -> memref<1x1x1x10240xf32, #tpu.memory_space<hbm>>
      %dma_start3A_24 = tpu.memref_squeeze %dma_start3A_23 : memref<1x1x1x10240xf32, #tpu.memory_space<hbm>> -> memref<10240xf32, #tpu.memory_space<hbm>>
      tpu.enqueue_dma source(%arg8 : memref<10240xf32, #tpu.memory_space<vmem>>) target(%dma_start3A_24 : memref<10240xf32, #tpu.memory_space<hbm>>) target_semaphore(%run_scoped3A_19 : memref<!tpu.dma_semaphore, #tpu.memory_space<semaphore_mem>>)
      %dma_wait3A = arith.constant 0 : i32
      %dma_wait3A_25 = tpu.memref_slice %arg4[%arg0, %arg1, %run_scoped3A, %dma_wait3A] : memref<2x16x8x10240xf32, #tpu.memory_space<hbm>> -> memref<1x1x1x10240xf32, #tpu.memory_space<hbm>>
      %dma_wait3A_26 = tpu.memref_squeeze %dma_wait3A_25 : memref<1x1x1x10240xf32, #tpu.memory_space<hbm>> -> memref<10240xf32, #tpu.memory_space<hbm>>
      %dma_wait3A_27 = arith.constant 0 : i32
      %dma_wait3A_28 = tpu.memref_slice %arg4[%arg0, %arg1, %run_scoped3A, %dma_wait3A_27] : memref<2x16x8x10240xf32, #tpu.memory_space<hbm>> -> memref<1x1x1x10240xf32, #tpu.memory_space<hbm>>
      %dma_wait3A_29 = tpu.memref_squeeze %dma_wait3A_28 : memref<1x1x1x10240xf32, #tpu.memory_space<hbm>> -> memref<10240xf32, #tpu.memory_space<hbm>>
      tpu.wait_dma2 semaphore(%run_scoped3A_19 : memref<!tpu.dma_semaphore, #tpu.memory_space<semaphore_mem>>) src(%arg8 : memref<10240xf32, #tpu.memory_space<vmem>>) dst(%dma_wait3A_29 : memref<10240xf32, #tpu.memory_space<hbm>>)
      tpu.yield
    }) : () -> ()
    %run_scoped3A_12 = arith.constant 1 : i32
    "tpu.region"() ({
      %run_scoped3A_19 = tpu.sem_alloc : memref<!tpu.dma_semaphore, #tpu.memory_space<semaphore_mem>>
      %dma_start3A = arith.constant 0 : i32
      %dma_start3A_20 = tpu.memref_slice %arg4[%arg0, %arg1, %run_scoped3A_12, %dma_start3A] : memref<2x16x8x10240xf32, #tpu.memory_space<hbm>> -> memref<1x1x1x10240xf32, #tpu.memory_space<hbm>>
      %dma_start3A_21 = tpu.memref_squeeze %dma_start3A_20 : memref<1x1x1x10240xf32, #tpu.memory_space<hbm>> -> memref<10240xf32, #tpu.memory_space<hbm>>
      %dma_start3A_22 = arith.constant 0 : i32
      %dma_start3A_23 = tpu.memref_slice %arg4[%arg0, %arg1, %run_scoped3A_12, %dma_start3A_22] : memref<2x16x8x10240xf32, #tpu.memory_space<hbm>> -> memref<1x1x1x10240xf32, #tpu.memory_space<hbm>>
      %dma_start3A_24 = tpu.memref_squeeze %dma_start3A_23 : memref<1x1x1x10240xf32, #tpu.memory_space<hbm>> -> memref<10240xf32, #tpu.memory_space<hbm>>
      tpu.enqueue_dma source(%arg9 : memref<10240xf32, #tpu.memory_space<vmem>>) target(%dma_start3A_24 : memref<10240xf32, #tpu.memory_space<hbm>>) target_semaphore(%run_scoped3A_19 : memref<!tpu.dma_semaphore, #tpu.memory_space<semaphore_mem>>)
      %dma_wait3A = arith.constant 0 : i32
      %dma_wait3A_25 = tpu.memref_slice %arg4[%arg0, %arg1, %run_scoped3A_12, %dma_wait3A] : memref<2x16x8x10240xf32, #tpu.memory_space<hbm>> -> memref<1x1x1x10240xf32, #tpu.memory_space<hbm>>
      %dma_wait3A_26 = tpu.memref_squeeze %dma_wait3A_25 : memref<1x1x1x10240xf32, #tpu.memory_space<hbm>> -> memref<10240xf32, #tpu.memory_space<hbm>>
      %dma_wait3A_27 = arith.constant 0 : i32
      %dma_wait3A_28 = tpu.memref_slice %arg4[%arg0, %arg1, %run_scoped3A_12, %dma_wait3A_27] : memref<2x16x8x10240xf32, #tpu.memory_space<hbm>> -> memref<1x1x1x10240xf32, #tpu.memory_space<hbm>>
      %dma_wait3A_29 = tpu.memref_squeeze %dma_wait3A_28 : memref<1x1x1x10240xf32, #tpu.memory_space<hbm>> -> memref<10240xf32, #tpu.memory_space<hbm>>
      tpu.wait_dma2 semaphore(%run_scoped3A_19 : memref<!tpu.dma_semaphore, #tpu.memory_space<semaphore_mem>>) src(%arg9 : memref<10240xf32, #tpu.memory_space<vmem>>) dst(%dma_wait3A_29 : memref<10240xf32, #tpu.memory_space<hbm>>)
      tpu.yield
    }) : () -> ()
    %run_scoped3A_13 = arith.constant 2 : i32
    "tpu.region"() ({
      %run_scoped3A_19 = tpu.sem_alloc : memref<!tpu.dma_semaphore, #tpu.memory_space<semaphore_mem>>
      %dma_start3A = arith.constant 0 : i32
      %dma_start3A_20 = tpu.memref_slice %arg4[%arg0, %arg1, %run_scoped3A_13, %dma_start3A] : memref<2x16x8x10240xf32, #tpu.memory_space<hbm>> -> memref<1x1x1x10240xf32, #tpu.memory_space<hbm>>
      %dma_start3A_21 = tpu.memref_squeeze %dma_start3A_20 : memref<1x1x1x10240xf32, #tpu.memory_space<hbm>> -> memref<10240xf32, #tpu.memory_space<hbm>>
      %dma_start3A_22 = arith.constant 0 : i32
      %dma_start3A_23 = tpu.memref_slice %arg4[%arg0, %arg1, %run_scoped3A_13, %dma_start3A_22] : memref<2x16x8x10240xf32, #tpu.memory_space<hbm>> -> memref<1x1x1x10240xf32, #tpu.memory_space<hbm>>
      %dma_start3A_24 = tpu.memref_squeeze %dma_start3A_23 : memref<1x1x1x10240xf32, #tpu.memory_space<hbm>> -> memref<10240xf32, #tpu.memory_space<hbm>>
      tpu.enqueue_dma source(%arg10 : memref<10240xf32, #tpu.memory_space<vmem>>) target(%dma_start3A_24 : memref<10240xf32, #tpu.memory_space<hbm>>) target_semaphore(%run_scoped3A_19 : memref<!tpu.dma_semaphore, #tpu.memory_space<semaphore_mem>>)
      %dma_wait3A = arith.constant 0 : i32
      %dma_wait3A_25 = tpu.memref_slice %arg4[%arg0, %arg1, %run_scoped3A_13, %dma_wait3A] : memref<2x16x8x10240xf32, #tpu.memory_space<hbm>> -> memref<1x1x1x10240xf32, #tpu.memory_space<hbm>>
      %dma_wait3A_26 = tpu.memref_squeeze %dma_wait3A_25 : memref<1x1x1x10240xf32, #tpu.memory_space<hbm>> -> memref<10240xf32, #tpu.memory_space<hbm>>
      %dma_wait3A_27 = arith.constant 0 : i32
      %dma_wait3A_28 = tpu.memref_slice %arg4[%arg0, %arg1, %run_scoped3A_13, %dma_wait3A_27] : memref<2x16x8x10240xf32, #tpu.memory_space<hbm>> -> memref<1x1x1x10240xf32, #tpu.memory_space<hbm>>
      %dma_wait3A_29 = tpu.memref_squeeze %dma_wait3A_28 : memref<1x1x1x10240xf32, #tpu.memory_space<hbm>> -> memref<10240xf32, #tpu.memory_space<hbm>>
      tpu.wait_dma2 semaphore(%run_scoped3A_19 : memref<!tpu.dma_semaphore, #tpu.memory_space<semaphore_mem>>) src(%arg10 : memref<10240xf32, #tpu.memory_space<vmem>>) dst(%dma_wait3A_29 : memref<10240xf32, #tpu.memory_space<hbm>>)
      tpu.yield
    }) : () -> ()
    %run_scoped3A_14 = arith.constant 3 : i32
    "tpu.region"() ({
      %run_scoped3A_19 = tpu.sem_alloc : memref<!tpu.dma_semaphore, #tpu.memory_space<semaphore_mem>>
      %dma_start3A = arith.constant 0 : i32
      %dma_start3A_20 = tpu.memref_slice %arg4[%arg0, %arg1, %run_scoped3A_14, %dma_start3A] : memref<2x16x8x10240xf32, #tpu.memory_space<hbm>> -> memref<1x1x1x10240xf32, #tpu.memory_space<hbm>>
      %dma_start3A_21 = tpu.memref_squeeze %dma_start3A_20 : memref<1x1x1x10240xf32, #tpu.memory_space<hbm>> -> memref<10240xf32, #tpu.memory_space<hbm>>
      %dma_start3A_22 = arith.constant 0 : i32
      %dma_start3A_23 = tpu.memref_slice %arg4[%arg0, %arg1, %run_scoped3A_14, %dma_start3A_22] : memref<2x16x8x10240xf32, #tpu.memory_space<hbm>> -> memref<1x1x1x10240xf32, #tpu.memory_space<hbm>>
      %dma_start3A_24 = tpu.memref_squeeze %dma_start3A_23 : memref<1x1x1x10240xf32, #tpu.memory_space<hbm>> -> memref<10240xf32, #tpu.memory_space<hbm>>
      tpu.enqueue_dma source(%arg11 : memref<10240xf32, #tpu.memory_space<vmem>>) target(%dma_start3A_24 : memref<10240xf32, #tpu.memory_space<hbm>>) target_semaphore(%run_scoped3A_19 : memref<!tpu.dma_semaphore, #tpu.memory_space<semaphore_mem>>)
      %dma_wait3A = arith.constant 0 : i32
      %dma_wait3A_25 = tpu.memref_slice %arg4[%arg0, %arg1, %run_scoped3A_14, %dma_wait3A] : memref<2x16x8x10240xf32, #tpu.memory_space<hbm>> -> memref<1x1x1x10240xf32, #tpu.memory_space<hbm>>
      %dma_wait3A_26 = tpu.memref_squeeze %dma_wait3A_25 : memref<1x1x1x10240xf32, #tpu.memory_space<hbm>> -> memref<10240xf32, #tpu.memory_space<hbm>>
      %dma_wait3A_27 = arith.constant 0 : i32
      %dma_wait3A_28 = tpu.memref_slice %arg4[%arg0, %arg1, %run_scoped3A_14, %dma_wait3A_27] : memref<2x16x8x10240xf32, #tpu.memory_space<hbm>> -> memref<1x1x1x10240xf32, #tpu.memory_space<hbm>>
      %dma_wait3A_29 = tpu.memref_squeeze %dma_wait3A_28 : memref<1x1x1x10240xf32, #tpu.memory_space<hbm>> -> memref<10240xf32, #tpu.memory_space<hbm>>
      tpu.wait_dma2 semaphore(%run_scoped3A_19 : memref<!tpu.dma_semaphore, #tpu.memory_space<semaphore_mem>>) src(%arg11 : memref<10240xf32, #tpu.memory_space<vmem>>) dst(%dma_wait3A_29 : memref<10240xf32, #tpu.memory_space<hbm>>)
      tpu.yield
    }) : () -> ()
    %run_scoped3A_15 = arith.constant 4 : i32
    "tpu.region"() ({
      %run_scoped3A_19 = tpu.sem_alloc : memref<!tpu.dma_semaphore, #tpu.memory_space<semaphore_mem>>
      %dma_start3A = arith.constant 0 : i32
      %dma_start3A_20 = tpu.memref_slice %arg4[%arg0, %arg1, %run_scoped3A_15, %dma_start3A] : memref<2x16x8x10240xf32, #tpu.memory_space<hbm>> -> memref<1x1x1x10240xf32, #tpu.memory_space<hbm>>
      %dma_start3A_21 = tpu.memref_squeeze %dma_start3A_20 : memref<1x1x1x10240xf32, #tpu.memory_space<hbm>> -> memref<10240xf32, #tpu.memory_space<hbm>>
      %dma_start3A_22 = arith.constant 0 : i32
      %dma_start3A_23 = tpu.memref_slice %arg4[%arg0, %arg1, %run_scoped3A_15, %dma_start3A_22] : memref<2x16x8x10240xf32, #tpu.memory_space<hbm>> -> memref<1x1x1x10240xf32, #tpu.memory_space<hbm>>
      %dma_start3A_24 = tpu.memref_squeeze %dma_start3A_23 : memref<1x1x1x10240xf32, #tpu.memory_space<hbm>> -> memref<10240xf32, #tpu.memory_space<hbm>>
      tpu.enqueue_dma source(%arg12 : memref<10240xf32, #tpu.memory_space<vmem>>) target(%dma_start3A_24 : memref<10240xf32, #tpu.memory_space<hbm>>) target_semaphore(%run_scoped3A_19 : memref<!tpu.dma_semaphore, #tpu.memory_space<semaphore_mem>>)
      %dma_wait3A = arith.constant 0 : i32
      %dma_wait3A_25 = tpu.memref_slice %arg4[%arg0, %arg1, %run_scoped3A_15, %dma_wait3A] : memref<2x16x8x10240xf32, #tpu.memory_space<hbm>> -> memref<1x1x1x10240xf32, #tpu.memory_space<hbm>>
      %dma_wait3A_26 = tpu.memref_squeeze %dma_wait3A_25 : memref<1x1x1x10240xf32, #tpu.memory_space<hbm>> -> memref<10240xf32, #tpu.memory_space<hbm>>
      %dma_wait3A_27 = arith.constant 0 : i32
      %dma_wait3A_28 = tpu.memref_slice %arg4[%arg0, %arg1, %run_scoped3A_15, %dma_wait3A_27] : memref<2x16x8x10240xf32, #tpu.memory_space<hbm>> -> memref<1x1x1x10240xf32, #tpu.memory_space<hbm>>
      %dma_wait3A_29 = tpu.memref_squeeze %dma_wait3A_28 : memref<1x1x1x10240xf32, #tpu.memory_space<hbm>> -> memref<10240xf32, #tpu.memory_space<hbm>>
      tpu.wait_dma2 semaphore(%run_scoped3A_19 : memref<!tpu.dma_semaphore, #tpu.memory_space<semaphore_mem>>) src(%arg12 : memref<10240xf32, #tpu.memory_space<vmem>>) dst(%dma_wait3A_29 : memref<10240xf32, #tpu.memory_space<hbm>>)
      tpu.yield
    }) : () -> ()
    %run_scoped3A_16 = arith.constant 5 : i32
    "tpu.region"() ({
      %run_scoped3A_19 = tpu.sem_alloc : memref<!tpu.dma_semaphore, #tpu.memory_space<semaphore_mem>>
      %dma_start3A = arith.constant 0 : i32
      %dma_start3A_20 = tpu.memref_slice %arg4[%arg0, %arg1, %run_scoped3A_16, %dma_start3A] : memref<2x16x8x10240xf32, #tpu.memory_space<hbm>> -> memref<1x1x1x10240xf32, #tpu.memory_space<hbm>>
      %dma_start3A_21 = tpu.memref_squeeze %dma_start3A_20 : memref<1x1x1x10240xf32, #tpu.memory_space<hbm>> -> memref<10240xf32, #tpu.memory_space<hbm>>
      %dma_start3A_22 = arith.constant 0 : i32
      %dma_start3A_23 = tpu.memref_slice %arg4[%arg0, %arg1, %run_scoped3A_16, %dma_start3A_22] : memref<2x16x8x10240xf32, #tpu.memory_space<hbm>> -> memref<1x1x1x10240xf32, #tpu.memory_space<hbm>>
      %dma_start3A_24 = tpu.memref_squeeze %dma_start3A_23 : memref<1x1x1x10240xf32, #tpu.memory_space<hbm>> -> memref<10240xf32, #tpu.memory_space<hbm>>
      tpu.enqueue_dma source(%arg13 : memref<10240xf32, #tpu.memory_space<vmem>>) target(%dma_start3A_24 : memref<10240xf32, #tpu.memory_space<hbm>>) target_semaphore(%run_scoped3A_19 : memref<!tpu.dma_semaphore, #tpu.memory_space<semaphore_mem>>)
      %dma_wait3A = arith.constant 0 : i32
      %dma_wait3A_25 = tpu.memref_slice %arg4[%arg0, %arg1, %run_scoped3A_16, %dma_wait3A] : memref<2x16x8x10240xf32, #tpu.memory_space<hbm>> -> memref<1x1x1x10240xf32, #tpu.memory_space<hbm>>
      %dma_wait3A_26 = tpu.memref_squeeze %dma_wait3A_25 : memref<1x1x1x10240xf32, #tpu.memory_space<hbm>> -> memref<10240xf32, #tpu.memory_space<hbm>>
      %dma_wait3A_27 = arith.constant 0 : i32
      %dma_wait3A_28 = tpu.memref_slice %arg4[%arg0, %arg1, %run_scoped3A_16, %dma_wait3A_27] : memref<2x16x8x10240xf32, #tpu.memory_space<hbm>> -> memref<1x1x1x10240xf32, #tpu.memory_space<hbm>>
      %dma_wait3A_29 = tpu.memref_squeeze %dma_wait3A_28 : memref<1x1x1x10240xf32, #tpu.memory_space<hbm>> -> memref<10240xf32, #tpu.memory_space<hbm>>
      tpu.wait_dma2 semaphore(%run_scoped3A_19 : memref<!tpu.dma_semaphore, #tpu.memory_space<semaphore_mem>>) src(%arg13 : memref<10240xf32, #tpu.memory_space<vmem>>) dst(%dma_wait3A_29 : memref<10240xf32, #tpu.memory_space<hbm>>)
      tpu.yield
    }) : () -> ()
    %run_scoped3A_17 = arith.constant 6 : i32
    "tpu.region"() ({
      %run_scoped3A_19 = tpu.sem_alloc : memref<!tpu.dma_semaphore, #tpu.memory_space<semaphore_mem>>
      %dma_start3A = arith.constant 0 : i32
      %dma_start3A_20 = tpu.memref_slice %arg4[%arg0, %arg1, %run_scoped3A_17, %dma_start3A] : memref<2x16x8x10240xf32, #tpu.memory_space<hbm>> -> memref<1x1x1x10240xf32, #tpu.memory_space<hbm>>
      %dma_start3A_21 = tpu.memref_squeeze %dma_start3A_20 : memref<1x1x1x10240xf32, #tpu.memory_space<hbm>> -> memref<10240xf32, #tpu.memory_space<hbm>>
      %dma_start3A_22 = arith.constant 0 : i32
      %dma_start3A_23 = tpu.memref_slice %arg4[%arg0, %arg1, %run_scoped3A_17, %dma_start3A_22] : memref<2x16x8x10240xf32, #tpu.memory_space<hbm>> -> memref<1x1x1x10240xf32, #tpu.memory_space<hbm>>
      %dma_start3A_24 = tpu.memref_squeeze %dma_start3A_23 : memref<1x1x1x10240xf32, #tpu.memory_space<hbm>> -> memref<10240xf32, #tpu.memory_space<hbm>>
      tpu.enqueue_dma source(%arg14 : memref<10240xf32, #tpu.memory_space<vmem>>) target(%dma_start3A_24 : memref<10240xf32, #tpu.memory_space<hbm>>) target_semaphore(%run_scoped3A_19 : memref<!tpu.dma_semaphore, #tpu.memory_space<semaphore_mem>>)
      %dma_wait3A = arith.constant 0 : i32
      %dma_wait3A_25 = tpu.memref_slice %arg4[%arg0, %arg1, %run_scoped3A_17, %dma_wait3A] : memref<2x16x8x10240xf32, #tpu.memory_space<hbm>> -> memref<1x1x1x10240xf32, #tpu.memory_space<hbm>>
      %dma_wait3A_26 = tpu.memref_squeeze %dma_wait3A_25 : memref<1x1x1x10240xf32, #tpu.memory_space<hbm>> -> memref<10240xf32, #tpu.memory_space<hbm>>
      %dma_wait3A_27 = arith.constant 0 : i32
      %dma_wait3A_28 = tpu.memref_slice %arg4[%arg0, %arg1, %run_scoped3A_17, %dma_wait3A_27] : memref<2x16x8x10240xf32, #tpu.memory_space<hbm>> -> memref<1x1x1x10240xf32, #tpu.memory_space<hbm>>
      %dma_wait3A_29 = tpu.memref_squeeze %dma_wait3A_28 : memref<1x1x1x10240xf32, #tpu.memory_space<hbm>> -> memref<10240xf32, #tpu.memory_space<hbm>>
      tpu.wait_dma2 semaphore(%run_scoped3A_19 : memref<!tpu.dma_semaphore, #tpu.memory_space<semaphore_mem>>) src(%arg14 : memref<10240xf32, #tpu.memory_space<vmem>>) dst(%dma_wait3A_29 : memref<10240xf32, #tpu.memory_space<hbm>>)
      tpu.yield
    }) : () -> ()
    %run_scoped3A_18 = arith.constant 7 : i32
    "tpu.region"() ({
      %run_scoped3A_19 = tpu.sem_alloc : memref<!tpu.dma_semaphore, #tpu.memory_space<semaphore_mem>>
      %dma_start3A = arith.constant 0 : i32
      %dma_start3A_20 = tpu.memref_slice %arg4[%arg0, %arg1, %run_scoped3A_18, %dma_start3A] : memref<2x16x8x10240xf32, #tpu.memory_space<hbm>> -> memref<1x1x1x10240xf32, #tpu.memory_space<hbm>>
      %dma_start3A_21 = tpu.memref_squeeze %dma_start3A_20 : memref<1x1x1x10240xf32, #tpu.memory_space<hbm>> -> memref<10240xf32, #tpu.memory_space<hbm>>
      %dma_start3A_22 = arith.constant 0 : i32
      %dma_start3A_23 = tpu.memref_slice %arg4[%arg0, %arg1, %run_scoped3A_18, %dma_start3A_22] : memref<2x16x8x10240xf32, #tpu.memory_space<hbm>> -> memref<1x1x1x10240xf32, #tpu.memory_space<hbm>>
      %dma_start3A_24 = tpu.memref_squeeze %dma_start3A_23 : memref<1x1x1x10240xf32, #tpu.memory_space<hbm>> -> memref<10240xf32, #tpu.memory_space<hbm>>
      tpu.enqueue_dma source(%arg15 : memref<10240xf32, #tpu.memory_space<vmem>>) target(%dma_start3A_24 : memref<10240xf32, #tpu.memory_space<hbm>>) target_semaphore(%run_scoped3A_19 : memref<!tpu.dma_semaphore, #tpu.memory_space<semaphore_mem>>)
      %dma_wait3A = arith.constant 0 : i32
      %dma_wait3A_25 = tpu.memref_slice %arg4[%arg0, %arg1, %run_scoped3A_18, %dma_wait3A] : memref<2x16x8x10240xf32, #tpu.memory_space<hbm>> -> memref<1x1x1x10240xf32, #tpu.memory_space<hbm>>
      %dma_wait3A_26 = tpu.memref_squeeze %dma_wait3A_25 : memref<1x1x1x10240xf32, #tpu.memory_space<hbm>> -> memref<10240xf32, #tpu.memory_space<hbm>>
      %dma_wait3A_27 = arith.constant 0 : i32
      %dma_wait3A_28 = tpu.memref_slice %arg4[%arg0, %arg1, %run_scoped3A_18, %dma_wait3A_27] : memref<2x16x8x10240xf32, #tpu.memory_space<hbm>> -> memref<1x1x1x10240xf32, #tpu.memory_space<hbm>>
      %dma_wait3A_29 = tpu.memref_squeeze %dma_wait3A_28 : memref<1x1x1x10240xf32, #tpu.memory_space<hbm>> -> memref<10240xf32, #tpu.memory_space<hbm>>
      tpu.wait_dma2 semaphore(%run_scoped3A_19 : memref<!tpu.dma_semaphore, #tpu.memory_space<semaphore_mem>>) src(%arg15 : memref<10240xf32, #tpu.memory_space<vmem>>) dst(%dma_wait3A_29 : memref<10240xf32, #tpu.memory_space<hbm>>)
      tpu.yield
    }) : () -> ()
    return
  }
}

#map = affine_map<(d0, d1) -> (0, 0)>
module attributes {stable_mosaic.version = 14 : i64} {
  func.func @_deg_body(%arg0: i32, %arg1: i32, %arg2: memref<32x10000xi32, #tpu.memory_space<hbm>>, %arg3: memref<32x10240xf32, #tpu.memory_space<hbm>>, %arg4: memref<10000xi32, #tpu.memory_space<vmem>>, %arg5: memref<10240xf32, #tpu.memory_space<vmem>>) attributes {dimension_semantics = [#tpu.dimension_semantics<core_parallel>, #tpu.dimension_semantics<subcore_parallel>], iteration_bounds = array<i64: 2, 16>, scalar_prefetch = 0 : i64, scratch_operands = 2 : i64, tpu.core_type = #tpu.core_type<sc_vector_subcore>, window_params = [{transform_indices = #map}, {transform_indices = #map}]} {
    %mul3A = arith.constant 16 : i32
    %mul3A_0 = arith.muli %arg0, %mul3A : i32
    %add3A = arith.addi %mul3A_0, %arg1 : i32
    %scan3A = arith.constant 0 : i32
    %scan3A_1 = arith.constant 0 : i32
    %scan3A_2 = arith.constant 640 : i32
    %scan3A_3 = arith.addi %scan3A_1, %scan3A_2 : i32
    %scan3A_4 = arith.constant 1 : i32
    scf.for %scan3A_13 = %scan3A_1 to %scan3A_3 step %scan3A_4  : i32 {
      %broadcast_in_dim3A_14 = arith.constant 0.000000e+00 : f32
      %broadcast_in_dim3A_15 = vector.broadcast %broadcast_in_dim3A_14 : f32 to vector<16xf32>
      %mul3A_16 = arith.constant 16 : i32
      %mul3A_17 = arith.muli %scan3A_13, %mul3A_16 : i32
      %swap3A = arith.index_cast %mul3A_17 : i32 to index
      %swap3A_18 = tpu.vector_load %arg5[%swap3A] {strides = array<i32>} : memref<10240xf32, #tpu.memory_space<vmem>>, vector<16xf32>,
      tpu.vector_store %arg5[%swap3A], %broadcast_in_dim3A_15 {strides = array<i32>} : memref<10240xf32, #tpu.memory_space<vmem>>, vector<16xf32>,
    }
    %scan3A_5 = arith.constant 640 : i32
    "tpu.region"() ({
      %run_scoped3A = tpu.sem_alloc : memref<!tpu.dma_semaphore, #tpu.memory_space<semaphore_mem>>
      %dma_start3A = arith.constant 0 : i32
      %dma_start3A_13 = tpu.memref_slice %arg2[%add3A, %dma_start3A] : memref<32x10000xi32, #tpu.memory_space<hbm>> -> memref<1x10000xi32, #tpu.memory_space<hbm>>
      %dma_start3A_14 = tpu.memref_squeeze %dma_start3A_13 : memref<1x10000xi32, #tpu.memory_space<hbm>> -> memref<10000xi32, #tpu.memory_space<hbm>>
      %dma_start3A_15 = arith.constant 0 : i32
      %dma_start3A_16 = tpu.memref_slice %arg2[%add3A, %dma_start3A_15] : memref<32x10000xi32, #tpu.memory_space<hbm>> -> memref<1x10000xi32, #tpu.memory_space<hbm>>
      %dma_start3A_17 = tpu.memref_squeeze %dma_start3A_16 : memref<1x10000xi32, #tpu.memory_space<hbm>> -> memref<10000xi32, #tpu.memory_space<hbm>>
      tpu.enqueue_dma source(%dma_start3A_17 : memref<10000xi32, #tpu.memory_space<hbm>>) target(%arg4 : memref<10000xi32, #tpu.memory_space<vmem>>) target_semaphore(%run_scoped3A : memref<!tpu.dma_semaphore, #tpu.memory_space<semaphore_mem>>)
      %dma_wait3A = arith.constant 0 : i32
      %dma_wait3A_18 = tpu.memref_slice %arg2[%add3A, %dma_wait3A] : memref<32x10000xi32, #tpu.memory_space<hbm>> -> memref<1x10000xi32, #tpu.memory_space<hbm>>
      %dma_wait3A_19 = tpu.memref_squeeze %dma_wait3A_18 : memref<1x10000xi32, #tpu.memory_space<hbm>> -> memref<10000xi32, #tpu.memory_space<hbm>>
      %dma_wait3A_20 = arith.constant 0 : i32
      %dma_wait3A_21 = tpu.memref_slice %arg2[%add3A, %dma_wait3A_20] : memref<32x10000xi32, #tpu.memory_space<hbm>> -> memref<1x10000xi32, #tpu.memory_space<hbm>>
      %dma_wait3A_22 = tpu.memref_squeeze %dma_wait3A_21 : memref<1x10000xi32, #tpu.memory_space<hbm>> -> memref<10000xi32, #tpu.memory_space<hbm>>
      tpu.wait_dma2 semaphore(%run_scoped3A : memref<!tpu.dma_semaphore, #tpu.memory_space<semaphore_mem>>) src(%dma_wait3A_22 : memref<10000xi32, #tpu.memory_space<hbm>>) dst(%arg4 : memref<10000xi32, #tpu.memory_space<vmem>>)
      tpu.yield
    }) : () -> ()
    %broadcast_in_dim3A = arith.constant 1.000000e+00 : f32
    %broadcast_in_dim3A_6 = vector.broadcast %broadcast_in_dim3A : f32 to vector<16xf32>
    %scan3A_7 = arith.constant 0 : i32
    %scan3A_8 = arith.constant 0 : i32
    %scan3A_9 = arith.constant 625 : i32
    %scan3A_10 = arith.addi %scan3A_8, %scan3A_9 : i32
    %scan3A_11 = arith.constant 1 : i32
    scf.for %scan3A_13 = %scan3A_8 to %scan3A_10 step %scan3A_11  : i32 {
      %mul3A_14 = arith.constant 16 : i32
      %mul3A_15 = arith.muli %scan3A_13, %mul3A_14 : i32
      %get3A = arith.index_cast %mul3A_15 : i32 to index
      %get3A_16 = tpu.vector_load %arg4[%get3A] {strides = array<i32>} : memref<10000xi32, #tpu.memory_space<vmem>>, vector<16xi32>,
      tpu.vector_store_idx %arg5[%get3A_16], %broadcast_in_dim3A_6 {add = true} : memref<10240xf32, #tpu.memory_space<vmem>>[vector<16xi32>], vector<16xf32>,
    }
    %scan3A_12 = arith.constant 625 : i32
    "tpu.region"() ({
      %run_scoped3A = tpu.sem_alloc : memref<!tpu.dma_semaphore, #tpu.memory_space<semaphore_mem>>
      %dma_start3A = arith.constant 0 : i32
      %dma_start3A_13 = tpu.memref_slice %arg3[%add3A, %dma_start3A] : memref<32x10240xf32, #tpu.memory_space<hbm>> -> memref<1x10240xf32, #tpu.memory_space<hbm>>
      %dma_start3A_14 = tpu.memref_squeeze %dma_start3A_13 : memref<1x10240xf32, #tpu.memory_space<hbm>> -> memref<10240xf32, #tpu.memory_space<hbm>>
      %dma_start3A_15 = arith.constant 0 : i32
      %dma_start3A_16 = tpu.memref_slice %arg3[%add3A, %dma_start3A_15] : memref<32x10240xf32, #tpu.memory_space<hbm>> -> memref<1x10240xf32, #tpu.memory_space<hbm>>
      %dma_start3A_17 = tpu.memref_squeeze %dma_start3A_16 : memref<1x10240xf32, #tpu.memory_space<hbm>> -> memref<10240xf32, #tpu.memory_space<hbm>>
      tpu.enqueue_dma source(%arg5 : memref<10240xf32, #tpu.memory_space<vmem>>) target(%dma_start3A_17 : memref<10240xf32, #tpu.memory_space<hbm>>) target_semaphore(%run_scoped3A : memref<!tpu.dma_semaphore, #tpu.memory_space<semaphore_mem>>)
      %dma_wait3A = arith.constant 0 : i32
      %dma_wait3A_18 = tpu.memref_slice %arg3[%add3A, %dma_wait3A] : memref<32x10240xf32, #tpu.memory_space<hbm>> -> memref<1x10240xf32, #tpu.memory_space<hbm>>
      %dma_wait3A_19 = tpu.memref_squeeze %dma_wait3A_18 : memref<1x10240xf32, #tpu.memory_space<hbm>> -> memref<10240xf32, #tpu.memory_space<hbm>>
      %dma_wait3A_20 = arith.constant 0 : i32
      %dma_wait3A_21 = tpu.memref_slice %arg3[%add3A, %dma_wait3A_20] : memref<32x10240xf32, #tpu.memory_space<hbm>> -> memref<1x10240xf32, #tpu.memory_space<hbm>>
      %dma_wait3A_22 = tpu.memref_squeeze %dma_wait3A_21 : memref<1x10240xf32, #tpu.memory_space<hbm>> -> memref<10240xf32, #tpu.memory_space<hbm>>
      tpu.wait_dma2 semaphore(%run_scoped3A : memref<!tpu.dma_semaphore, #tpu.memory_space<semaphore_mem>>) src(%arg5 : memref<10240xf32, #tpu.memory_space<vmem>>) dst(%dma_wait3A_22 : memref<10240xf32, #tpu.memory_space<hbm>>)
      tpu.yield
    }) : () -> ()
    return
  }
}

#map = affine_map<(d0, d1) -> (0, 0)>
#map1 = affine_map<(d0, d1) -> (0, 0, 0, 0, 0)>
#map2 = affine_map<(d0, d1) -> (0, 0, 0, 0)>
module attributes {stable_mosaic.version = 14 : i64} {
  func.func @_agg_body(%arg0: i32, %arg1: i32, %arg2: memref<160000x8xf32, #tpu.memory_space<hbm>>, %arg3: memref<32x25x50x2x128xi32, #tpu.memory_space<hbm>>, %arg4: memref<2x16x8x10240xf32, #tpu.memory_space<hbm>>, %arg5: memref<50x2x128xi32, #tpu.memory_space<vmem>>, %arg6: memref<128x8xf32, #tpu.memory_space<vmem>>, %arg7: memref<128x8xf32, #tpu.memory_space<vmem>>, %arg8: memref<10240xf32, #tpu.memory_space<vmem>>, %arg9: memref<10240xf32, #tpu.memory_space<vmem>>, %arg10: memref<10240xf32, #tpu.memory_space<vmem>>, %arg11: memref<10240xf32, #tpu.memory_space<vmem>>, %arg12: memref<10240xf32, #tpu.memory_space<vmem>>, %arg13: memref<10240xf32, #tpu.memory_space<vmem>>, %arg14: memref<10240xf32, #tpu.memory_space<vmem>>, %arg15: memref<10240xf32, #tpu.memory_space<vmem>>, %arg16: memref<!tpu.dma_semaphore, #tpu.memory_space<semaphore_mem>>, %arg17: memref<!tpu.dma_semaphore, #tpu.memory_space<semaphore_mem>>) attributes {dimension_semantics = [#tpu.dimension_semantics<core_parallel>, #tpu.dimension_semantics<subcore_parallel>], iteration_bounds = array<i64: 2, 16>, scalar_prefetch = 0 : i64, scratch_operands = 13 : i64, tpu.core_type = #tpu.core_type<sc_vector_subcore>, window_params = [{transform_indices = #map}, {transform_indices = #map1}, {transform_indices = #map2}]} {
    %mul3A = arith.constant 16 : i32
    %mul3A_0 = arith.muli %arg0, %mul3A : i32
    %add3A = arith.addi %mul3A_0, %arg1 : i32
    %scan3A = arith.constant 0 : i32
    %scan3A_1 = arith.constant 0 : i32
    %scan3A_2 = arith.constant 640 : i32
    %scan3A_3 = arith.addi %scan3A_1, %scan3A_2 : i32
    %scan3A_4 = arith.constant 1 : i32
    scf.for %scan3A_19 = %scan3A_1 to %scan3A_3 step %scan3A_4  : i32 {
      %broadcast_in_dim3A = arith.constant 0.000000e+00 : f32
      %broadcast_in_dim3A_20 = vector.broadcast %broadcast_in_dim3A : f32 to vector<16xf32>
      %mul3A_21 = arith.constant 16 : i32
      %mul3A_22 = arith.muli %scan3A_19, %mul3A_21 : i32
      %swap3A = arith.index_cast %mul3A_22 : i32 to index
      %swap3A_23 = tpu.vector_load %arg8[%swap3A] {strides = array<i32>} : memref<10240xf32, #tpu.memory_space<vmem>>, vector<16xf32>,
      tpu.vector_store %arg8[%swap3A], %broadcast_in_dim3A_20 {strides = array<i32>} : memref<10240xf32, #tpu.memory_space<vmem>>, vector<16xf32>,
      %broadcast_in_dim3A_24 = arith.constant 0.000000e+00 : f32
      %broadcast_in_dim3A_25 = vector.broadcast %broadcast_in_dim3A_24 : f32 to vector<16xf32>
      %mul3A_26 = arith.constant 16 : i32
      %mul3A_27 = arith.muli %scan3A_19, %mul3A_26 : i32
      %swap3A_28 = arith.index_cast %mul3A_27 : i32 to index
      %swap3A_29 = tpu.vector_load %arg9[%swap3A_28] {strides = array<i32>} : memref<10240xf32, #tpu.memory_space<vmem>>, vector<16xf32>,
      tpu.vector_store %arg9[%swap3A_28], %broadcast_in_dim3A_25 {strides = array<i32>} : memref<10240xf32, #tpu.memory_space<vmem>>, vector<16xf32>,
      %broadcast_in_dim3A_30 = arith.constant 0.000000e+00 : f32
      %broadcast_in_dim3A_31 = vector.broadcast %broadcast_in_dim3A_30 : f32 to vector<16xf32>
      %mul3A_32 = arith.constant 16 : i32
      %mul3A_33 = arith.muli %scan3A_19, %mul3A_32 : i32
      %swap3A_34 = arith.index_cast %mul3A_33 : i32 to index
      %swap3A_35 = tpu.vector_load %arg10[%swap3A_34] {strides = array<i32>} : memref<10240xf32, #tpu.memory_space<vmem>>, vector<16xf32>,
      tpu.vector_store %arg10[%swap3A_34], %broadcast_in_dim3A_31 {strides = array<i32>} : memref<10240xf32, #tpu.memory_space<vmem>>, vector<16xf32>,
      %broadcast_in_dim3A_36 = arith.constant 0.000000e+00 : f32
      %broadcast_in_dim3A_37 = vector.broadcast %broadcast_in_dim3A_36 : f32 to vector<16xf32>
      %mul3A_38 = arith.constant 16 : i32
      %mul3A_39 = arith.muli %scan3A_19, %mul3A_38 : i32
      %swap3A_40 = arith.index_cast %mul3A_39 : i32 to index
      %swap3A_41 = tpu.vector_load %arg11[%swap3A_40] {strides = array<i32>} : memref<10240xf32, #tpu.memory_space<vmem>>, vector<16xf32>,
      tpu.vector_store %arg11[%swap3A_40], %broadcast_in_dim3A_37 {strides = array<i32>} : memref<10240xf32, #tpu.memory_space<vmem>>, vector<16xf32>,
      %broadcast_in_dim3A_42 = arith.constant 0.000000e+00 : f32
      %broadcast_in_dim3A_43 = vector.broadcast %broadcast_in_dim3A_42 : f32 to vector<16xf32>
      %mul3A_44 = arith.constant 16 : i32
      %mul3A_45 = arith.muli %scan3A_19, %mul3A_44 : i32
      %swap3A_46 = arith.index_cast %mul3A_45 : i32 to index
      %swap3A_47 = tpu.vector_load %arg12[%swap3A_46] {strides = array<i32>} : memref<10240xf32, #tpu.memory_space<vmem>>, vector<16xf32>,
      tpu.vector_store %arg12[%swap3A_46], %broadcast_in_dim3A_43 {strides = array<i32>} : memref<10240xf32, #tpu.memory_space<vmem>>, vector<16xf32>,
      %broadcast_in_dim3A_48 = arith.constant 0.000000e+00 : f32
      %broadcast_in_dim3A_49 = vector.broadcast %broadcast_in_dim3A_48 : f32 to vector<16xf32>
      %mul3A_50 = arith.constant 16 : i32
      %mul3A_51 = arith.muli %scan3A_19, %mul3A_50 : i32
      %swap3A_52 = arith.index_cast %mul3A_51 : i32 to index
      %swap3A_53 = tpu.vector_load %arg13[%swap3A_52] {strides = array<i32>} : memref<10240xf32, #tpu.memory_space<vmem>>, vector<16xf32>,
      tpu.vector_store %arg13[%swap3A_52], %broadcast_in_dim3A_49 {strides = array<i32>} : memref<10240xf32, #tpu.memory_space<vmem>>, vector<16xf32>,
      %broadcast_in_dim3A_54 = arith.constant 0.000000e+00 : f32
      %broadcast_in_dim3A_55 = vector.broadcast %broadcast_in_dim3A_54 : f32 to vector<16xf32>
      %mul3A_56 = arith.constant 16 : i32
      %mul3A_57 = arith.muli %scan3A_19, %mul3A_56 : i32
      %swap3A_58 = arith.index_cast %mul3A_57 : i32 to index
      %swap3A_59 = tpu.vector_load %arg14[%swap3A_58] {strides = array<i32>} : memref<10240xf32, #tpu.memory_space<vmem>>, vector<16xf32>,
      tpu.vector_store %arg14[%swap3A_58], %broadcast_in_dim3A_55 {strides = array<i32>} : memref<10240xf32, #tpu.memory_space<vmem>>, vector<16xf32>,
      %broadcast_in_dim3A_60 = arith.constant 0.000000e+00 : f32
      %broadcast_in_dim3A_61 = vector.broadcast %broadcast_in_dim3A_60 : f32 to vector<16xf32>
      %mul3A_62 = arith.constant 16 : i32
      %mul3A_63 = arith.muli %scan3A_19, %mul3A_62 : i32
      %swap3A_64 = arith.index_cast %mul3A_63 : i32 to index
      %swap3A_65 = tpu.vector_load %arg15[%swap3A_64] {strides = array<i32>} : memref<10240xf32, #tpu.memory_space<vmem>>, vector<16xf32>,
      tpu.vector_store %arg15[%swap3A_64], %broadcast_in_dim3A_61 {strides = array<i32>} : memref<10240xf32, #tpu.memory_space<vmem>>, vector<16xf32>,
    }
    %scan3A_5 = arith.constant 640 : i32
    %iota3A = tpu.iota {dimensions = array<i32: 0>} : vector<16xi32>
    %scan3A_6 = arith.constant 0 : i32
    %scan3A_7 = arith.constant 0 : i32
    %scan3A_8 = arith.constant 25 : i32
    %scan3A_9 = arith.addi %scan3A_7, %scan3A_8 : i32
    %scan3A_10 = arith.constant 1 : i32
    scf.for %scan3A_19 = %scan3A_7 to %scan3A_9 step %scan3A_10  : i32 {
      "tpu.region"() ({
        %run_scoped3A_33 = tpu.sem_alloc : memref<!tpu.dma_semaphore, #tpu.memory_space<semaphore_mem>>
        %dma_start3A_34 = arith.constant 0 : i32
        %dma_start3A_35 = arith.constant 0 : i32
        %dma_start3A_36 = arith.constant 0 : i32
        %dma_start3A_37 = tpu.memref_slice %arg3[%add3A, %scan3A_19, %dma_start3A_34, %dma_start3A_35, %dma_start3A_36] : memref<32x25x50x2x128xi32, #tpu.memory_space<hbm>> -> memref<1x1x50x2x128xi32, #tpu.memory_space<hbm>>
        %dma_start3A_38 = tpu.memref_squeeze %dma_start3A_37 : memref<1x1x50x2x128xi32, #tpu.memory_space<hbm>> -> memref<50x2x128xi32, #tpu.memory_space<hbm>>
        %dma_start3A_39 = arith.constant 0 : i32
        %dma_start3A_40 = arith.constant 0 : i32
        %dma_start3A_41 = arith.constant 0 : i32
        %dma_start3A_42 = tpu.memref_slice %arg3[%add3A, %scan3A_19, %dma_start3A_39, %dma_start3A_40, %dma_start3A_41] : memref<32x25x50x2x128xi32, #tpu.memory_space<hbm>> -> memref<1x1x50x2x128xi32, #tpu.memory_space<hbm>>
        %dma_start3A_43 = tpu.memref_squeeze %dma_start3A_42 : memref<1x1x50x2x128xi32, #tpu.memory_space<hbm>> -> memref<50x2x128xi32, #tpu.memory_space<hbm>>
        tpu.enqueue_dma source(%dma_start3A_43 : memref<50x2x128xi32, #tpu.memory_space<hbm>>) target(%arg5 : memref<50x2x128xi32, #tpu.memory_space<vmem>>) target_semaphore(%run_scoped3A_33 : memref<!tpu.dma_semaphore, #tpu.memory_space<semaphore_mem>>)
        %dma_wait3A = arith.constant 0 : i32
        %dma_wait3A_44 = arith.constant 0 : i32
        %dma_wait3A_45 = arith.constant 0 : i32
        %dma_wait3A_46 = tpu.memref_slice %arg3[%add3A, %scan3A_19, %dma_wait3A, %dma_wait3A_44, %dma_wait3A_45] : memref<32x25x50x2x128xi32, #tpu.memory_space<hbm>> -> memref<1x1x50x2x128xi32, #tpu.memory_space<hbm>>
        %dma_wait3A_47 = tpu.memref_squeeze %dma_wait3A_46 : memref<1x1x50x2x128xi32, #tpu.memory_space<hbm>> -> memref<50x2x128xi32, #tpu.memory_space<hbm>>
        %dma_wait3A_48 = arith.constant 0 : i32
        %dma_wait3A_49 = arith.constant 0 : i32
        %dma_wait3A_50 = arith.constant 0 : i32
        %dma_wait3A_51 = tpu.memref_slice %arg3[%add3A, %scan3A_19, %dma_wait3A_48, %dma_wait3A_49, %dma_wait3A_50] : memref<32x25x50x2x128xi32, #tpu.memory_space<hbm>> -> memref<1x1x50x2x128xi32, #tpu.memory_space<hbm>>
        %dma_wait3A_52 = tpu.memref_squeeze %dma_wait3A_51 : memref<1x1x50x2x128xi32, #tpu.memory_space<hbm>> -> memref<50x2x128xi32, #tpu.memory_space<hbm>>
        tpu.wait_dma2 semaphore(%run_scoped3A_33 : memref<!tpu.dma_semaphore, #tpu.memory_space<semaphore_mem>>) src(%dma_wait3A_52 : memref<50x2x128xi32, #tpu.memory_space<hbm>>) dst(%arg5 : memref<50x2x128xi32, #tpu.memory_space<vmem>>)
        tpu.yield
      }) : () -> ()
      %dma_start3A = arith.constant 0 : i32
      %dma_start3A_20 = arith.constant 0 : i32
      %dma_start3A_21 = arith.constant 0 : i32
      %dma_start3A_22 = tpu.memref_slice %arg5[%dma_start3A, %dma_start3A_20, %dma_start3A_21] : memref<50x2x128xi32, #tpu.memory_space<vmem>> -> memref<1x1x128xi32, #tpu.memory_space<vmem>>
      %dma_start3A_23 = tpu.memref_squeeze %dma_start3A_22 : memref<1x1x128xi32, #tpu.memory_space<vmem>> -> memref<128xi32, #tpu.memory_space<vmem>>
      %dma_start3A_24 = arith.constant 0 : i32
      %dma_start3A_25 = arith.constant 0 : i32
      %dma_start3A_26 = tpu.memref_slice %arg2[%dma_start3A_24, %dma_start3A_25] : memref<160000x8xf32, #tpu.memory_space<hbm>> -> memref<160000x8xf32, #tpu.memory_space<hbm>>
      tpu.enqueue_indirect_dma source(%dma_start3A_26 : memref<160000x8xf32, #tpu.memory_space<hbm>>) target(%arg6 : memref<128x8xf32, #tpu.memory_space<vmem>>) offsets(%dma_start3A_23 : memref<128xi32, #tpu.memory_space<vmem>>) semaphore(%arg16 : memref<!tpu.dma_semaphore, #tpu.memory_space<semaphore_mem>>)
      %scan3A_27 = arith.constant 0 : i32
      %scan3A_28 = arith.constant 0 : i32
      %scan3A_29 = arith.constant 25 : i32
      %scan3A_30 = arith.addi %scan3A_28, %scan3A_29 : i32
      %scan3A_31 = arith.constant 1 : i32
      scf.for %scan3A_33 = %scan3A_28 to %scan3A_30 step %scan3A_31  : i32 {
        %mul3A_34 = arith.constant 2 : i32
        %mul3A_35 = arith.muli %mul3A_34, %scan3A_33 : i32
        %add3A_36 = arith.constant 1 : i32
        %add3A_37 = arith.addi %mul3A_35, %add3A_36 : i32
        %dma_start3A_38 = arith.constant 0 : i32
        %dma_start3A_39 = arith.constant 0 : i32
        %dma_start3A_40 = tpu.memref_slice %arg5[%add3A_37, %dma_start3A_38, %dma_start3A_39] : memref<50x2x128xi32, #tpu.memory_space<vmem>> -> memref<1x1x128xi32, #tpu.memory_space<vmem>>
        %dma_start3A_41 = tpu.memref_squeeze %dma_start3A_40 : memref<1x1x128xi32, #tpu.memory_space<vmem>> -> memref<128xi32, #tpu.memory_space<vmem>>
        %dma_start3A_42 = arith.constant 0 : i32
        %dma_start3A_43 = arith.constant 0 : i32
        %dma_start3A_44 = tpu.memref_slice %arg2[%dma_start3A_42, %dma_start3A_43] : memref<160000x8xf32, #tpu.memory_space<hbm>> -> memref<160000x8xf32, #tpu.memory_space<hbm>>
        tpu.enqueue_indirect_dma source(%dma_start3A_44 : memref<160000x8xf32, #tpu.memory_space<hbm>>) target(%arg7 : memref<128x8xf32, #tpu.memory_space<vmem>>) offsets(%dma_start3A_41 : memref<128xi32, #tpu.memory_space<vmem>>) semaphore(%arg17 : memref<!tpu.dma_semaphore, #tpu.memory_space<semaphore_mem>>)
        %dma_wait3A = arith.constant 0 : i32
        %dma_wait3A_45 = arith.constant 0 : i32
        %dma_wait3A_46 = tpu.memref_slice %arg5[%mul3A_35, %dma_wait3A, %dma_wait3A_45] : memref<50x2x128xi32, #tpu.memory_space<vmem>> -> memref<1x1x128xi32, #tpu.memory_space<vmem>>
        %dma_wait3A_47 = tpu.memref_squeeze %dma_wait3A_46 : memref<1x1x128xi32, #tpu.memory_space<vmem>> -> memref<128xi32, #tpu.memory_space<vmem>>
        %dma_wait3A_48 = arith.constant 0 : i32
        %dma_wait3A_49 = arith.constant 0 : i32
        %dma_wait3A_50 = tpu.memref_slice %arg2[%dma_wait3A_48, %dma_wait3A_49] : memref<160000x8xf32, #tpu.memory_space<hbm>> -> memref<160000x8xf32, #tpu.memory_space<hbm>>
        tpu.wait_indirect_dma semaphore(%arg16 : memref<!tpu.dma_semaphore, #tpu.memory_space<semaphore_mem>>) src(%dma_wait3A_50 : memref<160000x8xf32, #tpu.memory_space<hbm>>) dst(%arg6 : memref<128x8xf32, #tpu.memory_space<vmem>>)
        %get3A = arith.constant 1 : i32
        %get3A_51 = arith.index_cast %mul3A_35 : i32 to index
        %get3A_52 = arith.index_cast %get3A : i32 to index
        %get3A_53 = arith.constant 0 : index
        %get3A_54 = tpu.vector_load %arg5[%get3A_51, %get3A_52, %get3A_53] {strides = array<i32>} : memref<50x2x128xi32, #tpu.memory_space<vmem>>, vector<16xi32>,
        %add3A_55 = arith.constant 0 : i32
        %add3A_56 = vector.broadcast %add3A_55 : i32 to vector<16xi32>
        %add3A_57 = arith.addi %add3A_56, %iota3A : vector<16xi32>
        %broadcast_in_dim3A = arith.constant 0 : i32
        %broadcast_in_dim3A_58 = vector.broadcast %broadcast_in_dim3A : i32 to vector<16xi32>
        %gather3A = tpu.vector_load_idx %arg6[%add3A_57, %broadcast_in_dim3A_58] : memref<128x8xf32, #tpu.memory_space<vmem>>[vector<16xi32>, vector<16xi32>], vector<16xf32>,
        %broadcast_in_dim3A_59 = arith.constant 1 : i32
        %broadcast_in_dim3A_60 = vector.broadcast %broadcast_in_dim3A_59 : i32 to vector<16xi32>
        %gather3A_61 = tpu.vector_load_idx %arg6[%add3A_57, %broadcast_in_dim3A_60] : memref<128x8xf32, #tpu.memory_space<vmem>>[vector<16xi32>, vector<16xi32>], vector<16xf32>,
        %broadcast_in_dim3A_62 = arith.constant 2 : i32
        %broadcast_in_dim3A_63 = vector.broadcast %broadcast_in_dim3A_62 : i32 to vector<16xi32>
        %gather3A_64 = tpu.vector_load_idx %arg6[%add3A_57, %broadcast_in_dim3A_63] : memref<128x8xf32, #tpu.memory_space<vmem>>[vector<16xi32>, vector<16xi32>], vector<16xf32>,
        %broadcast_in_dim3A_65 = arith.constant 3 : i32
        %broadcast_in_dim3A_66 = vector.broadcast %broadcast_in_dim3A_65 : i32 to vector<16xi32>
        %gather3A_67 = tpu.vector_load_idx %arg6[%add3A_57, %broadcast_in_dim3A_66] : memref<128x8xf32, #tpu.memory_space<vmem>>[vector<16xi32>, vector<16xi32>], vector<16xf32>,
        %broadcast_in_dim3A_68 = arith.constant 4 : i32
        %broadcast_in_dim3A_69 = vector.broadcast %broadcast_in_dim3A_68 : i32 to vector<16xi32>
        %gather3A_70 = tpu.vector_load_idx %arg6[%add3A_57, %broadcast_in_dim3A_69] : memref<128x8xf32, #tpu.memory_space<vmem>>[vector<16xi32>, vector<16xi32>], vector<16xf32>,
        %broadcast_in_dim3A_71 = arith.constant 5 : i32
        %broadcast_in_dim3A_72 = vector.broadcast %broadcast_in_dim3A_71 : i32 to vector<16xi32>
        %gather3A_73 = tpu.vector_load_idx %arg6[%add3A_57, %broadcast_in_dim3A_72] : memref<128x8xf32, #tpu.memory_space<vmem>>[vector<16xi32>, vector<16xi32>], vector<16xf32>,
        %broadcast_in_dim3A_74 = arith.constant 6 : i32
        %broadcast_in_dim3A_75 = vector.broadcast %broadcast_in_dim3A_74 : i32 to vector<16xi32>
        %gather3A_76 = tpu.vector_load_idx %arg6[%add3A_57, %broadcast_in_dim3A_75] : memref<128x8xf32, #tpu.memory_space<vmem>>[vector<16xi32>, vector<16xi32>], vector<16xf32>,
        %broadcast_in_dim3A_77 = arith.constant 7 : i32
        %broadcast_in_dim3A_78 = vector.broadcast %broadcast_in_dim3A_77 : i32 to vector<16xi32>
        %gather3A_79 = tpu.vector_load_idx %arg6[%add3A_57, %broadcast_in_dim3A_78] : memref<128x8xf32, #tpu.memory_space<vmem>>[vector<16xi32>, vector<16xi32>], vector<16xf32>,
        tpu.vector_store_idx %arg8[%get3A_54], %gather3A {add = true} : memref<10240xf32, #tpu.memory_space<vmem>>[vector<16xi32>], vector<16xf32>,
        tpu.vector_store_idx %arg9[%get3A_54], %gather3A_61 {add = true} : memref<10240xf32, #tpu.memory_space<vmem>>[vector<16xi32>], vector<16xf32>,
        tpu.vector_store_idx %arg10[%get3A_54], %gather3A_64 {add = true} : memref<10240xf32, #tpu.memory_space<vmem>>[vector<16xi32>], vector<16xf32>,
        tpu.vector_store_idx %arg11[%get3A_54], %gather3A_67 {add = true} : memref<10240xf32, #tpu.memory_space<vmem>>[vector<16xi32>], vector<16xf32>,
        tpu.vector_store_idx %arg12[%get3A_54], %gather3A_70 {add = true} : memref<10240xf32, #tpu.memory_space<vmem>>[vector<16xi32>], vector<16xf32>,
        tpu.vector_store_idx %arg13[%get3A_54], %gather3A_73 {add = true} : memref<10240xf32, #tpu.memory_space<vmem>>[vector<16xi32>], vector<16xf32>,
        tpu.vector_store_idx %arg14[%get3A_54], %gather3A_76 {add = true} : memref<10240xf32, #tpu.memory_space<vmem>>[vector<16xi32>], vector<16xf32>,
        tpu.vector_store_idx %arg15[%get3A_54], %gather3A_79 {add = true} : memref<10240xf32, #tpu.memory_space<vmem>>[vector<16xi32>], vector<16xf32>,
        %get3A_80 = arith.constant 1 : i32
        %get3A_81 = arith.index_cast %mul3A_35 : i32 to index
        %get3A_82 = arith.index_cast %get3A_80 : i32 to index
        %get3A_83 = arith.constant 16 : index
        %get3A_84 = tpu.vector_load %arg5[%get3A_81, %get3A_82, %get3A_83] {strides = array<i32>} : memref<50x2x128xi32, #tpu.memory_space<vmem>>, vector<16xi32>,
        %add3A_85 = arith.constant 16 : i32
        %add3A_86 = vector.broadcast %add3A_85 : i32 to vector<16xi32>
        %add3A_87 = arith.addi %add3A_86, %iota3A : vector<16xi32>
        %broadcast_in_dim3A_88 = arith.constant 0 : i32
        %broadcast_in_dim3A_89 = vector.broadcast %broadcast_in_dim3A_88 : i32 to vector<16xi32>
        %gather3A_90 = tpu.vector_load_idx %arg6[%add3A_87, %broadcast_in_dim3A_89] : memref<128x8xf32, #tpu.memory_space<vmem>>[vector<16xi32>, vector<16xi32>], vector<16xf32>,
        %broadcast_in_dim3A_91 = arith.constant 1 : i32
        %broadcast_in_dim3A_92 = vector.broadcast %broadcast_in_dim3A_91 : i32 to vector<16xi32>
        %gather3A_93 = tpu.vector_load_idx %arg6[%add3A_87, %broadcast_in_dim3A_92] : memref<128x8xf32, #tpu.memory_space<vmem>>[vector<16xi32>, vector<16xi32>], vector<16xf32>,
        %broadcast_in_dim3A_94 = arith.constant 2 : i32
        %broadcast_in_dim3A_95 = vector.broadcast %broadcast_in_dim3A_94 : i32 to vector<16xi32>
        %gather3A_96 = tpu.vector_load_idx %arg6[%add3A_87, %broadcast_in_dim3A_95] : memref<128x8xf32, #tpu.memory_space<vmem>>[vector<16xi32>, vector<16xi32>], vector<16xf32>,
        %broadcast_in_dim3A_97 = arith.constant 3 : i32
        %broadcast_in_dim3A_98 = vector.broadcast %broadcast_in_dim3A_97 : i32 to vector<16xi32>
        %gather3A_99 = tpu.vector_load_idx %arg6[%add3A_87, %broadcast_in_dim3A_98] : memref<128x8xf32, #tpu.memory_space<vmem>>[vector<16xi32>, vector<16xi32>], vector<16xf32>,
        %broadcast_in_dim3A_100 = arith.constant 4 : i32
        %broadcast_in_dim3A_101 = vector.broadcast %broadcast_in_dim3A_100 : i32 to vector<16xi32>
        %gather3A_102 = tpu.vector_load_idx %arg6[%add3A_87, %broadcast_in_dim3A_101] : memref<128x8xf32, #tpu.memory_space<vmem>>[vector<16xi32>, vector<16xi32>], vector<16xf32>,
        %broadcast_in_dim3A_103 = arith.constant 5 : i32
        %broadcast_in_dim3A_104 = vector.broadcast %broadcast_in_dim3A_103 : i32 to vector<16xi32>
        %gather3A_105 = tpu.vector_load_idx %arg6[%add3A_87, %broadcast_in_dim3A_104] : memref<128x8xf32, #tpu.memory_space<vmem>>[vector<16xi32>, vector<16xi32>], vector<16xf32>,
        %broadcast_in_dim3A_106 = arith.constant 6 : i32
        %broadcast_in_dim3A_107 = vector.broadcast %broadcast_in_dim3A_106 : i32 to vector<16xi32>
        %gather3A_108 = tpu.vector_load_idx %arg6[%add3A_87, %broadcast_in_dim3A_107] : memref<128x8xf32, #tpu.memory_space<vmem>>[vector<16xi32>, vector<16xi32>], vector<16xf32>,
        %broadcast_in_dim3A_109 = arith.constant 7 : i32
        %broadcast_in_dim3A_110 = vector.broadcast %broadcast_in_dim3A_109 : i32 to vector<16xi32>
        %gather3A_111 = tpu.vector_load_idx %arg6[%add3A_87, %broadcast_in_dim3A_110] : memref<128x8xf32, #tpu.memory_space<vmem>>[vector<16xi32>, vector<16xi32>], vector<16xf32>,
        tpu.vector_store_idx %arg8[%get3A_84], %gather3A_90 {add = true} : memref<10240xf32, #tpu.memory_space<vmem>>[vector<16xi32>], vector<16xf32>,
        tpu.vector_store_idx %arg9[%get3A_84], %gather3A_93 {add = true} : memref<10240xf32, #tpu.memory_space<vmem>>[vector<16xi32>], vector<16xf32>,
        tpu.vector_store_idx %arg10[%get3A_84], %gather3A_96 {add = true} : memref<10240xf32, #tpu.memory_space<vmem>>[vector<16xi32>], vector<16xf32>,
        tpu.vector_store_idx %arg11[%get3A_84], %gather3A_99 {add = true} : memref<10240xf32, #tpu.memory_space<vmem>>[vector<16xi32>], vector<16xf32>,
        tpu.vector_store_idx %arg12[%get3A_84], %gather3A_102 {add = true} : memref<10240xf32, #tpu.memory_space<vmem>>[vector<16xi32>], vector<16xf32>,
        tpu.vector_store_idx %arg13[%get3A_84], %gather3A_105 {add = true} : memref<10240xf32, #tpu.memory_space<vmem>>[vector<16xi32>], vector<16xf32>,
        tpu.vector_store_idx %arg14[%get3A_84], %gather3A_108 {add = true} : memref<10240xf32, #tpu.memory_space<vmem>>[vector<16xi32>], vector<16xf32>,
        tpu.vector_store_idx %arg15[%get3A_84], %gather3A_111 {add = true} : memref<10240xf32, #tpu.memory_space<vmem>>[vector<16xi32>], vector<16xf32>,
        %get3A_112 = arith.constant 1 : i32
        %get3A_113 = arith.index_cast %mul3A_35 : i32 to index
        %get3A_114 = arith.index_cast %get3A_112 : i32 to index
        %get3A_115 = arith.constant 32 : index
        %get3A_116 = tpu.vector_load %arg5[%get3A_113, %get3A_114, %get3A_115] {strides = array<i32>} : memref<50x2x128xi32, #tpu.memory_space<vmem>>, vector<16xi32>,
        %add3A_117 = arith.constant 32 : i32
        %add3A_118 = vector.broadcast %add3A_117 : i32 to vector<16xi32>
        %add3A_119 = arith.addi %add3A_118, %iota3A : vector<16xi32>
        %broadcast_in_dim3A_120 = arith.constant 0 : i32
        %broadcast_in_dim3A_121 = vector.broadcast %broadcast_in_dim3A_120 : i32 to vector<16xi32>
        %gather3A_122 = tpu.vector_load_idx %arg6[%add3A_119, %broadcast_in_dim3A_121] : memref<128x8xf32, #tpu.memory_space<vmem>>[vector<16xi32>, vector<16xi32>], vector<16xf32>,
        %broadcast_in_dim3A_123 = arith.constant 1 : i32
        %broadcast_in_dim3A_124 = vector.broadcast %broadcast_in_dim3A_123 : i32 to vector<16xi32>
        %gather3A_125 = tpu.vector_load_idx %arg6[%add3A_119, %broadcast_in_dim3A_124] : memref<128x8xf32, #tpu.memory_space<vmem>>[vector<16xi32>, vector<16xi32>], vector<16xf32>,
        %broadcast_in_dim3A_126 = arith.constant 2 : i32
        %broadcast_in_dim3A_127 = vector.broadcast %broadcast_in_dim3A_126 : i32 to vector<16xi32>
        %gather3A_128 = tpu.vector_load_idx %arg6[%add3A_119, %broadcast_in_dim3A_127] : memref<128x8xf32, #tpu.memory_space<vmem>>[vector<16xi32>, vector<16xi32>], vector<16xf32>,
        %broadcast_in_dim3A_129 = arith.constant 3 : i32
        %broadcast_in_dim3A_130 = vector.broadcast %broadcast_in_dim3A_129 : i32 to vector<16xi32>
        %gather3A_131 = tpu.vector_load_idx %arg6[%add3A_119, %broadcast_in_dim3A_130] : memref<128x8xf32, #tpu.memory_space<vmem>>[vector<16xi32>, vector<16xi32>], vector<16xf32>,
        %broadcast_in_dim3A_132 = arith.constant 4 : i32
        %broadcast_in_dim3A_133 = vector.broadcast %broadcast_in_dim3A_132 : i32 to vector<16xi32>
        %gather3A_134 = tpu.vector_load_idx %arg6[%add3A_119, %broadcast_in_dim3A_133] : memref<128x8xf32, #tpu.memory_space<vmem>>[vector<16xi32>, vector<16xi32>], vector<16xf32>,
        %broadcast_in_dim3A_135 = arith.constant 5 : i32
        %broadcast_in_dim3A_136 = vector.broadcast %broadcast_in_dim3A_135 : i32 to vector<16xi32>
        %gather3A_137 = tpu.vector_load_idx %arg6[%add3A_119, %broadcast_in_dim3A_136] : memref<128x8xf32, #tpu.memory_space<vmem>>[vector<16xi32>, vector<16xi32>], vector<16xf32>,
        %broadcast_in_dim3A_138 = arith.constant 6 : i32
        %broadcast_in_dim3A_139 = vector.broadcast %broadcast_in_dim3A_138 : i32 to vector<16xi32>
        %gather3A_140 = tpu.vector_load_idx %arg6[%add3A_119, %broadcast_in_dim3A_139] : memref<128x8xf32, #tpu.memory_space<vmem>>[vector<16xi32>, vector<16xi32>], vector<16xf32>,
        %broadcast_in_dim3A_141 = arith.constant 7 : i32
        %broadcast_in_dim3A_142 = vector.broadcast %broadcast_in_dim3A_141 : i32 to vector<16xi32>
        %gather3A_143 = tpu.vector_load_idx %arg6[%add3A_119, %broadcast_in_dim3A_142] : memref<128x8xf32, #tpu.memory_space<vmem>>[vector<16xi32>, vector<16xi32>], vector<16xf32>,
        tpu.vector_store_idx %arg8[%get3A_116], %gather3A_122 {add = true} : memref<10240xf32, #tpu.memory_space<vmem>>[vector<16xi32>], vector<16xf32>,
        tpu.vector_store_idx %arg9[%get3A_116], %gather3A_125 {add = true} : memref<10240xf32, #tpu.memory_space<vmem>>[vector<16xi32>], vector<16xf32>,
        tpu.vector_store_idx %arg10[%get3A_116], %gather3A_128 {add = true} : memref<10240xf32, #tpu.memory_space<vmem>>[vector<16xi32>], vector<16xf32>,
        tpu.vector_store_idx %arg11[%get3A_116], %gather3A_131 {add = true} : memref<10240xf32, #tpu.memory_space<vmem>>[vector<16xi32>], vector<16xf32>,
        tpu.vector_store_idx %arg12[%get3A_116], %gather3A_134 {add = true} : memref<10240xf32, #tpu.memory_space<vmem>>[vector<16xi32>], vector<16xf32>,
        tpu.vector_store_idx %arg13[%get3A_116], %gather3A_137 {add = true} : memref<10240xf32, #tpu.memory_space<vmem>>[vector<16xi32>], vector<16xf32>,
        tpu.vector_store_idx %arg14[%get3A_116], %gather3A_140 {add = true} : memref<10240xf32, #tpu.memory_space<vmem>>[vector<16xi32>], vector<16xf32>,
        tpu.vector_store_idx %arg15[%get3A_116], %gather3A_143 {add = true} : memref<10240xf32, #tpu.memory_space<vmem>>[vector<16xi32>], vector<16xf32>,
        %get3A_144 = arith.constant 1 : i32
        %get3A_145 = arith.index_cast %mul3A_35 : i32 to index
        %get3A_146 = arith.index_cast %get3A_144 : i32 to index
        %get3A_147 = arith.constant 48 : index
        %get3A_148 = tpu.vector_load %arg5[%get3A_145, %get3A_146, %get3A_147] {strides = array<i32>} : memref<50x2x128xi32, #tpu.memory_space<vmem>>, vector<16xi32>,
        %add3A_149 = arith.constant 48 : i32
        %add3A_150 = vector.broadcast %add3A_149 : i32 to vector<16xi32>
        %add3A_151 = arith.addi %add3A_150, %iota3A : vector<16xi32>
        %broadcast_in_dim3A_152 = arith.constant 0 : i32
        %broadcast_in_dim3A_153 = vector.broadcast %broadcast_in_dim3A_152 : i32 to vector<16xi32>
        %gather3A_154 = tpu.vector_load_idx %arg6[%add3A_151, %broadcast_in_dim3A_153] : memref<128x8xf32, #tpu.memory_space<vmem>>[vector<16xi32>, vector<16xi32>], vector<16xf32>,
        %broadcast_in_dim3A_155 = arith.constant 1 : i32
        %broadcast_in_dim3A_156 = vector.broadcast %broadcast_in_dim3A_155 : i32 to vector<16xi32>
        %gather3A_157 = tpu.vector_load_idx %arg6[%add3A_151, %broadcast_in_dim3A_156] : memref<128x8xf32, #tpu.memory_space<vmem>>[vector<16xi32>, vector<16xi32>], vector<16xf32>,
        %broadcast_in_dim3A_158 = arith.constant 2 : i32
        %broadcast_in_dim3A_159 = vector.broadcast %broadcast_in_dim3A_158 : i32 to vector<16xi32>
        %gather3A_160 = tpu.vector_load_idx %arg6[%add3A_151, %broadcast_in_dim3A_159] : memref<128x8xf32, #tpu.memory_space<vmem>>[vector<16xi32>, vector<16xi32>], vector<16xf32>,
        %broadcast_in_dim3A_161 = arith.constant 3 : i32
        %broadcast_in_dim3A_162 = vector.broadcast %broadcast_in_dim3A_161 : i32 to vector<16xi32>
        %gather3A_163 = tpu.vector_load_idx %arg6[%add3A_151, %broadcast_in_dim3A_162] : memref<128x8xf32, #tpu.memory_space<vmem>>[vector<16xi32>, vector<16xi32>], vector<16xf32>,
        %broadcast_in_dim3A_164 = arith.constant 4 : i32
        %broadcast_in_dim3A_165 = vector.broadcast %broadcast_in_dim3A_164 : i32 to vector<16xi32>
        %gather3A_166 = tpu.vector_load_idx %arg6[%add3A_151, %broadcast_in_dim3A_165] : memref<128x8xf32, #tpu.memory_space<vmem>>[vector<16xi32>, vector<16xi32>], vector<16xf32>,
        %broadcast_in_dim3A_167 = arith.constant 5 : i32
        %broadcast_in_dim3A_168 = vector.broadcast %broadcast_in_dim3A_167 : i32 to vector<16xi32>
        %gather3A_169 = tpu.vector_load_idx %arg6[%add3A_151, %broadcast_in_dim3A_168] : memref<128x8xf32, #tpu.memory_space<vmem>>[vector<16xi32>, vector<16xi32>], vector<16xf32>,
        %broadcast_in_dim3A_170 = arith.constant 6 : i32
        %broadcast_in_dim3A_171 = vector.broadcast %broadcast_in_dim3A_170 : i32 to vector<16xi32>
        %gather3A_172 = tpu.vector_load_idx %arg6[%add3A_151, %broadcast_in_dim3A_171] : memref<128x8xf32, #tpu.memory_space<vmem>>[vector<16xi32>, vector<16xi32>], vector<16xf32>,
        %broadcast_in_dim3A_173 = arith.constant 7 : i32
        %broadcast_in_dim3A_174 = vector.broadcast %broadcast_in_dim3A_173 : i32 to vector<16xi32>
        %gather3A_175 = tpu.vector_load_idx %arg6[%add3A_151, %broadcast_in_dim3A_174] : memref<128x8xf32, #tpu.memory_space<vmem>>[vector<16xi32>, vector<16xi32>], vector<16xf32>,
        tpu.vector_store_idx %arg8[%get3A_148], %gather3A_154 {add = true} : memref<10240xf32, #tpu.memory_space<vmem>>[vector<16xi32>], vector<16xf32>,
        tpu.vector_store_idx %arg9[%get3A_148], %gather3A_157 {add = true} : memref<10240xf32, #tpu.memory_space<vmem>>[vector<16xi32>], vector<16xf32>,
        tpu.vector_store_idx %arg10[%get3A_148], %gather3A_160 {add = true} : memref<10240xf32, #tpu.memory_space<vmem>>[vector<16xi32>], vector<16xf32>,
        tpu.vector_store_idx %arg11[%get3A_148], %gather3A_163 {add = true} : memref<10240xf32, #tpu.memory_space<vmem>>[vector<16xi32>], vector<16xf32>,
        tpu.vector_store_idx %arg12[%get3A_148], %gather3A_166 {add = true} : memref<10240xf32, #tpu.memory_space<vmem>>[vector<16xi32>], vector<16xf32>,
        tpu.vector_store_idx %arg13[%get3A_148], %gather3A_169 {add = true} : memref<10240xf32, #tpu.memory_space<vmem>>[vector<16xi32>], vector<16xf32>,
        tpu.vector_store_idx %arg14[%get3A_148], %gather3A_172 {add = true} : memref<10240xf32, #tpu.memory_space<vmem>>[vector<16xi32>], vector<16xf32>,
        tpu.vector_store_idx %arg15[%get3A_148], %gather3A_175 {add = true} : memref<10240xf32, #tpu.memory_space<vmem>>[vector<16xi32>], vector<16xf32>,
        %get3A_176 = arith.constant 1 : i32
        %get3A_177 = arith.index_cast %mul3A_35 : i32 to index
        %get3A_178 = arith.index_cast %get3A_176 : i32 to index
        %get3A_179 = arith.constant 64 : index
        %get3A_180 = tpu.vector_load %arg5[%get3A_177, %get3A_178, %get3A_179] {strides = array<i32>} : memref<50x2x128xi32, #tpu.memory_space<vmem>>, vector<16xi32>,
        %add3A_181 = arith.constant 64 : i32
        %add3A_182 = vector.broadcast %add3A_181 : i32 to vector<16xi32>
        %add3A_183 = arith.addi %add3A_182, %iota3A : vector<16xi32>
        %broadcast_in_dim3A_184 = arith.constant 0 : i32
        %broadcast_in_dim3A_185 = vector.broadcast %broadcast_in_dim3A_184 : i32 to vector<16xi32>
        %gather3A_186 = tpu.vector_load_idx %arg6[%add3A_183, %broadcast_in_dim3A_185] : memref<128x8xf32, #tpu.memory_space<vmem>>[vector<16xi32>, vector<16xi32>], vector<16xf32>,
        %broadcast_in_dim3A_187 = arith.constant 1 : i32
        %broadcast_in_dim3A_188 = vector.broadcast %broadcast_in_dim3A_187 : i32 to vector<16xi32>
        %gather3A_189 = tpu.vector_load_idx %arg6[%add3A_183, %broadcast_in_dim3A_188] : memref<128x8xf32, #tpu.memory_space<vmem>>[vector<16xi32>, vector<16xi32>], vector<16xf32>,
        %broadcast_in_dim3A_190 = arith.constant 2 : i32
        %broadcast_in_dim3A_191 = vector.broadcast %broadcast_in_dim3A_190 : i32 to vector<16xi32>
        %gather3A_192 = tpu.vector_load_idx %arg6[%add3A_183, %broadcast_in_dim3A_191] : memref<128x8xf32, #tpu.memory_space<vmem>>[vector<16xi32>, vector<16xi32>], vector<16xf32>,
        %broadcast_in_dim3A_193 = arith.constant 3 : i32
        %broadcast_in_dim3A_194 = vector.broadcast %broadcast_in_dim3A_193 : i32 to vector<16xi32>
        %gather3A_195 = tpu.vector_load_idx %arg6[%add3A_183, %broadcast_in_dim3A_194] : memref<128x8xf32, #tpu.memory_space<vmem>>[vector<16xi32>, vector<16xi32>], vector<16xf32>,
        %broadcast_in_dim3A_196 = arith.constant 4 : i32
        %broadcast_in_dim3A_197 = vector.broadcast %broadcast_in_dim3A_196 : i32 to vector<16xi32>
        %gather3A_198 = tpu.vector_load_idx %arg6[%add3A_183, %broadcast_in_dim3A_197] : memref<128x8xf32, #tpu.memory_space<vmem>>[vector<16xi32>, vector<16xi32>], vector<16xf32>,
        %broadcast_in_dim3A_199 = arith.constant 5 : i32
        %broadcast_in_dim3A_200 = vector.broadcast %broadcast_in_dim3A_199 : i32 to vector<16xi32>
        %gather3A_201 = tpu.vector_load_idx %arg6[%add3A_183, %broadcast_in_dim3A_200] : memref<128x8xf32, #tpu.memory_space<vmem>>[vector<16xi32>, vector<16xi32>], vector<16xf32>,
        %broadcast_in_dim3A_202 = arith.constant 6 : i32
        %broadcast_in_dim3A_203 = vector.broadcast %broadcast_in_dim3A_202 : i32 to vector<16xi32>
        %gather3A_204 = tpu.vector_load_idx %arg6[%add3A_183, %broadcast_in_dim3A_203] : memref<128x8xf32, #tpu.memory_space<vmem>>[vector<16xi32>, vector<16xi32>], vector<16xf32>,
        %broadcast_in_dim3A_205 = arith.constant 7 : i32
        %broadcast_in_dim3A_206 = vector.broadcast %broadcast_in_dim3A_205 : i32 to vector<16xi32>
        %gather3A_207 = tpu.vector_load_idx %arg6[%add3A_183, %broadcast_in_dim3A_206] : memref<128x8xf32, #tpu.memory_space<vmem>>[vector<16xi32>, vector<16xi32>], vector<16xf32>,
        tpu.vector_store_idx %arg8[%get3A_180], %gather3A_186 {add = true} : memref<10240xf32, #tpu.memory_space<vmem>>[vector<16xi32>], vector<16xf32>,
        tpu.vector_store_idx %arg9[%get3A_180], %gather3A_189 {add = true} : memref<10240xf32, #tpu.memory_space<vmem>>[vector<16xi32>], vector<16xf32>,
        tpu.vector_store_idx %arg10[%get3A_180], %gather3A_192 {add = true} : memref<10240xf32, #tpu.memory_space<vmem>>[vector<16xi32>], vector<16xf32>,
        tpu.vector_store_idx %arg11[%get3A_180], %gather3A_195 {add = true} : memref<10240xf32, #tpu.memory_space<vmem>>[vector<16xi32>], vector<16xf32>,
        tpu.vector_store_idx %arg12[%get3A_180], %gather3A_198 {add = true} : memref<10240xf32, #tpu.memory_space<vmem>>[vector<16xi32>], vector<16xf32>,
        tpu.vector_store_idx %arg13[%get3A_180], %gather3A_201 {add = true} : memref<10240xf32, #tpu.memory_space<vmem>>[vector<16xi32>], vector<16xf32>,
        tpu.vector_store_idx %arg14[%get3A_180], %gather3A_204 {add = true} : memref<10240xf32, #tpu.memory_space<vmem>>[vector<16xi32>], vector<16xf32>,
        tpu.vector_store_idx %arg15[%get3A_180], %gather3A_207 {add = true} : memref<10240xf32, #tpu.memory_space<vmem>>[vector<16xi32>], vector<16xf32>,
        %get3A_208 = arith.constant 1 : i32
        %get3A_209 = arith.index_cast %mul3A_35 : i32 to index
        %get3A_210 = arith.index_cast %get3A_208 : i32 to index
        %get3A_211 = arith.constant 80 : index
        %get3A_212 = tpu.vector_load %arg5[%get3A_209, %get3A_210, %get3A_211] {strides = array<i32>} : memref<50x2x128xi32, #tpu.memory_space<vmem>>, vector<16xi32>,
        %add3A_213 = arith.constant 80 : i32
        %add3A_214 = vector.broadcast %add3A_213 : i32 to vector<16xi32>
        %add3A_215 = arith.addi %add3A_214, %iota3A : vector<16xi32>
        %broadcast_in_dim3A_216 = arith.constant 0 : i32
        %broadcast_in_dim3A_217 = vector.broadcast %broadcast_in_dim3A_216 : i32 to vector<16xi32>
        %gather3A_218 = tpu.vector_load_idx %arg6[%add3A_215, %broadcast_in_dim3A_217] : memref<128x8xf32, #tpu.memory_space<vmem>>[vector<16xi32>, vector<16xi32>], vector<16xf32>,
        %broadcast_in_dim3A_219 = arith.constant 1 : i32
        %broadcast_in_dim3A_220 = vector.broadcast %broadcast_in_dim3A_219 : i32 to vector<16xi32>
        %gather3A_221 = tpu.vector_load_idx %arg6[%add3A_215, %broadcast_in_dim3A_220] : memref<128x8xf32, #tpu.memory_space<vmem>>[vector<16xi32>, vector<16xi32>], vector<16xf32>,
        %broadcast_in_dim3A_222 = arith.constant 2 : i32
        %broadcast_in_dim3A_223 = vector.broadcast %broadcast_in_dim3A_222 : i32 to vector<16xi32>
        %gather3A_224 = tpu.vector_load_idx %arg6[%add3A_215, %broadcast_in_dim3A_223] : memref<128x8xf32, #tpu.memory_space<vmem>>[vector<16xi32>, vector<16xi32>], vector<16xf32>,
        %broadcast_in_dim3A_225 = arith.constant 3 : i32
        %broadcast_in_dim3A_226 = vector.broadcast %broadcast_in_dim3A_225 : i32 to vector<16xi32>
        %gather3A_227 = tpu.vector_load_idx %arg6[%add3A_215, %broadcast_in_dim3A_226] : memref<128x8xf32, #tpu.memory_space<vmem>>[vector<16xi32>, vector<16xi32>], vector<16xf32>,
        %broadcast_in_dim3A_228 = arith.constant 4 : i32
        %broadcast_in_dim3A_229 = vector.broadcast %broadcast_in_dim3A_228 : i32 to vector<16xi32>
        %gather3A_230 = tpu.vector_load_idx %arg6[%add3A_215, %broadcast_in_dim3A_229] : memref<128x8xf32, #tpu.memory_space<vmem>>[vector<16xi32>, vector<16xi32>], vector<16xf32>,
        %broadcast_in_dim3A_231 = arith.constant 5 : i32
        %broadcast_in_dim3A_232 = vector.broadcast %broadcast_in_dim3A_231 : i32 to vector<16xi32>
        %gather3A_233 = tpu.vector_load_idx %arg6[%add3A_215, %broadcast_in_dim3A_232] : memref<128x8xf32, #tpu.memory_space<vmem>>[vector<16xi32>, vector<16xi32>], vector<16xf32>,
        %broadcast_in_dim3A_234 = arith.constant 6 : i32
        %broadcast_in_dim3A_235 = vector.broadcast %broadcast_in_dim3A_234 : i32 to vector<16xi32>
        %gather3A_236 = tpu.vector_load_idx %arg6[%add3A_215, %broadcast_in_dim3A_235] : memref<128x8xf32, #tpu.memory_space<vmem>>[vector<16xi32>, vector<16xi32>], vector<16xf32>,
        %broadcast_in_dim3A_237 = arith.constant 7 : i32
        %broadcast_in_dim3A_238 = vector.broadcast %broadcast_in_dim3A_237 : i32 to vector<16xi32>
        %gather3A_239 = tpu.vector_load_idx %arg6[%add3A_215, %broadcast_in_dim3A_238] : memref<128x8xf32, #tpu.memory_space<vmem>>[vector<16xi32>, vector<16xi32>], vector<16xf32>,
        tpu.vector_store_idx %arg8[%get3A_212], %gather3A_218 {add = true} : memref<10240xf32, #tpu.memory_space<vmem>>[vector<16xi32>], vector<16xf32>,
        tpu.vector_store_idx %arg9[%get3A_212], %gather3A_221 {add = true} : memref<10240xf32, #tpu.memory_space<vmem>>[vector<16xi32>], vector<16xf32>,
        tpu.vector_store_idx %arg10[%get3A_212], %gather3A_224 {add = true} : memref<10240xf32, #tpu.memory_space<vmem>>[vector<16xi32>], vector<16xf32>,
        tpu.vector_store_idx %arg11[%get3A_212], %gather3A_227 {add = true} : memref<10240xf32, #tpu.memory_space<vmem>>[vector<16xi32>], vector<16xf32>,
        tpu.vector_store_idx %arg12[%get3A_212], %gather3A_230 {add = true} : memref<10240xf32, #tpu.memory_space<vmem>>[vector<16xi32>], vector<16xf32>,
        tpu.vector_store_idx %arg13[%get3A_212], %gather3A_233 {add = true} : memref<10240xf32, #tpu.memory_space<vmem>>[vector<16xi32>], vector<16xf32>,
        tpu.vector_store_idx %arg14[%get3A_212], %gather3A_236 {add = true} : memref<10240xf32, #tpu.memory_space<vmem>>[vector<16xi32>], vector<16xf32>,
        tpu.vector_store_idx %arg15[%get3A_212], %gather3A_239 {add = true} : memref<10240xf32, #tpu.memory_space<vmem>>[vector<16xi32>], vector<16xf32>,
        %get3A_240 = arith.constant 1 : i32
        %get3A_241 = arith.index_cast %mul3A_35 : i32 to index
        %get3A_242 = arith.index_cast %get3A_240 : i32 to index
        %get3A_243 = arith.constant 96 : index
        %get3A_244 = tpu.vector_load %arg5[%get3A_241, %get3A_242, %get3A_243] {strides = array<i32>} : memref<50x2x128xi32, #tpu.memory_space<vmem>>, vector<16xi32>,
        %add3A_245 = arith.constant 96 : i32
        %add3A_246 = vector.broadcast %add3A_245 : i32 to vector<16xi32>
        %add3A_247 = arith.addi %add3A_246, %iota3A : vector<16xi32>
        %broadcast_in_dim3A_248 = arith.constant 0 : i32
        %broadcast_in_dim3A_249 = vector.broadcast %broadcast_in_dim3A_248 : i32 to vector<16xi32>
        %gather3A_250 = tpu.vector_load_idx %arg6[%add3A_247, %broadcast_in_dim3A_249] : memref<128x8xf32, #tpu.memory_space<vmem>>[vector<16xi32>, vector<16xi32>], vector<16xf32>,
        %broadcast_in_dim3A_251 = arith.constant 1 : i32
        %broadcast_in_dim3A_252 = vector.broadcast %broadcast_in_dim3A_251 : i32 to vector<16xi32>
        %gather3A_253 = tpu.vector_load_idx %arg6[%add3A_247, %broadcast_in_dim3A_252] : memref<128x8xf32, #tpu.memory_space<vmem>>[vector<16xi32>, vector<16xi32>], vector<16xf32>,
        %broadcast_in_dim3A_254 = arith.constant 2 : i32
        %broadcast_in_dim3A_255 = vector.broadcast %broadcast_in_dim3A_254 : i32 to vector<16xi32>
        %gather3A_256 = tpu.vector_load_idx %arg6[%add3A_247, %broadcast_in_dim3A_255] : memref<128x8xf32, #tpu.memory_space<vmem>>[vector<16xi32>, vector<16xi32>], vector<16xf32>,
        %broadcast_in_dim3A_257 = arith.constant 3 : i32
        %broadcast_in_dim3A_258 = vector.broadcast %broadcast_in_dim3A_257 : i32 to vector<16xi32>
        %gather3A_259 = tpu.vector_load_idx %arg6[%add3A_247, %broadcast_in_dim3A_258] : memref<128x8xf32, #tpu.memory_space<vmem>>[vector<16xi32>, vector<16xi32>], vector<16xf32>,
        %broadcast_in_dim3A_260 = arith.constant 4 : i32
        %broadcast_in_dim3A_261 = vector.broadcast %broadcast_in_dim3A_260 : i32 to vector<16xi32>
        %gather3A_262 = tpu.vector_load_idx %arg6[%add3A_247, %broadcast_in_dim3A_261] : memref<128x8xf32, #tpu.memory_space<vmem>>[vector<16xi32>, vector<16xi32>], vector<16xf32>,
        %broadcast_in_dim3A_263 = arith.constant 5 : i32
        %broadcast_in_dim3A_264 = vector.broadcast %broadcast_in_dim3A_263 : i32 to vector<16xi32>
        %gather3A_265 = tpu.vector_load_idx %arg6[%add3A_247, %broadcast_in_dim3A_264] : memref<128x8xf32, #tpu.memory_space<vmem>>[vector<16xi32>, vector<16xi32>], vector<16xf32>,
        %broadcast_in_dim3A_266 = arith.constant 6 : i32
        %broadcast_in_dim3A_267 = vector.broadcast %broadcast_in_dim3A_266 : i32 to vector<16xi32>
        %gather3A_268 = tpu.vector_load_idx %arg6[%add3A_247, %broadcast_in_dim3A_267] : memref<128x8xf32, #tpu.memory_space<vmem>>[vector<16xi32>, vector<16xi32>], vector<16xf32>,
        %broadcast_in_dim3A_269 = arith.constant 7 : i32
        %broadcast_in_dim3A_270 = vector.broadcast %broadcast_in_dim3A_269 : i32 to vector<16xi32>
        %gather3A_271 = tpu.vector_load_idx %arg6[%add3A_247, %broadcast_in_dim3A_270] : memref<128x8xf32, #tpu.memory_space<vmem>>[vector<16xi32>, vector<16xi32>], vector<16xf32>,
        tpu.vector_store_idx %arg8[%get3A_244], %gather3A_250 {add = true} : memref<10240xf32, #tpu.memory_space<vmem>>[vector<16xi32>], vector<16xf32>,
        tpu.vector_store_idx %arg9[%get3A_244], %gather3A_253 {add = true} : memref<10240xf32, #tpu.memory_space<vmem>>[vector<16xi32>], vector<16xf32>,
        tpu.vector_store_idx %arg10[%get3A_244], %gather3A_256 {add = true} : memref<10240xf32, #tpu.memory_space<vmem>>[vector<16xi32>], vector<16xf32>,
        tpu.vector_store_idx %arg11[%get3A_244], %gather3A_259 {add = true} : memref<10240xf32, #tpu.memory_space<vmem>>[vector<16xi32>], vector<16xf32>,
        tpu.vector_store_idx %arg12[%get3A_244], %gather3A_262 {add = true} : memref<10240xf32, #tpu.memory_space<vmem>>[vector<16xi32>], vector<16xf32>,
        tpu.vector_store_idx %arg13[%get3A_244], %gather3A_265 {add = true} : memref<10240xf32, #tpu.memory_space<vmem>>[vector<16xi32>], vector<16xf32>,
        tpu.vector_store_idx %arg14[%get3A_244], %gather3A_268 {add = true} : memref<10240xf32, #tpu.memory_space<vmem>>[vector<16xi32>], vector<16xf32>,
        tpu.vector_store_idx %arg15[%get3A_244], %gather3A_271 {add = true} : memref<10240xf32, #tpu.memory_space<vmem>>[vector<16xi32>], vector<16xf32>,
        %get3A_272 = arith.constant 1 : i32
        %get3A_273 = arith.index_cast %mul3A_35 : i32 to index
        %get3A_274 = arith.index_cast %get3A_272 : i32 to index
        %get3A_275 = arith.constant 112 : index
        %get3A_276 = tpu.vector_load %arg5[%get3A_273, %get3A_274, %get3A_275] {strides = array<i32>} : memref<50x2x128xi32, #tpu.memory_space<vmem>>, vector<16xi32>,
        %add3A_277 = arith.constant 112 : i32
        %add3A_278 = vector.broadcast %add3A_277 : i32 to vector<16xi32>
        %add3A_279 = arith.addi %add3A_278, %iota3A : vector<16xi32>
        %broadcast_in_dim3A_280 = arith.constant 0 : i32
        %broadcast_in_dim3A_281 = vector.broadcast %broadcast_in_dim3A_280 : i32 to vector<16xi32>
        %gather3A_282 = tpu.vector_load_idx %arg6[%add3A_279, %broadcast_in_dim3A_281] : memref<128x8xf32, #tpu.memory_space<vmem>>[vector<16xi32>, vector<16xi32>], vector<16xf32>,
        %broadcast_in_dim3A_283 = arith.constant 1 : i32
        %broadcast_in_dim3A_284 = vector.broadcast %broadcast_in_dim3A_283 : i32 to vector<16xi32>
        %gather3A_285 = tpu.vector_load_idx %arg6[%add3A_279, %broadcast_in_dim3A_284] : memref<128x8xf32, #tpu.memory_space<vmem>>[vector<16xi32>, vector<16xi32>], vector<16xf32>,
        %broadcast_in_dim3A_286 = arith.constant 2 : i32
        %broadcast_in_dim3A_287 = vector.broadcast %broadcast_in_dim3A_286 : i32 to vector<16xi32>
        %gather3A_288 = tpu.vector_load_idx %arg6[%add3A_279, %broadcast_in_dim3A_287] : memref<128x8xf32, #tpu.memory_space<vmem>>[vector<16xi32>, vector<16xi32>], vector<16xf32>,
        %broadcast_in_dim3A_289 = arith.constant 3 : i32
        %broadcast_in_dim3A_290 = vector.broadcast %broadcast_in_dim3A_289 : i32 to vector<16xi32>
        %gather3A_291 = tpu.vector_load_idx %arg6[%add3A_279, %broadcast_in_dim3A_290] : memref<128x8xf32, #tpu.memory_space<vmem>>[vector<16xi32>, vector<16xi32>], vector<16xf32>,
        %broadcast_in_dim3A_292 = arith.constant 4 : i32
        %broadcast_in_dim3A_293 = vector.broadcast %broadcast_in_dim3A_292 : i32 to vector<16xi32>
        %gather3A_294 = tpu.vector_load_idx %arg6[%add3A_279, %broadcast_in_dim3A_293] : memref<128x8xf32, #tpu.memory_space<vmem>>[vector<16xi32>, vector<16xi32>], vector<16xf32>,
        %broadcast_in_dim3A_295 = arith.constant 5 : i32
        %broadcast_in_dim3A_296 = vector.broadcast %broadcast_in_dim3A_295 : i32 to vector<16xi32>
        %gather3A_297 = tpu.vector_load_idx %arg6[%add3A_279, %broadcast_in_dim3A_296] : memref<128x8xf32, #tpu.memory_space<vmem>>[vector<16xi32>, vector<16xi32>], vector<16xf32>,
        %broadcast_in_dim3A_298 = arith.constant 6 : i32
        %broadcast_in_dim3A_299 = vector.broadcast %broadcast_in_dim3A_298 : i32 to vector<16xi32>
        %gather3A_300 = tpu.vector_load_idx %arg6[%add3A_279, %broadcast_in_dim3A_299] : memref<128x8xf32, #tpu.memory_space<vmem>>[vector<16xi32>, vector<16xi32>], vector<16xf32>,
        %broadcast_in_dim3A_301 = arith.constant 7 : i32
        %broadcast_in_dim3A_302 = vector.broadcast %broadcast_in_dim3A_301 : i32 to vector<16xi32>
        %gather3A_303 = tpu.vector_load_idx %arg6[%add3A_279, %broadcast_in_dim3A_302] : memref<128x8xf32, #tpu.memory_space<vmem>>[vector<16xi32>, vector<16xi32>], vector<16xf32>,
        tpu.vector_store_idx %arg8[%get3A_276], %gather3A_282 {add = true} : memref<10240xf32, #tpu.memory_space<vmem>>[vector<16xi32>], vector<16xf32>,
        tpu.vector_store_idx %arg9[%get3A_276], %gather3A_285 {add = true} : memref<10240xf32, #tpu.memory_space<vmem>>[vector<16xi32>], vector<16xf32>,
        tpu.vector_store_idx %arg10[%get3A_276], %gather3A_288 {add = true} : memref<10240xf32, #tpu.memory_space<vmem>>[vector<16xi32>], vector<16xf32>,
        tpu.vector_store_idx %arg11[%get3A_276], %gather3A_291 {add = true} : memref<10240xf32, #tpu.memory_space<vmem>>[vector<16xi32>], vector<16xf32>,
        tpu.vector_store_idx %arg12[%get3A_276], %gather3A_294 {add = true} : memref<10240xf32, #tpu.memory_space<vmem>>[vector<16xi32>], vector<16xf32>,
        tpu.vector_store_idx %arg13[%get3A_276], %gather3A_297 {add = true} : memref<10240xf32, #tpu.memory_space<vmem>>[vector<16xi32>], vector<16xf32>,
        tpu.vector_store_idx %arg14[%get3A_276], %gather3A_300 {add = true} : memref<10240xf32, #tpu.memory_space<vmem>>[vector<16xi32>], vector<16xf32>,
        tpu.vector_store_idx %arg15[%get3A_276], %gather3A_303 {add = true} : memref<10240xf32, #tpu.memory_space<vmem>>[vector<16xi32>], vector<16xf32>,
        %lt3A = arith.constant 24 : i32
        %lt3A_304 = arith.cmpi slt, %scan3A_33, %lt3A : i32
        %convert_element_type3A = arith.extui %lt3A_304 : i1 to i32
        %cond3A = arith.constant 0 : i32
        %cond3A_305 = arith.cmpi ne, %convert_element_type3A, %cond3A : i32
        scf.if %cond3A_305 {
          %add3A_573 = arith.constant 2 : i32
          %add3A_574 = arith.addi %mul3A_35, %add3A_573 : i32
          %dma_start3A_575 = arith.constant 0 : i32
          %dma_start3A_576 = arith.constant 0 : i32
          %dma_start3A_577 = tpu.memref_slice %arg5[%add3A_574, %dma_start3A_575, %dma_start3A_576] : memref<50x2x128xi32, #tpu.memory_space<vmem>> -> memref<1x1x128xi32, #tpu.memory_space<vmem>>
          %dma_start3A_578 = tpu.memref_squeeze %dma_start3A_577 : memref<1x1x128xi32, #tpu.memory_space<vmem>> -> memref<128xi32, #tpu.memory_space<vmem>>
          %dma_start3A_579 = arith.constant 0 : i32
          %dma_start3A_580 = arith.constant 0 : i32
          %dma_start3A_581 = tpu.memref_slice %arg2[%dma_start3A_579, %dma_start3A_580] : memref<160000x8xf32, #tpu.memory_space<hbm>> -> memref<160000x8xf32, #tpu.memory_space<hbm>>
          tpu.enqueue_indirect_dma source(%dma_start3A_581 : memref<160000x8xf32, #tpu.memory_space<hbm>>) target(%arg6 : memref<128x8xf32, #tpu.memory_space<vmem>>) offsets(%dma_start3A_578 : memref<128xi32, #tpu.memory_space<vmem>>) semaphore(%arg16 : memref<!tpu.dma_semaphore, #tpu.memory_space<semaphore_mem>>)
        } else {
        }
        %add3A_306 = arith.constant 1 : i32
        %add3A_307 = arith.addi %mul3A_35, %add3A_306 : i32
        %dma_wait3A_308 = arith.constant 0 : i32
        %dma_wait3A_309 = arith.constant 0 : i32
        %dma_wait3A_310 = tpu.memref_slice %arg5[%add3A_307, %dma_wait3A_308, %dma_wait3A_309] : memref<50x2x128xi32, #tpu.memory_space<vmem>> -> memref<1x1x128xi32, #tpu.memory_space<vmem>>
        %dma_wait3A_311 = tpu.memref_squeeze %dma_wait3A_310 : memref<1x1x128xi32, #tpu.memory_space<vmem>> -> memref<128xi32, #tpu.memory_space<vmem>>
        %dma_wait3A_312 = arith.constant 0 : i32
        %dma_wait3A_313 = arith.constant 0 : i32
        %dma_wait3A_314 = tpu.memref_slice %arg2[%dma_wait3A_312, %dma_wait3A_313] : memref<160000x8xf32, #tpu.memory_space<hbm>> -> memref<160000x8xf32, #tpu.memory_space<hbm>>
        tpu.wait_indirect_dma semaphore(%arg17 : memref<!tpu.dma_semaphore, #tpu.memory_space<semaphore_mem>>) src(%dma_wait3A_314 : memref<160000x8xf32, #tpu.memory_space<hbm>>) dst(%arg7 : memref<128x8xf32, #tpu.memory_space<vmem>>)
        %add3A_315 = arith.constant 1 : i32
        %add3A_316 = arith.addi %mul3A_35, %add3A_315 : i32
        %get3A_317 = arith.constant 1 : i32
        %get3A_318 = arith.index_cast %add3A_316 : i32 to index
        %get3A_319 = arith.index_cast %get3A_317 : i32 to index
        %get3A_320 = arith.constant 0 : index
        %get3A_321 = tpu.vector_load %arg5[%get3A_318, %get3A_319, %get3A_320] {strides = array<i32>} : memref<50x2x128xi32, #tpu.memory_space<vmem>>, vector<16xi32>,
        %add3A_322 = arith.constant 0 : i32
        %add3A_323 = vector.broadcast %add3A_322 : i32 to vector<16xi32>
        %add3A_324 = arith.addi %add3A_323, %iota3A : vector<16xi32>
        %broadcast_in_dim3A_325 = arith.constant 0 : i32
        %broadcast_in_dim3A_326 = vector.broadcast %broadcast_in_dim3A_325 : i32 to vector<16xi32>
        %gather3A_327 = tpu.vector_load_idx %arg7[%add3A_324, %broadcast_in_dim3A_326] : memref<128x8xf32, #tpu.memory_space<vmem>>[vector<16xi32>, vector<16xi32>], vector<16xf32>,
        %broadcast_in_dim3A_328 = arith.constant 1 : i32
        %broadcast_in_dim3A_329 = vector.broadcast %broadcast_in_dim3A_328 : i32 to vector<16xi32>
        %gather3A_330 = tpu.vector_load_idx %arg7[%add3A_324, %broadcast_in_dim3A_329] : memref<128x8xf32, #tpu.memory_space<vmem>>[vector<16xi32>, vector<16xi32>], vector<16xf32>,
        %broadcast_in_dim3A_331 = arith.constant 2 : i32
        %broadcast_in_dim3A_332 = vector.broadcast %broadcast_in_dim3A_331 : i32 to vector<16xi32>
        %gather3A_333 = tpu.vector_load_idx %arg7[%add3A_324, %broadcast_in_dim3A_332] : memref<128x8xf32, #tpu.memory_space<vmem>>[vector<16xi32>, vector<16xi32>], vector<16xf32>,
        %broadcast_in_dim3A_334 = arith.constant 3 : i32
        %broadcast_in_dim3A_335 = vector.broadcast %broadcast_in_dim3A_334 : i32 to vector<16xi32>
        %gather3A_336 = tpu.vector_load_idx %arg7[%add3A_324, %broadcast_in_dim3A_335] : memref<128x8xf32, #tpu.memory_space<vmem>>[vector<16xi32>, vector<16xi32>], vector<16xf32>,
        %broadcast_in_dim3A_337 = arith.constant 4 : i32
        %broadcast_in_dim3A_338 = vector.broadcast %broadcast_in_dim3A_337 : i32 to vector<16xi32>
        %gather3A_339 = tpu.vector_load_idx %arg7[%add3A_324, %broadcast_in_dim3A_338] : memref<128x8xf32, #tpu.memory_space<vmem>>[vector<16xi32>, vector<16xi32>], vector<16xf32>,
        %broadcast_in_dim3A_340 = arith.constant 5 : i32
        %broadcast_in_dim3A_341 = vector.broadcast %broadcast_in_dim3A_340 : i32 to vector<16xi32>
        %gather3A_342 = tpu.vector_load_idx %arg7[%add3A_324, %broadcast_in_dim3A_341] : memref<128x8xf32, #tpu.memory_space<vmem>>[vector<16xi32>, vector<16xi32>], vector<16xf32>,
        %broadcast_in_dim3A_343 = arith.constant 6 : i32
        %broadcast_in_dim3A_344 = vector.broadcast %broadcast_in_dim3A_343 : i32 to vector<16xi32>
        %gather3A_345 = tpu.vector_load_idx %arg7[%add3A_324, %broadcast_in_dim3A_344] : memref<128x8xf32, #tpu.memory_space<vmem>>[vector<16xi32>, vector<16xi32>], vector<16xf32>,
        %broadcast_in_dim3A_346 = arith.constant 7 : i32
        %broadcast_in_dim3A_347 = vector.broadcast %broadcast_in_dim3A_346 : i32 to vector<16xi32>
        %gather3A_348 = tpu.vector_load_idx %arg7[%add3A_324, %broadcast_in_dim3A_347] : memref<128x8xf32, #tpu.memory_space<vmem>>[vector<16xi32>, vector<16xi32>], vector<16xf32>,
        tpu.vector_store_idx %arg8[%get3A_321], %gather3A_327 {add = true} : memref<10240xf32, #tpu.memory_space<vmem>>[vector<16xi32>], vector<16xf32>,
        tpu.vector_store_idx %arg9[%get3A_321], %gather3A_330 {add = true} : memref<10240xf32, #tpu.memory_space<vmem>>[vector<16xi32>], vector<16xf32>,
        tpu.vector_store_idx %arg10[%get3A_321], %gather3A_333 {add = true} : memref<10240xf32, #tpu.memory_space<vmem>>[vector<16xi32>], vector<16xf32>,
        tpu.vector_store_idx %arg11[%get3A_321], %gather3A_336 {add = true} : memref<10240xf32, #tpu.memory_space<vmem>>[vector<16xi32>], vector<16xf32>,
        tpu.vector_store_idx %arg12[%get3A_321], %gather3A_339 {add = true} : memref<10240xf32, #tpu.memory_space<vmem>>[vector<16xi32>], vector<16xf32>,
        tpu.vector_store_idx %arg13[%get3A_321], %gather3A_342 {add = true} : memref<10240xf32, #tpu.memory_space<vmem>>[vector<16xi32>], vector<16xf32>,
        tpu.vector_store_idx %arg14[%get3A_321], %gather3A_345 {add = true} : memref<10240xf32, #tpu.memory_space<vmem>>[vector<16xi32>], vector<16xf32>,
        tpu.vector_store_idx %arg15[%get3A_321], %gather3A_348 {add = true} : memref<10240xf32, #tpu.memory_space<vmem>>[vector<16xi32>], vector<16xf32>,
        %get3A_349 = arith.constant 1 : i32
        %get3A_350 = arith.index_cast %add3A_316 : i32 to index
        %get3A_351 = arith.index_cast %get3A_349 : i32 to index
        %get3A_352 = arith.constant 16 : index
        %get3A_353 = tpu.vector_load %arg5[%get3A_350, %get3A_351, %get3A_352] {strides = array<i32>} : memref<50x2x128xi32, #tpu.memory_space<vmem>>, vector<16xi32>,
        %add3A_354 = arith.constant 16 : i32
        %add3A_355 = vector.broadcast %add3A_354 : i32 to vector<16xi32>
        %add3A_356 = arith.addi %add3A_355, %iota3A : vector<16xi32>
        %broadcast_in_dim3A_357 = arith.constant 0 : i32
        %broadcast_in_dim3A_358 = vector.broadcast %broadcast_in_dim3A_357 : i32 to vector<16xi32>
        %gather3A_359 = tpu.vector_load_idx %arg7[%add3A_356, %broadcast_in_dim3A_358] : memref<128x8xf32, #tpu.memory_space<vmem>>[vector<16xi32>, vector<16xi32>], vector<16xf32>,
        %broadcast_in_dim3A_360 = arith.constant 1 : i32
        %broadcast_in_dim3A_361 = vector.broadcast %broadcast_in_dim3A_360 : i32 to vector<16xi32>
        %gather3A_362 = tpu.vector_load_idx %arg7[%add3A_356, %broadcast_in_dim3A_361] : memref<128x8xf32, #tpu.memory_space<vmem>>[vector<16xi32>, vector<16xi32>], vector<16xf32>,
        %broadcast_in_dim3A_363 = arith.constant 2 : i32
        %broadcast_in_dim3A_364 = vector.broadcast %broadcast_in_dim3A_363 : i32 to vector<16xi32>
        %gather3A_365 = tpu.vector_load_idx %arg7[%add3A_356, %broadcast_in_dim3A_364] : memref<128x8xf32, #tpu.memory_space<vmem>>[vector<16xi32>, vector<16xi32>], vector<16xf32>,
        %broadcast_in_dim3A_366 = arith.constant 3 : i32
        %broadcast_in_dim3A_367 = vector.broadcast %broadcast_in_dim3A_366 : i32 to vector<16xi32>
        %gather3A_368 = tpu.vector_load_idx %arg7[%add3A_356, %broadcast_in_dim3A_367] : memref<128x8xf32, #tpu.memory_space<vmem>>[vector<16xi32>, vector<16xi32>], vector<16xf32>,
        %broadcast_in_dim3A_369 = arith.constant 4 : i32
        %broadcast_in_dim3A_370 = vector.broadcast %broadcast_in_dim3A_369 : i32 to vector<16xi32>
        %gather3A_371 = tpu.vector_load_idx %arg7[%add3A_356, %broadcast_in_dim3A_370] : memref<128x8xf32, #tpu.memory_space<vmem>>[vector<16xi32>, vector<16xi32>], vector<16xf32>,
        %broadcast_in_dim3A_372 = arith.constant 5 : i32
        %broadcast_in_dim3A_373 = vector.broadcast %broadcast_in_dim3A_372 : i32 to vector<16xi32>
        %gather3A_374 = tpu.vector_load_idx %arg7[%add3A_356, %broadcast_in_dim3A_373] : memref<128x8xf32, #tpu.memory_space<vmem>>[vector<16xi32>, vector<16xi32>], vector<16xf32>,
        %broadcast_in_dim3A_375 = arith.constant 6 : i32
        %broadcast_in_dim3A_376 = vector.broadcast %broadcast_in_dim3A_375 : i32 to vector<16xi32>
        %gather3A_377 = tpu.vector_load_idx %arg7[%add3A_356, %broadcast_in_dim3A_376] : memref<128x8xf32, #tpu.memory_space<vmem>>[vector<16xi32>, vector<16xi32>], vector<16xf32>,
        %broadcast_in_dim3A_378 = arith.constant 7 : i32
        %broadcast_in_dim3A_379 = vector.broadcast %broadcast_in_dim3A_378 : i32 to vector<16xi32>
        %gather3A_380 = tpu.vector_load_idx %arg7[%add3A_356, %broadcast_in_dim3A_379] : memref<128x8xf32, #tpu.memory_space<vmem>>[vector<16xi32>, vector<16xi32>], vector<16xf32>,
        tpu.vector_store_idx %arg8[%get3A_353], %gather3A_359 {add = true} : memref<10240xf32, #tpu.memory_space<vmem>>[vector<16xi32>], vector<16xf32>,
        tpu.vector_store_idx %arg9[%get3A_353], %gather3A_362 {add = true} : memref<10240xf32, #tpu.memory_space<vmem>>[vector<16xi32>], vector<16xf32>,
        tpu.vector_store_idx %arg10[%get3A_353], %gather3A_365 {add = true} : memref<10240xf32, #tpu.memory_space<vmem>>[vector<16xi32>], vector<16xf32>,
        tpu.vector_store_idx %arg11[%get3A_353], %gather3A_368 {add = true} : memref<10240xf32, #tpu.memory_space<vmem>>[vector<16xi32>], vector<16xf32>,
        tpu.vector_store_idx %arg12[%get3A_353], %gather3A_371 {add = true} : memref<10240xf32, #tpu.memory_space<vmem>>[vector<16xi32>], vector<16xf32>,
        tpu.vector_store_idx %arg13[%get3A_353], %gather3A_374 {add = true} : memref<10240xf32, #tpu.memory_space<vmem>>[vector<16xi32>], vector<16xf32>,
        tpu.vector_store_idx %arg14[%get3A_353], %gather3A_377 {add = true} : memref<10240xf32, #tpu.memory_space<vmem>>[vector<16xi32>], vector<16xf32>,
        tpu.vector_store_idx %arg15[%get3A_353], %gather3A_380 {add = true} : memref<10240xf32, #tpu.memory_space<vmem>>[vector<16xi32>], vector<16xf32>,
        %get3A_381 = arith.constant 1 : i32
        %get3A_382 = arith.index_cast %add3A_316 : i32 to index
        %get3A_383 = arith.index_cast %get3A_381 : i32 to index
        %get3A_384 = arith.constant 32 : index
        %get3A_385 = tpu.vector_load %arg5[%get3A_382, %get3A_383, %get3A_384] {strides = array<i32>} : memref<50x2x128xi32, #tpu.memory_space<vmem>>, vector<16xi32>,
        %add3A_386 = arith.constant 32 : i32
        %add3A_387 = vector.broadcast %add3A_386 : i32 to vector<16xi32>
        %add3A_388 = arith.addi %add3A_387, %iota3A : vector<16xi32>
        %broadcast_in_dim3A_389 = arith.constant 0 : i32
        %broadcast_in_dim3A_390 = vector.broadcast %broadcast_in_dim3A_389 : i32 to vector<16xi32>
        %gather3A_391 = tpu.vector_load_idx %arg7[%add3A_388, %broadcast_in_dim3A_390] : memref<128x8xf32, #tpu.memory_space<vmem>>[vector<16xi32>, vector<16xi32>], vector<16xf32>,
        %broadcast_in_dim3A_392 = arith.constant 1 : i32
        %broadcast_in_dim3A_393 = vector.broadcast %broadcast_in_dim3A_392 : i32 to vector<16xi32>
        %gather3A_394 = tpu.vector_load_idx %arg7[%add3A_388, %broadcast_in_dim3A_393] : memref<128x8xf32, #tpu.memory_space<vmem>>[vector<16xi32>, vector<16xi32>], vector<16xf32>,
        %broadcast_in_dim3A_395 = arith.constant 2 : i32
        %broadcast_in_dim3A_396 = vector.broadcast %broadcast_in_dim3A_395 : i32 to vector<16xi32>
        %gather3A_397 = tpu.vector_load_idx %arg7[%add3A_388, %broadcast_in_dim3A_396] : memref<128x8xf32, #tpu.memory_space<vmem>>[vector<16xi32>, vector<16xi32>], vector<16xf32>,
        %broadcast_in_dim3A_398 = arith.constant 3 : i32
        %broadcast_in_dim3A_399 = vector.broadcast %broadcast_in_dim3A_398 : i32 to vector<16xi32>
        %gather3A_400 = tpu.vector_load_idx %arg7[%add3A_388, %broadcast_in_dim3A_399] : memref<128x8xf32, #tpu.memory_space<vmem>>[vector<16xi32>, vector<16xi32>], vector<16xf32>,
        %broadcast_in_dim3A_401 = arith.constant 4 : i32
        %broadcast_in_dim3A_402 = vector.broadcast %broadcast_in_dim3A_401 : i32 to vector<16xi32>
        %gather3A_403 = tpu.vector_load_idx %arg7[%add3A_388, %broadcast_in_dim3A_402] : memref<128x8xf32, #tpu.memory_space<vmem>>[vector<16xi32>, vector<16xi32>], vector<16xf32>,
        %broadcast_in_dim3A_404 = arith.constant 5 : i32
        %broadcast_in_dim3A_405 = vector.broadcast %broadcast_in_dim3A_404 : i32 to vector<16xi32>
        %gather3A_406 = tpu.vector_load_idx %arg7[%add3A_388, %broadcast_in_dim3A_405] : memref<128x8xf32, #tpu.memory_space<vmem>>[vector<16xi32>, vector<16xi32>], vector<16xf32>,
        %broadcast_in_dim3A_407 = arith.constant 6 : i32
        %broadcast_in_dim3A_408 = vector.broadcast %broadcast_in_dim3A_407 : i32 to vector<16xi32>
        %gather3A_409 = tpu.vector_load_idx %arg7[%add3A_388, %broadcast_in_dim3A_408] : memref<128x8xf32, #tpu.memory_space<vmem>>[vector<16xi32>, vector<16xi32>], vector<16xf32>,
        %broadcast_in_dim3A_410 = arith.constant 7 : i32
        %broadcast_in_dim3A_411 = vector.broadcast %broadcast_in_dim3A_410 : i32 to vector<16xi32>
        %gather3A_412 = tpu.vector_load_idx %arg7[%add3A_388, %broadcast_in_dim3A_411] : memref<128x8xf32, #tpu.memory_space<vmem>>[vector<16xi32>, vector<16xi32>], vector<16xf32>,
        tpu.vector_store_idx %arg8[%get3A_385], %gather3A_391 {add = true} : memref<10240xf32, #tpu.memory_space<vmem>>[vector<16xi32>], vector<16xf32>,
        tpu.vector_store_idx %arg9[%get3A_385], %gather3A_394 {add = true} : memref<10240xf32, #tpu.memory_space<vmem>>[vector<16xi32>], vector<16xf32>,
        tpu.vector_store_idx %arg10[%get3A_385], %gather3A_397 {add = true} : memref<10240xf32, #tpu.memory_space<vmem>>[vector<16xi32>], vector<16xf32>,
        tpu.vector_store_idx %arg11[%get3A_385], %gather3A_400 {add = true} : memref<10240xf32, #tpu.memory_space<vmem>>[vector<16xi32>], vector<16xf32>,
        tpu.vector_store_idx %arg12[%get3A_385], %gather3A_403 {add = true} : memref<10240xf32, #tpu.memory_space<vmem>>[vector<16xi32>], vector<16xf32>,
        tpu.vector_store_idx %arg13[%get3A_385], %gather3A_406 {add = true} : memref<10240xf32, #tpu.memory_space<vmem>>[vector<16xi32>], vector<16xf32>,
        tpu.vector_store_idx %arg14[%get3A_385], %gather3A_409 {add = true} : memref<10240xf32, #tpu.memory_space<vmem>>[vector<16xi32>], vector<16xf32>,
        tpu.vector_store_idx %arg15[%get3A_385], %gather3A_412 {add = true} : memref<10240xf32, #tpu.memory_space<vmem>>[vector<16xi32>], vector<16xf32>,
        %get3A_413 = arith.constant 1 : i32
        %get3A_414 = arith.index_cast %add3A_316 : i32 to index
        %get3A_415 = arith.index_cast %get3A_413 : i32 to index
        %get3A_416 = arith.constant 48 : index
        %get3A_417 = tpu.vector_load %arg5[%get3A_414, %get3A_415, %get3A_416] {strides = array<i32>} : memref<50x2x128xi32, #tpu.memory_space<vmem>>, vector<16xi32>,
        %add3A_418 = arith.constant 48 : i32
        %add3A_419 = vector.broadcast %add3A_418 : i32 to vector<16xi32>
        %add3A_420 = arith.addi %add3A_419, %iota3A : vector<16xi32>
        %broadcast_in_dim3A_421 = arith.constant 0 : i32
        %broadcast_in_dim3A_422 = vector.broadcast %broadcast_in_dim3A_421 : i32 to vector<16xi32>
        %gather3A_423 = tpu.vector_load_idx %arg7[%add3A_420, %broadcast_in_dim3A_422] : memref<128x8xf32, #tpu.memory_space<vmem>>[vector<16xi32>, vector<16xi32>], vector<16xf32>,
        %broadcast_in_dim3A_424 = arith.constant 1 : i32
        %broadcast_in_dim3A_425 = vector.broadcast %broadcast_in_dim3A_424 : i32 to vector<16xi32>
        %gather3A_426 = tpu.vector_load_idx %arg7[%add3A_420, %broadcast_in_dim3A_425] : memref<128x8xf32, #tpu.memory_space<vmem>>[vector<16xi32>, vector<16xi32>], vector<16xf32>,
        %broadcast_in_dim3A_427 = arith.constant 2 : i32
        %broadcast_in_dim3A_428 = vector.broadcast %broadcast_in_dim3A_427 : i32 to vector<16xi32>
        %gather3A_429 = tpu.vector_load_idx %arg7[%add3A_420, %broadcast_in_dim3A_428] : memref<128x8xf32, #tpu.memory_space<vmem>>[vector<16xi32>, vector<16xi32>], vector<16xf32>,
        %broadcast_in_dim3A_430 = arith.constant 3 : i32
        %broadcast_in_dim3A_431 = vector.broadcast %broadcast_in_dim3A_430 : i32 to vector<16xi32>
        %gather3A_432 = tpu.vector_load_idx %arg7[%add3A_420, %broadcast_in_dim3A_431] : memref<128x8xf32, #tpu.memory_space<vmem>>[vector<16xi32>, vector<16xi32>], vector<16xf32>,
        %broadcast_in_dim3A_433 = arith.constant 4 : i32
        %broadcast_in_dim3A_434 = vector.broadcast %broadcast_in_dim3A_433 : i32 to vector<16xi32>
        %gather3A_435 = tpu.vector_load_idx %arg7[%add3A_420, %broadcast_in_dim3A_434] : memref<128x8xf32, #tpu.memory_space<vmem>>[vector<16xi32>, vector<16xi32>], vector<16xf32>,
        %broadcast_in_dim3A_436 = arith.constant 5 : i32
        %broadcast_in_dim3A_437 = vector.broadcast %broadcast_in_dim3A_436 : i32 to vector<16xi32>
        %gather3A_438 = tpu.vector_load_idx %arg7[%add3A_420, %broadcast_in_dim3A_437] : memref<128x8xf32, #tpu.memory_space<vmem>>[vector<16xi32>, vector<16xi32>], vector<16xf32>,
        %broadcast_in_dim3A_439 = arith.constant 6 : i32
        %broadcast_in_dim3A_440 = vector.broadcast %broadcast_in_dim3A_439 : i32 to vector<16xi32>
        %gather3A_441 = tpu.vector_load_idx %arg7[%add3A_420, %broadcast_in_dim3A_440] : memref<128x8xf32, #tpu.memory_space<vmem>>[vector<16xi32>, vector<16xi32>], vector<16xf32>,
        %broadcast_in_dim3A_442 = arith.constant 7 : i32
        %broadcast_in_dim3A_443 = vector.broadcast %broadcast_in_dim3A_442 : i32 to vector<16xi32>
        %gather3A_444 = tpu.vector_load_idx %arg7[%add3A_420, %broadcast_in_dim3A_443] : memref<128x8xf32, #tpu.memory_space<vmem>>[vector<16xi32>, vector<16xi32>], vector<16xf32>,
        tpu.vector_store_idx %arg8[%get3A_417], %gather3A_423 {add = true} : memref<10240xf32, #tpu.memory_space<vmem>>[vector<16xi32>], vector<16xf32>,
        tpu.vector_store_idx %arg9[%get3A_417], %gather3A_426 {add = true} : memref<10240xf32, #tpu.memory_space<vmem>>[vector<16xi32>], vector<16xf32>,
        tpu.vector_store_idx %arg10[%get3A_417], %gather3A_429 {add = true} : memref<10240xf32, #tpu.memory_space<vmem>>[vector<16xi32>], vector<16xf32>,
        tpu.vector_store_idx %arg11[%get3A_417], %gather3A_432 {add = true} : memref<10240xf32, #tpu.memory_space<vmem>>[vector<16xi32>], vector<16xf32>,
        tpu.vector_store_idx %arg12[%get3A_417], %gather3A_435 {add = true} : memref<10240xf32, #tpu.memory_space<vmem>>[vector<16xi32>], vector<16xf32>,
        tpu.vector_store_idx %arg13[%get3A_417], %gather3A_438 {add = true} : memref<10240xf32, #tpu.memory_space<vmem>>[vector<16xi32>], vector<16xf32>,
        tpu.vector_store_idx %arg14[%get3A_417], %gather3A_441 {add = true} : memref<10240xf32, #tpu.memory_space<vmem>>[vector<16xi32>], vector<16xf32>,
        tpu.vector_store_idx %arg15[%get3A_417], %gather3A_444 {add = true} : memref<10240xf32, #tpu.memory_space<vmem>>[vector<16xi32>], vector<16xf32>,
        %get3A_445 = arith.constant 1 : i32
        %get3A_446 = arith.index_cast %add3A_316 : i32 to index
        %get3A_447 = arith.index_cast %get3A_445 : i32 to index
        %get3A_448 = arith.constant 64 : index
        %get3A_449 = tpu.vector_load %arg5[%get3A_446, %get3A_447, %get3A_448] {strides = array<i32>} : memref<50x2x128xi32, #tpu.memory_space<vmem>>, vector<16xi32>,
        %add3A_450 = arith.constant 64 : i32
        %add3A_451 = vector.broadcast %add3A_450 : i32 to vector<16xi32>
        %add3A_452 = arith.addi %add3A_451, %iota3A : vector<16xi32>
        %broadcast_in_dim3A_453 = arith.constant 0 : i32
        %broadcast_in_dim3A_454 = vector.broadcast %broadcast_in_dim3A_453 : i32 to vector<16xi32>
        %gather3A_455 = tpu.vector_load_idx %arg7[%add3A_452, %broadcast_in_dim3A_454] : memref<128x8xf32, #tpu.memory_space<vmem>>[vector<16xi32>, vector<16xi32>], vector<16xf32>,
        %broadcast_in_dim3A_456 = arith.constant 1 : i32
        %broadcast_in_dim3A_457 = vector.broadcast %broadcast_in_dim3A_456 : i32 to vector<16xi32>
        %gather3A_458 = tpu.vector_load_idx %arg7[%add3A_452, %broadcast_in_dim3A_457] : memref<128x8xf32, #tpu.memory_space<vmem>>[vector<16xi32>, vector<16xi32>], vector<16xf32>,
        %broadcast_in_dim3A_459 = arith.constant 2 : i32
        %broadcast_in_dim3A_460 = vector.broadcast %broadcast_in_dim3A_459 : i32 to vector<16xi32>
        %gather3A_461 = tpu.vector_load_idx %arg7[%add3A_452, %broadcast_in_dim3A_460] : memref<128x8xf32, #tpu.memory_space<vmem>>[vector<16xi32>, vector<16xi32>], vector<16xf32>,
        %broadcast_in_dim3A_462 = arith.constant 3 : i32
        %broadcast_in_dim3A_463 = vector.broadcast %broadcast_in_dim3A_462 : i32 to vector<16xi32>
        %gather3A_464 = tpu.vector_load_idx %arg7[%add3A_452, %broadcast_in_dim3A_463] : memref<128x8xf32, #tpu.memory_space<vmem>>[vector<16xi32>, vector<16xi32>], vector<16xf32>,
        %broadcast_in_dim3A_465 = arith.constant 4 : i32
        %broadcast_in_dim3A_466 = vector.broadcast %broadcast_in_dim3A_465 : i32 to vector<16xi32>
        %gather3A_467 = tpu.vector_load_idx %arg7[%add3A_452, %broadcast_in_dim3A_466] : memref<128x8xf32, #tpu.memory_space<vmem>>[vector<16xi32>, vector<16xi32>], vector<16xf32>,
        %broadcast_in_dim3A_468 = arith.constant 5 : i32
        %broadcast_in_dim3A_469 = vector.broadcast %broadcast_in_dim3A_468 : i32 to vector<16xi32>
        %gather3A_470 = tpu.vector_load_idx %arg7[%add3A_452, %broadcast_in_dim3A_469] : memref<128x8xf32, #tpu.memory_space<vmem>>[vector<16xi32>, vector<16xi32>], vector<16xf32>,
        %broadcast_in_dim3A_471 = arith.constant 6 : i32
        %broadcast_in_dim3A_472 = vector.broadcast %broadcast_in_dim3A_471 : i32 to vector<16xi32>
        %gather3A_473 = tpu.vector_load_idx %arg7[%add3A_452, %broadcast_in_dim3A_472] : memref<128x8xf32, #tpu.memory_space<vmem>>[vector<16xi32>, vector<16xi32>], vector<16xf32>,
        %broadcast_in_dim3A_474 = arith.constant 7 : i32
        %broadcast_in_dim3A_475 = vector.broadcast %broadcast_in_dim3A_474 : i32 to vector<16xi32>
        %gather3A_476 = tpu.vector_load_idx %arg7[%add3A_452, %broadcast_in_dim3A_475] : memref<128x8xf32, #tpu.memory_space<vmem>>[vector<16xi32>, vector<16xi32>], vector<16xf32>,
        tpu.vector_store_idx %arg8[%get3A_449], %gather3A_455 {add = true} : memref<10240xf32, #tpu.memory_space<vmem>>[vector<16xi32>], vector<16xf32>,
        tpu.vector_store_idx %arg9[%get3A_449], %gather3A_458 {add = true} : memref<10240xf32, #tpu.memory_space<vmem>>[vector<16xi32>], vector<16xf32>,
        tpu.vector_store_idx %arg10[%get3A_449], %gather3A_461 {add = true} : memref<10240xf32, #tpu.memory_space<vmem>>[vector<16xi32>], vector<16xf32>,
        tpu.vector_store_idx %arg11[%get3A_449], %gather3A_464 {add = true} : memref<10240xf32, #tpu.memory_space<vmem>>[vector<16xi32>], vector<16xf32>,
        tpu.vector_store_idx %arg12[%get3A_449], %gather3A_467 {add = true} : memref<10240xf32, #tpu.memory_space<vmem>>[vector<16xi32>], vector<16xf32>,
        tpu.vector_store_idx %arg13[%get3A_449], %gather3A_470 {add = true} : memref<10240xf32, #tpu.memory_space<vmem>>[vector<16xi32>], vector<16xf32>,
        tpu.vector_store_idx %arg14[%get3A_449], %gather3A_473 {add = true} : memref<10240xf32, #tpu.memory_space<vmem>>[vector<16xi32>], vector<16xf32>,
        tpu.vector_store_idx %arg15[%get3A_449], %gather3A_476 {add = true} : memref<10240xf32, #tpu.memory_space<vmem>>[vector<16xi32>], vector<16xf32>,
        %get3A_477 = arith.constant 1 : i32
        %get3A_478 = arith.index_cast %add3A_316 : i32 to index
        %get3A_479 = arith.index_cast %get3A_477 : i32 to index
        %get3A_480 = arith.constant 80 : index
        %get3A_481 = tpu.vector_load %arg5[%get3A_478, %get3A_479, %get3A_480] {strides = array<i32>} : memref<50x2x128xi32, #tpu.memory_space<vmem>>, vector<16xi32>,
        %add3A_482 = arith.constant 80 : i32
        %add3A_483 = vector.broadcast %add3A_482 : i32 to vector<16xi32>
        %add3A_484 = arith.addi %add3A_483, %iota3A : vector<16xi32>
        %broadcast_in_dim3A_485 = arith.constant 0 : i32
        %broadcast_in_dim3A_486 = vector.broadcast %broadcast_in_dim3A_485 : i32 to vector<16xi32>
        %gather3A_487 = tpu.vector_load_idx %arg7[%add3A_484, %broadcast_in_dim3A_486] : memref<128x8xf32, #tpu.memory_space<vmem>>[vector<16xi32>, vector<16xi32>], vector<16xf32>,
        %broadcast_in_dim3A_488 = arith.constant 1 : i32
        %broadcast_in_dim3A_489 = vector.broadcast %broadcast_in_dim3A_488 : i32 to vector<16xi32>
        %gather3A_490 = tpu.vector_load_idx %arg7[%add3A_484, %broadcast_in_dim3A_489] : memref<128x8xf32, #tpu.memory_space<vmem>>[vector<16xi32>, vector<16xi32>], vector<16xf32>,
        %broadcast_in_dim3A_491 = arith.constant 2 : i32
        %broadcast_in_dim3A_492 = vector.broadcast %broadcast_in_dim3A_491 : i32 to vector<16xi32>
        %gather3A_493 = tpu.vector_load_idx %arg7[%add3A_484, %broadcast_in_dim3A_492] : memref<128x8xf32, #tpu.memory_space<vmem>>[vector<16xi32>, vector<16xi32>], vector<16xf32>,
        %broadcast_in_dim3A_494 = arith.constant 3 : i32
        %broadcast_in_dim3A_495 = vector.broadcast %broadcast_in_dim3A_494 : i32 to vector<16xi32>
        %gather3A_496 = tpu.vector_load_idx %arg7[%add3A_484, %broadcast_in_dim3A_495] : memref<128x8xf32, #tpu.memory_space<vmem>>[vector<16xi32>, vector<16xi32>], vector<16xf32>,
        %broadcast_in_dim3A_497 = arith.constant 4 : i32
        %broadcast_in_dim3A_498 = vector.broadcast %broadcast_in_dim3A_497 : i32 to vector<16xi32>
        %gather3A_499 = tpu.vector_load_idx %arg7[%add3A_484, %broadcast_in_dim3A_498] : memref<128x8xf32, #tpu.memory_space<vmem>>[vector<16xi32>, vector<16xi32>], vector<16xf32>,
        %broadcast_in_dim3A_500 = arith.constant 5 : i32
        %broadcast_in_dim3A_501 = vector.broadcast %broadcast_in_dim3A_500 : i32 to vector<16xi32>
        %gather3A_502 = tpu.vector_load_idx %arg7[%add3A_484, %broadcast_in_dim3A_501] : memref<128x8xf32, #tpu.memory_space<vmem>>[vector<16xi32>, vector<16xi32>], vector<16xf32>,
        %broadcast_in_dim3A_503 = arith.constant 6 : i32
        %broadcast_in_dim3A_504 = vector.broadcast %broadcast_in_dim3A_503 : i32 to vector<16xi32>
        %gather3A_505 = tpu.vector_load_idx %arg7[%add3A_484, %broadcast_in_dim3A_504] : memref<128x8xf32, #tpu.memory_space<vmem>>[vector<16xi32>, vector<16xi32>], vector<16xf32>,
        %broadcast_in_dim3A_506 = arith.constant 7 : i32
        %broadcast_in_dim3A_507 = vector.broadcast %broadcast_in_dim3A_506 : i32 to vector<16xi32>
        %gather3A_508 = tpu.vector_load_idx %arg7[%add3A_484, %broadcast_in_dim3A_507] : memref<128x8xf32, #tpu.memory_space<vmem>>[vector<16xi32>, vector<16xi32>], vector<16xf32>,
        tpu.vector_store_idx %arg8[%get3A_481], %gather3A_487 {add = true} : memref<10240xf32, #tpu.memory_space<vmem>>[vector<16xi32>], vector<16xf32>,
        tpu.vector_store_idx %arg9[%get3A_481], %gather3A_490 {add = true} : memref<10240xf32, #tpu.memory_space<vmem>>[vector<16xi32>], vector<16xf32>,
        tpu.vector_store_idx %arg10[%get3A_481], %gather3A_493 {add = true} : memref<10240xf32, #tpu.memory_space<vmem>>[vector<16xi32>], vector<16xf32>,
        tpu.vector_store_idx %arg11[%get3A_481], %gather3A_496 {add = true} : memref<10240xf32, #tpu.memory_space<vmem>>[vector<16xi32>], vector<16xf32>,
        tpu.vector_store_idx %arg12[%get3A_481], %gather3A_499 {add = true} : memref<10240xf32, #tpu.memory_space<vmem>>[vector<16xi32>], vector<16xf32>,
        tpu.vector_store_idx %arg13[%get3A_481], %gather3A_502 {add = true} : memref<10240xf32, #tpu.memory_space<vmem>>[vector<16xi32>], vector<16xf32>,
        tpu.vector_store_idx %arg14[%get3A_481], %gather3A_505 {add = true} : memref<10240xf32, #tpu.memory_space<vmem>>[vector<16xi32>], vector<16xf32>,
        tpu.vector_store_idx %arg15[%get3A_481], %gather3A_508 {add = true} : memref<10240xf32, #tpu.memory_space<vmem>>[vector<16xi32>], vector<16xf32>,
        %get3A_509 = arith.constant 1 : i32
        %get3A_510 = arith.index_cast %add3A_316 : i32 to index
        %get3A_511 = arith.index_cast %get3A_509 : i32 to index
        %get3A_512 = arith.constant 96 : index
        %get3A_513 = tpu.vector_load %arg5[%get3A_510, %get3A_511, %get3A_512] {strides = array<i32>} : memref<50x2x128xi32, #tpu.memory_space<vmem>>, vector<16xi32>,
        %add3A_514 = arith.constant 96 : i32
        %add3A_515 = vector.broadcast %add3A_514 : i32 to vector<16xi32>
        %add3A_516 = arith.addi %add3A_515, %iota3A : vector<16xi32>
        %broadcast_in_dim3A_517 = arith.constant 0 : i32
        %broadcast_in_dim3A_518 = vector.broadcast %broadcast_in_dim3A_517 : i32 to vector<16xi32>
        %gather3A_519 = tpu.vector_load_idx %arg7[%add3A_516, %broadcast_in_dim3A_518] : memref<128x8xf32, #tpu.memory_space<vmem>>[vector<16xi32>, vector<16xi32>], vector<16xf32>,
        %broadcast_in_dim3A_520 = arith.constant 1 : i32
        %broadcast_in_dim3A_521 = vector.broadcast %broadcast_in_dim3A_520 : i32 to vector<16xi32>
        %gather3A_522 = tpu.vector_load_idx %arg7[%add3A_516, %broadcast_in_dim3A_521] : memref<128x8xf32, #tpu.memory_space<vmem>>[vector<16xi32>, vector<16xi32>], vector<16xf32>,
        %broadcast_in_dim3A_523 = arith.constant 2 : i32
        %broadcast_in_dim3A_524 = vector.broadcast %broadcast_in_dim3A_523 : i32 to vector<16xi32>
        %gather3A_525 = tpu.vector_load_idx %arg7[%add3A_516, %broadcast_in_dim3A_524] : memref<128x8xf32, #tpu.memory_space<vmem>>[vector<16xi32>, vector<16xi32>], vector<16xf32>,
        %broadcast_in_dim3A_526 = arith.constant 3 : i32
        %broadcast_in_dim3A_527 = vector.broadcast %broadcast_in_dim3A_526 : i32 to vector<16xi32>
        %gather3A_528 = tpu.vector_load_idx %arg7[%add3A_516, %broadcast_in_dim3A_527] : memref<128x8xf32, #tpu.memory_space<vmem>>[vector<16xi32>, vector<16xi32>], vector<16xf32>,
        %broadcast_in_dim3A_529 = arith.constant 4 : i32
        %broadcast_in_dim3A_530 = vector.broadcast %broadcast_in_dim3A_529 : i32 to vector<16xi32>
        %gather3A_531 = tpu.vector_load_idx %arg7[%add3A_516, %broadcast_in_dim3A_530] : memref<128x8xf32, #tpu.memory_space<vmem>>[vector<16xi32>, vector<16xi32>], vector<16xf32>,
        %broadcast_in_dim3A_532 = arith.constant 5 : i32
        %broadcast_in_dim3A_533 = vector.broadcast %broadcast_in_dim3A_532 : i32 to vector<16xi32>
        %gather3A_534 = tpu.vector_load_idx %arg7[%add3A_516, %broadcast_in_dim3A_533] : memref<128x8xf32, #tpu.memory_space<vmem>>[vector<16xi32>, vector<16xi32>], vector<16xf32>,
        %broadcast_in_dim3A_535 = arith.constant 6 : i32
        %broadcast_in_dim3A_536 = vector.broadcast %broadcast_in_dim3A_535 : i32 to vector<16xi32>
        %gather3A_537 = tpu.vector_load_idx %arg7[%add3A_516, %broadcast_in_dim3A_536] : memref<128x8xf32, #tpu.memory_space<vmem>>[vector<16xi32>, vector<16xi32>], vector<16xf32>,
        %broadcast_in_dim3A_538 = arith.constant 7 : i32
        %broadcast_in_dim3A_539 = vector.broadcast %broadcast_in_dim3A_538 : i32 to vector<16xi32>
        %gather3A_540 = tpu.vector_load_idx %arg7[%add3A_516, %broadcast_in_dim3A_539] : memref<128x8xf32, #tpu.memory_space<vmem>>[vector<16xi32>, vector<16xi32>], vector<16xf32>,
        tpu.vector_store_idx %arg8[%get3A_513], %gather3A_519 {add = true} : memref<10240xf32, #tpu.memory_space<vmem>>[vector<16xi32>], vector<16xf32>,
        tpu.vector_store_idx %arg9[%get3A_513], %gather3A_522 {add = true} : memref<10240xf32, #tpu.memory_space<vmem>>[vector<16xi32>], vector<16xf32>,
        tpu.vector_store_idx %arg10[%get3A_513], %gather3A_525 {add = true} : memref<10240xf32, #tpu.memory_space<vmem>>[vector<16xi32>], vector<16xf32>,
        tpu.vector_store_idx %arg11[%get3A_513], %gather3A_528 {add = true} : memref<10240xf32, #tpu.memory_space<vmem>>[vector<16xi32>], vector<16xf32>,
        tpu.vector_store_idx %arg12[%get3A_513], %gather3A_531 {add = true} : memref<10240xf32, #tpu.memory_space<vmem>>[vector<16xi32>], vector<16xf32>,
        tpu.vector_store_idx %arg13[%get3A_513], %gather3A_534 {add = true} : memref<10240xf32, #tpu.memory_space<vmem>>[vector<16xi32>], vector<16xf32>,
        tpu.vector_store_idx %arg14[%get3A_513], %gather3A_537 {add = true} : memref<10240xf32, #tpu.memory_space<vmem>>[vector<16xi32>], vector<16xf32>,
        tpu.vector_store_idx %arg15[%get3A_513], %gather3A_540 {add = true} : memref<10240xf32, #tpu.memory_space<vmem>>[vector<16xi32>], vector<16xf32>,
        %get3A_541 = arith.constant 1 : i32
        %get3A_542 = arith.index_cast %add3A_316 : i32 to index
        %get3A_543 = arith.index_cast %get3A_541 : i32 to index
        %get3A_544 = arith.constant 112 : index
        %get3A_545 = tpu.vector_load %arg5[%get3A_542, %get3A_543, %get3A_544] {strides = array<i32>} : memref<50x2x128xi32, #tpu.memory_space<vmem>>, vector<16xi32>,
        %add3A_546 = arith.constant 112 : i32
        %add3A_547 = vector.broadcast %add3A_546 : i32 to vector<16xi32>
        %add3A_548 = arith.addi %add3A_547, %iota3A : vector<16xi32>
        %broadcast_in_dim3A_549 = arith.constant 0 : i32
        %broadcast_in_dim3A_550 = vector.broadcast %broadcast_in_dim3A_549 : i32 to vector<16xi32>
        %gather3A_551 = tpu.vector_load_idx %arg7[%add3A_548, %broadcast_in_dim3A_550] : memref<128x8xf32, #tpu.memory_space<vmem>>[vector<16xi32>, vector<16xi32>], vector<16xf32>,
        %broadcast_in_dim3A_552 = arith.constant 1 : i32
        %broadcast_in_dim3A_553 = vector.broadcast %broadcast_in_dim3A_552 : i32 to vector<16xi32>
        %gather3A_554 = tpu.vector_load_idx %arg7[%add3A_548, %broadcast_in_dim3A_553] : memref<128x8xf32, #tpu.memory_space<vmem>>[vector<16xi32>, vector<16xi32>], vector<16xf32>,
        %broadcast_in_dim3A_555 = arith.constant 2 : i32
        %broadcast_in_dim3A_556 = vector.broadcast %broadcast_in_dim3A_555 : i32 to vector<16xi32>
        %gather3A_557 = tpu.vector_load_idx %arg7[%add3A_548, %broadcast_in_dim3A_556] : memref<128x8xf32, #tpu.memory_space<vmem>>[vector<16xi32>, vector<16xi32>], vector<16xf32>,
        %broadcast_in_dim3A_558 = arith.constant 3 : i32
        %broadcast_in_dim3A_559 = vector.broadcast %broadcast_in_dim3A_558 : i32 to vector<16xi32>
        %gather3A_560 = tpu.vector_load_idx %arg7[%add3A_548, %broadcast_in_dim3A_559] : memref<128x8xf32, #tpu.memory_space<vmem>>[vector<16xi32>, vector<16xi32>], vector<16xf32>,
        %broadcast_in_dim3A_561 = arith.constant 4 : i32
        %broadcast_in_dim3A_562 = vector.broadcast %broadcast_in_dim3A_561 : i32 to vector<16xi32>
        %gather3A_563 = tpu.vector_load_idx %arg7[%add3A_548, %broadcast_in_dim3A_562] : memref<128x8xf32, #tpu.memory_space<vmem>>[vector<16xi32>, vector<16xi32>], vector<16xf32>,
        %broadcast_in_dim3A_564 = arith.constant 5 : i32
        %broadcast_in_dim3A_565 = vector.broadcast %broadcast_in_dim3A_564 : i32 to vector<16xi32>
        %gather3A_566 = tpu.vector_load_idx %arg7[%add3A_548, %broadcast_in_dim3A_565] : memref<128x8xf32, #tpu.memory_space<vmem>>[vector<16xi32>, vector<16xi32>], vector<16xf32>,
        %broadcast_in_dim3A_567 = arith.constant 6 : i32
        %broadcast_in_dim3A_568 = vector.broadcast %broadcast_in_dim3A_567 : i32 to vector<16xi32>
        %gather3A_569 = tpu.vector_load_idx %arg7[%add3A_548, %broadcast_in_dim3A_568] : memref<128x8xf32, #tpu.memory_space<vmem>>[vector<16xi32>, vector<16xi32>], vector<16xf32>,
        %broadcast_in_dim3A_570 = arith.constant 7 : i32
        %broadcast_in_dim3A_571 = vector.broadcast %broadcast_in_dim3A_570 : i32 to vector<16xi32>
        %gather3A_572 = tpu.vector_load_idx %arg7[%add3A_548, %broadcast_in_dim3A_571] : memref<128x8xf32, #tpu.memory_space<vmem>>[vector<16xi32>, vector<16xi32>], vector<16xf32>,
        tpu.vector_store_idx %arg8[%get3A_545], %gather3A_551 {add = true} : memref<10240xf32, #tpu.memory_space<vmem>>[vector<16xi32>], vector<16xf32>,
        tpu.vector_store_idx %arg9[%get3A_545], %gather3A_554 {add = true} : memref<10240xf32, #tpu.memory_space<vmem>>[vector<16xi32>], vector<16xf32>,
        tpu.vector_store_idx %arg10[%get3A_545], %gather3A_557 {add = true} : memref<10240xf32, #tpu.memory_space<vmem>>[vector<16xi32>], vector<16xf32>,
        tpu.vector_store_idx %arg11[%get3A_545], %gather3A_560 {add = true} : memref<10240xf32, #tpu.memory_space<vmem>>[vector<16xi32>], vector<16xf32>,
        tpu.vector_store_idx %arg12[%get3A_545], %gather3A_563 {add = true} : memref<10240xf32, #tpu.memory_space<vmem>>[vector<16xi32>], vector<16xf32>,
        tpu.vector_store_idx %arg13[%get3A_545], %gather3A_566 {add = true} : memref<10240xf32, #tpu.memory_space<vmem>>[vector<16xi32>], vector<16xf32>,
        tpu.vector_store_idx %arg14[%get3A_545], %gather3A_569 {add = true} : memref<10240xf32, #tpu.memory_space<vmem>>[vector<16xi32>], vector<16xf32>,
        tpu.vector_store_idx %arg15[%get3A_545], %gather3A_572 {add = true} : memref<10240xf32, #tpu.memory_space<vmem>>[vector<16xi32>], vector<16xf32>,
      }
      %scan3A_32 = arith.constant 25 : i32
    }
    %scan3A_11 = arith.constant 25 : i32
    %run_scoped3A = arith.constant 0 : i32
    "tpu.region"() ({
      %run_scoped3A_19 = tpu.sem_alloc : memref<!tpu.dma_semaphore, #tpu.memory_space<semaphore_mem>>
      %dma_start3A = arith.constant 0 : i32
      %dma_start3A_20 = tpu.memref_slice %arg4[%arg0, %arg1, %run_scoped3A, %dma_start3A] : memref<2x16x8x10240xf32, #tpu.memory_space<hbm>> -> memref<1x1x1x10240xf32, #tpu.memory_space<hbm>>
      %dma_start3A_21 = tpu.memref_squeeze %dma_start3A_20 : memref<1x1x1x10240xf32, #tpu.memory_space<hbm>> -> memref<10240xf32, #tpu.memory_space<hbm>>
      %dma_start3A_22 = arith.constant 0 : i32
      %dma_start3A_23 = tpu.memref_slice %arg4[%arg0, %arg1, %run_scoped3A, %dma_start3A_22] : memref<2x16x8x10240xf32, #tpu.memory_space<hbm>> -> memref<1x1x1x10240xf32, #tpu.memory_space<hbm>>
      %dma_start3A_24 = tpu.memref_squeeze %dma_start3A_23 : memref<1x1x1x10240xf32, #tpu.memory_space<hbm>> -> memref<10240xf32, #tpu.memory_space<hbm>>
      tpu.enqueue_dma source(%arg8 : memref<10240xf32, #tpu.memory_space<vmem>>) target(%dma_start3A_24 : memref<10240xf32, #tpu.memory_space<hbm>>) target_semaphore(%run_scoped3A_19 : memref<!tpu.dma_semaphore, #tpu.memory_space<semaphore_mem>>)
      %dma_wait3A = arith.constant 0 : i32
      %dma_wait3A_25 = tpu.memref_slice %arg4[%arg0, %arg1, %run_scoped3A, %dma_wait3A] : memref<2x16x8x10240xf32, #tpu.memory_space<hbm>> -> memref<1x1x1x10240xf32, #tpu.memory_space<hbm>>
      %dma_wait3A_26 = tpu.memref_squeeze %dma_wait3A_25 : memref<1x1x1x10240xf32, #tpu.memory_space<hbm>> -> memref<10240xf32, #tpu.memory_space<hbm>>
      %dma_wait3A_27 = arith.constant 0 : i32
      %dma_wait3A_28 = tpu.memref_slice %arg4[%arg0, %arg1, %run_scoped3A, %dma_wait3A_27] : memref<2x16x8x10240xf32, #tpu.memory_space<hbm>> -> memref<1x1x1x10240xf32, #tpu.memory_space<hbm>>
      %dma_wait3A_29 = tpu.memref_squeeze %dma_wait3A_28 : memref<1x1x1x10240xf32, #tpu.memory_space<hbm>> -> memref<10240xf32, #tpu.memory_space<hbm>>
      tpu.wait_dma2 semaphore(%run_scoped3A_19 : memref<!tpu.dma_semaphore, #tpu.memory_space<semaphore_mem>>) src(%arg8 : memref<10240xf32, #tpu.memory_space<vmem>>) dst(%dma_wait3A_29 : memref<10240xf32, #tpu.memory_space<hbm>>)
      tpu.yield
    }) : () -> ()
    %run_scoped3A_12 = arith.constant 1 : i32
    "tpu.region"() ({
      %run_scoped3A_19 = tpu.sem_alloc : memref<!tpu.dma_semaphore, #tpu.memory_space<semaphore_mem>>
      %dma_start3A = arith.constant 0 : i32
      %dma_start3A_20 = tpu.memref_slice %arg4[%arg0, %arg1, %run_scoped3A_12, %dma_start3A] : memref<2x16x8x10240xf32, #tpu.memory_space<hbm>> -> memref<1x1x1x10240xf32, #tpu.memory_space<hbm>>
      %dma_start3A_21 = tpu.memref_squeeze %dma_start3A_20 : memref<1x1x1x10240xf32, #tpu.memory_space<hbm>> -> memref<10240xf32, #tpu.memory_space<hbm>>
      %dma_start3A_22 = arith.constant 0 : i32
      %dma_start3A_23 = tpu.memref_slice %arg4[%arg0, %arg1, %run_scoped3A_12, %dma_start3A_22] : memref<2x16x8x10240xf32, #tpu.memory_space<hbm>> -> memref<1x1x1x10240xf32, #tpu.memory_space<hbm>>
      %dma_start3A_24 = tpu.memref_squeeze %dma_start3A_23 : memref<1x1x1x10240xf32, #tpu.memory_space<hbm>> -> memref<10240xf32, #tpu.memory_space<hbm>>
      tpu.enqueue_dma source(%arg9 : memref<10240xf32, #tpu.memory_space<vmem>>) target(%dma_start3A_24 : memref<10240xf32, #tpu.memory_space<hbm>>) target_semaphore(%run_scoped3A_19 : memref<!tpu.dma_semaphore, #tpu.memory_space<semaphore_mem>>)
      %dma_wait3A = arith.constant 0 : i32
      %dma_wait3A_25 = tpu.memref_slice %arg4[%arg0, %arg1, %run_scoped3A_12, %dma_wait3A] : memref<2x16x8x10240xf32, #tpu.memory_space<hbm>> -> memref<1x1x1x10240xf32, #tpu.memory_space<hbm>>
      %dma_wait3A_26 = tpu.memref_squeeze %dma_wait3A_25 : memref<1x1x1x10240xf32, #tpu.memory_space<hbm>> -> memref<10240xf32, #tpu.memory_space<hbm>>
      %dma_wait3A_27 = arith.constant 0 : i32
      %dma_wait3A_28 = tpu.memref_slice %arg4[%arg0, %arg1, %run_scoped3A_12, %dma_wait3A_27] : memref<2x16x8x10240xf32, #tpu.memory_space<hbm>> -> memref<1x1x1x10240xf32, #tpu.memory_space<hbm>>
      %dma_wait3A_29 = tpu.memref_squeeze %dma_wait3A_28 : memref<1x1x1x10240xf32, #tpu.memory_space<hbm>> -> memref<10240xf32, #tpu.memory_space<hbm>>
      tpu.wait_dma2 semaphore(%run_scoped3A_19 : memref<!tpu.dma_semaphore, #tpu.memory_space<semaphore_mem>>) src(%arg9 : memref<10240xf32, #tpu.memory_space<vmem>>) dst(%dma_wait3A_29 : memref<10240xf32, #tpu.memory_space<hbm>>)
      tpu.yield
    }) : () -> ()
    %run_scoped3A_13 = arith.constant 2 : i32
    "tpu.region"() ({
      %run_scoped3A_19 = tpu.sem_alloc : memref<!tpu.dma_semaphore, #tpu.memory_space<semaphore_mem>>
      %dma_start3A = arith.constant 0 : i32
      %dma_start3A_20 = tpu.memref_slice %arg4[%arg0, %arg1, %run_scoped3A_13, %dma_start3A] : memref<2x16x8x10240xf32, #tpu.memory_space<hbm>> -> memref<1x1x1x10240xf32, #tpu.memory_space<hbm>>
      %dma_start3A_21 = tpu.memref_squeeze %dma_start3A_20 : memref<1x1x1x10240xf32, #tpu.memory_space<hbm>> -> memref<10240xf32, #tpu.memory_space<hbm>>
      %dma_start3A_22 = arith.constant 0 : i32
      %dma_start3A_23 = tpu.memref_slice %arg4[%arg0, %arg1, %run_scoped3A_13, %dma_start3A_22] : memref<2x16x8x10240xf32, #tpu.memory_space<hbm>> -> memref<1x1x1x10240xf32, #tpu.memory_space<hbm>>
      %dma_start3A_24 = tpu.memref_squeeze %dma_start3A_23 : memref<1x1x1x10240xf32, #tpu.memory_space<hbm>> -> memref<10240xf32, #tpu.memory_space<hbm>>
      tpu.enqueue_dma source(%arg10 : memref<10240xf32, #tpu.memory_space<vmem>>) target(%dma_start3A_24 : memref<10240xf32, #tpu.memory_space<hbm>>) target_semaphore(%run_scoped3A_19 : memref<!tpu.dma_semaphore, #tpu.memory_space<semaphore_mem>>)
      %dma_wait3A = arith.constant 0 : i32
      %dma_wait3A_25 = tpu.memref_slice %arg4[%arg0, %arg1, %run_scoped3A_13, %dma_wait3A] : memref<2x16x8x10240xf32, #tpu.memory_space<hbm>> -> memref<1x1x1x10240xf32, #tpu.memory_space<hbm>>
      %dma_wait3A_26 = tpu.memref_squeeze %dma_wait3A_25 : memref<1x1x1x10240xf32, #tpu.memory_space<hbm>> -> memref<10240xf32, #tpu.memory_space<hbm>>
      %dma_wait3A_27 = arith.constant 0 : i32
      %dma_wait3A_28 = tpu.memref_slice %arg4[%arg0, %arg1, %run_scoped3A_13, %dma_wait3A_27] : memref<2x16x8x10240xf32, #tpu.memory_space<hbm>> -> memref<1x1x1x10240xf32, #tpu.memory_space<hbm>>
      %dma_wait3A_29 = tpu.memref_squeeze %dma_wait3A_28 : memref<1x1x1x10240xf32, #tpu.memory_space<hbm>> -> memref<10240xf32, #tpu.memory_space<hbm>>
      tpu.wait_dma2 semaphore(%run_scoped3A_19 : memref<!tpu.dma_semaphore, #tpu.memory_space<semaphore_mem>>) src(%arg10 : memref<10240xf32, #tpu.memory_space<vmem>>) dst(%dma_wait3A_29 : memref<10240xf32, #tpu.memory_space<hbm>>)
      tpu.yield
    }) : () -> ()
    %run_scoped3A_14 = arith.constant 3 : i32
    "tpu.region"() ({
      %run_scoped3A_19 = tpu.sem_alloc : memref<!tpu.dma_semaphore, #tpu.memory_space<semaphore_mem>>
      %dma_start3A = arith.constant 0 : i32
      %dma_start3A_20 = tpu.memref_slice %arg4[%arg0, %arg1, %run_scoped3A_14, %dma_start3A] : memref<2x16x8x10240xf32, #tpu.memory_space<hbm>> -> memref<1x1x1x10240xf32, #tpu.memory_space<hbm>>
      %dma_start3A_21 = tpu.memref_squeeze %dma_start3A_20 : memref<1x1x1x10240xf32, #tpu.memory_space<hbm>> -> memref<10240xf32, #tpu.memory_space<hbm>>
      %dma_start3A_22 = arith.constant 0 : i32
      %dma_start3A_23 = tpu.memref_slice %arg4[%arg0, %arg1, %run_scoped3A_14, %dma_start3A_22] : memref<2x16x8x10240xf32, #tpu.memory_space<hbm>> -> memref<1x1x1x10240xf32, #tpu.memory_space<hbm>>
      %dma_start3A_24 = tpu.memref_squeeze %dma_start3A_23 : memref<1x1x1x10240xf32, #tpu.memory_space<hbm>> -> memref<10240xf32, #tpu.memory_space<hbm>>
      tpu.enqueue_dma source(%arg11 : memref<10240xf32, #tpu.memory_space<vmem>>) target(%dma_start3A_24 : memref<10240xf32, #tpu.memory_space<hbm>>) target_semaphore(%run_scoped3A_19 : memref<!tpu.dma_semaphore, #tpu.memory_space<semaphore_mem>>)
      %dma_wait3A = arith.constant 0 : i32
      %dma_wait3A_25 = tpu.memref_slice %arg4[%arg0, %arg1, %run_scoped3A_14, %dma_wait3A] : memref<2x16x8x10240xf32, #tpu.memory_space<hbm>> -> memref<1x1x1x10240xf32, #tpu.memory_space<hbm>>
      %dma_wait3A_26 = tpu.memref_squeeze %dma_wait3A_25 : memref<1x1x1x10240xf32, #tpu.memory_space<hbm>> -> memref<10240xf32, #tpu.memory_space<hbm>>
      %dma_wait3A_27 = arith.constant 0 : i32
      %dma_wait3A_28 = tpu.memref_slice %arg4[%arg0, %arg1, %run_scoped3A_14, %dma_wait3A_27] : memref<2x16x8x10240xf32, #tpu.memory_space<hbm>> -> memref<1x1x1x10240xf32, #tpu.memory_space<hbm>>
      %dma_wait3A_29 = tpu.memref_squeeze %dma_wait3A_28 : memref<1x1x1x10240xf32, #tpu.memory_space<hbm>> -> memref<10240xf32, #tpu.memory_space<hbm>>
      tpu.wait_dma2 semaphore(%run_scoped3A_19 : memref<!tpu.dma_semaphore, #tpu.memory_space<semaphore_mem>>) src(%arg11 : memref<10240xf32, #tpu.memory_space<vmem>>) dst(%dma_wait3A_29 : memref<10240xf32, #tpu.memory_space<hbm>>)
      tpu.yield
    }) : () -> ()
    %run_scoped3A_15 = arith.constant 4 : i32
    "tpu.region"() ({
      %run_scoped3A_19 = tpu.sem_alloc : memref<!tpu.dma_semaphore, #tpu.memory_space<semaphore_mem>>
      %dma_start3A = arith.constant 0 : i32
      %dma_start3A_20 = tpu.memref_slice %arg4[%arg0, %arg1, %run_scoped3A_15, %dma_start3A] : memref<2x16x8x10240xf32, #tpu.memory_space<hbm>> -> memref<1x1x1x10240xf32, #tpu.memory_space<hbm>>
      %dma_start3A_21 = tpu.memref_squeeze %dma_start3A_20 : memref<1x1x1x10240xf32, #tpu.memory_space<hbm>> -> memref<10240xf32, #tpu.memory_space<hbm>>
      %dma_start3A_22 = arith.constant 0 : i32
      %dma_start3A_23 = tpu.memref_slice %arg4[%arg0, %arg1, %run_scoped3A_15, %dma_start3A_22] : memref<2x16x8x10240xf32, #tpu.memory_space<hbm>> -> memref<1x1x1x10240xf32, #tpu.memory_space<hbm>>
      %dma_start3A_24 = tpu.memref_squeeze %dma_start3A_23 : memref<1x1x1x10240xf32, #tpu.memory_space<hbm>> -> memref<10240xf32, #tpu.memory_space<hbm>>
      tpu.enqueue_dma source(%arg12 : memref<10240xf32, #tpu.memory_space<vmem>>) target(%dma_start3A_24 : memref<10240xf32, #tpu.memory_space<hbm>>) target_semaphore(%run_scoped3A_19 : memref<!tpu.dma_semaphore, #tpu.memory_space<semaphore_mem>>)
      %dma_wait3A = arith.constant 0 : i32
      %dma_wait3A_25 = tpu.memref_slice %arg4[%arg0, %arg1, %run_scoped3A_15, %dma_wait3A] : memref<2x16x8x10240xf32, #tpu.memory_space<hbm>> -> memref<1x1x1x10240xf32, #tpu.memory_space<hbm>>
      %dma_wait3A_26 = tpu.memref_squeeze %dma_wait3A_25 : memref<1x1x1x10240xf32, #tpu.memory_space<hbm>> -> memref<10240xf32, #tpu.memory_space<hbm>>
      %dma_wait3A_27 = arith.constant 0 : i32
      %dma_wait3A_28 = tpu.memref_slice %arg4[%arg0, %arg1, %run_scoped3A_15, %dma_wait3A_27] : memref<2x16x8x10240xf32, #tpu.memory_space<hbm>> -> memref<1x1x1x10240xf32, #tpu.memory_space<hbm>>
      %dma_wait3A_29 = tpu.memref_squeeze %dma_wait3A_28 : memref<1x1x1x10240xf32, #tpu.memory_space<hbm>> -> memref<10240xf32, #tpu.memory_space<hbm>>
      tpu.wait_dma2 semaphore(%run_scoped3A_19 : memref<!tpu.dma_semaphore, #tpu.memory_space<semaphore_mem>>) src(%arg12 : memref<10240xf32, #tpu.memory_space<vmem>>) dst(%dma_wait3A_29 : memref<10240xf32, #tpu.memory_space<hbm>>)
      tpu.yield
    }) : () -> ()
    %run_scoped3A_16 = arith.constant 5 : i32
    "tpu.region"() ({
      %run_scoped3A_19 = tpu.sem_alloc : memref<!tpu.dma_semaphore, #tpu.memory_space<semaphore_mem>>
      %dma_start3A = arith.constant 0 : i32
      %dma_start3A_20 = tpu.memref_slice %arg4[%arg0, %arg1, %run_scoped3A_16, %dma_start3A] : memref<2x16x8x10240xf32, #tpu.memory_space<hbm>> -> memref<1x1x1x10240xf32, #tpu.memory_space<hbm>>
      %dma_start3A_21 = tpu.memref_squeeze %dma_start3A_20 : memref<1x1x1x10240xf32, #tpu.memory_space<hbm>> -> memref<10240xf32, #tpu.memory_space<hbm>>
      %dma_start3A_22 = arith.constant 0 : i32
      %dma_start3A_23 = tpu.memref_slice %arg4[%arg0, %arg1, %run_scoped3A_16, %dma_start3A_22] : memref<2x16x8x10240xf32, #tpu.memory_space<hbm>> -> memref<1x1x1x10240xf32, #tpu.memory_space<hbm>>
      %dma_start3A_24 = tpu.memref_squeeze %dma_start3A_23 : memref<1x1x1x10240xf32, #tpu.memory_space<hbm>> -> memref<10240xf32, #tpu.memory_space<hbm>>
      tpu.enqueue_dma source(%arg13 : memref<10240xf32, #tpu.memory_space<vmem>>) target(%dma_start3A_24 : memref<10240xf32, #tpu.memory_space<hbm>>) target_semaphore(%run_scoped3A_19 : memref<!tpu.dma_semaphore, #tpu.memory_space<semaphore_mem>>)
      %dma_wait3A = arith.constant 0 : i32
      %dma_wait3A_25 = tpu.memref_slice %arg4[%arg0, %arg1, %run_scoped3A_16, %dma_wait3A] : memref<2x16x8x10240xf32, #tpu.memory_space<hbm>> -> memref<1x1x1x10240xf32, #tpu.memory_space<hbm>>
      %dma_wait3A_26 = tpu.memref_squeeze %dma_wait3A_25 : memref<1x1x1x10240xf32, #tpu.memory_space<hbm>> -> memref<10240xf32, #tpu.memory_space<hbm>>
      %dma_wait3A_27 = arith.constant 0 : i32
      %dma_wait3A_28 = tpu.memref_slice %arg4[%arg0, %arg1, %run_scoped3A_16, %dma_wait3A_27] : memref<2x16x8x10240xf32, #tpu.memory_space<hbm>> -> memref<1x1x1x10240xf32, #tpu.memory_space<hbm>>
      %dma_wait3A_29 = tpu.memref_squeeze %dma_wait3A_28 : memref<1x1x1x10240xf32, #tpu.memory_space<hbm>> -> memref<10240xf32, #tpu.memory_space<hbm>>
      tpu.wait_dma2 semaphore(%run_scoped3A_19 : memref<!tpu.dma_semaphore, #tpu.memory_space<semaphore_mem>>) src(%arg13 : memref<10240xf32, #tpu.memory_space<vmem>>) dst(%dma_wait3A_29 : memref<10240xf32, #tpu.memory_space<hbm>>)
      tpu.yield
    }) : () -> ()
    %run_scoped3A_17 = arith.constant 6 : i32
    "tpu.region"() ({
      %run_scoped3A_19 = tpu.sem_alloc : memref<!tpu.dma_semaphore, #tpu.memory_space<semaphore_mem>>
      %dma_start3A = arith.constant 0 : i32
      %dma_start3A_20 = tpu.memref_slice %arg4[%arg0, %arg1, %run_scoped3A_17, %dma_start3A] : memref<2x16x8x10240xf32, #tpu.memory_space<hbm>> -> memref<1x1x1x10240xf32, #tpu.memory_space<hbm>>
      %dma_start3A_21 = tpu.memref_squeeze %dma_start3A_20 : memref<1x1x1x10240xf32, #tpu.memory_space<hbm>> -> memref<10240xf32, #tpu.memory_space<hbm>>
      %dma_start3A_22 = arith.constant 0 : i32
      %dma_start3A_23 = tpu.memref_slice %arg4[%arg0, %arg1, %run_scoped3A_17, %dma_start3A_22] : memref<2x16x8x10240xf32, #tpu.memory_space<hbm>> -> memref<1x1x1x10240xf32, #tpu.memory_space<hbm>>
      %dma_start3A_24 = tpu.memref_squeeze %dma_start3A_23 : memref<1x1x1x10240xf32, #tpu.memory_space<hbm>> -> memref<10240xf32, #tpu.memory_space<hbm>>
      tpu.enqueue_dma source(%arg14 : memref<10240xf32, #tpu.memory_space<vmem>>) target(%dma_start3A_24 : memref<10240xf32, #tpu.memory_space<hbm>>) target_semaphore(%run_scoped3A_19 : memref<!tpu.dma_semaphore, #tpu.memory_space<semaphore_mem>>)
      %dma_wait3A = arith.constant 0 : i32
      %dma_wait3A_25 = tpu.memref_slice %arg4[%arg0, %arg1, %run_scoped3A_17, %dma_wait3A] : memref<2x16x8x10240xf32, #tpu.memory_space<hbm>> -> memref<1x1x1x10240xf32, #tpu.memory_space<hbm>>
      %dma_wait3A_26 = tpu.memref_squeeze %dma_wait3A_25 : memref<1x1x1x10240xf32, #tpu.memory_space<hbm>> -> memref<10240xf32, #tpu.memory_space<hbm>>
      %dma_wait3A_27 = arith.constant 0 : i32
      %dma_wait3A_28 = tpu.memref_slice %arg4[%arg0, %arg1, %run_scoped3A_17, %dma_wait3A_27] : memref<2x16x8x10240xf32, #tpu.memory_space<hbm>> -> memref<1x1x1x10240xf32, #tpu.memory_space<hbm>>
      %dma_wait3A_29 = tpu.memref_squeeze %dma_wait3A_28 : memref<1x1x1x10240xf32, #tpu.memory_space<hbm>> -> memref<10240xf32, #tpu.memory_space<hbm>>
      tpu.wait_dma2 semaphore(%run_scoped3A_19 : memref<!tpu.dma_semaphore, #tpu.memory_space<semaphore_mem>>) src(%arg14 : memref<10240xf32, #tpu.memory_space<vmem>>) dst(%dma_wait3A_29 : memref<10240xf32, #tpu.memory_space<hbm>>)
      tpu.yield
    }) : () -> ()
    %run_scoped3A_18 = arith.constant 7 : i32
    "tpu.region"() ({
      %run_scoped3A_19 = tpu.sem_alloc : memref<!tpu.dma_semaphore, #tpu.memory_space<semaphore_mem>>
      %dma_start3A = arith.constant 0 : i32
      %dma_start3A_20 = tpu.memref_slice %arg4[%arg0, %arg1, %run_scoped3A_18, %dma_start3A] : memref<2x16x8x10240xf32, #tpu.memory_space<hbm>> -> memref<1x1x1x10240xf32, #tpu.memory_space<hbm>>
      %dma_start3A_21 = tpu.memref_squeeze %dma_start3A_20 : memref<1x1x1x10240xf32, #tpu.memory_space<hbm>> -> memref<10240xf32, #tpu.memory_space<hbm>>
      %dma_start3A_22 = arith.constant 0 : i32
      %dma_start3A_23 = tpu.memref_slice %arg4[%arg0, %arg1, %run_scoped3A_18, %dma_start3A_22] : memref<2x16x8x10240xf32, #tpu.memory_space<hbm>> -> memref<1x1x1x10240xf32, #tpu.memory_space<hbm>>
      %dma_start3A_24 = tpu.memref_squeeze %dma_start3A_23 : memref<1x1x1x10240xf32, #tpu.memory_space<hbm>> -> memref<10240xf32, #tpu.memory_space<hbm>>
      tpu.enqueue_dma source(%arg15 : memref<10240xf32, #tpu.memory_space<vmem>>) target(%dma_start3A_24 : memref<10240xf32, #tpu.memory_space<hbm>>) target_semaphore(%run_scoped3A_19 : memref<!tpu.dma_semaphore, #tpu.memory_space<semaphore_mem>>)
      %dma_wait3A = arith.constant 0 : i32
      %dma_wait3A_25 = tpu.memref_slice %arg4[%arg0, %arg1, %run_scoped3A_18, %dma_wait3A] : memref<2x16x8x10240xf32, #tpu.memory_space<hbm>> -> memref<1x1x1x10240xf32, #tpu.memory_space<hbm>>
      %dma_wait3A_26 = tpu.memref_squeeze %dma_wait3A_25 : memref<1x1x1x10240xf32, #tpu.memory_space<hbm>> -> memref<10240xf32, #tpu.memory_space<hbm>>
      %dma_wait3A_27 = arith.constant 0 : i32
      %dma_wait3A_28 = tpu.memref_slice %arg4[%arg0, %arg1, %run_scoped3A_18, %dma_wait3A_27] : memref<2x16x8x10240xf32, #tpu.memory_space<hbm>> -> memref<1x1x1x10240xf32, #tpu.memory_space<hbm>>
      %dma_wait3A_29 = tpu.memref_squeeze %dma_wait3A_28 : memref<1x1x1x10240xf32, #tpu.memory_space<hbm>> -> memref<10240xf32, #tpu.memory_space<hbm>>
      tpu.wait_dma2 semaphore(%run_scoped3A_19 : memref<!tpu.dma_semaphore, #tpu.memory_space<semaphore_mem>>) src(%arg15 : memref<10240xf32, #tpu.memory_space<vmem>>) dst(%dma_wait3A_29 : memref<10240xf32, #tpu.memory_space<hbm>>)
      tpu.yield
    }) : () -> ()
    return
  }
}

#map = affine_map<(d0, d1) -> (0, 0)>
#map1 = affine_map<(d0, d1) -> (0, 0, 0, 0, 0)>
#map2 = affine_map<(d0, d1) -> (0, 0, 0, 0)>
module attributes {stable_mosaic.version = 14 : i64} {
  func.func @_agg_body(%arg0: i32, %arg1: i32, %arg2: memref<160000x8xf32, #tpu.memory_space<hbm>>, %arg3: memref<32x25x50x2x128xi32, #tpu.memory_space<hbm>>, %arg4: memref<2x16x8x10240xf32, #tpu.memory_space<hbm>>, %arg5: memref<50x2x128xi32, #tpu.memory_space<vmem>>, %arg6: memref<128x8xf32, #tpu.memory_space<vmem>>, %arg7: memref<128x8xf32, #tpu.memory_space<vmem>>, %arg8: memref<10240xf32, #tpu.memory_space<vmem>>, %arg9: memref<10240xf32, #tpu.memory_space<vmem>>, %arg10: memref<10240xf32, #tpu.memory_space<vmem>>, %arg11: memref<10240xf32, #tpu.memory_space<vmem>>, %arg12: memref<10240xf32, #tpu.memory_space<vmem>>, %arg13: memref<10240xf32, #tpu.memory_space<vmem>>, %arg14: memref<10240xf32, #tpu.memory_space<vmem>>, %arg15: memref<10240xf32, #tpu.memory_space<vmem>>, %arg16: memref<!tpu.dma_semaphore, #tpu.memory_space<semaphore_mem>>, %arg17: memref<!tpu.dma_semaphore, #tpu.memory_space<semaphore_mem>>) attributes {dimension_semantics = [#tpu.dimension_semantics<core_parallel>, #tpu.dimension_semantics<subcore_parallel>], iteration_bounds = array<i64: 2, 16>, scalar_prefetch = 0 : i64, scratch_operands = 13 : i64, tpu.core_type = #tpu.core_type<sc_vector_subcore>, window_params = [{transform_indices = #map}, {transform_indices = #map1}, {transform_indices = #map2}]} {
    %mul3A = arith.constant 16 : i32
    %mul3A_0 = arith.muli %arg0, %mul3A : i32
    %add3A = arith.addi %mul3A_0, %arg1 : i32
    %scan3A = arith.constant 0 : i32
    %scan3A_1 = arith.constant 0 : i32
    %scan3A_2 = arith.constant 640 : i32
    %scan3A_3 = arith.addi %scan3A_1, %scan3A_2 : i32
    %scan3A_4 = arith.constant 1 : i32
    scf.for %scan3A_19 = %scan3A_1 to %scan3A_3 step %scan3A_4  : i32 {
      %broadcast_in_dim3A = arith.constant 0.000000e+00 : f32
      %broadcast_in_dim3A_20 = vector.broadcast %broadcast_in_dim3A : f32 to vector<16xf32>
      %mul3A_21 = arith.constant 16 : i32
      %mul3A_22 = arith.muli %scan3A_19, %mul3A_21 : i32
      %swap3A = arith.index_cast %mul3A_22 : i32 to index
      %swap3A_23 = tpu.vector_load %arg8[%swap3A] {strides = array<i32>} : memref<10240xf32, #tpu.memory_space<vmem>>, vector<16xf32>,
      tpu.vector_store %arg8[%swap3A], %broadcast_in_dim3A_20 {strides = array<i32>} : memref<10240xf32, #tpu.memory_space<vmem>>, vector<16xf32>,
      %broadcast_in_dim3A_24 = arith.constant 0.000000e+00 : f32
      %broadcast_in_dim3A_25 = vector.broadcast %broadcast_in_dim3A_24 : f32 to vector<16xf32>
      %mul3A_26 = arith.constant 16 : i32
      %mul3A_27 = arith.muli %scan3A_19, %mul3A_26 : i32
      %swap3A_28 = arith.index_cast %mul3A_27 : i32 to index
      %swap3A_29 = tpu.vector_load %arg9[%swap3A_28] {strides = array<i32>} : memref<10240xf32, #tpu.memory_space<vmem>>, vector<16xf32>,
      tpu.vector_store %arg9[%swap3A_28], %broadcast_in_dim3A_25 {strides = array<i32>} : memref<10240xf32, #tpu.memory_space<vmem>>, vector<16xf32>,
      %broadcast_in_dim3A_30 = arith.constant 0.000000e+00 : f32
      %broadcast_in_dim3A_31 = vector.broadcast %broadcast_in_dim3A_30 : f32 to vector<16xf32>
      %mul3A_32 = arith.constant 16 : i32
      %mul3A_33 = arith.muli %scan3A_19, %mul3A_32 : i32
      %swap3A_34 = arith.index_cast %mul3A_33 : i32 to index
      %swap3A_35 = tpu.vector_load %arg10[%swap3A_34] {strides = array<i32>} : memref<10240xf32, #tpu.memory_space<vmem>>, vector<16xf32>,
      tpu.vector_store %arg10[%swap3A_34], %broadcast_in_dim3A_31 {strides = array<i32>} : memref<10240xf32, #tpu.memory_space<vmem>>, vector<16xf32>,
      %broadcast_in_dim3A_36 = arith.constant 0.000000e+00 : f32
      %broadcast_in_dim3A_37 = vector.broadcast %broadcast_in_dim3A_36 : f32 to vector<16xf32>
      %mul3A_38 = arith.constant 16 : i32
      %mul3A_39 = arith.muli %scan3A_19, %mul3A_38 : i32
      %swap3A_40 = arith.index_cast %mul3A_39 : i32 to index
      %swap3A_41 = tpu.vector_load %arg11[%swap3A_40] {strides = array<i32>} : memref<10240xf32, #tpu.memory_space<vmem>>, vector<16xf32>,
      tpu.vector_store %arg11[%swap3A_40], %broadcast_in_dim3A_37 {strides = array<i32>} : memref<10240xf32, #tpu.memory_space<vmem>>, vector<16xf32>,
      %broadcast_in_dim3A_42 = arith.constant 0.000000e+00 : f32
      %broadcast_in_dim3A_43 = vector.broadcast %broadcast_in_dim3A_42 : f32 to vector<16xf32>
      %mul3A_44 = arith.constant 16 : i32
      %mul3A_45 = arith.muli %scan3A_19, %mul3A_44 : i32
      %swap3A_46 = arith.index_cast %mul3A_45 : i32 to index
      %swap3A_47 = tpu.vector_load %arg12[%swap3A_46] {strides = array<i32>} : memref<10240xf32, #tpu.memory_space<vmem>>, vector<16xf32>,
      tpu.vector_store %arg12[%swap3A_46], %broadcast_in_dim3A_43 {strides = array<i32>} : memref<10240xf32, #tpu.memory_space<vmem>>, vector<16xf32>,
      %broadcast_in_dim3A_48 = arith.constant 0.000000e+00 : f32
      %broadcast_in_dim3A_49 = vector.broadcast %broadcast_in_dim3A_48 : f32 to vector<16xf32>
      %mul3A_50 = arith.constant 16 : i32
      %mul3A_51 = arith.muli %scan3A_19, %mul3A_50 : i32
      %swap3A_52 = arith.index_cast %mul3A_51 : i32 to index
      %swap3A_53 = tpu.vector_load %arg13[%swap3A_52] {strides = array<i32>} : memref<10240xf32, #tpu.memory_space<vmem>>, vector<16xf32>,
      tpu.vector_store %arg13[%swap3A_52], %broadcast_in_dim3A_49 {strides = array<i32>} : memref<10240xf32, #tpu.memory_space<vmem>>, vector<16xf32>,
      %broadcast_in_dim3A_54 = arith.constant 0.000000e+00 : f32
      %broadcast_in_dim3A_55 = vector.broadcast %broadcast_in_dim3A_54 : f32 to vector<16xf32>
      %mul3A_56 = arith.constant 16 : i32
      %mul3A_57 = arith.muli %scan3A_19, %mul3A_56 : i32
      %swap3A_58 = arith.index_cast %mul3A_57 : i32 to index
      %swap3A_59 = tpu.vector_load %arg14[%swap3A_58] {strides = array<i32>} : memref<10240xf32, #tpu.memory_space<vmem>>, vector<16xf32>,
      tpu.vector_store %arg14[%swap3A_58], %broadcast_in_dim3A_55 {strides = array<i32>} : memref<10240xf32, #tpu.memory_space<vmem>>, vector<16xf32>,
      %broadcast_in_dim3A_60 = arith.constant 0.000000e+00 : f32
      %broadcast_in_dim3A_61 = vector.broadcast %broadcast_in_dim3A_60 : f32 to vector<16xf32>
      %mul3A_62 = arith.constant 16 : i32
      %mul3A_63 = arith.muli %scan3A_19, %mul3A_62 : i32
      %swap3A_64 = arith.index_cast %mul3A_63 : i32 to index
      %swap3A_65 = tpu.vector_load %arg15[%swap3A_64] {strides = array<i32>} : memref<10240xf32, #tpu.memory_space<vmem>>, vector<16xf32>,
      tpu.vector_store %arg15[%swap3A_64], %broadcast_in_dim3A_61 {strides = array<i32>} : memref<10240xf32, #tpu.memory_space<vmem>>, vector<16xf32>,
    }
    %scan3A_5 = arith.constant 640 : i32
    %iota3A = tpu.iota {dimensions = array<i32: 0>} : vector<16xi32>
    %scan3A_6 = arith.constant 0 : i32
    %scan3A_7 = arith.constant 0 : i32
    %scan3A_8 = arith.constant 25 : i32
    %scan3A_9 = arith.addi %scan3A_7, %scan3A_8 : i32
    %scan3A_10 = arith.constant 1 : i32
    scf.for %scan3A_19 = %scan3A_7 to %scan3A_9 step %scan3A_10  : i32 {
      "tpu.region"() ({
        %run_scoped3A_33 = tpu.sem_alloc : memref<!tpu.dma_semaphore, #tpu.memory_space<semaphore_mem>>
        %dma_start3A_34 = arith.constant 0 : i32
        %dma_start3A_35 = arith.constant 0 : i32
        %dma_start3A_36 = arith.constant 0 : i32
        %dma_start3A_37 = tpu.memref_slice %arg3[%add3A, %scan3A_19, %dma_start3A_34, %dma_start3A_35, %dma_start3A_36] : memref<32x25x50x2x128xi32, #tpu.memory_space<hbm>> -> memref<1x1x50x2x128xi32, #tpu.memory_space<hbm>>
        %dma_start3A_38 = tpu.memref_squeeze %dma_start3A_37 : memref<1x1x50x2x128xi32, #tpu.memory_space<hbm>> -> memref<50x2x128xi32, #tpu.memory_space<hbm>>
        %dma_start3A_39 = arith.constant 0 : i32
        %dma_start3A_40 = arith.constant 0 : i32
        %dma_start3A_41 = arith.constant 0 : i32
        %dma_start3A_42 = tpu.memref_slice %arg3[%add3A, %scan3A_19, %dma_start3A_39, %dma_start3A_40, %dma_start3A_41] : memref<32x25x50x2x128xi32, #tpu.memory_space<hbm>> -> memref<1x1x50x2x128xi32, #tpu.memory_space<hbm>>
        %dma_start3A_43 = tpu.memref_squeeze %dma_start3A_42 : memref<1x1x50x2x128xi32, #tpu.memory_space<hbm>> -> memref<50x2x128xi32, #tpu.memory_space<hbm>>
        tpu.enqueue_dma source(%dma_start3A_43 : memref<50x2x128xi32, #tpu.memory_space<hbm>>) target(%arg5 : memref<50x2x128xi32, #tpu.memory_space<vmem>>) target_semaphore(%run_scoped3A_33 : memref<!tpu.dma_semaphore, #tpu.memory_space<semaphore_mem>>)
        %dma_wait3A = arith.constant 0 : i32
        %dma_wait3A_44 = arith.constant 0 : i32
        %dma_wait3A_45 = arith.constant 0 : i32
        %dma_wait3A_46 = tpu.memref_slice %arg3[%add3A, %scan3A_19, %dma_wait3A, %dma_wait3A_44, %dma_wait3A_45] : memref<32x25x50x2x128xi32, #tpu.memory_space<hbm>> -> memref<1x1x50x2x128xi32, #tpu.memory_space<hbm>>
        %dma_wait3A_47 = tpu.memref_squeeze %dma_wait3A_46 : memref<1x1x50x2x128xi32, #tpu.memory_space<hbm>> -> memref<50x2x128xi32, #tpu.memory_space<hbm>>
        %dma_wait3A_48 = arith.constant 0 : i32
        %dma_wait3A_49 = arith.constant 0 : i32
        %dma_wait3A_50 = arith.constant 0 : i32
        %dma_wait3A_51 = tpu.memref_slice %arg3[%add3A, %scan3A_19, %dma_wait3A_48, %dma_wait3A_49, %dma_wait3A_50] : memref<32x25x50x2x128xi32, #tpu.memory_space<hbm>> -> memref<1x1x50x2x128xi32, #tpu.memory_space<hbm>>
        %dma_wait3A_52 = tpu.memref_squeeze %dma_wait3A_51 : memref<1x1x50x2x128xi32, #tpu.memory_space<hbm>> -> memref<50x2x128xi32, #tpu.memory_space<hbm>>
        tpu.wait_dma2 semaphore(%run_scoped3A_33 : memref<!tpu.dma_semaphore, #tpu.memory_space<semaphore_mem>>) src(%dma_wait3A_52 : memref<50x2x128xi32, #tpu.memory_space<hbm>>) dst(%arg5 : memref<50x2x128xi32, #tpu.memory_space<vmem>>)
        tpu.yield
      }) : () -> ()
      %dma_start3A = arith.constant 0 : i32
      %dma_start3A_20 = arith.constant 0 : i32
      %dma_start3A_21 = arith.constant 0 : i32
      %dma_start3A_22 = tpu.memref_slice %arg5[%dma_start3A, %dma_start3A_20, %dma_start3A_21] : memref<50x2x128xi32, #tpu.memory_space<vmem>> -> memref<1x1x128xi32, #tpu.memory_space<vmem>>
      %dma_start3A_23 = tpu.memref_squeeze %dma_start3A_22 : memref<1x1x128xi32, #tpu.memory_space<vmem>> -> memref<128xi32, #tpu.memory_space<vmem>>
      %dma_start3A_24 = arith.constant 0 : i32
      %dma_start3A_25 = arith.constant 0 : i32
      %dma_start3A_26 = tpu.memref_slice %arg2[%dma_start3A_24, %dma_start3A_25] : memref<160000x8xf32, #tpu.memory_space<hbm>> -> memref<160000x8xf32, #tpu.memory_space<hbm>>
      tpu.enqueue_indirect_dma source(%dma_start3A_26 : memref<160000x8xf32, #tpu.memory_space<hbm>>) target(%arg6 : memref<128x8xf32, #tpu.memory_space<vmem>>) offsets(%dma_start3A_23 : memref<128xi32, #tpu.memory_space<vmem>>) semaphore(%arg16 : memref<!tpu.dma_semaphore, #tpu.memory_space<semaphore_mem>>)
      %scan3A_27 = arith.constant 0 : i32
      %scan3A_28 = arith.constant 0 : i32
      %scan3A_29 = arith.constant 25 : i32
      %scan3A_30 = arith.addi %scan3A_28, %scan3A_29 : i32
      %scan3A_31 = arith.constant 1 : i32
      scf.for %scan3A_33 = %scan3A_28 to %scan3A_30 step %scan3A_31  : i32 {
        %mul3A_34 = arith.constant 2 : i32
        %mul3A_35 = arith.muli %mul3A_34, %scan3A_33 : i32
        %add3A_36 = arith.constant 1 : i32
        %add3A_37 = arith.addi %mul3A_35, %add3A_36 : i32
        %dma_start3A_38 = arith.constant 0 : i32
        %dma_start3A_39 = arith.constant 0 : i32
        %dma_start3A_40 = tpu.memref_slice %arg5[%add3A_37, %dma_start3A_38, %dma_start3A_39] : memref<50x2x128xi32, #tpu.memory_space<vmem>> -> memref<1x1x128xi32, #tpu.memory_space<vmem>>
        %dma_start3A_41 = tpu.memref_squeeze %dma_start3A_40 : memref<1x1x128xi32, #tpu.memory_space<vmem>> -> memref<128xi32, #tpu.memory_space<vmem>>
        %dma_start3A_42 = arith.constant 0 : i32
        %dma_start3A_43 = arith.constant 0 : i32
        %dma_start3A_44 = tpu.memref_slice %arg2[%dma_start3A_42, %dma_start3A_43] : memref<160000x8xf32, #tpu.memory_space<hbm>> -> memref<160000x8xf32, #tpu.memory_space<hbm>>
        tpu.enqueue_indirect_dma source(%dma_start3A_44 : memref<160000x8xf32, #tpu.memory_space<hbm>>) target(%arg7 : memref<128x8xf32, #tpu.memory_space<vmem>>) offsets(%dma_start3A_41 : memref<128xi32, #tpu.memory_space<vmem>>) semaphore(%arg17 : memref<!tpu.dma_semaphore, #tpu.memory_space<semaphore_mem>>)
        %dma_wait3A = arith.constant 0 : i32
        %dma_wait3A_45 = arith.constant 0 : i32
        %dma_wait3A_46 = tpu.memref_slice %arg5[%mul3A_35, %dma_wait3A, %dma_wait3A_45] : memref<50x2x128xi32, #tpu.memory_space<vmem>> -> memref<1x1x128xi32, #tpu.memory_space<vmem>>
        %dma_wait3A_47 = tpu.memref_squeeze %dma_wait3A_46 : memref<1x1x128xi32, #tpu.memory_space<vmem>> -> memref<128xi32, #tpu.memory_space<vmem>>
        %dma_wait3A_48 = arith.constant 0 : i32
        %dma_wait3A_49 = arith.constant 0 : i32
        %dma_wait3A_50 = tpu.memref_slice %arg2[%dma_wait3A_48, %dma_wait3A_49] : memref<160000x8xf32, #tpu.memory_space<hbm>> -> memref<160000x8xf32, #tpu.memory_space<hbm>>
        tpu.wait_indirect_dma semaphore(%arg16 : memref<!tpu.dma_semaphore, #tpu.memory_space<semaphore_mem>>) src(%dma_wait3A_50 : memref<160000x8xf32, #tpu.memory_space<hbm>>) dst(%arg6 : memref<128x8xf32, #tpu.memory_space<vmem>>)
        %get3A = arith.constant 1 : i32
        %get3A_51 = arith.index_cast %mul3A_35 : i32 to index
        %get3A_52 = arith.index_cast %get3A : i32 to index
        %get3A_53 = arith.constant 0 : index
        %get3A_54 = tpu.vector_load %arg5[%get3A_51, %get3A_52, %get3A_53] {strides = array<i32>} : memref<50x2x128xi32, #tpu.memory_space<vmem>>, vector<16xi32>,
        %add3A_55 = arith.constant 0 : i32
        %add3A_56 = vector.broadcast %add3A_55 : i32 to vector<16xi32>
        %add3A_57 = arith.addi %add3A_56, %iota3A : vector<16xi32>
        %broadcast_in_dim3A = arith.constant 0 : i32
        %broadcast_in_dim3A_58 = vector.broadcast %broadcast_in_dim3A : i32 to vector<16xi32>
        %gather3A = tpu.vector_load_idx %arg6[%add3A_57, %broadcast_in_dim3A_58] : memref<128x8xf32, #tpu.memory_space<vmem>>[vector<16xi32>, vector<16xi32>], vector<16xf32>,
        %broadcast_in_dim3A_59 = arith.constant 1 : i32
        %broadcast_in_dim3A_60 = vector.broadcast %broadcast_in_dim3A_59 : i32 to vector<16xi32>
        %gather3A_61 = tpu.vector_load_idx %arg6[%add3A_57, %broadcast_in_dim3A_60] : memref<128x8xf32, #tpu.memory_space<vmem>>[vector<16xi32>, vector<16xi32>], vector<16xf32>,
        %broadcast_in_dim3A_62 = arith.constant 2 : i32
        %broadcast_in_dim3A_63 = vector.broadcast %broadcast_in_dim3A_62 : i32 to vector<16xi32>
        %gather3A_64 = tpu.vector_load_idx %arg6[%add3A_57, %broadcast_in_dim3A_63] : memref<128x8xf32, #tpu.memory_space<vmem>>[vector<16xi32>, vector<16xi32>], vector<16xf32>,
        %broadcast_in_dim3A_65 = arith.constant 3 : i32
        %broadcast_in_dim3A_66 = vector.broadcast %broadcast_in_dim3A_65 : i32 to vector<16xi32>
        %gather3A_67 = tpu.vector_load_idx %arg6[%add3A_57, %broadcast_in_dim3A_66] : memref<128x8xf32, #tpu.memory_space<vmem>>[vector<16xi32>, vector<16xi32>], vector<16xf32>,
        %broadcast_in_dim3A_68 = arith.constant 4 : i32
        %broadcast_in_dim3A_69 = vector.broadcast %broadcast_in_dim3A_68 : i32 to vector<16xi32>
        %gather3A_70 = tpu.vector_load_idx %arg6[%add3A_57, %broadcast_in_dim3A_69] : memref<128x8xf32, #tpu.memory_space<vmem>>[vector<16xi32>, vector<16xi32>], vector<16xf32>,
        %broadcast_in_dim3A_71 = arith.constant 5 : i32
        %broadcast_in_dim3A_72 = vector.broadcast %broadcast_in_dim3A_71 : i32 to vector<16xi32>
        %gather3A_73 = tpu.vector_load_idx %arg6[%add3A_57, %broadcast_in_dim3A_72] : memref<128x8xf32, #tpu.memory_space<vmem>>[vector<16xi32>, vector<16xi32>], vector<16xf32>,
        %broadcast_in_dim3A_74 = arith.constant 6 : i32
        %broadcast_in_dim3A_75 = vector.broadcast %broadcast_in_dim3A_74 : i32 to vector<16xi32>
        %gather3A_76 = tpu.vector_load_idx %arg6[%add3A_57, %broadcast_in_dim3A_75] : memref<128x8xf32, #tpu.memory_space<vmem>>[vector<16xi32>, vector<16xi32>], vector<16xf32>,
        %broadcast_in_dim3A_77 = arith.constant 7 : i32
        %broadcast_in_dim3A_78 = vector.broadcast %broadcast_in_dim3A_77 : i32 to vector<16xi32>
        %gather3A_79 = tpu.vector_load_idx %arg6[%add3A_57, %broadcast_in_dim3A_78] : memref<128x8xf32, #tpu.memory_space<vmem>>[vector<16xi32>, vector<16xi32>], vector<16xf32>,
        tpu.vector_store_idx %arg8[%get3A_54], %gather3A {add = true} : memref<10240xf32, #tpu.memory_space<vmem>>[vector<16xi32>], vector<16xf32>,
        tpu.vector_store_idx %arg9[%get3A_54], %gather3A_61 {add = true} : memref<10240xf32, #tpu.memory_space<vmem>>[vector<16xi32>], vector<16xf32>,
        tpu.vector_store_idx %arg10[%get3A_54], %gather3A_64 {add = true} : memref<10240xf32, #tpu.memory_space<vmem>>[vector<16xi32>], vector<16xf32>,
        tpu.vector_store_idx %arg11[%get3A_54], %gather3A_67 {add = true} : memref<10240xf32, #tpu.memory_space<vmem>>[vector<16xi32>], vector<16xf32>,
        tpu.vector_store_idx %arg12[%get3A_54], %gather3A_70 {add = true} : memref<10240xf32, #tpu.memory_space<vmem>>[vector<16xi32>], vector<16xf32>,
        tpu.vector_store_idx %arg13[%get3A_54], %gather3A_73 {add = true} : memref<10240xf32, #tpu.memory_space<vmem>>[vector<16xi32>], vector<16xf32>,
        tpu.vector_store_idx %arg14[%get3A_54], %gather3A_76 {add = true} : memref<10240xf32, #tpu.memory_space<vmem>>[vector<16xi32>], vector<16xf32>,
        tpu.vector_store_idx %arg15[%get3A_54], %gather3A_79 {add = true} : memref<10240xf32, #tpu.memory_space<vmem>>[vector<16xi32>], vector<16xf32>,
        %get3A_80 = arith.constant 1 : i32
        %get3A_81 = arith.index_cast %mul3A_35 : i32 to index
        %get3A_82 = arith.index_cast %get3A_80 : i32 to index
        %get3A_83 = arith.constant 16 : index
        %get3A_84 = tpu.vector_load %arg5[%get3A_81, %get3A_82, %get3A_83] {strides = array<i32>} : memref<50x2x128xi32, #tpu.memory_space<vmem>>, vector<16xi32>,
        %add3A_85 = arith.constant 16 : i32
        %add3A_86 = vector.broadcast %add3A_85 : i32 to vector<16xi32>
        %add3A_87 = arith.addi %add3A_86, %iota3A : vector<16xi32>
        %broadcast_in_dim3A_88 = arith.constant 0 : i32
        %broadcast_in_dim3A_89 = vector.broadcast %broadcast_in_dim3A_88 : i32 to vector<16xi32>
        %gather3A_90 = tpu.vector_load_idx %arg6[%add3A_87, %broadcast_in_dim3A_89] : memref<128x8xf32, #tpu.memory_space<vmem>>[vector<16xi32>, vector<16xi32>], vector<16xf32>,
        %broadcast_in_dim3A_91 = arith.constant 1 : i32
        %broadcast_in_dim3A_92 = vector.broadcast %broadcast_in_dim3A_91 : i32 to vector<16xi32>
        %gather3A_93 = tpu.vector_load_idx %arg6[%add3A_87, %broadcast_in_dim3A_92] : memref<128x8xf32, #tpu.memory_space<vmem>>[vector<16xi32>, vector<16xi32>], vector<16xf32>,
        %broadcast_in_dim3A_94 = arith.constant 2 : i32
        %broadcast_in_dim3A_95 = vector.broadcast %broadcast_in_dim3A_94 : i32 to vector<16xi32>
        %gather3A_96 = tpu.vector_load_idx %arg6[%add3A_87, %broadcast_in_dim3A_95] : memref<128x8xf32, #tpu.memory_space<vmem>>[vector<16xi32>, vector<16xi32>], vector<16xf32>,
        %broadcast_in_dim3A_97 = arith.constant 3 : i32
        %broadcast_in_dim3A_98 = vector.broadcast %broadcast_in_dim3A_97 : i32 to vector<16xi32>
        %gather3A_99 = tpu.vector_load_idx %arg6[%add3A_87, %broadcast_in_dim3A_98] : memref<128x8xf32, #tpu.memory_space<vmem>>[vector<16xi32>, vector<16xi32>], vector<16xf32>,
        %broadcast_in_dim3A_100 = arith.constant 4 : i32
        %broadcast_in_dim3A_101 = vector.broadcast %broadcast_in_dim3A_100 : i32 to vector<16xi32>
        %gather3A_102 = tpu.vector_load_idx %arg6[%add3A_87, %broadcast_in_dim3A_101] : memref<128x8xf32, #tpu.memory_space<vmem>>[vector<16xi32>, vector<16xi32>], vector<16xf32>,
        %broadcast_in_dim3A_103 = arith.constant 5 : i32
        %broadcast_in_dim3A_104 = vector.broadcast %broadcast_in_dim3A_103 : i32 to vector<16xi32>
        %gather3A_105 = tpu.vector_load_idx %arg6[%add3A_87, %broadcast_in_dim3A_104] : memref<128x8xf32, #tpu.memory_space<vmem>>[vector<16xi32>, vector<16xi32>], vector<16xf32>,
        %broadcast_in_dim3A_106 = arith.constant 6 : i32
        %broadcast_in_dim3A_107 = vector.broadcast %broadcast_in_dim3A_106 : i32 to vector<16xi32>
        %gather3A_108 = tpu.vector_load_idx %arg6[%add3A_87, %broadcast_in_dim3A_107] : memref<128x8xf32, #tpu.memory_space<vmem>>[vector<16xi32>, vector<16xi32>], vector<16xf32>,
        %broadcast_in_dim3A_109 = arith.constant 7 : i32
        %broadcast_in_dim3A_110 = vector.broadcast %broadcast_in_dim3A_109 : i32 to vector<16xi32>
        %gather3A_111 = tpu.vector_load_idx %arg6[%add3A_87, %broadcast_in_dim3A_110] : memref<128x8xf32, #tpu.memory_space<vmem>>[vector<16xi32>, vector<16xi32>], vector<16xf32>,
        tpu.vector_store_idx %arg8[%get3A_84], %gather3A_90 {add = true} : memref<10240xf32, #tpu.memory_space<vmem>>[vector<16xi32>], vector<16xf32>,
        tpu.vector_store_idx %arg9[%get3A_84], %gather3A_93 {add = true} : memref<10240xf32, #tpu.memory_space<vmem>>[vector<16xi32>], vector<16xf32>,
        tpu.vector_store_idx %arg10[%get3A_84], %gather3A_96 {add = true} : memref<10240xf32, #tpu.memory_space<vmem>>[vector<16xi32>], vector<16xf32>,
        tpu.vector_store_idx %arg11[%get3A_84], %gather3A_99 {add = true} : memref<10240xf32, #tpu.memory_space<vmem>>[vector<16xi32>], vector<16xf32>,
        tpu.vector_store_idx %arg12[%get3A_84], %gather3A_102 {add = true} : memref<10240xf32, #tpu.memory_space<vmem>>[vector<16xi32>], vector<16xf32>,
        tpu.vector_store_idx %arg13[%get3A_84], %gather3A_105 {add = true} : memref<10240xf32, #tpu.memory_space<vmem>>[vector<16xi32>], vector<16xf32>,
        tpu.vector_store_idx %arg14[%get3A_84], %gather3A_108 {add = true} : memref<10240xf32, #tpu.memory_space<vmem>>[vector<16xi32>], vector<16xf32>,
        tpu.vector_store_idx %arg15[%get3A_84], %gather3A_111 {add = true} : memref<10240xf32, #tpu.memory_space<vmem>>[vector<16xi32>], vector<16xf32>,
        %get3A_112 = arith.constant 1 : i32
        %get3A_113 = arith.index_cast %mul3A_35 : i32 to index
        %get3A_114 = arith.index_cast %get3A_112 : i32 to index
        %get3A_115 = arith.constant 32 : index
        %get3A_116 = tpu.vector_load %arg5[%get3A_113, %get3A_114, %get3A_115] {strides = array<i32>} : memref<50x2x128xi32, #tpu.memory_space<vmem>>, vector<16xi32>,
        %add3A_117 = arith.constant 32 : i32
        %add3A_118 = vector.broadcast %add3A_117 : i32 to vector<16xi32>
        %add3A_119 = arith.addi %add3A_118, %iota3A : vector<16xi32>
        %broadcast_in_dim3A_120 = arith.constant 0 : i32
        %broadcast_in_dim3A_121 = vector.broadcast %broadcast_in_dim3A_120 : i32 to vector<16xi32>
        %gather3A_122 = tpu.vector_load_idx %arg6[%add3A_119, %broadcast_in_dim3A_121] : memref<128x8xf32, #tpu.memory_space<vmem>>[vector<16xi32>, vector<16xi32>], vector<16xf32>,
        %broadcast_in_dim3A_123 = arith.constant 1 : i32
        %broadcast_in_dim3A_124 = vector.broadcast %broadcast_in_dim3A_123 : i32 to vector<16xi32>
        %gather3A_125 = tpu.vector_load_idx %arg6[%add3A_119, %broadcast_in_dim3A_124] : memref<128x8xf32, #tpu.memory_space<vmem>>[vector<16xi32>, vector<16xi32>], vector<16xf32>,
        %broadcast_in_dim3A_126 = arith.constant 2 : i32
        %broadcast_in_dim3A_127 = vector.broadcast %broadcast_in_dim3A_126 : i32 to vector<16xi32>
        %gather3A_128 = tpu.vector_load_idx %arg6[%add3A_119, %broadcast_in_dim3A_127] : memref<128x8xf32, #tpu.memory_space<vmem>>[vector<16xi32>, vector<16xi32>], vector<16xf32>,
        %broadcast_in_dim3A_129 = arith.constant 3 : i32
        %broadcast_in_dim3A_130 = vector.broadcast %broadcast_in_dim3A_129 : i32 to vector<16xi32>
        %gather3A_131 = tpu.vector_load_idx %arg6[%add3A_119, %broadcast_in_dim3A_130] : memref<128x8xf32, #tpu.memory_space<vmem>>[vector<16xi32>, vector<16xi32>], vector<16xf32>,
        %broadcast_in_dim3A_132 = arith.constant 4 : i32
        %broadcast_in_dim3A_133 = vector.broadcast %broadcast_in_dim3A_132 : i32 to vector<16xi32>
        %gather3A_134 = tpu.vector_load_idx %arg6[%add3A_119, %broadcast_in_dim3A_133] : memref<128x8xf32, #tpu.memory_space<vmem>>[vector<16xi32>, vector<16xi32>], vector<16xf32>,
        %broadcast_in_dim3A_135 = arith.constant 5 : i32
        %broadcast_in_dim3A_136 = vector.broadcast %broadcast_in_dim3A_135 : i32 to vector<16xi32>
        %gather3A_137 = tpu.vector_load_idx %arg6[%add3A_119, %broadcast_in_dim3A_136] : memref<128x8xf32, #tpu.memory_space<vmem>>[vector<16xi32>, vector<16xi32>], vector<16xf32>,
        %broadcast_in_dim3A_138 = arith.constant 6 : i32
        %broadcast_in_dim3A_139 = vector.broadcast %broadcast_in_dim3A_138 : i32 to vector<16xi32>
        %gather3A_140 = tpu.vector_load_idx %arg6[%add3A_119, %broadcast_in_dim3A_139] : memref<128x8xf32, #tpu.memory_space<vmem>>[vector<16xi32>, vector<16xi32>], vector<16xf32>,
        %broadcast_in_dim3A_141 = arith.constant 7 : i32
        %broadcast_in_dim3A_142 = vector.broadcast %broadcast_in_dim3A_141 : i32 to vector<16xi32>
        %gather3A_143 = tpu.vector_load_idx %arg6[%add3A_119, %broadcast_in_dim3A_142] : memref<128x8xf32, #tpu.memory_space<vmem>>[vector<16xi32>, vector<16xi32>], vector<16xf32>,
        tpu.vector_store_idx %arg8[%get3A_116], %gather3A_122 {add = true} : memref<10240xf32, #tpu.memory_space<vmem>>[vector<16xi32>], vector<16xf32>,
        tpu.vector_store_idx %arg9[%get3A_116], %gather3A_125 {add = true} : memref<10240xf32, #tpu.memory_space<vmem>>[vector<16xi32>], vector<16xf32>,
        tpu.vector_store_idx %arg10[%get3A_116], %gather3A_128 {add = true} : memref<10240xf32, #tpu.memory_space<vmem>>[vector<16xi32>], vector<16xf32>,
        tpu.vector_store_idx %arg11[%get3A_116], %gather3A_131 {add = true} : memref<10240xf32, #tpu.memory_space<vmem>>[vector<16xi32>], vector<16xf32>,
        tpu.vector_store_idx %arg12[%get3A_116], %gather3A_134 {add = true} : memref<10240xf32, #tpu.memory_space<vmem>>[vector<16xi32>], vector<16xf32>,
        tpu.vector_store_idx %arg13[%get3A_116], %gather3A_137 {add = true} : memref<10240xf32, #tpu.memory_space<vmem>>[vector<16xi32>], vector<16xf32>,
        tpu.vector_store_idx %arg14[%get3A_116], %gather3A_140 {add = true} : memref<10240xf32, #tpu.memory_space<vmem>>[vector<16xi32>], vector<16xf32>,
        tpu.vector_store_idx %arg15[%get3A_116], %gather3A_143 {add = true} : memref<10240xf32, #tpu.memory_space<vmem>>[vector<16xi32>], vector<16xf32>,
        %get3A_144 = arith.constant 1 : i32
        %get3A_145 = arith.index_cast %mul3A_35 : i32 to index
        %get3A_146 = arith.index_cast %get3A_144 : i32 to index
        %get3A_147 = arith.constant 48 : index
        %get3A_148 = tpu.vector_load %arg5[%get3A_145, %get3A_146, %get3A_147] {strides = array<i32>} : memref<50x2x128xi32, #tpu.memory_space<vmem>>, vector<16xi32>,
        %add3A_149 = arith.constant 48 : i32
        %add3A_150 = vector.broadcast %add3A_149 : i32 to vector<16xi32>
        %add3A_151 = arith.addi %add3A_150, %iota3A : vector<16xi32>
        %broadcast_in_dim3A_152 = arith.constant 0 : i32
        %broadcast_in_dim3A_153 = vector.broadcast %broadcast_in_dim3A_152 : i32 to vector<16xi32>
        %gather3A_154 = tpu.vector_load_idx %arg6[%add3A_151, %broadcast_in_dim3A_153] : memref<128x8xf32, #tpu.memory_space<vmem>>[vector<16xi32>, vector<16xi32>], vector<16xf32>,
        %broadcast_in_dim3A_155 = arith.constant 1 : i32
        %broadcast_in_dim3A_156 = vector.broadcast %broadcast_in_dim3A_155 : i32 to vector<16xi32>
        %gather3A_157 = tpu.vector_load_idx %arg6[%add3A_151, %broadcast_in_dim3A_156] : memref<128x8xf32, #tpu.memory_space<vmem>>[vector<16xi32>, vector<16xi32>], vector<16xf32>,
        %broadcast_in_dim3A_158 = arith.constant 2 : i32
        %broadcast_in_dim3A_159 = vector.broadcast %broadcast_in_dim3A_158 : i32 to vector<16xi32>
        %gather3A_160 = tpu.vector_load_idx %arg6[%add3A_151, %broadcast_in_dim3A_159] : memref<128x8xf32, #tpu.memory_space<vmem>>[vector<16xi32>, vector<16xi32>], vector<16xf32>,
        %broadcast_in_dim3A_161 = arith.constant 3 : i32
        %broadcast_in_dim3A_162 = vector.broadcast %broadcast_in_dim3A_161 : i32 to vector<16xi32>
        %gather3A_163 = tpu.vector_load_idx %arg6[%add3A_151, %broadcast_in_dim3A_162] : memref<128x8xf32, #tpu.memory_space<vmem>>[vector<16xi32>, vector<16xi32>], vector<16xf32>,
        %broadcast_in_dim3A_164 = arith.constant 4 : i32
        %broadcast_in_dim3A_165 = vector.broadcast %broadcast_in_dim3A_164 : i32 to vector<16xi32>
        %gather3A_166 = tpu.vector_load_idx %arg6[%add3A_151, %broadcast_in_dim3A_165] : memref<128x8xf32, #tpu.memory_space<vmem>>[vector<16xi32>, vector<16xi32>], vector<16xf32>,
        %broadcast_in_dim3A_167 = arith.constant 5 : i32
        %broadcast_in_dim3A_168 = vector.broadcast %broadcast_in_dim3A_167 : i32 to vector<16xi32>
        %gather3A_169 = tpu.vector_load_idx %arg6[%add3A_151, %broadcast_in_dim3A_168] : memref<128x8xf32, #tpu.memory_space<vmem>>[vector<16xi32>, vector<16xi32>], vector<16xf32>,
        %broadcast_in_dim3A_170 = arith.constant 6 : i32
        %broadcast_in_dim3A_171 = vector.broadcast %broadcast_in_dim3A_170 : i32 to vector<16xi32>
        %gather3A_172 = tpu.vector_load_idx %arg6[%add3A_151, %broadcast_in_dim3A_171] : memref<128x8xf32, #tpu.memory_space<vmem>>[vector<16xi32>, vector<16xi32>], vector<16xf32>,
        %broadcast_in_dim3A_173 = arith.constant 7 : i32
        %broadcast_in_dim3A_174 = vector.broadcast %broadcast_in_dim3A_173 : i32 to vector<16xi32>
        %gather3A_175 = tpu.vector_load_idx %arg6[%add3A_151, %broadcast_in_dim3A_174] : memref<128x8xf32, #tpu.memory_space<vmem>>[vector<16xi32>, vector<16xi32>], vector<16xf32>,
        tpu.vector_store_idx %arg8[%get3A_148], %gather3A_154 {add = true} : memref<10240xf32, #tpu.memory_space<vmem>>[vector<16xi32>], vector<16xf32>,
        tpu.vector_store_idx %arg9[%get3A_148], %gather3A_157 {add = true} : memref<10240xf32, #tpu.memory_space<vmem>>[vector<16xi32>], vector<16xf32>,
        tpu.vector_store_idx %arg10[%get3A_148], %gather3A_160 {add = true} : memref<10240xf32, #tpu.memory_space<vmem>>[vector<16xi32>], vector<16xf32>,
        tpu.vector_store_idx %arg11[%get3A_148], %gather3A_163 {add = true} : memref<10240xf32, #tpu.memory_space<vmem>>[vector<16xi32>], vector<16xf32>,
        tpu.vector_store_idx %arg12[%get3A_148], %gather3A_166 {add = true} : memref<10240xf32, #tpu.memory_space<vmem>>[vector<16xi32>], vector<16xf32>,
        tpu.vector_store_idx %arg13[%get3A_148], %gather3A_169 {add = true} : memref<10240xf32, #tpu.memory_space<vmem>>[vector<16xi32>], vector<16xf32>,
        tpu.vector_store_idx %arg14[%get3A_148], %gather3A_172 {add = true} : memref<10240xf32, #tpu.memory_space<vmem>>[vector<16xi32>], vector<16xf32>,
        tpu.vector_store_idx %arg15[%get3A_148], %gather3A_175 {add = true} : memref<10240xf32, #tpu.memory_space<vmem>>[vector<16xi32>], vector<16xf32>,
        %get3A_176 = arith.constant 1 : i32
        %get3A_177 = arith.index_cast %mul3A_35 : i32 to index
        %get3A_178 = arith.index_cast %get3A_176 : i32 to index
        %get3A_179 = arith.constant 64 : index
        %get3A_180 = tpu.vector_load %arg5[%get3A_177, %get3A_178, %get3A_179] {strides = array<i32>} : memref<50x2x128xi32, #tpu.memory_space<vmem>>, vector<16xi32>,
        %add3A_181 = arith.constant 64 : i32
        %add3A_182 = vector.broadcast %add3A_181 : i32 to vector<16xi32>
        %add3A_183 = arith.addi %add3A_182, %iota3A : vector<16xi32>
        %broadcast_in_dim3A_184 = arith.constant 0 : i32
        %broadcast_in_dim3A_185 = vector.broadcast %broadcast_in_dim3A_184 : i32 to vector<16xi32>
        %gather3A_186 = tpu.vector_load_idx %arg6[%add3A_183, %broadcast_in_dim3A_185] : memref<128x8xf32, #tpu.memory_space<vmem>>[vector<16xi32>, vector<16xi32>], vector<16xf32>,
        %broadcast_in_dim3A_187 = arith.constant 1 : i32
        %broadcast_in_dim3A_188 = vector.broadcast %broadcast_in_dim3A_187 : i32 to vector<16xi32>
        %gather3A_189 = tpu.vector_load_idx %arg6[%add3A_183, %broadcast_in_dim3A_188] : memref<128x8xf32, #tpu.memory_space<vmem>>[vector<16xi32>, vector<16xi32>], vector<16xf32>,
        %broadcast_in_dim3A_190 = arith.constant 2 : i32
        %broadcast_in_dim3A_191 = vector.broadcast %broadcast_in_dim3A_190 : i32 to vector<16xi32>
        %gather3A_192 = tpu.vector_load_idx %arg6[%add3A_183, %broadcast_in_dim3A_191] : memref<128x8xf32, #tpu.memory_space<vmem>>[vector<16xi32>, vector<16xi32>], vector<16xf32>,
        %broadcast_in_dim3A_193 = arith.constant 3 : i32
        %broadcast_in_dim3A_194 = vector.broadcast %broadcast_in_dim3A_193 : i32 to vector<16xi32>
        %gather3A_195 = tpu.vector_load_idx %arg6[%add3A_183, %broadcast_in_dim3A_194] : memref<128x8xf32, #tpu.memory_space<vmem>>[vector<16xi32>, vector<16xi32>], vector<16xf32>,
        %broadcast_in_dim3A_196 = arith.constant 4 : i32
        %broadcast_in_dim3A_197 = vector.broadcast %broadcast_in_dim3A_196 : i32 to vector<16xi32>
        %gather3A_198 = tpu.vector_load_idx %arg6[%add3A_183, %broadcast_in_dim3A_197] : memref<128x8xf32, #tpu.memory_space<vmem>>[vector<16xi32>, vector<16xi32>], vector<16xf32>,
        %broadcast_in_dim3A_199 = arith.constant 5 : i32
        %broadcast_in_dim3A_200 = vector.broadcast %broadcast_in_dim3A_199 : i32 to vector<16xi32>
        %gather3A_201 = tpu.vector_load_idx %arg6[%add3A_183, %broadcast_in_dim3A_200] : memref<128x8xf32, #tpu.memory_space<vmem>>[vector<16xi32>, vector<16xi32>], vector<16xf32>,
        %broadcast_in_dim3A_202 = arith.constant 6 : i32
        %broadcast_in_dim3A_203 = vector.broadcast %broadcast_in_dim3A_202 : i32 to vector<16xi32>
        %gather3A_204 = tpu.vector_load_idx %arg6[%add3A_183, %broadcast_in_dim3A_203] : memref<128x8xf32, #tpu.memory_space<vmem>>[vector<16xi32>, vector<16xi32>], vector<16xf32>,
        %broadcast_in_dim3A_205 = arith.constant 7 : i32
        %broadcast_in_dim3A_206 = vector.broadcast %broadcast_in_dim3A_205 : i32 to vector<16xi32>
        %gather3A_207 = tpu.vector_load_idx %arg6[%add3A_183, %broadcast_in_dim3A_206] : memref<128x8xf32, #tpu.memory_space<vmem>>[vector<16xi32>, vector<16xi32>], vector<16xf32>,
        tpu.vector_store_idx %arg8[%get3A_180], %gather3A_186 {add = true} : memref<10240xf32, #tpu.memory_space<vmem>>[vector<16xi32>], vector<16xf32>,
        tpu.vector_store_idx %arg9[%get3A_180], %gather3A_189 {add = true} : memref<10240xf32, #tpu.memory_space<vmem>>[vector<16xi32>], vector<16xf32>,
        tpu.vector_store_idx %arg10[%get3A_180], %gather3A_192 {add = true} : memref<10240xf32, #tpu.memory_space<vmem>>[vector<16xi32>], vector<16xf32>,
        tpu.vector_store_idx %arg11[%get3A_180], %gather3A_195 {add = true} : memref<10240xf32, #tpu.memory_space<vmem>>[vector<16xi32>], vector<16xf32>,
        tpu.vector_store_idx %arg12[%get3A_180], %gather3A_198 {add = true} : memref<10240xf32, #tpu.memory_space<vmem>>[vector<16xi32>], vector<16xf32>,
        tpu.vector_store_idx %arg13[%get3A_180], %gather3A_201 {add = true} : memref<10240xf32, #tpu.memory_space<vmem>>[vector<16xi32>], vector<16xf32>,
        tpu.vector_store_idx %arg14[%get3A_180], %gather3A_204 {add = true} : memref<10240xf32, #tpu.memory_space<vmem>>[vector<16xi32>], vector<16xf32>,
        tpu.vector_store_idx %arg15[%get3A_180], %gather3A_207 {add = true} : memref<10240xf32, #tpu.memory_space<vmem>>[vector<16xi32>], vector<16xf32>,
        %get3A_208 = arith.constant 1 : i32
        %get3A_209 = arith.index_cast %mul3A_35 : i32 to index
        %get3A_210 = arith.index_cast %get3A_208 : i32 to index
        %get3A_211 = arith.constant 80 : index
        %get3A_212 = tpu.vector_load %arg5[%get3A_209, %get3A_210, %get3A_211] {strides = array<i32>} : memref<50x2x128xi32, #tpu.memory_space<vmem>>, vector<16xi32>,
        %add3A_213 = arith.constant 80 : i32
        %add3A_214 = vector.broadcast %add3A_213 : i32 to vector<16xi32>
        %add3A_215 = arith.addi %add3A_214, %iota3A : vector<16xi32>
        %broadcast_in_dim3A_216 = arith.constant 0 : i32
        %broadcast_in_dim3A_217 = vector.broadcast %broadcast_in_dim3A_216 : i32 to vector<16xi32>
        %gather3A_218 = tpu.vector_load_idx %arg6[%add3A_215, %broadcast_in_dim3A_217] : memref<128x8xf32, #tpu.memory_space<vmem>>[vector<16xi32>, vector<16xi32>], vector<16xf32>,
        %broadcast_in_dim3A_219 = arith.constant 1 : i32
        %broadcast_in_dim3A_220 = vector.broadcast %broadcast_in_dim3A_219 : i32 to vector<16xi32>
        %gather3A_221 = tpu.vector_load_idx %arg6[%add3A_215, %broadcast_in_dim3A_220] : memref<128x8xf32, #tpu.memory_space<vmem>>[vector<16xi32>, vector<16xi32>], vector<16xf32>,
        %broadcast_in_dim3A_222 = arith.constant 2 : i32
        %broadcast_in_dim3A_223 = vector.broadcast %broadcast_in_dim3A_222 : i32 to vector<16xi32>
        %gather3A_224 = tpu.vector_load_idx %arg6[%add3A_215, %broadcast_in_dim3A_223] : memref<128x8xf32, #tpu.memory_space<vmem>>[vector<16xi32>, vector<16xi32>], vector<16xf32>,
        %broadcast_in_dim3A_225 = arith.constant 3 : i32
        %broadcast_in_dim3A_226 = vector.broadcast %broadcast_in_dim3A_225 : i32 to vector<16xi32>
        %gather3A_227 = tpu.vector_load_idx %arg6[%add3A_215, %broadcast_in_dim3A_226] : memref<128x8xf32, #tpu.memory_space<vmem>>[vector<16xi32>, vector<16xi32>], vector<16xf32>,
        %broadcast_in_dim3A_228 = arith.constant 4 : i32
        %broadcast_in_dim3A_229 = vector.broadcast %broadcast_in_dim3A_228 : i32 to vector<16xi32>
        %gather3A_230 = tpu.vector_load_idx %arg6[%add3A_215, %broadcast_in_dim3A_229] : memref<128x8xf32, #tpu.memory_space<vmem>>[vector<16xi32>, vector<16xi32>], vector<16xf32>,
        %broadcast_in_dim3A_231 = arith.constant 5 : i32
        %broadcast_in_dim3A_232 = vector.broadcast %broadcast_in_dim3A_231 : i32 to vector<16xi32>
        %gather3A_233 = tpu.vector_load_idx %arg6[%add3A_215, %broadcast_in_dim3A_232] : memref<128x8xf32, #tpu.memory_space<vmem>>[vector<16xi32>, vector<16xi32>], vector<16xf32>,
        %broadcast_in_dim3A_234 = arith.constant 6 : i32
        %broadcast_in_dim3A_235 = vector.broadcast %broadcast_in_dim3A_234 : i32 to vector<16xi32>
        %gather3A_236 = tpu.vector_load_idx %arg6[%add3A_215, %broadcast_in_dim3A_235] : memref<128x8xf32, #tpu.memory_space<vmem>>[vector<16xi32>, vector<16xi32>], vector<16xf32>,
        %broadcast_in_dim3A_237 = arith.constant 7 : i32
        %broadcast_in_dim3A_238 = vector.broadcast %broadcast_in_dim3A_237 : i32 to vector<16xi32>
        %gather3A_239 = tpu.vector_load_idx %arg6[%add3A_215, %broadcast_in_dim3A_238] : memref<128x8xf32, #tpu.memory_space<vmem>>[vector<16xi32>, vector<16xi32>], vector<16xf32>,
        tpu.vector_store_idx %arg8[%get3A_212], %gather3A_218 {add = true} : memref<10240xf32, #tpu.memory_space<vmem>>[vector<16xi32>], vector<16xf32>,
        tpu.vector_store_idx %arg9[%get3A_212], %gather3A_221 {add = true} : memref<10240xf32, #tpu.memory_space<vmem>>[vector<16xi32>], vector<16xf32>,
        tpu.vector_store_idx %arg10[%get3A_212], %gather3A_224 {add = true} : memref<10240xf32, #tpu.memory_space<vmem>>[vector<16xi32>], vector<16xf32>,
        tpu.vector_store_idx %arg11[%get3A_212], %gather3A_227 {add = true} : memref<10240xf32, #tpu.memory_space<vmem>>[vector<16xi32>], vector<16xf32>,
        tpu.vector_store_idx %arg12[%get3A_212], %gather3A_230 {add = true} : memref<10240xf32, #tpu.memory_space<vmem>>[vector<16xi32>], vector<16xf32>,
        tpu.vector_store_idx %arg13[%get3A_212], %gather3A_233 {add = true} : memref<10240xf32, #tpu.memory_space<vmem>>[vector<16xi32>], vector<16xf32>,
        tpu.vector_store_idx %arg14[%get3A_212], %gather3A_236 {add = true} : memref<10240xf32, #tpu.memory_space<vmem>>[vector<16xi32>], vector<16xf32>,
        tpu.vector_store_idx %arg15[%get3A_212], %gather3A_239 {add = true} : memref<10240xf32, #tpu.memory_space<vmem>>[vector<16xi32>], vector<16xf32>,
        %get3A_240 = arith.constant 1 : i32
        %get3A_241 = arith.index_cast %mul3A_35 : i32 to index
        %get3A_242 = arith.index_cast %get3A_240 : i32 to index
        %get3A_243 = arith.constant 96 : index
        %get3A_244 = tpu.vector_load %arg5[%get3A_241, %get3A_242, %get3A_243] {strides = array<i32>} : memref<50x2x128xi32, #tpu.memory_space<vmem>>, vector<16xi32>,
        %add3A_245 = arith.constant 96 : i32
        %add3A_246 = vector.broadcast %add3A_245 : i32 to vector<16xi32>
        %add3A_247 = arith.addi %add3A_246, %iota3A : vector<16xi32>
        %broadcast_in_dim3A_248 = arith.constant 0 : i32
        %broadcast_in_dim3A_249 = vector.broadcast %broadcast_in_dim3A_248 : i32 to vector<16xi32>
        %gather3A_250 = tpu.vector_load_idx %arg6[%add3A_247, %broadcast_in_dim3A_249] : memref<128x8xf32, #tpu.memory_space<vmem>>[vector<16xi32>, vector<16xi32>], vector<16xf32>,
        %broadcast_in_dim3A_251 = arith.constant 1 : i32
        %broadcast_in_dim3A_252 = vector.broadcast %broadcast_in_dim3A_251 : i32 to vector<16xi32>
        %gather3A_253 = tpu.vector_load_idx %arg6[%add3A_247, %broadcast_in_dim3A_252] : memref<128x8xf32, #tpu.memory_space<vmem>>[vector<16xi32>, vector<16xi32>], vector<16xf32>,
        %broadcast_in_dim3A_254 = arith.constant 2 : i32
        %broadcast_in_dim3A_255 = vector.broadcast %broadcast_in_dim3A_254 : i32 to vector<16xi32>
        %gather3A_256 = tpu.vector_load_idx %arg6[%add3A_247, %broadcast_in_dim3A_255] : memref<128x8xf32, #tpu.memory_space<vmem>>[vector<16xi32>, vector<16xi32>], vector<16xf32>,
        %broadcast_in_dim3A_257 = arith.constant 3 : i32
        %broadcast_in_dim3A_258 = vector.broadcast %broadcast_in_dim3A_257 : i32 to vector<16xi32>
        %gather3A_259 = tpu.vector_load_idx %arg6[%add3A_247, %broadcast_in_dim3A_258] : memref<128x8xf32, #tpu.memory_space<vmem>>[vector<16xi32>, vector<16xi32>], vector<16xf32>,
        %broadcast_in_dim3A_260 = arith.constant 4 : i32
        %broadcast_in_dim3A_261 = vector.broadcast %broadcast_in_dim3A_260 : i32 to vector<16xi32>
        %gather3A_262 = tpu.vector_load_idx %arg6[%add3A_247, %broadcast_in_dim3A_261] : memref<128x8xf32, #tpu.memory_space<vmem>>[vector<16xi32>, vector<16xi32>], vector<16xf32>,
        %broadcast_in_dim3A_263 = arith.constant 5 : i32
        %broadcast_in_dim3A_264 = vector.broadcast %broadcast_in_dim3A_263 : i32 to vector<16xi32>
        %gather3A_265 = tpu.vector_load_idx %arg6[%add3A_247, %broadcast_in_dim3A_264] : memref<128x8xf32, #tpu.memory_space<vmem>>[vector<16xi32>, vector<16xi32>], vector<16xf32>,
        %broadcast_in_dim3A_266 = arith.constant 6 : i32
        %broadcast_in_dim3A_267 = vector.broadcast %broadcast_in_dim3A_266 : i32 to vector<16xi32>
        %gather3A_268 = tpu.vector_load_idx %arg6[%add3A_247, %broadcast_in_dim3A_267] : memref<128x8xf32, #tpu.memory_space<vmem>>[vector<16xi32>, vector<16xi32>], vector<16xf32>,
        %broadcast_in_dim3A_269 = arith.constant 7 : i32
        %broadcast_in_dim3A_270 = vector.broadcast %broadcast_in_dim3A_269 : i32 to vector<16xi32>
        %gather3A_271 = tpu.vector_load_idx %arg6[%add3A_247, %broadcast_in_dim3A_270] : memref<128x8xf32, #tpu.memory_space<vmem>>[vector<16xi32>, vector<16xi32>], vector<16xf32>,
        tpu.vector_store_idx %arg8[%get3A_244], %gather3A_250 {add = true} : memref<10240xf32, #tpu.memory_space<vmem>>[vector<16xi32>], vector<16xf32>,
        tpu.vector_store_idx %arg9[%get3A_244], %gather3A_253 {add = true} : memref<10240xf32, #tpu.memory_space<vmem>>[vector<16xi32>], vector<16xf32>,
        tpu.vector_store_idx %arg10[%get3A_244], %gather3A_256 {add = true} : memref<10240xf32, #tpu.memory_space<vmem>>[vector<16xi32>], vector<16xf32>,
        tpu.vector_store_idx %arg11[%get3A_244], %gather3A_259 {add = true} : memref<10240xf32, #tpu.memory_space<vmem>>[vector<16xi32>], vector<16xf32>,
        tpu.vector_store_idx %arg12[%get3A_244], %gather3A_262 {add = true} : memref<10240xf32, #tpu.memory_space<vmem>>[vector<16xi32>], vector<16xf32>,
        tpu.vector_store_idx %arg13[%get3A_244], %gather3A_265 {add = true} : memref<10240xf32, #tpu.memory_space<vmem>>[vector<16xi32>], vector<16xf32>,
        tpu.vector_store_idx %arg14[%get3A_244], %gather3A_268 {add = true} : memref<10240xf32, #tpu.memory_space<vmem>>[vector<16xi32>], vector<16xf32>,
        tpu.vector_store_idx %arg15[%get3A_244], %gather3A_271 {add = true} : memref<10240xf32, #tpu.memory_space<vmem>>[vector<16xi32>], vector<16xf32>,
        %get3A_272 = arith.constant 1 : i32
        %get3A_273 = arith.index_cast %mul3A_35 : i32 to index
        %get3A_274 = arith.index_cast %get3A_272 : i32 to index
        %get3A_275 = arith.constant 112 : index
        %get3A_276 = tpu.vector_load %arg5[%get3A_273, %get3A_274, %get3A_275] {strides = array<i32>} : memref<50x2x128xi32, #tpu.memory_space<vmem>>, vector<16xi32>,
        %add3A_277 = arith.constant 112 : i32
        %add3A_278 = vector.broadcast %add3A_277 : i32 to vector<16xi32>
        %add3A_279 = arith.addi %add3A_278, %iota3A : vector<16xi32>
        %broadcast_in_dim3A_280 = arith.constant 0 : i32
        %broadcast_in_dim3A_281 = vector.broadcast %broadcast_in_dim3A_280 : i32 to vector<16xi32>
        %gather3A_282 = tpu.vector_load_idx %arg6[%add3A_279, %broadcast_in_dim3A_281] : memref<128x8xf32, #tpu.memory_space<vmem>>[vector<16xi32>, vector<16xi32>], vector<16xf32>,
        %broadcast_in_dim3A_283 = arith.constant 1 : i32
        %broadcast_in_dim3A_284 = vector.broadcast %broadcast_in_dim3A_283 : i32 to vector<16xi32>
        %gather3A_285 = tpu.vector_load_idx %arg6[%add3A_279, %broadcast_in_dim3A_284] : memref<128x8xf32, #tpu.memory_space<vmem>>[vector<16xi32>, vector<16xi32>], vector<16xf32>,
        %broadcast_in_dim3A_286 = arith.constant 2 : i32
        %broadcast_in_dim3A_287 = vector.broadcast %broadcast_in_dim3A_286 : i32 to vector<16xi32>
        %gather3A_288 = tpu.vector_load_idx %arg6[%add3A_279, %broadcast_in_dim3A_287] : memref<128x8xf32, #tpu.memory_space<vmem>>[vector<16xi32>, vector<16xi32>], vector<16xf32>,
        %broadcast_in_dim3A_289 = arith.constant 3 : i32
        %broadcast_in_dim3A_290 = vector.broadcast %broadcast_in_dim3A_289 : i32 to vector<16xi32>
        %gather3A_291 = tpu.vector_load_idx %arg6[%add3A_279, %broadcast_in_dim3A_290] : memref<128x8xf32, #tpu.memory_space<vmem>>[vector<16xi32>, vector<16xi32>], vector<16xf32>,
        %broadcast_in_dim3A_292 = arith.constant 4 : i32
        %broadcast_in_dim3A_293 = vector.broadcast %broadcast_in_dim3A_292 : i32 to vector<16xi32>
        %gather3A_294 = tpu.vector_load_idx %arg6[%add3A_279, %broadcast_in_dim3A_293] : memref<128x8xf32, #tpu.memory_space<vmem>>[vector<16xi32>, vector<16xi32>], vector<16xf32>,
        %broadcast_in_dim3A_295 = arith.constant 5 : i32
        %broadcast_in_dim3A_296 = vector.broadcast %broadcast_in_dim3A_295 : i32 to vector<16xi32>
        %gather3A_297 = tpu.vector_load_idx %arg6[%add3A_279, %broadcast_in_dim3A_296] : memref<128x8xf32, #tpu.memory_space<vmem>>[vector<16xi32>, vector<16xi32>], vector<16xf32>,
        %broadcast_in_dim3A_298 = arith.constant 6 : i32
        %broadcast_in_dim3A_299 = vector.broadcast %broadcast_in_dim3A_298 : i32 to vector<16xi32>
        %gather3A_300 = tpu.vector_load_idx %arg6[%add3A_279, %broadcast_in_dim3A_299] : memref<128x8xf32, #tpu.memory_space<vmem>>[vector<16xi32>, vector<16xi32>], vector<16xf32>,
        %broadcast_in_dim3A_301 = arith.constant 7 : i32
        %broadcast_in_dim3A_302 = vector.broadcast %broadcast_in_dim3A_301 : i32 to vector<16xi32>
        %gather3A_303 = tpu.vector_load_idx %arg6[%add3A_279, %broadcast_in_dim3A_302] : memref<128x8xf32, #tpu.memory_space<vmem>>[vector<16xi32>, vector<16xi32>], vector<16xf32>,
        tpu.vector_store_idx %arg8[%get3A_276], %gather3A_282 {add = true} : memref<10240xf32, #tpu.memory_space<vmem>>[vector<16xi32>], vector<16xf32>,
        tpu.vector_store_idx %arg9[%get3A_276], %gather3A_285 {add = true} : memref<10240xf32, #tpu.memory_space<vmem>>[vector<16xi32>], vector<16xf32>,
        tpu.vector_store_idx %arg10[%get3A_276], %gather3A_288 {add = true} : memref<10240xf32, #tpu.memory_space<vmem>>[vector<16xi32>], vector<16xf32>,
        tpu.vector_store_idx %arg11[%get3A_276], %gather3A_291 {add = true} : memref<10240xf32, #tpu.memory_space<vmem>>[vector<16xi32>], vector<16xf32>,
        tpu.vector_store_idx %arg12[%get3A_276], %gather3A_294 {add = true} : memref<10240xf32, #tpu.memory_space<vmem>>[vector<16xi32>], vector<16xf32>,
        tpu.vector_store_idx %arg13[%get3A_276], %gather3A_297 {add = true} : memref<10240xf32, #tpu.memory_space<vmem>>[vector<16xi32>], vector<16xf32>,
        tpu.vector_store_idx %arg14[%get3A_276], %gather3A_300 {add = true} : memref<10240xf32, #tpu.memory_space<vmem>>[vector<16xi32>], vector<16xf32>,
        tpu.vector_store_idx %arg15[%get3A_276], %gather3A_303 {add = true} : memref<10240xf32, #tpu.memory_space<vmem>>[vector<16xi32>], vector<16xf32>,
        %lt3A = arith.constant 24 : i32
        %lt3A_304 = arith.cmpi slt, %scan3A_33, %lt3A : i32
        %convert_element_type3A = arith.extui %lt3A_304 : i1 to i32
        %cond3A = arith.constant 0 : i32
        %cond3A_305 = arith.cmpi ne, %convert_element_type3A, %cond3A : i32
        scf.if %cond3A_305 {
          %add3A_573 = arith.constant 2 : i32
          %add3A_574 = arith.addi %mul3A_35, %add3A_573 : i32
          %dma_start3A_575 = arith.constant 0 : i32
          %dma_start3A_576 = arith.constant 0 : i32
          %dma_start3A_577 = tpu.memref_slice %arg5[%add3A_574, %dma_start3A_575, %dma_start3A_576] : memref<50x2x128xi32, #tpu.memory_space<vmem>> -> memref<1x1x128xi32, #tpu.memory_space<vmem>>
          %dma_start3A_578 = tpu.memref_squeeze %dma_start3A_577 : memref<1x1x128xi32, #tpu.memory_space<vmem>> -> memref<128xi32, #tpu.memory_space<vmem>>
          %dma_start3A_579 = arith.constant 0 : i32
          %dma_start3A_580 = arith.constant 0 : i32
          %dma_start3A_581 = tpu.memref_slice %arg2[%dma_start3A_579, %dma_start3A_580] : memref<160000x8xf32, #tpu.memory_space<hbm>> -> memref<160000x8xf32, #tpu.memory_space<hbm>>
          tpu.enqueue_indirect_dma source(%dma_start3A_581 : memref<160000x8xf32, #tpu.memory_space<hbm>>) target(%arg6 : memref<128x8xf32, #tpu.memory_space<vmem>>) offsets(%dma_start3A_578 : memref<128xi32, #tpu.memory_space<vmem>>) semaphore(%arg16 : memref<!tpu.dma_semaphore, #tpu.memory_space<semaphore_mem>>)
        } else {
        }
        %add3A_306 = arith.constant 1 : i32
        %add3A_307 = arith.addi %mul3A_35, %add3A_306 : i32
        %dma_wait3A_308 = arith.constant 0 : i32
        %dma_wait3A_309 = arith.constant 0 : i32
        %dma_wait3A_310 = tpu.memref_slice %arg5[%add3A_307, %dma_wait3A_308, %dma_wait3A_309] : memref<50x2x128xi32, #tpu.memory_space<vmem>> -> memref<1x1x128xi32, #tpu.memory_space<vmem>>
        %dma_wait3A_311 = tpu.memref_squeeze %dma_wait3A_310 : memref<1x1x128xi32, #tpu.memory_space<vmem>> -> memref<128xi32, #tpu.memory_space<vmem>>
        %dma_wait3A_312 = arith.constant 0 : i32
        %dma_wait3A_313 = arith.constant 0 : i32
        %dma_wait3A_314 = tpu.memref_slice %arg2[%dma_wait3A_312, %dma_wait3A_313] : memref<160000x8xf32, #tpu.memory_space<hbm>> -> memref<160000x8xf32, #tpu.memory_space<hbm>>
        tpu.wait_indirect_dma semaphore(%arg17 : memref<!tpu.dma_semaphore, #tpu.memory_space<semaphore_mem>>) src(%dma_wait3A_314 : memref<160000x8xf32, #tpu.memory_space<hbm>>) dst(%arg7 : memref<128x8xf32, #tpu.memory_space<vmem>>)
        %add3A_315 = arith.constant 1 : i32
        %add3A_316 = arith.addi %mul3A_35, %add3A_315 : i32
        %get3A_317 = arith.constant 1 : i32
        %get3A_318 = arith.index_cast %add3A_316 : i32 to index
        %get3A_319 = arith.index_cast %get3A_317 : i32 to index
        %get3A_320 = arith.constant 0 : index
        %get3A_321 = tpu.vector_load %arg5[%get3A_318, %get3A_319, %get3A_320] {strides = array<i32>} : memref<50x2x128xi32, #tpu.memory_space<vmem>>, vector<16xi32>,
        %add3A_322 = arith.constant 0 : i32
        %add3A_323 = vector.broadcast %add3A_322 : i32 to vector<16xi32>
        %add3A_324 = arith.addi %add3A_323, %iota3A : vector<16xi32>
        %broadcast_in_dim3A_325 = arith.constant 0 : i32
        %broadcast_in_dim3A_326 = vector.broadcast %broadcast_in_dim3A_325 : i32 to vector<16xi32>
        %gather3A_327 = tpu.vector_load_idx %arg7[%add3A_324, %broadcast_in_dim3A_326] : memref<128x8xf32, #tpu.memory_space<vmem>>[vector<16xi32>, vector<16xi32>], vector<16xf32>,
        %broadcast_in_dim3A_328 = arith.constant 1 : i32
        %broadcast_in_dim3A_329 = vector.broadcast %broadcast_in_dim3A_328 : i32 to vector<16xi32>
        %gather3A_330 = tpu.vector_load_idx %arg7[%add3A_324, %broadcast_in_dim3A_329] : memref<128x8xf32, #tpu.memory_space<vmem>>[vector<16xi32>, vector<16xi32>], vector<16xf32>,
        %broadcast_in_dim3A_331 = arith.constant 2 : i32
        %broadcast_in_dim3A_332 = vector.broadcast %broadcast_in_dim3A_331 : i32 to vector<16xi32>
        %gather3A_333 = tpu.vector_load_idx %arg7[%add3A_324, %broadcast_in_dim3A_332] : memref<128x8xf32, #tpu.memory_space<vmem>>[vector<16xi32>, vector<16xi32>], vector<16xf32>,
        %broadcast_in_dim3A_334 = arith.constant 3 : i32
        %broadcast_in_dim3A_335 = vector.broadcast %broadcast_in_dim3A_334 : i32 to vector<16xi32>
        %gather3A_336 = tpu.vector_load_idx %arg7[%add3A_324, %broadcast_in_dim3A_335] : memref<128x8xf32, #tpu.memory_space<vmem>>[vector<16xi32>, vector<16xi32>], vector<16xf32>,
        %broadcast_in_dim3A_337 = arith.constant 4 : i32
        %broadcast_in_dim3A_338 = vector.broadcast %broadcast_in_dim3A_337 : i32 to vector<16xi32>
        %gather3A_339 = tpu.vector_load_idx %arg7[%add3A_324, %broadcast_in_dim3A_338] : memref<128x8xf32, #tpu.memory_space<vmem>>[vector<16xi32>, vector<16xi32>], vector<16xf32>,
        %broadcast_in_dim3A_340 = arith.constant 5 : i32
        %broadcast_in_dim3A_341 = vector.broadcast %broadcast_in_dim3A_340 : i32 to vector<16xi32>
        %gather3A_342 = tpu.vector_load_idx %arg7[%add3A_324, %broadcast_in_dim3A_341] : memref<128x8xf32, #tpu.memory_space<vmem>>[vector<16xi32>, vector<16xi32>], vector<16xf32>,
        %broadcast_in_dim3A_343 = arith.constant 6 : i32
        %broadcast_in_dim3A_344 = vector.broadcast %broadcast_in_dim3A_343 : i32 to vector<16xi32>
        %gather3A_345 = tpu.vector_load_idx %arg7[%add3A_324, %broadcast_in_dim3A_344] : memref<128x8xf32, #tpu.memory_space<vmem>>[vector<16xi32>, vector<16xi32>], vector<16xf32>,
        %broadcast_in_dim3A_346 = arith.constant 7 : i32
        %broadcast_in_dim3A_347 = vector.broadcast %broadcast_in_dim3A_346 : i32 to vector<16xi32>
        %gather3A_348 = tpu.vector_load_idx %arg7[%add3A_324, %broadcast_in_dim3A_347] : memref<128x8xf32, #tpu.memory_space<vmem>>[vector<16xi32>, vector<16xi32>], vector<16xf32>,
        tpu.vector_store_idx %arg8[%get3A_321], %gather3A_327 {add = true} : memref<10240xf32, #tpu.memory_space<vmem>>[vector<16xi32>], vector<16xf32>,
        tpu.vector_store_idx %arg9[%get3A_321], %gather3A_330 {add = true} : memref<10240xf32, #tpu.memory_space<vmem>>[vector<16xi32>], vector<16xf32>,
        tpu.vector_store_idx %arg10[%get3A_321], %gather3A_333 {add = true} : memref<10240xf32, #tpu.memory_space<vmem>>[vector<16xi32>], vector<16xf32>,
        tpu.vector_store_idx %arg11[%get3A_321], %gather3A_336 {add = true} : memref<10240xf32, #tpu.memory_space<vmem>>[vector<16xi32>], vector<16xf32>,
        tpu.vector_store_idx %arg12[%get3A_321], %gather3A_339 {add = true} : memref<10240xf32, #tpu.memory_space<vmem>>[vector<16xi32>], vector<16xf32>,
        tpu.vector_store_idx %arg13[%get3A_321], %gather3A_342 {add = true} : memref<10240xf32, #tpu.memory_space<vmem>>[vector<16xi32>], vector<16xf32>,
        tpu.vector_store_idx %arg14[%get3A_321], %gather3A_345 {add = true} : memref<10240xf32, #tpu.memory_space<vmem>>[vector<16xi32>], vector<16xf32>,
        tpu.vector_store_idx %arg15[%get3A_321], %gather3A_348 {add = true} : memref<10240xf32, #tpu.memory_space<vmem>>[vector<16xi32>], vector<16xf32>,
        %get3A_349 = arith.constant 1 : i32
        %get3A_350 = arith.index_cast %add3A_316 : i32 to index
        %get3A_351 = arith.index_cast %get3A_349 : i32 to index
        %get3A_352 = arith.constant 16 : index
        %get3A_353 = tpu.vector_load %arg5[%get3A_350, %get3A_351, %get3A_352] {strides = array<i32>} : memref<50x2x128xi32, #tpu.memory_space<vmem>>, vector<16xi32>,
        %add3A_354 = arith.constant 16 : i32
        %add3A_355 = vector.broadcast %add3A_354 : i32 to vector<16xi32>
        %add3A_356 = arith.addi %add3A_355, %iota3A : vector<16xi32>
        %broadcast_in_dim3A_357 = arith.constant 0 : i32
        %broadcast_in_dim3A_358 = vector.broadcast %broadcast_in_dim3A_357 : i32 to vector<16xi32>
        %gather3A_359 = tpu.vector_load_idx %arg7[%add3A_356, %broadcast_in_dim3A_358] : memref<128x8xf32, #tpu.memory_space<vmem>>[vector<16xi32>, vector<16xi32>], vector<16xf32>,
        %broadcast_in_dim3A_360 = arith.constant 1 : i32
        %broadcast_in_dim3A_361 = vector.broadcast %broadcast_in_dim3A_360 : i32 to vector<16xi32>
        %gather3A_362 = tpu.vector_load_idx %arg7[%add3A_356, %broadcast_in_dim3A_361] : memref<128x8xf32, #tpu.memory_space<vmem>>[vector<16xi32>, vector<16xi32>], vector<16xf32>,
        %broadcast_in_dim3A_363 = arith.constant 2 : i32
        %broadcast_in_dim3A_364 = vector.broadcast %broadcast_in_dim3A_363 : i32 to vector<16xi32>
        %gather3A_365 = tpu.vector_load_idx %arg7[%add3A_356, %broadcast_in_dim3A_364] : memref<128x8xf32, #tpu.memory_space<vmem>>[vector<16xi32>, vector<16xi32>], vector<16xf32>,
        %broadcast_in_dim3A_366 = arith.constant 3 : i32
        %broadcast_in_dim3A_367 = vector.broadcast %broadcast_in_dim3A_366 : i32 to vector<16xi32>
        %gather3A_368 = tpu.vector_load_idx %arg7[%add3A_356, %broadcast_in_dim3A_367] : memref<128x8xf32, #tpu.memory_space<vmem>>[vector<16xi32>, vector<16xi32>], vector<16xf32>,
        %broadcast_in_dim3A_369 = arith.constant 4 : i32
        %broadcast_in_dim3A_370 = vector.broadcast %broadcast_in_dim3A_369 : i32 to vector<16xi32>
        %gather3A_371 = tpu.vector_load_idx %arg7[%add3A_356, %broadcast_in_dim3A_370] : memref<128x8xf32, #tpu.memory_space<vmem>>[vector<16xi32>, vector<16xi32>], vector<16xf32>,
        %broadcast_in_dim3A_372 = arith.constant 5 : i32
        %broadcast_in_dim3A_373 = vector.broadcast %broadcast_in_dim3A_372 : i32 to vector<16xi32>
        %gather3A_374 = tpu.vector_load_idx %arg7[%add3A_356, %broadcast_in_dim3A_373] : memref<128x8xf32, #tpu.memory_space<vmem>>[vector<16xi32>, vector<16xi32>], vector<16xf32>,
        %broadcast_in_dim3A_375 = arith.constant 6 : i32
        %broadcast_in_dim3A_376 = vector.broadcast %broadcast_in_dim3A_375 : i32 to vector<16xi32>
        %gather3A_377 = tpu.vector_load_idx %arg7[%add3A_356, %broadcast_in_dim3A_376] : memref<128x8xf32, #tpu.memory_space<vmem>>[vector<16xi32>, vector<16xi32>], vector<16xf32>,
        %broadcast_in_dim3A_378 = arith.constant 7 : i32
        %broadcast_in_dim3A_379 = vector.broadcast %broadcast_in_dim3A_378 : i32 to vector<16xi32>
        %gather3A_380 = tpu.vector_load_idx %arg7[%add3A_356, %broadcast_in_dim3A_379] : memref<128x8xf32, #tpu.memory_space<vmem>>[vector<16xi32>, vector<16xi32>], vector<16xf32>,
        tpu.vector_store_idx %arg8[%get3A_353], %gather3A_359 {add = true} : memref<10240xf32, #tpu.memory_space<vmem>>[vector<16xi32>], vector<16xf32>,
        tpu.vector_store_idx %arg9[%get3A_353], %gather3A_362 {add = true} : memref<10240xf32, #tpu.memory_space<vmem>>[vector<16xi32>], vector<16xf32>,
        tpu.vector_store_idx %arg10[%get3A_353], %gather3A_365 {add = true} : memref<10240xf32, #tpu.memory_space<vmem>>[vector<16xi32>], vector<16xf32>,
        tpu.vector_store_idx %arg11[%get3A_353], %gather3A_368 {add = true} : memref<10240xf32, #tpu.memory_space<vmem>>[vector<16xi32>], vector<16xf32>,
        tpu.vector_store_idx %arg12[%get3A_353], %gather3A_371 {add = true} : memref<10240xf32, #tpu.memory_space<vmem>>[vector<16xi32>], vector<16xf32>,
        tpu.vector_store_idx %arg13[%get3A_353], %gather3A_374 {add = true} : memref<10240xf32, #tpu.memory_space<vmem>>[vector<16xi32>], vector<16xf32>,
        tpu.vector_store_idx %arg14[%get3A_353], %gather3A_377 {add = true} : memref<10240xf32, #tpu.memory_space<vmem>>[vector<16xi32>], vector<16xf32>,
        tpu.vector_store_idx %arg15[%get3A_353], %gather3A_380 {add = true} : memref<10240xf32, #tpu.memory_space<vmem>>[vector<16xi32>], vector<16xf32>,
        %get3A_381 = arith.constant 1 : i32
        %get3A_382 = arith.index_cast %add3A_316 : i32 to index
        %get3A_383 = arith.index_cast %get3A_381 : i32 to index
        %get3A_384 = arith.constant 32 : index
        %get3A_385 = tpu.vector_load %arg5[%get3A_382, %get3A_383, %get3A_384] {strides = array<i32>} : memref<50x2x128xi32, #tpu.memory_space<vmem>>, vector<16xi32>,
        %add3A_386 = arith.constant 32 : i32
        %add3A_387 = vector.broadcast %add3A_386 : i32 to vector<16xi32>
        %add3A_388 = arith.addi %add3A_387, %iota3A : vector<16xi32>
        %broadcast_in_dim3A_389 = arith.constant 0 : i32
        %broadcast_in_dim3A_390 = vector.broadcast %broadcast_in_dim3A_389 : i32 to vector<16xi32>
        %gather3A_391 = tpu.vector_load_idx %arg7[%add3A_388, %broadcast_in_dim3A_390] : memref<128x8xf32, #tpu.memory_space<vmem>>[vector<16xi32>, vector<16xi32>], vector<16xf32>,
        %broadcast_in_dim3A_392 = arith.constant 1 : i32
        %broadcast_in_dim3A_393 = vector.broadcast %broadcast_in_dim3A_392 : i32 to vector<16xi32>
        %gather3A_394 = tpu.vector_load_idx %arg7[%add3A_388, %broadcast_in_dim3A_393] : memref<128x8xf32, #tpu.memory_space<vmem>>[vector<16xi32>, vector<16xi32>], vector<16xf32>,
        %broadcast_in_dim3A_395 = arith.constant 2 : i32
        %broadcast_in_dim3A_396 = vector.broadcast %broadcast_in_dim3A_395 : i32 to vector<16xi32>
        %gather3A_397 = tpu.vector_load_idx %arg7[%add3A_388, %broadcast_in_dim3A_396] : memref<128x8xf32, #tpu.memory_space<vmem>>[vector<16xi32>, vector<16xi32>], vector<16xf32>,
        %broadcast_in_dim3A_398 = arith.constant 3 : i32
        %broadcast_in_dim3A_399 = vector.broadcast %broadcast_in_dim3A_398 : i32 to vector<16xi32>
        %gather3A_400 = tpu.vector_load_idx %arg7[%add3A_388, %broadcast_in_dim3A_399] : memref<128x8xf32, #tpu.memory_space<vmem>>[vector<16xi32>, vector<16xi32>], vector<16xf32>,
        %broadcast_in_dim3A_401 = arith.constant 4 : i32
        %broadcast_in_dim3A_402 = vector.broadcast %broadcast_in_dim3A_401 : i32 to vector<16xi32>
        %gather3A_403 = tpu.vector_load_idx %arg7[%add3A_388, %broadcast_in_dim3A_402] : memref<128x8xf32, #tpu.memory_space<vmem>>[vector<16xi32>, vector<16xi32>], vector<16xf32>,
        %broadcast_in_dim3A_404 = arith.constant 5 : i32
        %broadcast_in_dim3A_405 = vector.broadcast %broadcast_in_dim3A_404 : i32 to vector<16xi32>
        %gather3A_406 = tpu.vector_load_idx %arg7[%add3A_388, %broadcast_in_dim3A_405] : memref<128x8xf32, #tpu.memory_space<vmem>>[vector<16xi32>, vector<16xi32>], vector<16xf32>,
        %broadcast_in_dim3A_407 = arith.constant 6 : i32
        %broadcast_in_dim3A_408 = vector.broadcast %broadcast_in_dim3A_407 : i32 to vector<16xi32>
        %gather3A_409 = tpu.vector_load_idx %arg7[%add3A_388, %broadcast_in_dim3A_408] : memref<128x8xf32, #tpu.memory_space<vmem>>[vector<16xi32>, vector<16xi32>], vector<16xf32>,
        %broadcast_in_dim3A_410 = arith.constant 7 : i32
        %broadcast_in_dim3A_411 = vector.broadcast %broadcast_in_dim3A_410 : i32 to vector<16xi32>
        %gather3A_412 = tpu.vector_load_idx %arg7[%add3A_388, %broadcast_in_dim3A_411] : memref<128x8xf32, #tpu.memory_space<vmem>>[vector<16xi32>, vector<16xi32>], vector<16xf32>,
        tpu.vector_store_idx %arg8[%get3A_385], %gather3A_391 {add = true} : memref<10240xf32, #tpu.memory_space<vmem>>[vector<16xi32>], vector<16xf32>,
        tpu.vector_store_idx %arg9[%get3A_385], %gather3A_394 {add = true} : memref<10240xf32, #tpu.memory_space<vmem>>[vector<16xi32>], vector<16xf32>,
        tpu.vector_store_idx %arg10[%get3A_385], %gather3A_397 {add = true} : memref<10240xf32, #tpu.memory_space<vmem>>[vector<16xi32>], vector<16xf32>,
        tpu.vector_store_idx %arg11[%get3A_385], %gather3A_400 {add = true} : memref<10240xf32, #tpu.memory_space<vmem>>[vector<16xi32>], vector<16xf32>,
        tpu.vector_store_idx %arg12[%get3A_385], %gather3A_403 {add = true} : memref<10240xf32, #tpu.memory_space<vmem>>[vector<16xi32>], vector<16xf32>,
        tpu.vector_store_idx %arg13[%get3A_385], %gather3A_406 {add = true} : memref<10240xf32, #tpu.memory_space<vmem>>[vector<16xi32>], vector<16xf32>,
        tpu.vector_store_idx %arg14[%get3A_385], %gather3A_409 {add = true} : memref<10240xf32, #tpu.memory_space<vmem>>[vector<16xi32>], vector<16xf32>,
        tpu.vector_store_idx %arg15[%get3A_385], %gather3A_412 {add = true} : memref<10240xf32, #tpu.memory_space<vmem>>[vector<16xi32>], vector<16xf32>,
        %get3A_413 = arith.constant 1 : i32
        %get3A_414 = arith.index_cast %add3A_316 : i32 to index
        %get3A_415 = arith.index_cast %get3A_413 : i32 to index
        %get3A_416 = arith.constant 48 : index
        %get3A_417 = tpu.vector_load %arg5[%get3A_414, %get3A_415, %get3A_416] {strides = array<i32>} : memref<50x2x128xi32, #tpu.memory_space<vmem>>, vector<16xi32>,
        %add3A_418 = arith.constant 48 : i32
        %add3A_419 = vector.broadcast %add3A_418 : i32 to vector<16xi32>
        %add3A_420 = arith.addi %add3A_419, %iota3A : vector<16xi32>
        %broadcast_in_dim3A_421 = arith.constant 0 : i32
        %broadcast_in_dim3A_422 = vector.broadcast %broadcast_in_dim3A_421 : i32 to vector<16xi32>
        %gather3A_423 = tpu.vector_load_idx %arg7[%add3A_420, %broadcast_in_dim3A_422] : memref<128x8xf32, #tpu.memory_space<vmem>>[vector<16xi32>, vector<16xi32>], vector<16xf32>,
        %broadcast_in_dim3A_424 = arith.constant 1 : i32
        %broadcast_in_dim3A_425 = vector.broadcast %broadcast_in_dim3A_424 : i32 to vector<16xi32>
        %gather3A_426 = tpu.vector_load_idx %arg7[%add3A_420, %broadcast_in_dim3A_425] : memref<128x8xf32, #tpu.memory_space<vmem>>[vector<16xi32>, vector<16xi32>], vector<16xf32>,
        %broadcast_in_dim3A_427 = arith.constant 2 : i32
        %broadcast_in_dim3A_428 = vector.broadcast %broadcast_in_dim3A_427 : i32 to vector<16xi32>
        %gather3A_429 = tpu.vector_load_idx %arg7[%add3A_420, %broadcast_in_dim3A_428] : memref<128x8xf32, #tpu.memory_space<vmem>>[vector<16xi32>, vector<16xi32>], vector<16xf32>,
        %broadcast_in_dim3A_430 = arith.constant 3 : i32
        %broadcast_in_dim3A_431 = vector.broadcast %broadcast_in_dim3A_430 : i32 to vector<16xi32>
        %gather3A_432 = tpu.vector_load_idx %arg7[%add3A_420, %broadcast_in_dim3A_431] : memref<128x8xf32, #tpu.memory_space<vmem>>[vector<16xi32>, vector<16xi32>], vector<16xf32>,
        %broadcast_in_dim3A_433 = arith.constant 4 : i32
        %broadcast_in_dim3A_434 = vector.broadcast %broadcast_in_dim3A_433 : i32 to vector<16xi32>
        %gather3A_435 = tpu.vector_load_idx %arg7[%add3A_420, %broadcast_in_dim3A_434] : memref<128x8xf32, #tpu.memory_space<vmem>>[vector<16xi32>, vector<16xi32>], vector<16xf32>,
        %broadcast_in_dim3A_436 = arith.constant 5 : i32
        %broadcast_in_dim3A_437 = vector.broadcast %broadcast_in_dim3A_436 : i32 to vector<16xi32>
        %gather3A_438 = tpu.vector_load_idx %arg7[%add3A_420, %broadcast_in_dim3A_437] : memref<128x8xf32, #tpu.memory_space<vmem>>[vector<16xi32>, vector<16xi32>], vector<16xf32>,
        %broadcast_in_dim3A_439 = arith.constant 6 : i32
        %broadcast_in_dim3A_440 = vector.broadcast %broadcast_in_dim3A_439 : i32 to vector<16xi32>
        %gather3A_441 = tpu.vector_load_idx %arg7[%add3A_420, %broadcast_in_dim3A_440] : memref<128x8xf32, #tpu.memory_space<vmem>>[vector<16xi32>, vector<16xi32>], vector<16xf32>,
        %broadcast_in_dim3A_442 = arith.constant 7 : i32
        %broadcast_in_dim3A_443 = vector.broadcast %broadcast_in_dim3A_442 : i32 to vector<16xi32>
        %gather3A_444 = tpu.vector_load_idx %arg7[%add3A_420, %broadcast_in_dim3A_443] : memref<128x8xf32, #tpu.memory_space<vmem>>[vector<16xi32>, vector<16xi32>], vector<16xf32>,
        tpu.vector_store_idx %arg8[%get3A_417], %gather3A_423 {add = true} : memref<10240xf32, #tpu.memory_space<vmem>>[vector<16xi32>], vector<16xf32>,
        tpu.vector_store_idx %arg9[%get3A_417], %gather3A_426 {add = true} : memref<10240xf32, #tpu.memory_space<vmem>>[vector<16xi32>], vector<16xf32>,
        tpu.vector_store_idx %arg10[%get3A_417], %gather3A_429 {add = true} : memref<10240xf32, #tpu.memory_space<vmem>>[vector<16xi32>], vector<16xf32>,
        tpu.vector_store_idx %arg11[%get3A_417], %gather3A_432 {add = true} : memref<10240xf32, #tpu.memory_space<vmem>>[vector<16xi32>], vector<16xf32>,
        tpu.vector_store_idx %arg12[%get3A_417], %gather3A_435 {add = true} : memref<10240xf32, #tpu.memory_space<vmem>>[vector<16xi32>], vector<16xf32>,
        tpu.vector_store_idx %arg13[%get3A_417], %gather3A_438 {add = true} : memref<10240xf32, #tpu.memory_space<vmem>>[vector<16xi32>], vector<16xf32>,
        tpu.vector_store_idx %arg14[%get3A_417], %gather3A_441 {add = true} : memref<10240xf32, #tpu.memory_space<vmem>>[vector<16xi32>], vector<16xf32>,
        tpu.vector_store_idx %arg15[%get3A_417], %gather3A_444 {add = true} : memref<10240xf32, #tpu.memory_space<vmem>>[vector<16xi32>], vector<16xf32>,
        %get3A_445 = arith.constant 1 : i32
        %get3A_446 = arith.index_cast %add3A_316 : i32 to index
        %get3A_447 = arith.index_cast %get3A_445 : i32 to index
        %get3A_448 = arith.constant 64 : index
        %get3A_449 = tpu.vector_load %arg5[%get3A_446, %get3A_447, %get3A_448] {strides = array<i32>} : memref<50x2x128xi32, #tpu.memory_space<vmem>>, vector<16xi32>,
        %add3A_450 = arith.constant 64 : i32
        %add3A_451 = vector.broadcast %add3A_450 : i32 to vector<16xi32>
        %add3A_452 = arith.addi %add3A_451, %iota3A : vector<16xi32>
        %broadcast_in_dim3A_453 = arith.constant 0 : i32
        %broadcast_in_dim3A_454 = vector.broadcast %broadcast_in_dim3A_453 : i32 to vector<16xi32>
        %gather3A_455 = tpu.vector_load_idx %arg7[%add3A_452, %broadcast_in_dim3A_454] : memref<128x8xf32, #tpu.memory_space<vmem>>[vector<16xi32>, vector<16xi32>], vector<16xf32>,
        %broadcast_in_dim3A_456 = arith.constant 1 : i32
        %broadcast_in_dim3A_457 = vector.broadcast %broadcast_in_dim3A_456 : i32 to vector<16xi32>
        %gather3A_458 = tpu.vector_load_idx %arg7[%add3A_452, %broadcast_in_dim3A_457] : memref<128x8xf32, #tpu.memory_space<vmem>>[vector<16xi32>, vector<16xi32>], vector<16xf32>,
        %broadcast_in_dim3A_459 = arith.constant 2 : i32
        %broadcast_in_dim3A_460 = vector.broadcast %broadcast_in_dim3A_459 : i32 to vector<16xi32>
        %gather3A_461 = tpu.vector_load_idx %arg7[%add3A_452, %broadcast_in_dim3A_460] : memref<128x8xf32, #tpu.memory_space<vmem>>[vector<16xi32>, vector<16xi32>], vector<16xf32>,
        %broadcast_in_dim3A_462 = arith.constant 3 : i32
        %broadcast_in_dim3A_463 = vector.broadcast %broadcast_in_dim3A_462 : i32 to vector<16xi32>
        %gather3A_464 = tpu.vector_load_idx %arg7[%add3A_452, %broadcast_in_dim3A_463] : memref<128x8xf32, #tpu.memory_space<vmem>>[vector<16xi32>, vector<16xi32>], vector<16xf32>,
        %broadcast_in_dim3A_465 = arith.constant 4 : i32
        %broadcast_in_dim3A_466 = vector.broadcast %broadcast_in_dim3A_465 : i32 to vector<16xi32>
        %gather3A_467 = tpu.vector_load_idx %arg7[%add3A_452, %broadcast_in_dim3A_466] : memref<128x8xf32, #tpu.memory_space<vmem>>[vector<16xi32>, vector<16xi32>], vector<16xf32>,
        %broadcast_in_dim3A_468 = arith.constant 5 : i32
        %broadcast_in_dim3A_469 = vector.broadcast %broadcast_in_dim3A_468 : i32 to vector<16xi32>
        %gather3A_470 = tpu.vector_load_idx %arg7[%add3A_452, %broadcast_in_dim3A_469] : memref<128x8xf32, #tpu.memory_space<vmem>>[vector<16xi32>, vector<16xi32>], vector<16xf32>,
        %broadcast_in_dim3A_471 = arith.constant 6 : i32
        %broadcast_in_dim3A_472 = vector.broadcast %broadcast_in_dim3A_471 : i32 to vector<16xi32>
        %gather3A_473 = tpu.vector_load_idx %arg7[%add3A_452, %broadcast_in_dim3A_472] : memref<128x8xf32, #tpu.memory_space<vmem>>[vector<16xi32>, vector<16xi32>], vector<16xf32>,
        %broadcast_in_dim3A_474 = arith.constant 7 : i32
        %broadcast_in_dim3A_475 = vector.broadcast %broadcast_in_dim3A_474 : i32 to vector<16xi32>
        %gather3A_476 = tpu.vector_load_idx %arg7[%add3A_452, %broadcast_in_dim3A_475] : memref<128x8xf32, #tpu.memory_space<vmem>>[vector<16xi32>, vector<16xi32>], vector<16xf32>,
        tpu.vector_store_idx %arg8[%get3A_449], %gather3A_455 {add = true} : memref<10240xf32, #tpu.memory_space<vmem>>[vector<16xi32>], vector<16xf32>,
        tpu.vector_store_idx %arg9[%get3A_449], %gather3A_458 {add = true} : memref<10240xf32, #tpu.memory_space<vmem>>[vector<16xi32>], vector<16xf32>,
        tpu.vector_store_idx %arg10[%get3A_449], %gather3A_461 {add = true} : memref<10240xf32, #tpu.memory_space<vmem>>[vector<16xi32>], vector<16xf32>,
        tpu.vector_store_idx %arg11[%get3A_449], %gather3A_464 {add = true} : memref<10240xf32, #tpu.memory_space<vmem>>[vector<16xi32>], vector<16xf32>,
        tpu.vector_store_idx %arg12[%get3A_449], %gather3A_467 {add = true} : memref<10240xf32, #tpu.memory_space<vmem>>[vector<16xi32>], vector<16xf32>,
        tpu.vector_store_idx %arg13[%get3A_449], %gather3A_470 {add = true} : memref<10240xf32, #tpu.memory_space<vmem>>[vector<16xi32>], vector<16xf32>,
        tpu.vector_store_idx %arg14[%get3A_449], %gather3A_473 {add = true} : memref<10240xf32, #tpu.memory_space<vmem>>[vector<16xi32>], vector<16xf32>,
        tpu.vector_store_idx %arg15[%get3A_449], %gather3A_476 {add = true} : memref<10240xf32, #tpu.memory_space<vmem>>[vector<16xi32>], vector<16xf32>,
        %get3A_477 = arith.constant 1 : i32
        %get3A_478 = arith.index_cast %add3A_316 : i32 to index
        %get3A_479 = arith.index_cast %get3A_477 : i32 to index
        %get3A_480 = arith.constant 80 : index
        %get3A_481 = tpu.vector_load %arg5[%get3A_478, %get3A_479, %get3A_480] {strides = array<i32>} : memref<50x2x128xi32, #tpu.memory_space<vmem>>, vector<16xi32>,
        %add3A_482 = arith.constant 80 : i32
        %add3A_483 = vector.broadcast %add3A_482 : i32 to vector<16xi32>
        %add3A_484 = arith.addi %add3A_483, %iota3A : vector<16xi32>
        %broadcast_in_dim3A_485 = arith.constant 0 : i32
        %broadcast_in_dim3A_486 = vector.broadcast %broadcast_in_dim3A_485 : i32 to vector<16xi32>
        %gather3A_487 = tpu.vector_load_idx %arg7[%add3A_484, %broadcast_in_dim3A_486] : memref<128x8xf32, #tpu.memory_space<vmem>>[vector<16xi32>, vector<16xi32>], vector<16xf32>,
        %broadcast_in_dim3A_488 = arith.constant 1 : i32
        %broadcast_in_dim3A_489 = vector.broadcast %broadcast_in_dim3A_488 : i32 to vector<16xi32>
        %gather3A_490 = tpu.vector_load_idx %arg7[%add3A_484, %broadcast_in_dim3A_489] : memref<128x8xf32, #tpu.memory_space<vmem>>[vector<16xi32>, vector<16xi32>], vector<16xf32>,
        %broadcast_in_dim3A_491 = arith.constant 2 : i32
        %broadcast_in_dim3A_492 = vector.broadcast %broadcast_in_dim3A_491 : i32 to vector<16xi32>
        %gather3A_493 = tpu.vector_load_idx %arg7[%add3A_484, %broadcast_in_dim3A_492] : memref<128x8xf32, #tpu.memory_space<vmem>>[vector<16xi32>, vector<16xi32>], vector<16xf32>,
        %broadcast_in_dim3A_494 = arith.constant 3 : i32
        %broadcast_in_dim3A_495 = vector.broadcast %broadcast_in_dim3A_494 : i32 to vector<16xi32>
        %gather3A_496 = tpu.vector_load_idx %arg7[%add3A_484, %broadcast_in_dim3A_495] : memref<128x8xf32, #tpu.memory_space<vmem>>[vector<16xi32>, vector<16xi32>], vector<16xf32>,
        %broadcast_in_dim3A_497 = arith.constant 4 : i32
        %broadcast_in_dim3A_498 = vector.broadcast %broadcast_in_dim3A_497 : i32 to vector<16xi32>
        %gather3A_499 = tpu.vector_load_idx %arg7[%add3A_484, %broadcast_in_dim3A_498] : memref<128x8xf32, #tpu.memory_space<vmem>>[vector<16xi32>, vector<16xi32>], vector<16xf32>,
        %broadcast_in_dim3A_500 = arith.constant 5 : i32
        %broadcast_in_dim3A_501 = vector.broadcast %broadcast_in_dim3A_500 : i32 to vector<16xi32>
        %gather3A_502 = tpu.vector_load_idx %arg7[%add3A_484, %broadcast_in_dim3A_501] : memref<128x8xf32, #tpu.memory_space<vmem>>[vector<16xi32>, vector<16xi32>], vector<16xf32>,
        %broadcast_in_dim3A_503 = arith.constant 6 : i32
        %broadcast_in_dim3A_504 = vector.broadcast %broadcast_in_dim3A_503 : i32 to vector<16xi32>
        %gather3A_505 = tpu.vector_load_idx %arg7[%add3A_484, %broadcast_in_dim3A_504] : memref<128x8xf32, #tpu.memory_space<vmem>>[vector<16xi32>, vector<16xi32>], vector<16xf32>,
        %broadcast_in_dim3A_506 = arith.constant 7 : i32
        %broadcast_in_dim3A_507 = vector.broadcast %broadcast_in_dim3A_506 : i32 to vector<16xi32>
        %gather3A_508 = tpu.vector_load_idx %arg7[%add3A_484, %broadcast_in_dim3A_507] : memref<128x8xf32, #tpu.memory_space<vmem>>[vector<16xi32>, vector<16xi32>], vector<16xf32>,
        tpu.vector_store_idx %arg8[%get3A_481], %gather3A_487 {add = true} : memref<10240xf32, #tpu.memory_space<vmem>>[vector<16xi32>], vector<16xf32>,
        tpu.vector_store_idx %arg9[%get3A_481], %gather3A_490 {add = true} : memref<10240xf32, #tpu.memory_space<vmem>>[vector<16xi32>], vector<16xf32>,
        tpu.vector_store_idx %arg10[%get3A_481], %gather3A_493 {add = true} : memref<10240xf32, #tpu.memory_space<vmem>>[vector<16xi32>], vector<16xf32>,
        tpu.vector_store_idx %arg11[%get3A_481], %gather3A_496 {add = true} : memref<10240xf32, #tpu.memory_space<vmem>>[vector<16xi32>], vector<16xf32>,
        tpu.vector_store_idx %arg12[%get3A_481], %gather3A_499 {add = true} : memref<10240xf32, #tpu.memory_space<vmem>>[vector<16xi32>], vector<16xf32>,
        tpu.vector_store_idx %arg13[%get3A_481], %gather3A_502 {add = true} : memref<10240xf32, #tpu.memory_space<vmem>>[vector<16xi32>], vector<16xf32>,
        tpu.vector_store_idx %arg14[%get3A_481], %gather3A_505 {add = true} : memref<10240xf32, #tpu.memory_space<vmem>>[vector<16xi32>], vector<16xf32>,
        tpu.vector_store_idx %arg15[%get3A_481], %gather3A_508 {add = true} : memref<10240xf32, #tpu.memory_space<vmem>>[vector<16xi32>], vector<16xf32>,
        %get3A_509 = arith.constant 1 : i32
        %get3A_510 = arith.index_cast %add3A_316 : i32 to index
        %get3A_511 = arith.index_cast %get3A_509 : i32 to index
        %get3A_512 = arith.constant 96 : index
        %get3A_513 = tpu.vector_load %arg5[%get3A_510, %get3A_511, %get3A_512] {strides = array<i32>} : memref<50x2x128xi32, #tpu.memory_space<vmem>>, vector<16xi32>,
        %add3A_514 = arith.constant 96 : i32
        %add3A_515 = vector.broadcast %add3A_514 : i32 to vector<16xi32>
        %add3A_516 = arith.addi %add3A_515, %iota3A : vector<16xi32>
        %broadcast_in_dim3A_517 = arith.constant 0 : i32
        %broadcast_in_dim3A_518 = vector.broadcast %broadcast_in_dim3A_517 : i32 to vector<16xi32>
        %gather3A_519 = tpu.vector_load_idx %arg7[%add3A_516, %broadcast_in_dim3A_518] : memref<128x8xf32, #tpu.memory_space<vmem>>[vector<16xi32>, vector<16xi32>], vector<16xf32>,
        %broadcast_in_dim3A_520 = arith.constant 1 : i32
        %broadcast_in_dim3A_521 = vector.broadcast %broadcast_in_dim3A_520 : i32 to vector<16xi32>
        %gather3A_522 = tpu.vector_load_idx %arg7[%add3A_516, %broadcast_in_dim3A_521] : memref<128x8xf32, #tpu.memory_space<vmem>>[vector<16xi32>, vector<16xi32>], vector<16xf32>,
        %broadcast_in_dim3A_523 = arith.constant 2 : i32
        %broadcast_in_dim3A_524 = vector.broadcast %broadcast_in_dim3A_523 : i32 to vector<16xi32>
        %gather3A_525 = tpu.vector_load_idx %arg7[%add3A_516, %broadcast_in_dim3A_524] : memref<128x8xf32, #tpu.memory_space<vmem>>[vector<16xi32>, vector<16xi32>], vector<16xf32>,
        %broadcast_in_dim3A_526 = arith.constant 3 : i32
        %broadcast_in_dim3A_527 = vector.broadcast %broadcast_in_dim3A_526 : i32 to vector<16xi32>
        %gather3A_528 = tpu.vector_load_idx %arg7[%add3A_516, %broadcast_in_dim3A_527] : memref<128x8xf32, #tpu.memory_space<vmem>>[vector<16xi32>, vector<16xi32>], vector<16xf32>,
        %broadcast_in_dim3A_529 = arith.constant 4 : i32
        %broadcast_in_dim3A_530 = vector.broadcast %broadcast_in_dim3A_529 : i32 to vector<16xi32>
        %gather3A_531 = tpu.vector_load_idx %arg7[%add3A_516, %broadcast_in_dim3A_530] : memref<128x8xf32, #tpu.memory_space<vmem>>[vector<16xi32>, vector<16xi32>], vector<16xf32>,
        %broadcast_in_dim3A_532 = arith.constant 5 : i32
        %broadcast_in_dim3A_533 = vector.broadcast %broadcast_in_dim3A_532 : i32 to vector<16xi32>
        %gather3A_534 = tpu.vector_load_idx %arg7[%add3A_516, %broadcast_in_dim3A_533] : memref<128x8xf32, #tpu.memory_space<vmem>>[vector<16xi32>, vector<16xi32>], vector<16xf32>,
        %broadcast_in_dim3A_535 = arith.constant 6 : i32
        %broadcast_in_dim3A_536 = vector.broadcast %broadcast_in_dim3A_535 : i32 to vector<16xi32>
        %gather3A_537 = tpu.vector_load_idx %arg7[%add3A_516, %broadcast_in_dim3A_536] : memref<128x8xf32, #tpu.memory_space<vmem>>[vector<16xi32>, vector<16xi32>], vector<16xf32>,
        %broadcast_in_dim3A_538 = arith.constant 7 : i32
        %broadcast_in_dim3A_539 = vector.broadcast %broadcast_in_dim3A_538 : i32 to vector<16xi32>
        %gather3A_540 = tpu.vector_load_idx %arg7[%add3A_516, %broadcast_in_dim3A_539] : memref<128x8xf32, #tpu.memory_space<vmem>>[vector<16xi32>, vector<16xi32>], vector<16xf32>,
        tpu.vector_store_idx %arg8[%get3A_513], %gather3A_519 {add = true} : memref<10240xf32, #tpu.memory_space<vmem>>[vector<16xi32>], vector<16xf32>,
        tpu.vector_store_idx %arg9[%get3A_513], %gather3A_522 {add = true} : memref<10240xf32, #tpu.memory_space<vmem>>[vector<16xi32>], vector<16xf32>,
        tpu.vector_store_idx %arg10[%get3A_513], %gather3A_525 {add = true} : memref<10240xf32, #tpu.memory_space<vmem>>[vector<16xi32>], vector<16xf32>,
        tpu.vector_store_idx %arg11[%get3A_513], %gather3A_528 {add = true} : memref<10240xf32, #tpu.memory_space<vmem>>[vector<16xi32>], vector<16xf32>,
        tpu.vector_store_idx %arg12[%get3A_513], %gather3A_531 {add = true} : memref<10240xf32, #tpu.memory_space<vmem>>[vector<16xi32>], vector<16xf32>,
        tpu.vector_store_idx %arg13[%get3A_513], %gather3A_534 {add = true} : memref<10240xf32, #tpu.memory_space<vmem>>[vector<16xi32>], vector<16xf32>,
        tpu.vector_store_idx %arg14[%get3A_513], %gather3A_537 {add = true} : memref<10240xf32, #tpu.memory_space<vmem>>[vector<16xi32>], vector<16xf32>,
        tpu.vector_store_idx %arg15[%get3A_513], %gather3A_540 {add = true} : memref<10240xf32, #tpu.memory_space<vmem>>[vector<16xi32>], vector<16xf32>,
        %get3A_541 = arith.constant 1 : i32
        %get3A_542 = arith.index_cast %add3A_316 : i32 to index
        %get3A_543 = arith.index_cast %get3A_541 : i32 to index
        %get3A_544 = arith.constant 112 : index
        %get3A_545 = tpu.vector_load %arg5[%get3A_542, %get3A_543, %get3A_544] {strides = array<i32>} : memref<50x2x128xi32, #tpu.memory_space<vmem>>, vector<16xi32>,
        %add3A_546 = arith.constant 112 : i32
        %add3A_547 = vector.broadcast %add3A_546 : i32 to vector<16xi32>
        %add3A_548 = arith.addi %add3A_547, %iota3A : vector<16xi32>
        %broadcast_in_dim3A_549 = arith.constant 0 : i32
        %broadcast_in_dim3A_550 = vector.broadcast %broadcast_in_dim3A_549 : i32 to vector<16xi32>
        %gather3A_551 = tpu.vector_load_idx %arg7[%add3A_548, %broadcast_in_dim3A_550] : memref<128x8xf32, #tpu.memory_space<vmem>>[vector<16xi32>, vector<16xi32>], vector<16xf32>,
        %broadcast_in_dim3A_552 = arith.constant 1 : i32
        %broadcast_in_dim3A_553 = vector.broadcast %broadcast_in_dim3A_552 : i32 to vector<16xi32>
        %gather3A_554 = tpu.vector_load_idx %arg7[%add3A_548, %broadcast_in_dim3A_553] : memref<128x8xf32, #tpu.memory_space<vmem>>[vector<16xi32>, vector<16xi32>], vector<16xf32>,
        %broadcast_in_dim3A_555 = arith.constant 2 : i32
        %broadcast_in_dim3A_556 = vector.broadcast %broadcast_in_dim3A_555 : i32 to vector<16xi32>
        %gather3A_557 = tpu.vector_load_idx %arg7[%add3A_548, %broadcast_in_dim3A_556] : memref<128x8xf32, #tpu.memory_space<vmem>>[vector<16xi32>, vector<16xi32>], vector<16xf32>,
        %broadcast_in_dim3A_558 = arith.constant 3 : i32
        %broadcast_in_dim3A_559 = vector.broadcast %broadcast_in_dim3A_558 : i32 to vector<16xi32>
        %gather3A_560 = tpu.vector_load_idx %arg7[%add3A_548, %broadcast_in_dim3A_559] : memref<128x8xf32, #tpu.memory_space<vmem>>[vector<16xi32>, vector<16xi32>], vector<16xf32>,
        %broadcast_in_dim3A_561 = arith.constant 4 : i32
        %broadcast_in_dim3A_562 = vector.broadcast %broadcast_in_dim3A_561 : i32 to vector<16xi32>
        %gather3A_563 = tpu.vector_load_idx %arg7[%add3A_548, %broadcast_in_dim3A_562] : memref<128x8xf32, #tpu.memory_space<vmem>>[vector<16xi32>, vector<16xi32>], vector<16xf32>,
        %broadcast_in_dim3A_564 = arith.constant 5 : i32
        %broadcast_in_dim3A_565 = vector.broadcast %broadcast_in_dim3A_564 : i32 to vector<16xi32>
        %gather3A_566 = tpu.vector_load_idx %arg7[%add3A_548, %broadcast_in_dim3A_565] : memref<128x8xf32, #tpu.memory_space<vmem>>[vector<16xi32>, vector<16xi32>], vector<16xf32>,
        %broadcast_in_dim3A_567 = arith.constant 6 : i32
        %broadcast_in_dim3A_568 = vector.broadcast %broadcast_in_dim3A_567 : i32 to vector<16xi32>
        %gather3A_569 = tpu.vector_load_idx %arg7[%add3A_548, %broadcast_in_dim3A_568] : memref<128x8xf32, #tpu.memory_space<vmem>>[vector<16xi32>, vector<16xi32>], vector<16xf32>,
        %broadcast_in_dim3A_570 = arith.constant 7 : i32
        %broadcast_in_dim3A_571 = vector.broadcast %broadcast_in_dim3A_570 : i32 to vector<16xi32>
        %gather3A_572 = tpu.vector_load_idx %arg7[%add3A_548, %broadcast_in_dim3A_571] : memref<128x8xf32, #tpu.memory_space<vmem>>[vector<16xi32>, vector<16xi32>], vector<16xf32>,
        tpu.vector_store_idx %arg8[%get3A_545], %gather3A_551 {add = true} : memref<10240xf32, #tpu.memory_space<vmem>>[vector<16xi32>], vector<16xf32>,
        tpu.vector_store_idx %arg9[%get3A_545], %gather3A_554 {add = true} : memref<10240xf32, #tpu.memory_space<vmem>>[vector<16xi32>], vector<16xf32>,
        tpu.vector_store_idx %arg10[%get3A_545], %gather3A_557 {add = true} : memref<10240xf32, #tpu.memory_space<vmem>>[vector<16xi32>], vector<16xf32>,
        tpu.vector_store_idx %arg11[%get3A_545], %gather3A_560 {add = true} : memref<10240xf32, #tpu.memory_space<vmem>>[vector<16xi32>], vector<16xf32>,
        tpu.vector_store_idx %arg12[%get3A_545], %gather3A_563 {add = true} : memref<10240xf32, #tpu.memory_space<vmem>>[vector<16xi32>], vector<16xf32>,
        tpu.vector_store_idx %arg13[%get3A_545], %gather3A_566 {add = true} : memref<10240xf32, #tpu.memory_space<vmem>>[vector<16xi32>], vector<16xf32>,
        tpu.vector_store_idx %arg14[%get3A_545], %gather3A_569 {add = true} : memref<10240xf32, #tpu.memory_space<vmem>>[vector<16xi32>], vector<16xf32>,
        tpu.vector_store_idx %arg15[%get3A_545], %gather3A_572 {add = true} : memref<10240xf32, #tpu.memory_space<vmem>>[vector<16xi32>], vector<16xf32>,
      }
      %scan3A_32 = arith.constant 25 : i32
    }
    %scan3A_11 = arith.constant 25 : i32
    %run_scoped3A = arith.constant 0 : i32
    "tpu.region"() ({
      %run_scoped3A_19 = tpu.sem_alloc : memref<!tpu.dma_semaphore, #tpu.memory_space<semaphore_mem>>
      %dma_start3A = arith.constant 0 : i32
      %dma_start3A_20 = tpu.memref_slice %arg4[%arg0, %arg1, %run_scoped3A, %dma_start3A] : memref<2x16x8x10240xf32, #tpu.memory_space<hbm>> -> memref<1x1x1x10240xf32, #tpu.memory_space<hbm>>
      %dma_start3A_21 = tpu.memref_squeeze %dma_start3A_20 : memref<1x1x1x10240xf32, #tpu.memory_space<hbm>> -> memref<10240xf32, #tpu.memory_space<hbm>>
      %dma_start3A_22 = arith.constant 0 : i32
      %dma_start3A_23 = tpu.memref_slice %arg4[%arg0, %arg1, %run_scoped3A, %dma_start3A_22] : memref<2x16x8x10240xf32, #tpu.memory_space<hbm>> -> memref<1x1x1x10240xf32, #tpu.memory_space<hbm>>
      %dma_start3A_24 = tpu.memref_squeeze %dma_start3A_23 : memref<1x1x1x10240xf32, #tpu.memory_space<hbm>> -> memref<10240xf32, #tpu.memory_space<hbm>>
      tpu.enqueue_dma source(%arg8 : memref<10240xf32, #tpu.memory_space<vmem>>) target(%dma_start3A_24 : memref<10240xf32, #tpu.memory_space<hbm>>) target_semaphore(%run_scoped3A_19 : memref<!tpu.dma_semaphore, #tpu.memory_space<semaphore_mem>>)
      %dma_wait3A = arith.constant 0 : i32
      %dma_wait3A_25 = tpu.memref_slice %arg4[%arg0, %arg1, %run_scoped3A, %dma_wait3A] : memref<2x16x8x10240xf32, #tpu.memory_space<hbm>> -> memref<1x1x1x10240xf32, #tpu.memory_space<hbm>>
      %dma_wait3A_26 = tpu.memref_squeeze %dma_wait3A_25 : memref<1x1x1x10240xf32, #tpu.memory_space<hbm>> -> memref<10240xf32, #tpu.memory_space<hbm>>
      %dma_wait3A_27 = arith.constant 0 : i32
      %dma_wait3A_28 = tpu.memref_slice %arg4[%arg0, %arg1, %run_scoped3A, %dma_wait3A_27] : memref<2x16x8x10240xf32, #tpu.memory_space<hbm>> -> memref<1x1x1x10240xf32, #tpu.memory_space<hbm>>
      %dma_wait3A_29 = tpu.memref_squeeze %dma_wait3A_28 : memref<1x1x1x10240xf32, #tpu.memory_space<hbm>> -> memref<10240xf32, #tpu.memory_space<hbm>>
      tpu.wait_dma2 semaphore(%run_scoped3A_19 : memref<!tpu.dma_semaphore, #tpu.memory_space<semaphore_mem>>) src(%arg8 : memref<10240xf32, #tpu.memory_space<vmem>>) dst(%dma_wait3A_29 : memref<10240xf32, #tpu.memory_space<hbm>>)
      tpu.yield
    }) : () -> ()
    %run_scoped3A_12 = arith.constant 1 : i32
    "tpu.region"() ({
      %run_scoped3A_19 = tpu.sem_alloc : memref<!tpu.dma_semaphore, #tpu.memory_space<semaphore_mem>>
      %dma_start3A = arith.constant 0 : i32
      %dma_start3A_20 = tpu.memref_slice %arg4[%arg0, %arg1, %run_scoped3A_12, %dma_start3A] : memref<2x16x8x10240xf32, #tpu.memory_space<hbm>> -> memref<1x1x1x10240xf32, #tpu.memory_space<hbm>>
      %dma_start3A_21 = tpu.memref_squeeze %dma_start3A_20 : memref<1x1x1x10240xf32, #tpu.memory_space<hbm>> -> memref<10240xf32, #tpu.memory_space<hbm>>
      %dma_start3A_22 = arith.constant 0 : i32
      %dma_start3A_23 = tpu.memref_slice %arg4[%arg0, %arg1, %run_scoped3A_12, %dma_start3A_22] : memref<2x16x8x10240xf32, #tpu.memory_space<hbm>> -> memref<1x1x1x10240xf32, #tpu.memory_space<hbm>>
      %dma_start3A_24 = tpu.memref_squeeze %dma_start3A_23 : memref<1x1x1x10240xf32, #tpu.memory_space<hbm>> -> memref<10240xf32, #tpu.memory_space<hbm>>
      tpu.enqueue_dma source(%arg9 : memref<10240xf32, #tpu.memory_space<vmem>>) target(%dma_start3A_24 : memref<10240xf32, #tpu.memory_space<hbm>>) target_semaphore(%run_scoped3A_19 : memref<!tpu.dma_semaphore, #tpu.memory_space<semaphore_mem>>)
      %dma_wait3A = arith.constant 0 : i32
      %dma_wait3A_25 = tpu.memref_slice %arg4[%arg0, %arg1, %run_scoped3A_12, %dma_wait3A] : memref<2x16x8x10240xf32, #tpu.memory_space<hbm>> -> memref<1x1x1x10240xf32, #tpu.memory_space<hbm>>
      %dma_wait3A_26 = tpu.memref_squeeze %dma_wait3A_25 : memref<1x1x1x10240xf32, #tpu.memory_space<hbm>> -> memref<10240xf32, #tpu.memory_space<hbm>>
      %dma_wait3A_27 = arith.constant 0 : i32
      %dma_wait3A_28 = tpu.memref_slice %arg4[%arg0, %arg1, %run_scoped3A_12, %dma_wait3A_27] : memref<2x16x8x10240xf32, #tpu.memory_space<hbm>> -> memref<1x1x1x10240xf32, #tpu.memory_space<hbm>>
      %dma_wait3A_29 = tpu.memref_squeeze %dma_wait3A_28 : memref<1x1x1x10240xf32, #tpu.memory_space<hbm>> -> memref<10240xf32, #tpu.memory_space<hbm>>
      tpu.wait_dma2 semaphore(%run_scoped3A_19 : memref<!tpu.dma_semaphore, #tpu.memory_space<semaphore_mem>>) src(%arg9 : memref<10240xf32, #tpu.memory_space<vmem>>) dst(%dma_wait3A_29 : memref<10240xf32, #tpu.memory_space<hbm>>)
      tpu.yield
    }) : () -> ()
    %run_scoped3A_13 = arith.constant 2 : i32
    "tpu.region"() ({
      %run_scoped3A_19 = tpu.sem_alloc : memref<!tpu.dma_semaphore, #tpu.memory_space<semaphore_mem>>
      %dma_start3A = arith.constant 0 : i32
      %dma_start3A_20 = tpu.memref_slice %arg4[%arg0, %arg1, %run_scoped3A_13, %dma_start3A] : memref<2x16x8x10240xf32, #tpu.memory_space<hbm>> -> memref<1x1x1x10240xf32, #tpu.memory_space<hbm>>
      %dma_start3A_21 = tpu.memref_squeeze %dma_start3A_20 : memref<1x1x1x10240xf32, #tpu.memory_space<hbm>> -> memref<10240xf32, #tpu.memory_space<hbm>>
      %dma_start3A_22 = arith.constant 0 : i32
      %dma_start3A_23 = tpu.memref_slice %arg4[%arg0, %arg1, %run_scoped3A_13, %dma_start3A_22] : memref<2x16x8x10240xf32, #tpu.memory_space<hbm>> -> memref<1x1x1x10240xf32, #tpu.memory_space<hbm>>
      %dma_start3A_24 = tpu.memref_squeeze %dma_start3A_23 : memref<1x1x1x10240xf32, #tpu.memory_space<hbm>> -> memref<10240xf32, #tpu.memory_space<hbm>>
      tpu.enqueue_dma source(%arg10 : memref<10240xf32, #tpu.memory_space<vmem>>) target(%dma_start3A_24 : memref<10240xf32, #tpu.memory_space<hbm>>) target_semaphore(%run_scoped3A_19 : memref<!tpu.dma_semaphore, #tpu.memory_space<semaphore_mem>>)
      %dma_wait3A = arith.constant 0 : i32
      %dma_wait3A_25 = tpu.memref_slice %arg4[%arg0, %arg1, %run_scoped3A_13, %dma_wait3A] : memref<2x16x8x10240xf32, #tpu.memory_space<hbm>> -> memref<1x1x1x10240xf32, #tpu.memory_space<hbm>>
      %dma_wait3A_26 = tpu.memref_squeeze %dma_wait3A_25 : memref<1x1x1x10240xf32, #tpu.memory_space<hbm>> -> memref<10240xf32, #tpu.memory_space<hbm>>
      %dma_wait3A_27 = arith.constant 0 : i32
      %dma_wait3A_28 = tpu.memref_slice %arg4[%arg0, %arg1, %run_scoped3A_13, %dma_wait3A_27] : memref<2x16x8x10240xf32, #tpu.memory_space<hbm>> -> memref<1x1x1x10240xf32, #tpu.memory_space<hbm>>
      %dma_wait3A_29 = tpu.memref_squeeze %dma_wait3A_28 : memref<1x1x1x10240xf32, #tpu.memory_space<hbm>> -> memref<10240xf32, #tpu.memory_space<hbm>>
      tpu.wait_dma2 semaphore(%run_scoped3A_19 : memref<!tpu.dma_semaphore, #tpu.memory_space<semaphore_mem>>) src(%arg10 : memref<10240xf32, #tpu.memory_space<vmem>>) dst(%dma_wait3A_29 : memref<10240xf32, #tpu.memory_space<hbm>>)
      tpu.yield
    }) : () -> ()
    %run_scoped3A_14 = arith.constant 3 : i32
    "tpu.region"() ({
      %run_scoped3A_19 = tpu.sem_alloc : memref<!tpu.dma_semaphore, #tpu.memory_space<semaphore_mem>>
      %dma_start3A = arith.constant 0 : i32
      %dma_start3A_20 = tpu.memref_slice %arg4[%arg0, %arg1, %run_scoped3A_14, %dma_start3A] : memref<2x16x8x10240xf32, #tpu.memory_space<hbm>> -> memref<1x1x1x10240xf32, #tpu.memory_space<hbm>>
      %dma_start3A_21 = tpu.memref_squeeze %dma_start3A_20 : memref<1x1x1x10240xf32, #tpu.memory_space<hbm>> -> memref<10240xf32, #tpu.memory_space<hbm>>
      %dma_start3A_22 = arith.constant 0 : i32
      %dma_start3A_23 = tpu.memref_slice %arg4[%arg0, %arg1, %run_scoped3A_14, %dma_start3A_22] : memref<2x16x8x10240xf32, #tpu.memory_space<hbm>> -> memref<1x1x1x10240xf32, #tpu.memory_space<hbm>>
      %dma_start3A_24 = tpu.memref_squeeze %dma_start3A_23 : memref<1x1x1x10240xf32, #tpu.memory_space<hbm>> -> memref<10240xf32, #tpu.memory_space<hbm>>
      tpu.enqueue_dma source(%arg11 : memref<10240xf32, #tpu.memory_space<vmem>>) target(%dma_start3A_24 : memref<10240xf32, #tpu.memory_space<hbm>>) target_semaphore(%run_scoped3A_19 : memref<!tpu.dma_semaphore, #tpu.memory_space<semaphore_mem>>)
      %dma_wait3A = arith.constant 0 : i32
      %dma_wait3A_25 = tpu.memref_slice %arg4[%arg0, %arg1, %run_scoped3A_14, %dma_wait3A] : memref<2x16x8x10240xf32, #tpu.memory_space<hbm>> -> memref<1x1x1x10240xf32, #tpu.memory_space<hbm>>
      %dma_wait3A_26 = tpu.memref_squeeze %dma_wait3A_25 : memref<1x1x1x10240xf32, #tpu.memory_space<hbm>> -> memref<10240xf32, #tpu.memory_space<hbm>>
      %dma_wait3A_27 = arith.constant 0 : i32
      %dma_wait3A_28 = tpu.memref_slice %arg4[%arg0, %arg1, %run_scoped3A_14, %dma_wait3A_27] : memref<2x16x8x10240xf32, #tpu.memory_space<hbm>> -> memref<1x1x1x10240xf32, #tpu.memory_space<hbm>>
      %dma_wait3A_29 = tpu.memref_squeeze %dma_wait3A_28 : memref<1x1x1x10240xf32, #tpu.memory_space<hbm>> -> memref<10240xf32, #tpu.memory_space<hbm>>
      tpu.wait_dma2 semaphore(%run_scoped3A_19 : memref<!tpu.dma_semaphore, #tpu.memory_space<semaphore_mem>>) src(%arg11 : memref<10240xf32, #tpu.memory_space<vmem>>) dst(%dma_wait3A_29 : memref<10240xf32, #tpu.memory_space<hbm>>)
      tpu.yield
    }) : () -> ()
    %run_scoped3A_15 = arith.constant 4 : i32
    "tpu.region"() ({
      %run_scoped3A_19 = tpu.sem_alloc : memref<!tpu.dma_semaphore, #tpu.memory_space<semaphore_mem>>
      %dma_start3A = arith.constant 0 : i32
      %dma_start3A_20 = tpu.memref_slice %arg4[%arg0, %arg1, %run_scoped3A_15, %dma_start3A] : memref<2x16x8x10240xf32, #tpu.memory_space<hbm>> -> memref<1x1x1x10240xf32, #tpu.memory_space<hbm>>
      %dma_start3A_21 = tpu.memref_squeeze %dma_start3A_20 : memref<1x1x1x10240xf32, #tpu.memory_space<hbm>> -> memref<10240xf32, #tpu.memory_space<hbm>>
      %dma_start3A_22 = arith.constant 0 : i32
      %dma_start3A_23 = tpu.memref_slice %arg4[%arg0, %arg1, %run_scoped3A_15, %dma_start3A_22] : memref<2x16x8x10240xf32, #tpu.memory_space<hbm>> -> memref<1x1x1x10240xf32, #tpu.memory_space<hbm>>
      %dma_start3A_24 = tpu.memref_squeeze %dma_start3A_23 : memref<1x1x1x10240xf32, #tpu.memory_space<hbm>> -> memref<10240xf32, #tpu.memory_space<hbm>>
      tpu.enqueue_dma source(%arg12 : memref<10240xf32, #tpu.memory_space<vmem>>) target(%dma_start3A_24 : memref<10240xf32, #tpu.memory_space<hbm>>) target_semaphore(%run_scoped3A_19 : memref<!tpu.dma_semaphore, #tpu.memory_space<semaphore_mem>>)
      %dma_wait3A = arith.constant 0 : i32
      %dma_wait3A_25 = tpu.memref_slice %arg4[%arg0, %arg1, %run_scoped3A_15, %dma_wait3A] : memref<2x16x8x10240xf32, #tpu.memory_space<hbm>> -> memref<1x1x1x10240xf32, #tpu.memory_space<hbm>>
      %dma_wait3A_26 = tpu.memref_squeeze %dma_wait3A_25 : memref<1x1x1x10240xf32, #tpu.memory_space<hbm>> -> memref<10240xf32, #tpu.memory_space<hbm>>
      %dma_wait3A_27 = arith.constant 0 : i32
      %dma_wait3A_28 = tpu.memref_slice %arg4[%arg0, %arg1, %run_scoped3A_15, %dma_wait3A_27] : memref<2x16x8x10240xf32, #tpu.memory_space<hbm>> -> memref<1x1x1x10240xf32, #tpu.memory_space<hbm>>
      %dma_wait3A_29 = tpu.memref_squeeze %dma_wait3A_28 : memref<1x1x1x10240xf32, #tpu.memory_space<hbm>> -> memref<10240xf32, #tpu.memory_space<hbm>>
      tpu.wait_dma2 semaphore(%run_scoped3A_19 : memref<!tpu.dma_semaphore, #tpu.memory_space<semaphore_mem>>) src(%arg12 : memref<10240xf32, #tpu.memory_space<vmem>>) dst(%dma_wait3A_29 : memref<10240xf32, #tpu.memory_space<hbm>>)
      tpu.yield
    }) : () -> ()
    %run_scoped3A_16 = arith.constant 5 : i32
    "tpu.region"() ({
      %run_scoped3A_19 = tpu.sem_alloc : memref<!tpu.dma_semaphore, #tpu.memory_space<semaphore_mem>>
      %dma_start3A = arith.constant 0 : i32
      %dma_start3A_20 = tpu.memref_slice %arg4[%arg0, %arg1, %run_scoped3A_16, %dma_start3A] : memref<2x16x8x10240xf32, #tpu.memory_space<hbm>> -> memref<1x1x1x10240xf32, #tpu.memory_space<hbm>>
      %dma_start3A_21 = tpu.memref_squeeze %dma_start3A_20 : memref<1x1x1x10240xf32, #tpu.memory_space<hbm>> -> memref<10240xf32, #tpu.memory_space<hbm>>
      %dma_start3A_22 = arith.constant 0 : i32
      %dma_start3A_23 = tpu.memref_slice %arg4[%arg0, %arg1, %run_scoped3A_16, %dma_start3A_22] : memref<2x16x8x10240xf32, #tpu.memory_space<hbm>> -> memref<1x1x1x10240xf32, #tpu.memory_space<hbm>>
      %dma_start3A_24 = tpu.memref_squeeze %dma_start3A_23 : memref<1x1x1x10240xf32, #tpu.memory_space<hbm>> -> memref<10240xf32, #tpu.memory_space<hbm>>
      tpu.enqueue_dma source(%arg13 : memref<10240xf32, #tpu.memory_space<vmem>>) target(%dma_start3A_24 : memref<10240xf32, #tpu.memory_space<hbm>>) target_semaphore(%run_scoped3A_19 : memref<!tpu.dma_semaphore, #tpu.memory_space<semaphore_mem>>)
      %dma_wait3A = arith.constant 0 : i32
      %dma_wait3A_25 = tpu.memref_slice %arg4[%arg0, %arg1, %run_scoped3A_16, %dma_wait3A] : memref<2x16x8x10240xf32, #tpu.memory_space<hbm>> -> memref<1x1x1x10240xf32, #tpu.memory_space<hbm>>
      %dma_wait3A_26 = tpu.memref_squeeze %dma_wait3A_25 : memref<1x1x1x10240xf32, #tpu.memory_space<hbm>> -> memref<10240xf32, #tpu.memory_space<hbm>>
      %dma_wait3A_27 = arith.constant 0 : i32
      %dma_wait3A_28 = tpu.memref_slice %arg4[%arg0, %arg1, %run_scoped3A_16, %dma_wait3A_27] : memref<2x16x8x10240xf32, #tpu.memory_space<hbm>> -> memref<1x1x1x10240xf32, #tpu.memory_space<hbm>>
      %dma_wait3A_29 = tpu.memref_squeeze %dma_wait3A_28 : memref<1x1x1x10240xf32, #tpu.memory_space<hbm>> -> memref<10240xf32, #tpu.memory_space<hbm>>
      tpu.wait_dma2 semaphore(%run_scoped3A_19 : memref<!tpu.dma_semaphore, #tpu.memory_space<semaphore_mem>>) src(%arg13 : memref<10240xf32, #tpu.memory_space<vmem>>) dst(%dma_wait3A_29 : memref<10240xf32, #tpu.memory_space<hbm>>)
      tpu.yield
    }) : () -> ()
    %run_scoped3A_17 = arith.constant 6 : i32
    "tpu.region"() ({
      %run_scoped3A_19 = tpu.sem_alloc : memref<!tpu.dma_semaphore, #tpu.memory_space<semaphore_mem>>
      %dma_start3A = arith.constant 0 : i32
      %dma_start3A_20 = tpu.memref_slice %arg4[%arg0, %arg1, %run_scoped3A_17, %dma_start3A] : memref<2x16x8x10240xf32, #tpu.memory_space<hbm>> -> memref<1x1x1x10240xf32, #tpu.memory_space<hbm>>
      %dma_start3A_21 = tpu.memref_squeeze %dma_start3A_20 : memref<1x1x1x10240xf32, #tpu.memory_space<hbm>> -> memref<10240xf32, #tpu.memory_space<hbm>>
      %dma_start3A_22 = arith.constant 0 : i32
      %dma_start3A_23 = tpu.memref_slice %arg4[%arg0, %arg1, %run_scoped3A_17, %dma_start3A_22] : memref<2x16x8x10240xf32, #tpu.memory_space<hbm>> -> memref<1x1x1x10240xf32, #tpu.memory_space<hbm>>
      %dma_start3A_24 = tpu.memref_squeeze %dma_start3A_23 : memref<1x1x1x10240xf32, #tpu.memory_space<hbm>> -> memref<10240xf32, #tpu.memory_space<hbm>>
      tpu.enqueue_dma source(%arg14 : memref<10240xf32, #tpu.memory_space<vmem>>) target(%dma_start3A_24 : memref<10240xf32, #tpu.memory_space<hbm>>) target_semaphore(%run_scoped3A_19 : memref<!tpu.dma_semaphore, #tpu.memory_space<semaphore_mem>>)
      %dma_wait3A = arith.constant 0 : i32
      %dma_wait3A_25 = tpu.memref_slice %arg4[%arg0, %arg1, %run_scoped3A_17, %dma_wait3A] : memref<2x16x8x10240xf32, #tpu.memory_space<hbm>> -> memref<1x1x1x10240xf32, #tpu.memory_space<hbm>>
      %dma_wait3A_26 = tpu.memref_squeeze %dma_wait3A_25 : memref<1x1x1x10240xf32, #tpu.memory_space<hbm>> -> memref<10240xf32, #tpu.memory_space<hbm>>
      %dma_wait3A_27 = arith.constant 0 : i32
      %dma_wait3A_28 = tpu.memref_slice %arg4[%arg0, %arg1, %run_scoped3A_17, %dma_wait3A_27] : memref<2x16x8x10240xf32, #tpu.memory_space<hbm>> -> memref<1x1x1x10240xf32, #tpu.memory_space<hbm>>
      %dma_wait3A_29 = tpu.memref_squeeze %dma_wait3A_28 : memref<1x1x1x10240xf32, #tpu.memory_space<hbm>> -> memref<10240xf32, #tpu.memory_space<hbm>>
      tpu.wait_dma2 semaphore(%run_scoped3A_19 : memref<!tpu.dma_semaphore, #tpu.memory_space<semaphore_mem>>) src(%arg14 : memref<10240xf32, #tpu.memory_space<vmem>>) dst(%dma_wait3A_29 : memref<10240xf32, #tpu.memory_space<hbm>>)
      tpu.yield
    }) : () -> ()
    %run_scoped3A_18 = arith.constant 7 : i32
    "tpu.region"() ({
      %run_scoped3A_19 = tpu.sem_alloc : memref<!tpu.dma_semaphore, #tpu.memory_space<semaphore_mem>>
      %dma_start3A = arith.constant 0 : i32
      %dma_start3A_20 = tpu.memref_slice %arg4[%arg0, %arg1, %run_scoped3A_18, %dma_start3A] : memref<2x16x8x10240xf32, #tpu.memory_space<hbm>> -> memref<1x1x1x10240xf32, #tpu.memory_space<hbm>>
      %dma_start3A_21 = tpu.memref_squeeze %dma_start3A_20 : memref<1x1x1x10240xf32, #tpu.memory_space<hbm>> -> memref<10240xf32, #tpu.memory_space<hbm>>
      %dma_start3A_22 = arith.constant 0 : i32
      %dma_start3A_23 = tpu.memref_slice %arg4[%arg0, %arg1, %run_scoped3A_18, %dma_start3A_22] : memref<2x16x8x10240xf32, #tpu.memory_space<hbm>> -> memref<1x1x1x10240xf32, #tpu.memory_space<hbm>>
      %dma_start3A_24 = tpu.memref_squeeze %dma_start3A_23 : memref<1x1x1x10240xf32, #tpu.memory_space<hbm>> -> memref<10240xf32, #tpu.memory_space<hbm>>
      tpu.enqueue_dma source(%arg15 : memref<10240xf32, #tpu.memory_space<vmem>>) target(%dma_start3A_24 : memref<10240xf32, #tpu.memory_space<hbm>>) target_semaphore(%run_scoped3A_19 : memref<!tpu.dma_semaphore, #tpu.memory_space<semaphore_mem>>)
      %dma_wait3A = arith.constant 0 : i32
      %dma_wait3A_25 = tpu.memref_slice %arg4[%arg0, %arg1, %run_scoped3A_18, %dma_wait3A] : memref<2x16x8x10240xf32, #tpu.memory_space<hbm>> -> memref<1x1x1x10240xf32, #tpu.memory_space<hbm>>
      %dma_wait3A_26 = tpu.memref_squeeze %dma_wait3A_25 : memref<1x1x1x10240xf32, #tpu.memory_space<hbm>> -> memref<10240xf32, #tpu.memory_space<hbm>>
      %dma_wait3A_27 = arith.constant 0 : i32
      %dma_wait3A_28 = tpu.memref_slice %arg4[%arg0, %arg1, %run_scoped3A_18, %dma_wait3A_27] : memref<2x16x8x10240xf32, #tpu.memory_space<hbm>> -> memref<1x1x1x10240xf32, #tpu.memory_space<hbm>>
      %dma_wait3A_29 = tpu.memref_squeeze %dma_wait3A_28 : memref<1x1x1x10240xf32, #tpu.memory_space<hbm>> -> memref<10240xf32, #tpu.memory_space<hbm>>
      tpu.wait_dma2 semaphore(%run_scoped3A_19 : memref<!tpu.dma_semaphore, #tpu.memory_space<semaphore_mem>>) src(%arg15 : memref<10240xf32, #tpu.memory_space<vmem>>) dst(%dma_wait3A_29 : memref<10240xf32, #tpu.memory_space<hbm>>)
      tpu.yield
    }) : () -> ()
    return
  }
}

module attributes {stable_mosaic.version = 14 : i64} {
  func.func @_lin_body(%arg0: i32, %arg1: memref<1000x128xf32, #tpu.memory_space<vmem>>, %arg2: memref<128x128xf32, #tpu.memory_space<vmem>>, %arg3: memref<1x128xf32, #tpu.memory_space<vmem>>, %arg4: memref<1000x128xf32, #tpu.memory_space<vmem>>, %arg5: memref<1000x128xf32, #tpu.memory_space<vmem>>) attributes {dimension_semantics = [#tpu.dimension_semantics<arbitrary>], iteration_bounds = array<i64: 10>, scalar_prefetch = 0 : i64, scratch_operands = 0 : i64, tpu.core_type = #tpu.core_type<tc>, window_params = [{transform_indices = @transform_0, window_bounds = array<i64: 1000, 128>}, {pipeline_mode = #tpu.pipeline_mode<synchronous>, transform_indices = @transform_1, window_bounds = array<i64: 128, 128>}, {pipeline_mode = #tpu.pipeline_mode<synchronous>, transform_indices = @transform_2, window_bounds = array<i64: 1, 128>}, {transform_indices = @transform_3, window_bounds = array<i64: 1000, 128>}, {transform_indices = @transform_4, window_bounds = array<i64: 1000, 128>}]} {
    %get3A = arith.constant 0 : index
    %get3A_0 = arith.constant 0 : index
    %get3A_1 = vector.load %arg1[%get3A, %get3A_0] : memref<1000x128xf32, #tpu.memory_space<vmem>>, vector<1000x128xf32>
    %get3A_2 = arith.constant 0 : index
    %get3A_3 = arith.constant 0 : index
    %get3A_4 = vector.load %arg2[%get3A_2, %get3A_3] : memref<128x128xf32, #tpu.memory_space<vmem>>, vector<128x128xf32>
    %dot_general3A = arith.constant dense<0.000000e+00> : vector<1000x128xf32>
    %dot_general3A_5 = tpu.matmul %get3A_1, %get3A_4, %dot_general3A {dimension_numbers = #tpu.dot_dimension_numbers<[1], [0], [0], [1], [0, 0, 1, 1], [], []>, transpose_lhs_hint = false} : vector<1000x128xf32>, vector<128x128xf32>, vector<1000x128xf32> -> vector<1000x128xf32>
    %get3A_6 = arith.constant 0 : index
    %get3A_7 = arith.constant 0 : index
    %get3A_8 = vector.load %arg3[%get3A_6, %get3A_7] : memref<1x128xf32, #tpu.memory_space<vmem>>, vector<1x128xf32>
    %add3A = vector.broadcast %get3A_8 : vector<1x128xf32> to vector<1000x128xf32>
    %add3A_9 = arith.addf %dot_general3A_5, %add3A : vector<1000x128xf32>
    %get3A_10 = arith.constant 0 : index
    %get3A_11 = arith.constant 0 : index
    %get3A_12 = vector.load %arg4[%get3A_10, %get3A_11] : memref<1000x128xf32, #tpu.memory_space<vmem>>, vector<1000x128xf32>
    %mul3A = arith.mulf %add3A_9, %get3A_12 : vector<1000x128xf32>
    %swap3A = arith.constant 0 : index
    %swap3A_13 = arith.constant 0 : index
    %swap3A_14 = vector.load %arg5[%swap3A, %swap3A_13] : memref<1000x128xf32, #tpu.memory_space<vmem>>, vector<1000x128xf32>
    tpu.vector_store %arg5[%swap3A, %swap3A_13], %mul3A {strides = array<i32>} : memref<1000x128xf32, #tpu.memory_space<vmem>>, vector<1000x128xf32>,
    return
  }
  func.func @transform_0(%arg0: i32) -> (i32, i32) {
    %c0_i32 = arith.constant 0 : i32
    %c0_i32_0 = arith.constant 0 : i32
    return %arg0, %c0_i32 : i32, i32
  }
  func.func @transform_1(%arg0: i32) -> (i32, i32) {
    %c0_i32 = arith.constant 0 : i32
    %c0_i32_0 = arith.constant 0 : i32
    %c0_i32_1 = arith.constant 0 : i32
    return %c0_i32, %c0_i32_0 : i32, i32
  }
  func.func @transform_2(%arg0: i32) -> (i32, i32) {
    %c0_i32 = arith.constant 0 : i32
    %c0_i32_0 = arith.constant 0 : i32
    %c0_i32_1 = arith.constant 0 : i32
    return %c0_i32, %c0_i32_0 : i32, i32
  }
  func.func @transform_3(%arg0: i32) -> (i32, i32) {
    %c0_i32 = arith.constant 0 : i32
    %c0_i32_0 = arith.constant 0 : i32
    return %arg0, %c0_i32 : i32, i32
  }
  func.func @transform_4(%arg0: i32) -> (i32, i32) {
    %c0_i32 = arith.constant 0 : i32
    %c0_i32_0 = arith.constant 0 : i32
    return %arg0, %c0_i32 : i32, i32
  }
}

module attributes {stable_mosaic.version = 14 : i64} {
  func.func @_conv_body(%arg0: i32, %arg1: memref<1x1000x128xf32, #tpu.memory_space<vmem>>, %arg2: memref<1x1000x128xf32, #tpu.memory_space<vmem>>, %arg3: memref<1000x128xf32, #tpu.memory_space<vmem>>, %arg4: memref<1000x128xf32, #tpu.memory_space<vmem>>, %arg5: memref<1x128xf32, #tpu.memory_space<vmem>>, %arg6: memref<1000x128xf32, #tpu.memory_space<vmem>>, %arg7: memref<8x128xf32, #tpu.memory_space<vmem>>, %arg8: memref<8x128xf32, #tpu.memory_space<vmem>>) attributes {dimension_semantics = [#tpu.dimension_semantics<arbitrary>], iteration_bounds = array<i64: 10>, scalar_prefetch = 0 : i64, scratch_operands = 1 : i64, tpu.core_type = #tpu.core_type<tc>, window_params = [{transform_indices = @transform_0, window_bounds = array<i64: 1, 1000, 128>}, {transform_indices = @transform_1, window_bounds = array<i64: 1, 1000, 128>}, {transform_indices = @transform_2, window_bounds = array<i64: 1000, 128>}, {transform_indices = @transform_3, window_bounds = array<i64: 1000, 128>}, {pipeline_mode = #tpu.pipeline_mode<synchronous>, transform_indices = @transform_4, window_bounds = array<i64: 1, 128>}, {transform_indices = @transform_5, window_bounds = array<i64: 1000, 128>}, {pipeline_mode = #tpu.pipeline_mode<synchronous>, transform_indices = @transform_6, window_bounds = array<i64: 8, 128>}]} {
    %get3A = arith.constant 0 : index
    %get3A_0 = arith.constant 0 : index
    %get3A_1 = vector.load %arg4[%get3A, %get3A_0] : memref<1000x128xf32, #tpu.memory_space<vmem>>, vector<1000x128xf32>
    %get3A_2 = arith.constant 0 : index
    %get3A_3 = arith.constant 0 : index
    %get3A_4 = arith.constant 0 : index
    %get3A_5 = vector.load %arg1[%get3A_2, %get3A_3, %get3A_4] : memref<1x1000x128xf32, #tpu.memory_space<vmem>>, vector<1x1000x128xf32>
    %get3A_6 = vector.shape_cast %get3A_5 : vector<1x1000x128xf32> to vector<1000x128xf32>
    %get3A_7 = arith.constant 0 : index
    %get3A_8 = arith.constant 0 : index
    %get3A_9 = arith.constant 0 : index
    %get3A_10 = vector.load %arg2[%get3A_7, %get3A_8, %get3A_9] : memref<1x1000x128xf32, #tpu.memory_space<vmem>>, vector<1x1000x128xf32>
    %get3A_11 = vector.shape_cast %get3A_10 : vector<1x1000x128xf32> to vector<1000x128xf32>
    %add3A = arith.addf %get3A_6, %get3A_11 : vector<1000x128xf32>
    %get3A_12 = arith.constant 0 : index
    %get3A_13 = arith.constant 0 : index
    %get3A_14 = vector.load %arg3[%get3A_12, %get3A_13] : memref<1000x128xf32, #tpu.memory_space<vmem>>, vector<1000x128xf32>
    %add3A_15 = arith.addf %add3A, %get3A_14 : vector<1000x128xf32>
    %mul3A = arith.mulf %get3A_1, %add3A_15 : vector<1000x128xf32>
    %get3A_16 = arith.constant 0 : index
    %get3A_17 = arith.constant 0 : index
    %get3A_18 = vector.load %arg5[%get3A_16, %get3A_17] : memref<1x128xf32, #tpu.memory_space<vmem>>, vector<1x128xf32>
    %add3A_19 = vector.broadcast %get3A_18 : vector<1x128xf32> to vector<1000x128xf32>
    %add3A_20 = arith.addf %mul3A, %add3A_19 : vector<1000x128xf32>
    %max3A = arith.constant 0.000000e+00 : f32
    %max3A_21 = vector.broadcast %max3A : f32 to vector<1000x128xf32>
    %max3A_22 = arith.maximumf %add3A_20, %max3A_21 : vector<1000x128xf32>
    %swap3A = arith.constant 0 : index
    %swap3A_23 = arith.constant 0 : index
    %swap3A_24 = vector.load %arg6[%swap3A, %swap3A_23] : memref<1000x128xf32, #tpu.memory_space<vmem>>, vector<1000x128xf32>
    tpu.vector_store %arg6[%swap3A, %swap3A_23], %max3A_22 {strides = array<i32>} : memref<1000x128xf32, #tpu.memory_space<vmem>>, vector<1000x128xf32>,
    %eq3A = arith.constant 0 : i32
    %eq3A_25 = arith.cmpi eq, %arg0, %eq3A : i32
    %convert_element_type3A = arith.extui %eq3A_25 : i1 to i32
    %cond3A = arith.constant 0 : i32
    %cond3A_26 = arith.cmpi ne, %convert_element_type3A, %cond3A : i32
    scf.if %cond3A_26 {
      %broadcast_in_dim3A_51 = arith.constant 0.000000e+00 : f32
      %broadcast_in_dim3A_52 = vector.broadcast %broadcast_in_dim3A_51 : f32 to vector<8x128xf32>
      %swap3A_53 = arith.constant 0 : index
      %swap3A_54 = arith.constant 0 : index
      %swap3A_55 = vector.load %arg8[%swap3A_53, %swap3A_54] : memref<8x128xf32, #tpu.memory_space<vmem>>, vector<8x128xf32>
      tpu.vector_store %arg8[%swap3A_53, %swap3A_54], %broadcast_in_dim3A_52 {strides = array<i32>} : memref<8x128xf32, #tpu.memory_space<vmem>>, vector<8x128xf32>,
    } else {
    }
    %get3A_27 = arith.constant 0 : index
    %get3A_28 = arith.constant 0 : index
    %get3A_29 = vector.load %arg8[%get3A_27, %get3A_28] : memref<8x128xf32, #tpu.memory_space<vmem>>, vector<1x128xf32>
    %reduce_sum3A = arith.constant dense<0.000000e+00> : vector<128xf32>
    %reduce_sum3A_30 = vector.multi_reduction <add>, %max3A_22, %reduce_sum3A [0] : vector<1000x128xf32> to vector<128xf32>
    %broadcast_in_dim3A = vector.shape_cast %reduce_sum3A_30 : vector<128xf32> to vector<1x128xf32>
    %add3A_31 = arith.addf %get3A_29, %broadcast_in_dim3A : vector<1x128xf32>
    %swap3A_32 = arith.constant 0 : index
    %swap3A_33 = arith.constant 0 : index
    %swap3A_34 = vector.load %arg8[%swap3A_32, %swap3A_33] : memref<8x128xf32, #tpu.memory_space<vmem>>, vector<1x128xf32>
    tpu.vector_store %arg8[%swap3A_32, %swap3A_33], %add3A_31 {strides = array<i32>} : memref<8x128xf32, #tpu.memory_space<vmem>>, vector<1x128xf32>,
    %get3A_35 = arith.constant 1 : index
    %get3A_36 = arith.constant 0 : index
    %get3A_37 = vector.load %arg8[%get3A_35, %get3A_36] : memref<8x128xf32, #tpu.memory_space<vmem>>, vector<1x128xf32>
    %mul3A_38 = arith.mulf %max3A_22, %max3A_22 : vector<1000x128xf32>
    %reduce_sum3A_39 = arith.constant dense<0.000000e+00> : vector<128xf32>
    %reduce_sum3A_40 = vector.multi_reduction <add>, %mul3A_38, %reduce_sum3A_39 [0] : vector<1000x128xf32> to vector<128xf32>
    %broadcast_in_dim3A_41 = vector.shape_cast %reduce_sum3A_40 : vector<128xf32> to vector<1x128xf32>
    %add3A_42 = arith.addf %get3A_37, %broadcast_in_dim3A_41 : vector<1x128xf32>
    %swap3A_43 = arith.constant 1 : index
    %swap3A_44 = arith.constant 0 : index
    %swap3A_45 = vector.load %arg8[%swap3A_43, %swap3A_44] : memref<8x128xf32, #tpu.memory_space<vmem>>, vector<1x128xf32>
    tpu.vector_store %arg8[%swap3A_43, %swap3A_44], %add3A_42 {strides = array<i32>} : memref<8x128xf32, #tpu.memory_space<vmem>>, vector<1x128xf32>,
    %eq3A_46 = arith.constant 9 : i32
    %eq3A_47 = arith.cmpi eq, %arg0, %eq3A_46 : i32
    %convert_element_type3A_48 = arith.extui %eq3A_47 : i1 to i32
    %cond3A_49 = arith.constant 0 : i32
    %cond3A_50 = arith.cmpi ne, %convert_element_type3A_48, %cond3A_49 : i32
    scf.if %cond3A_50 {
      %get3A_51 = arith.constant 0 : index
      %get3A_52 = arith.constant 0 : index
      %get3A_53 = vector.load %arg8[%get3A_51, %get3A_52] : memref<8x128xf32, #tpu.memory_space<vmem>>, vector<8x128xf32>
      %swap3A_54 = arith.constant 0 : index
      %swap3A_55 = arith.constant 0 : index
      %swap3A_56 = vector.load %arg7[%swap3A_54, %swap3A_55] : memref<8x128xf32, #tpu.memory_space<vmem>>, vector<8x128xf32>
      tpu.vector_store %arg7[%swap3A_54, %swap3A_55], %get3A_53 {strides = array<i32>} : memref<8x128xf32, #tpu.memory_space<vmem>>, vector<8x128xf32>,
    } else {
    }
    return
  }
  func.func @transform_0(%arg0: i32) -> (i32, i32, i32) {
    %c0_i32 = arith.constant 0 : i32
    %c0_i32_0 = arith.constant 0 : i32
    %c0_i32_1 = arith.constant 0 : i32
    return %c0_i32, %arg0, %c0_i32_0 : i32, i32, i32
  }
  func.func @transform_1(%arg0: i32) -> (i32, i32, i32) {
    %c1_i32 = arith.constant 1 : i32
    %c0_i32 = arith.constant 0 : i32
    %c0_i32_0 = arith.constant 0 : i32
    return %c1_i32, %arg0, %c0_i32 : i32, i32, i32
  }
  func.func @transform_2(%arg0: i32) -> (i32, i32) {
    %c0_i32 = arith.constant 0 : i32
    %c0_i32_0 = arith.constant 0 : i32
    return %arg0, %c0_i32 : i32, i32
  }
  func.func @transform_3(%arg0: i32) -> (i32, i32) {
    %c0_i32 = arith.constant 0 : i32
    %c0_i32_0 = arith.constant 0 : i32
    return %arg0, %c0_i32 : i32, i32
  }
  func.func @transform_4(%arg0: i32) -> (i32, i32) {
    %c0_i32 = arith.constant 0 : i32
    %c0_i32_0 = arith.constant 0 : i32
    %c0_i32_1 = arith.constant 0 : i32
    return %c0_i32, %c0_i32_0 : i32, i32
  }
  func.func @transform_5(%arg0: i32) -> (i32, i32) {
    %c0_i32 = arith.constant 0 : i32
    %c0_i32_0 = arith.constant 0 : i32
    return %arg0, %c0_i32 : i32, i32
  }
  func.func @transform_6(%arg0: i32) -> (i32, i32) {
    %c0_i32 = arith.constant 0 : i32
    %c0_i32_0 = arith.constant 0 : i32
    %c0_i32_1 = arith.constant 0 : i32
    return %c0_i32, %c0_i32_0 : i32, i32
  }
}

module attributes {stable_mosaic.version = 14 : i64} {
  func.func @_bn_body(%arg0: i32, %arg1: memref<1000x128xf32, #tpu.memory_space<vmem>>, %arg2: memref<8x128xf32, #tpu.memory_space<vmem>>, %arg3: memref<1x128xf32, #tpu.memory_space<vmem>>, %arg4: memref<1x128xf32, #tpu.memory_space<vmem>>, %arg5: memref<1x1x1000xi32, #tpu.memory_space<vmem>>, %arg6: memref<128x128xf32, #tpu.memory_space<vmem>>, %arg7: memref<1x128xf32, #tpu.memory_space<vmem>>, %arg8: memref<1000x128xf32, #tpu.memory_space<vmem>>, %arg9: memref<1000x128xf32, #tpu.memory_space<vmem>>, %arg10: memref<64x128xf32, #tpu.memory_space<vmem>>, %arg11: memref<1000x128xf32, #tpu.memory_space<vmem>>, %arg12: memref<64x128xf32, #tpu.memory_space<vmem>>) attributes {dimension_semantics = [#tpu.dimension_semantics<arbitrary>], iteration_bounds = array<i64: 10>, scalar_prefetch = 0 : i64, scratch_operands = 1 : i64, tpu.core_type = #tpu.core_type<tc>, window_params = [{transform_indices = @transform_0, window_bounds = array<i64: 1000, 128>}, {pipeline_mode = #tpu.pipeline_mode<synchronous>, transform_indices = @transform_1, window_bounds = array<i64: 8, 128>}, {pipeline_mode = #tpu.pipeline_mode<synchronous>, transform_indices = @transform_2, window_bounds = array<i64: 1, 128>}, {pipeline_mode = #tpu.pipeline_mode<synchronous>, transform_indices = @transform_3, window_bounds = array<i64: 1, 128>}, {transform_indices = @transform_4, window_bounds = array<i64: 1, 1, 1000>}, {pipeline_mode = #tpu.pipeline_mode<synchronous>, transform_indices = @transform_5, window_bounds = array<i64: 128, 128>}, {pipeline_mode = #tpu.pipeline_mode<synchronous>, transform_indices = @transform_6, window_bounds = array<i64: 1, 128>}, {transform_indices = @transform_7, window_bounds = array<i64: 1000, 128>}, {transform_indices = @transform_8, window_bounds = array<i64: 1000, 128>}, {pipeline_mode = #tpu.pipeline_mode<synchronous>, transform_indices = @transform_9, window_bounds = array<i64: 64, 128>}, {transform_indices = @transform_10, window_bounds = array<i64: 1000, 128>}]} {
    %get3A = arith.constant 0 : index
    %get3A_0 = arith.constant 0 : index
    %get3A_1 = vector.load %arg1[%get3A, %get3A_0] : memref<1000x128xf32, #tpu.memory_space<vmem>>, vector<1000x128xf32>
    %get3A_2 = arith.constant 0 : index
    %get3A_3 = arith.constant 0 : index
    %get3A_4 = vector.load %arg2[%get3A_2, %get3A_3] : memref<8x128xf32, #tpu.memory_space<vmem>>, vector<1x128xf32>
    %mul3A = arith.constant 9.99999974E-5 : f32
    %mul3A_5 = vector.broadcast %mul3A : f32 to vector<1x128xf32>
    %mul3A_6 = arith.mulf %get3A_4, %mul3A_5 : vector<1x128xf32>
    %get3A_7 = arith.constant 1 : index
    %get3A_8 = arith.constant 0 : index
    %get3A_9 = vector.load %arg2[%get3A_7, %get3A_8] : memref<8x128xf32, #tpu.memory_space<vmem>>, vector<1x128xf32>
    %mul3A_10 = arith.constant 9.99999974E-5 : f32
    %mul3A_11 = vector.broadcast %mul3A_10 : f32 to vector<1x128xf32>
    %mul3A_12 = arith.mulf %get3A_9, %mul3A_11 : vector<1x128xf32>
    %mul3A_13 = arith.mulf %mul3A_6, %mul3A_6 : vector<1x128xf32>
    %sub3A = arith.subf %mul3A_12, %mul3A_13 : vector<1x128xf32>
    %add3A = arith.constant 9.99999974E-6 : f32
    %add3A_14 = vector.broadcast %add3A : f32 to vector<1x128xf32>
    %add3A_15 = arith.addf %sub3A, %add3A_14 : vector<1x128xf32>
    %rsqrt3A = math.rsqrt %add3A_15 : vector<1x128xf32>
    %get3A_16 = arith.constant 0 : index
    %get3A_17 = arith.constant 0 : index
    %get3A_18 = vector.load %arg3[%get3A_16, %get3A_17] : memref<1x128xf32, #tpu.memory_space<vmem>>, vector<1x128xf32>
    %mul3A_19 = arith.mulf %rsqrt3A, %get3A_18 : vector<1x128xf32>
    %mul3A_20 = vector.broadcast %mul3A_19 : vector<1x128xf32> to vector<1000x128xf32>
    %mul3A_21 = arith.mulf %get3A_1, %mul3A_20 : vector<1000x128xf32>
    %get3A_22 = arith.constant 0 : index
    %get3A_23 = arith.constant 0 : index
    %get3A_24 = vector.load %arg4[%get3A_22, %get3A_23] : memref<1x128xf32, #tpu.memory_space<vmem>>, vector<1x128xf32>
    %mul3A_25 = arith.mulf %mul3A_6, %mul3A_19 : vector<1x128xf32>
    %sub3A_26 = arith.subf %get3A_24, %mul3A_25 : vector<1x128xf32>
    %add3A_27 = vector.broadcast %sub3A_26 : vector<1x128xf32> to vector<1000x128xf32>
    %add3A_28 = arith.addf %mul3A_21, %add3A_27 : vector<1000x128xf32>
    %swap3A = arith.constant 0 : index
    %swap3A_29 = arith.constant 0 : index
    %swap3A_30 = vector.load %arg9[%swap3A, %swap3A_29] : memref<1000x128xf32, #tpu.memory_space<vmem>>, vector<1000x128xf32>
    tpu.vector_store %arg9[%swap3A, %swap3A_29], %add3A_28 {strides = array<i32>} : memref<1000x128xf32, #tpu.memory_space<vmem>>, vector<1000x128xf32>,
    %eq3A = arith.constant 0 : i32
    %eq3A_31 = arith.cmpi eq, %arg0, %eq3A : i32
    %convert_element_type3A = arith.extui %eq3A_31 : i1 to i32
    %cond3A = arith.constant 0 : i32
    %cond3A_32 = arith.cmpi ne, %convert_element_type3A, %cond3A : i32
    scf.if %cond3A_32 {
      %broadcast_in_dim3A = arith.constant 0.000000e+00 : f32
      %broadcast_in_dim3A_73 = vector.broadcast %broadcast_in_dim3A : f32 to vector<64x128xf32>
      %swap3A_74 = arith.constant 0 : index
      %swap3A_75 = arith.constant 0 : index
      %swap3A_76 = vector.load %arg12[%swap3A_74, %swap3A_75] : memref<64x128xf32, #tpu.memory_space<vmem>>, vector<64x128xf32>
      tpu.vector_store %arg12[%swap3A_74, %swap3A_75], %broadcast_in_dim3A_73 {strides = array<i32>} : memref<64x128xf32, #tpu.memory_space<vmem>>, vector<64x128xf32>,
    } else {
    }
    %get3A_33 = arith.constant 0 : index
    %get3A_34 = arith.constant 0 : index
    %get3A_35 = vector.load %arg12[%get3A_33, %get3A_34] : memref<64x128xf32, #tpu.memory_space<vmem>>, vector<64x128xf32>
    %get3A_36 = arith.constant 0 : index
    %get3A_37 = arith.constant 0 : index
    %get3A_38 = arith.constant 0 : index
    %get3A_39 = vector.load %arg5[%get3A_36, %get3A_37, %get3A_38] : memref<1x1x1000xi32, #tpu.memory_space<vmem>>, vector<1x1x1000xi32>
    %get3A_40 = vector.shape_cast %get3A_39 : vector<1x1x1000xi32> to vector<1x1000xi32>
    %iota3A = tpu.iota {dimensions = array<i32: 0>} : vector<64x1xi32>
    %eq3A_41 = vector.broadcast %get3A_40 : vector<1x1000xi32> to vector<64x1000xi32>
    %eq3A_42 = vector.broadcast %iota3A : vector<64x1xi32> to vector<64x1000xi32>
    %eq3A_43 = arith.cmpi eq, %eq3A_41, %eq3A_42 : vector<64x1000xi32>
    %convert_element_type3A_44 = arith.extui %eq3A_43 : vector<64x1000xi1> to vector<64x1000xi32>
    %convert_element_type3A_45 = arith.sitofp %convert_element_type3A_44 : vector<64x1000xi32> to vector<64x1000xf32>
    %dot_general3A = arith.constant dense<0.000000e+00> : vector<64x128xf32>
    %dot_general3A_46 = tpu.matmul %convert_element_type3A_45, %add3A_28, %dot_general3A {dimension_numbers = #tpu.dot_dimension_numbers<[1], [0], [0], [1], [0, 0, 1, 1], [], []>, transpose_lhs_hint = false} : vector<64x1000xf32>, vector<1000x128xf32>, vector<64x128xf32> -> vector<64x128xf32>
    %add3A_47 = arith.addf %get3A_35, %dot_general3A_46 : vector<64x128xf32>
    %swap3A_48 = arith.constant 0 : index
    %swap3A_49 = arith.constant 0 : index
    %swap3A_50 = vector.load %arg12[%swap3A_48, %swap3A_49] : memref<64x128xf32, #tpu.memory_space<vmem>>, vector<64x128xf32>
    tpu.vector_store %arg12[%swap3A_48, %swap3A_49], %add3A_47 {strides = array<i32>} : memref<64x128xf32, #tpu.memory_space<vmem>>, vector<64x128xf32>,
    %eq3A_51 = arith.constant 9 : i32
    %eq3A_52 = arith.cmpi eq, %arg0, %eq3A_51 : i32
    %convert_element_type3A_53 = arith.extui %eq3A_52 : i1 to i32
    %cond3A_54 = arith.constant 0 : i32
    %cond3A_55 = arith.cmpi ne, %convert_element_type3A_53, %cond3A_54 : i32
    scf.if %cond3A_55 {
      %get3A_73 = arith.constant 0 : index
      %get3A_74 = arith.constant 0 : index
      %get3A_75 = vector.load %arg12[%get3A_73, %get3A_74] : memref<64x128xf32, #tpu.memory_space<vmem>>, vector<64x128xf32>
      %swap3A_76 = arith.constant 0 : index
      %swap3A_77 = arith.constant 0 : index
      %swap3A_78 = vector.load %arg10[%swap3A_76, %swap3A_77] : memref<64x128xf32, #tpu.memory_space<vmem>>, vector<64x128xf32>
      tpu.vector_store %arg10[%swap3A_76, %swap3A_77], %get3A_75 {strides = array<i32>} : memref<64x128xf32, #tpu.memory_space<vmem>>, vector<64x128xf32>,
    } else {
    }
    %get3A_56 = arith.constant 0 : index
    %get3A_57 = arith.constant 0 : index
    %get3A_58 = vector.load %arg6[%get3A_56, %get3A_57] : memref<128x128xf32, #tpu.memory_space<vmem>>, vector<128x128xf32>
    %dot_general3A_59 = arith.constant dense<0.000000e+00> : vector<1000x128xf32>
    %dot_general3A_60 = tpu.matmul %add3A_28, %get3A_58, %dot_general3A_59 {dimension_numbers = #tpu.dot_dimension_numbers<[1], [0], [0], [1], [0, 0, 1, 1], [], []>, transpose_lhs_hint = false} : vector<1000x128xf32>, vector<128x128xf32>, vector<1000x128xf32> -> vector<1000x128xf32>
    %get3A_61 = arith.constant 0 : index
    %get3A_62 = arith.constant 0 : index
    %get3A_63 = vector.load %arg7[%get3A_61, %get3A_62] : memref<1x128xf32, #tpu.memory_space<vmem>>, vector<1x128xf32>
    %add3A_64 = vector.broadcast %get3A_63 : vector<1x128xf32> to vector<1000x128xf32>
    %add3A_65 = arith.addf %dot_general3A_60, %add3A_64 : vector<1000x128xf32>
    %get3A_66 = arith.constant 0 : index
    %get3A_67 = arith.constant 0 : index
    %get3A_68 = vector.load %arg8[%get3A_66, %get3A_67] : memref<1000x128xf32, #tpu.memory_space<vmem>>, vector<1000x128xf32>
    %mul3A_69 = arith.mulf %add3A_65, %get3A_68 : vector<1000x128xf32>
    %swap3A_70 = arith.constant 0 : index
    %swap3A_71 = arith.constant 0 : index
    %swap3A_72 = vector.load %arg11[%swap3A_70, %swap3A_71] : memref<1000x128xf32, #tpu.memory_space<vmem>>, vector<1000x128xf32>
    tpu.vector_store %arg11[%swap3A_70, %swap3A_71], %mul3A_69 {strides = array<i32>} : memref<1000x128xf32, #tpu.memory_space<vmem>>, vector<1000x128xf32>,
    return
  }
  func.func @transform_0(%arg0: i32) -> (i32, i32) {
    %c0_i32 = arith.constant 0 : i32
    %c0_i32_0 = arith.constant 0 : i32
    return %arg0, %c0_i32 : i32, i32
  }
  func.func @transform_1(%arg0: i32) -> (i32, i32) {
    %c0_i32 = arith.constant 0 : i32
    %c0_i32_0 = arith.constant 0 : i32
    %c0_i32_1 = arith.constant 0 : i32
    return %c0_i32, %c0_i32_0 : i32, i32
  }
  func.func @transform_2(%arg0: i32) -> (i32, i32) {
    %c0_i32 = arith.constant 0 : i32
    %c0_i32_0 = arith.constant 0 : i32
    %c0_i32_1 = arith.constant 0 : i32
    return %c0_i32, %c0_i32_0 : i32, i32
  }
  func.func @transform_3(%arg0: i32) -> (i32, i32) {
    %c0_i32 = arith.constant 0 : i32
    %c0_i32_0 = arith.constant 0 : i32
    %c0_i32_1 = arith.constant 0 : i32
    return %c0_i32, %c0_i32_0 : i32, i32
  }
  func.func @transform_4(%arg0: i32) -> (i32, i32, i32) {
    %c0_i32 = arith.constant 0 : i32
    %c0_i32_0 = arith.constant 0 : i32
    %c0_i32_1 = arith.constant 0 : i32
    return %arg0, %c0_i32, %c0_i32_0 : i32, i32, i32
  }
  func.func @transform_5(%arg0: i32) -> (i32, i32) {
    %c0_i32 = arith.constant 0 : i32
    %c0_i32_0 = arith.constant 0 : i32
    %c0_i32_1 = arith.constant 0 : i32
    return %c0_i32, %c0_i32_0 : i32, i32
  }
  func.func @transform_6(%arg0: i32) -> (i32, i32) {
    %c0_i32 = arith.constant 0 : i32
    %c0_i32_0 = arith.constant 0 : i32
    %c0_i32_1 = arith.constant 0 : i32
    return %c0_i32, %c0_i32_0 : i32, i32
  }
  func.func @transform_7(%arg0: i32) -> (i32, i32) {
    %c0_i32 = arith.constant 0 : i32
    %c0_i32_0 = arith.constant 0 : i32
    return %arg0, %c0_i32 : i32, i32
  }
  func.func @transform_8(%arg0: i32) -> (i32, i32) {
    %c0_i32 = arith.constant 0 : i32
    %c0_i32_0 = arith.constant 0 : i32
    return %arg0, %c0_i32 : i32, i32
  }
  func.func @transform_9(%arg0: i32) -> (i32, i32) {
    %c0_i32 = arith.constant 0 : i32
    %c0_i32_0 = arith.constant 0 : i32
    %c0_i32_1 = arith.constant 0 : i32
    return %c0_i32, %c0_i32_0 : i32, i32
  }
  func.func @transform_10(%arg0: i32) -> (i32, i32) {
    %c0_i32 = arith.constant 0 : i32
    %c0_i32_0 = arith.constant 0 : i32
    return %arg0, %c0_i32 : i32, i32
  }
}

module attributes {stable_mosaic.version = 14 : i64} {
  func.func @_bn_last_body(%arg0: i32, %arg1: memref<1000x128xf32, #tpu.memory_space<vmem>>, %arg2: memref<8x128xf32, #tpu.memory_space<vmem>>, %arg3: memref<1x128xf32, #tpu.memory_space<vmem>>, %arg4: memref<1x128xf32, #tpu.memory_space<vmem>>, %arg5: memref<1x1x1000xi32, #tpu.memory_space<vmem>>, %arg6: memref<1000x128xf32, #tpu.memory_space<vmem>>, %arg7: memref<64x128xf32, #tpu.memory_space<vmem>>, %arg8: memref<64x128xf32, #tpu.memory_space<vmem>>) attributes {dimension_semantics = [#tpu.dimension_semantics<arbitrary>], iteration_bounds = array<i64: 10>, scalar_prefetch = 0 : i64, scratch_operands = 1 : i64, tpu.core_type = #tpu.core_type<tc>, window_params = [{transform_indices = @transform_0, window_bounds = array<i64: 1000, 128>}, {pipeline_mode = #tpu.pipeline_mode<synchronous>, transform_indices = @transform_1, window_bounds = array<i64: 8, 128>}, {pipeline_mode = #tpu.pipeline_mode<synchronous>, transform_indices = @transform_2, window_bounds = array<i64: 1, 128>}, {pipeline_mode = #tpu.pipeline_mode<synchronous>, transform_indices = @transform_3, window_bounds = array<i64: 1, 128>}, {transform_indices = @transform_4, window_bounds = array<i64: 1, 1, 1000>}, {transform_indices = @transform_5, window_bounds = array<i64: 1000, 128>}, {pipeline_mode = #tpu.pipeline_mode<synchronous>, transform_indices = @transform_6, window_bounds = array<i64: 64, 128>}]} {
    %get3A = arith.constant 0 : index
    %get3A_0 = arith.constant 0 : index
    %get3A_1 = vector.load %arg1[%get3A, %get3A_0] : memref<1000x128xf32, #tpu.memory_space<vmem>>, vector<1000x128xf32>
    %get3A_2 = arith.constant 0 : index
    %get3A_3 = arith.constant 0 : index
    %get3A_4 = vector.load %arg2[%get3A_2, %get3A_3] : memref<8x128xf32, #tpu.memory_space<vmem>>, vector<1x128xf32>
    %mul3A = arith.constant 9.99999974E-5 : f32
    %mul3A_5 = vector.broadcast %mul3A : f32 to vector<1x128xf32>
    %mul3A_6 = arith.mulf %get3A_4, %mul3A_5 : vector<1x128xf32>
    %get3A_7 = arith.constant 1 : index
    %get3A_8 = arith.constant 0 : index
    %get3A_9 = vector.load %arg2[%get3A_7, %get3A_8] : memref<8x128xf32, #tpu.memory_space<vmem>>, vector<1x128xf32>
    %mul3A_10 = arith.constant 9.99999974E-5 : f32
    %mul3A_11 = vector.broadcast %mul3A_10 : f32 to vector<1x128xf32>
    %mul3A_12 = arith.mulf %get3A_9, %mul3A_11 : vector<1x128xf32>
    %mul3A_13 = arith.mulf %mul3A_6, %mul3A_6 : vector<1x128xf32>
    %sub3A = arith.subf %mul3A_12, %mul3A_13 : vector<1x128xf32>
    %add3A = arith.constant 9.99999974E-6 : f32
    %add3A_14 = vector.broadcast %add3A : f32 to vector<1x128xf32>
    %add3A_15 = arith.addf %sub3A, %add3A_14 : vector<1x128xf32>
    %rsqrt3A = math.rsqrt %add3A_15 : vector<1x128xf32>
    %get3A_16 = arith.constant 0 : index
    %get3A_17 = arith.constant 0 : index
    %get3A_18 = vector.load %arg3[%get3A_16, %get3A_17] : memref<1x128xf32, #tpu.memory_space<vmem>>, vector<1x128xf32>
    %mul3A_19 = arith.mulf %rsqrt3A, %get3A_18 : vector<1x128xf32>
    %mul3A_20 = vector.broadcast %mul3A_19 : vector<1x128xf32> to vector<1000x128xf32>
    %mul3A_21 = arith.mulf %get3A_1, %mul3A_20 : vector<1000x128xf32>
    %get3A_22 = arith.constant 0 : index
    %get3A_23 = arith.constant 0 : index
    %get3A_24 = vector.load %arg4[%get3A_22, %get3A_23] : memref<1x128xf32, #tpu.memory_space<vmem>>, vector<1x128xf32>
    %mul3A_25 = arith.mulf %mul3A_6, %mul3A_19 : vector<1x128xf32>
    %sub3A_26 = arith.subf %get3A_24, %mul3A_25 : vector<1x128xf32>
    %add3A_27 = vector.broadcast %sub3A_26 : vector<1x128xf32> to vector<1000x128xf32>
    %add3A_28 = arith.addf %mul3A_21, %add3A_27 : vector<1000x128xf32>
    %swap3A = arith.constant 0 : index
    %swap3A_29 = arith.constant 0 : index
    %swap3A_30 = vector.load %arg6[%swap3A, %swap3A_29] : memref<1000x128xf32, #tpu.memory_space<vmem>>, vector<1000x128xf32>
    tpu.vector_store %arg6[%swap3A, %swap3A_29], %add3A_28 {strides = array<i32>} : memref<1000x128xf32, #tpu.memory_space<vmem>>, vector<1000x128xf32>,
    %eq3A = arith.constant 0 : i32
    %eq3A_31 = arith.cmpi eq, %arg0, %eq3A : i32
    %convert_element_type3A = arith.extui %eq3A_31 : i1 to i32
    %cond3A = arith.constant 0 : i32
    %cond3A_32 = arith.cmpi ne, %convert_element_type3A, %cond3A : i32
    scf.if %cond3A_32 {
      %broadcast_in_dim3A = arith.constant 0.000000e+00 : f32
      %broadcast_in_dim3A_56 = vector.broadcast %broadcast_in_dim3A : f32 to vector<64x128xf32>
      %swap3A_57 = arith.constant 0 : index
      %swap3A_58 = arith.constant 0 : index
      %swap3A_59 = vector.load %arg8[%swap3A_57, %swap3A_58] : memref<64x128xf32, #tpu.memory_space<vmem>>, vector<64x128xf32>
      tpu.vector_store %arg8[%swap3A_57, %swap3A_58], %broadcast_in_dim3A_56 {strides = array<i32>} : memref<64x128xf32, #tpu.memory_space<vmem>>, vector<64x128xf32>,
    } else {
    }
    %get3A_33 = arith.constant 0 : index
    %get3A_34 = arith.constant 0 : index
    %get3A_35 = vector.load %arg8[%get3A_33, %get3A_34] : memref<64x128xf32, #tpu.memory_space<vmem>>, vector<64x128xf32>
    %get3A_36 = arith.constant 0 : index
    %get3A_37 = arith.constant 0 : index
    %get3A_38 = arith.constant 0 : index
    %get3A_39 = vector.load %arg5[%get3A_36, %get3A_37, %get3A_38] : memref<1x1x1000xi32, #tpu.memory_space<vmem>>, vector<1x1x1000xi32>
    %get3A_40 = vector.shape_cast %get3A_39 : vector<1x1x1000xi32> to vector<1x1000xi32>
    %iota3A = tpu.iota {dimensions = array<i32: 0>} : vector<64x1xi32>
    %eq3A_41 = vector.broadcast %get3A_40 : vector<1x1000xi32> to vector<64x1000xi32>
    %eq3A_42 = vector.broadcast %iota3A : vector<64x1xi32> to vector<64x1000xi32>
    %eq3A_43 = arith.cmpi eq, %eq3A_41, %eq3A_42 : vector<64x1000xi32>
    %convert_element_type3A_44 = arith.extui %eq3A_43 : vector<64x1000xi1> to vector<64x1000xi32>
    %convert_element_type3A_45 = arith.sitofp %convert_element_type3A_44 : vector<64x1000xi32> to vector<64x1000xf32>
    %dot_general3A = arith.constant dense<0.000000e+00> : vector<64x128xf32>
    %dot_general3A_46 = tpu.matmul %convert_element_type3A_45, %add3A_28, %dot_general3A {dimension_numbers = #tpu.dot_dimension_numbers<[1], [0], [0], [1], [0, 0, 1, 1], [], []>, transpose_lhs_hint = false} : vector<64x1000xf32>, vector<1000x128xf32>, vector<64x128xf32> -> vector<64x128xf32>
    %add3A_47 = arith.addf %get3A_35, %dot_general3A_46 : vector<64x128xf32>
    %swap3A_48 = arith.constant 0 : index
    %swap3A_49 = arith.constant 0 : index
    %swap3A_50 = vector.load %arg8[%swap3A_48, %swap3A_49] : memref<64x128xf32, #tpu.memory_space<vmem>>, vector<64x128xf32>
    tpu.vector_store %arg8[%swap3A_48, %swap3A_49], %add3A_47 {strides = array<i32>} : memref<64x128xf32, #tpu.memory_space<vmem>>, vector<64x128xf32>,
    %eq3A_51 = arith.constant 9 : i32
    %eq3A_52 = arith.cmpi eq, %arg0, %eq3A_51 : i32
    %convert_element_type3A_53 = arith.extui %eq3A_52 : i1 to i32
    %cond3A_54 = arith.constant 0 : i32
    %cond3A_55 = arith.cmpi ne, %convert_element_type3A_53, %cond3A_54 : i32
    scf.if %cond3A_55 {
      %get3A_56 = arith.constant 0 : index
      %get3A_57 = arith.constant 0 : index
      %get3A_58 = vector.load %arg8[%get3A_56, %get3A_57] : memref<64x128xf32, #tpu.memory_space<vmem>>, vector<64x128xf32>
      %swap3A_59 = arith.constant 0 : index
      %swap3A_60 = arith.constant 0 : index
      %swap3A_61 = vector.load %arg7[%swap3A_59, %swap3A_60] : memref<64x128xf32, #tpu.memory_space<vmem>>, vector<64x128xf32>
      tpu.vector_store %arg7[%swap3A_59, %swap3A_60], %get3A_58 {strides = array<i32>} : memref<64x128xf32, #tpu.memory_space<vmem>>, vector<64x128xf32>,
    } else {
    }
    return
  }
  func.func @transform_0(%arg0: i32) -> (i32, i32) {
    %c0_i32 = arith.constant 0 : i32
    %c0_i32_0 = arith.constant 0 : i32
    return %arg0, %c0_i32 : i32, i32
  }
  func.func @transform_1(%arg0: i32) -> (i32, i32) {
    %c0_i32 = arith.constant 0 : i32
    %c0_i32_0 = arith.constant 0 : i32
    %c0_i32_1 = arith.constant 0 : i32
    return %c0_i32, %c0_i32_0 : i32, i32
  }
  func.func @transform_2(%arg0: i32) -> (i32, i32) {
    %c0_i32 = arith.constant 0 : i32
    %c0_i32_0 = arith.constant 0 : i32
    %c0_i32_1 = arith.constant 0 : i32
    return %c0_i32, %c0_i32_0 : i32, i32
  }
  func.func @transform_3(%arg0: i32) -> (i32, i32) {
    %c0_i32 = arith.constant 0 : i32
    %c0_i32_0 = arith.constant 0 : i32
    %c0_i32_1 = arith.constant 0 : i32
    return %c0_i32, %c0_i32_0 : i32, i32
  }
  func.func @transform_4(%arg0: i32) -> (i32, i32, i32) {
    %c0_i32 = arith.constant 0 : i32
    %c0_i32_0 = arith.constant 0 : i32
    %c0_i32_1 = arith.constant 0 : i32
    return %arg0, %c0_i32, %c0_i32_0 : i32, i32, i32
  }
  func.func @transform_5(%arg0: i32) -> (i32, i32) {
    %c0_i32 = arith.constant 0 : i32
    %c0_i32_0 = arith.constant 0 : i32
    return %arg0, %c0_i32 : i32, i32
  }
  func.func @transform_6(%arg0: i32) -> (i32, i32) {
    %c0_i32 = arith.constant 0 : i32
    %c0_i32_0 = arith.constant 0 : i32
    %c0_i32_1 = arith.constant 0 : i32
    return %c0_i32, %c0_i32_0 : i32, i32
  }
}

</mosaic_0001>

<sc_bundles>
// kernel: kernel.13.cloned.1.call-start
scs
__scs_entry_jumppad:
0x0: {  	(pc) =	sbr.rel $0x88, $3  }
0x1: {  	(tag) =	ssettag $0x0;
	lr =	simm.s32 $0x1  }
0x2: {  	[smem:$0x3F8F] =	sst lr;
	_ =	strace $0xD0000000  }
0x3: {  	_ = 	snop  }
0x4: {  	_ = 	snop  }
0x5: {  	_ = 	snop  }
0x6: {  	_ = 	snop  }
0x7: {  	_ = 	snop  }
__scs_overlays_trampoline_lowered:
0x8: {  	[smem:$0x3F9E] =	sst s0  }
0x9: {  	[smem:$0x3F9F] =	sst s1  }
0xa: {  	[smem:$0x3FA0] =	sst s2  }
0xb: {  	[smem:$0x3FA1] =	sst s3  }
0xc: {  	[smem:$0x3FA2] =	sst s4  }
0xd: {  	[smem:$0x3FA3] =	sst s5  }
0xe: {  	[smem:$0x3FA4] =	sst s6  }
0xf: {  	[smem:$0x3FA5] =	sst s7  }
0x10: {  	[smem:$0x3FA6] =	sst s8  }
0x11: {  	[smem:$0x3FA7] =	sst s9;
	s0 =	simm.s32 @!p0 $0x0  }
0x12: {  	s1 =	sld [smem:$0x3F8D];
	s0 =	simm.s32 @p0 $0x1  }
0x13: {  	[smem:$0x3FA8] =	sst s0;
	s0 =	simm.s32 @!p1 $0x0  }
0x14: {  	s2 =	sld [smem:$0x3F8C];
	s0 =	simm.s32 @p1 $0x1  }
0x15: {  	[smem:$0x3FA9] =	sst s0;
	s0 =	simm.s32 @!p2 $0x0  }
0x16: {  	s3 =	sld [smem:$0x3FDB];
	s0 =	simm.s32 @p2 $0x1  }
0x17: {  	s4 =	simm.s32 $0x1BF5;
	[smem:$0x3FAB] =	sst s0  }
0x18: {  	s0 =	sld [smem:$0x3F8E];
	_ =	swait.ge [sflag:s4], $0x0  }
0x19: {  	s7 =	sld [smem:$0x3F8F]  }
0x1a: {  	s8 =	sadd.s32 $0xFFFFE003, lr  }
0x1b: {  	s9 =	sadd.s32 $0xFFFFFEF7, lr;
	s5 =	simm.s32 $0xFFFFFFFF;
	p2 =	slt.u32 s8, $0xFFFFF086  }
0x1c: {  	p1 =	slt.u32 s9, $0xF7A;
	s5 =	simm.s32 @!p2 $0x0  }
0x1d: {  	s5 =	simm.s32 @p1 $0x1;
	p0 =	seq.s32 s7, s2  }
0x1e: {  	s7 =	smul.u32 @!p0 $0xF7A, s2;
	p2 =	seq.s32 @!p0 s5, $0x0  }
0x1f: {  	s9 =	smul.u32 $0xF7A, s1;
	s8 =	simm.s32 @!p0 $0x1BF5;
	p2 =	por !p2, p0  }
0x20: {  	[sflag:s8] =	ssyncset.s32 @!p0 $0xFFFFF086;
	s6 =	sadd.s32 @!p0 s3, s7;
	s7 =	simm.s32 @!p0 $0x108  }
0x21: {  	s3 =	sadd.s32 s3, s9;
	s6 =	sadd.s32 @!p0 $0x88, s6;
	s7 =	simm.s32 @p2 $0x1082  }
0x22: {  	[simem:s7], [sflag:s8] =	dma.local @!p0 [hbm:s6], $0xF7A  }
0x23: {  	s9 =	sor.u32 $0xD0000000, s2;
	s6 =	simm.s32 $0x108;
	_ =	swait.ge @!p0 [sflag:s8], $0x0  }
0x24: {  	s3 =	sadd.s32 $0x88, s3;
	s6 =	simm.s32 @!p1 $0x1082;
	[sflag:s4] =	ssyncset.s32 $0xFFFFF086  }
0x25: {  	[simem:s6], [sflag:s4] =	dma.local [hbm:s3], $0xF7A  }
0x26: {  	[smem:$0x3F8F] =	sst s1;
	(tag) =	ssettag s2;
	_ =	strace s9  }
0x27: {  	s1 =	sld [smem:$0x3F9F]  }
0x28: {  	s2 =	sld [smem:$0x3FA0]  }
0x29: {  	s4 =	sld [smem:$0x3FA2]  }
0x2a: {  	p0 =	seq.s32 s5, $0x0;
	s5 =	sld [smem:$0x3FA3]  }
0x2b: {  	s6 =	sld [smem:$0x3FA4]  }
0x2c: {  	s7 =	sld [smem:$0x3FA5]  }
0x2d: {  	s3 =	simm.s32 $0x108;
	s8 =	sld [smem:$0x3FA6]  }
0x2e: {  	s3 =	simm.s32 @!p0 $0x1082;
	s9 =	sld [smem:$0x3FA7]  }
0x2f: {  	lr =	sadd.s32 s0, s3;
	s0 =	sld [smem:$0x3F9E]  }
0x30: {  	s3 =	sld [smem:$0x3FA1]  }
0x31: {  	[smem:$0x3FAA] =	sst s10  }
0x32: {  	s10 =	sld [smem:$0x3FA8];
	_ =	sdelay $0x3  }
0x33: {  	p0 =	seq.s32 s10, $0x1;
	s10 =	sld [smem:$0x3FAA];
	_ =	sdelay $0x3  }
0x34: {  	[smem:$0x3FAA] =	sst s10  }
0x35: {  	s10 =	sld [smem:$0x3FA9];
	_ =	sdelay $0x3  }
0x36: {  	p1 =	seq.s32 s10, $0x1;
	s10 =	sld [smem:$0x3FAA];
	_ =	sdelay $0x3  }
0x37: {  	[smem:$0x3FAA] =	sst s10  }
0x38: {  	s10 =	sld [smem:$0x3FAB]  }
0x39: {  	_ = 	snop;
	(pc) =	sbr.ind lr, $3  }
0x3a: {  	_ = 	snop  }
0x3b: {  	_ = 	snop  }
0x3c: {  	p2 =	seq.s32 s10, $0x1;
	s10 =	sld [smem:$0x3FAA]  }
0x3d: {  	_ =	shalt  }
0x3e: {  	_ =	shalt  }
0x3f: {  	_ =	shalt  }
0x40: {  	_ =	shalt  }
0x41: {  	_ =	shalt  }
0x42: {  	_ =	shalt  }
0x43: {  	_ =	shalt  }
0x44: {  	_ =	shalt  }
0x45: {  	_ =	shalt  }
0x46: {  	_ =	shalt  }
0x47: {  	_ =	shalt  }
0x48: {  	_ =	shalt  }
0x49: {  	_ =	shalt  }
0x4a: {  	_ =	shalt  }
0x4b: {  	_ =	shalt  }
0x4c: {  	_ =	shalt  }
0x4d: {  	_ =	shalt  }
0x4e: {  	_ =	shalt  }
0x4f: {  	_ =	shalt  }
0x50: {  	_ =	shalt  }
0x51: {  	_ =	shalt  }
0x52: {  	_ =	shalt  }
0x53: {  	_ =	shalt  }
0x54: {  	_ =	shalt  }
0x55: {  	_ =	shalt  }
0x56: {  	_ =	shalt  }
0x57: {  	_ =	shalt  }
0x58: {  	_ =	shalt  }
0x59: {  	_ =	shalt  }
0x5a: {  	_ =	shalt  }
0x5b: {  	_ =	shalt  }
0x5c: {  	_ =	shalt  }
0x5d: {  	_ =	shalt  }
0x5e: {  	_ =	shalt  }
0x5f: {  	_ =	shalt  }
0x60: {  	_ =	shalt  }
0x61: {  	_ =	shalt  }
0x62: {  	_ =	shalt  }
0x63: {  	_ =	shalt  }
0x64: {  	_ =	shalt  }
0x65: {  	_ =	shalt  }
0x66: {  	_ =	shalt  }
0x67: {  	_ =	shalt  }
0x68: {  	_ =	shalt  }
0x69: {  	_ =	shalt  }
0x6a: {  	_ =	shalt  }
0x6b: {  	_ =	shalt  }
0x6c: {  	_ =	shalt  }
0x6d: {  	_ =	shalt  }
0x6e: {  	_ =	shalt  }
0x6f: {  	_ =	shalt  }
0x70: {  	_ =	shalt  }
0x71: {  	_ =	shalt  }
0x72: {  	_ =	shalt  }
0x73: {  	_ =	shalt  }
0x74: {  	_ =	shalt  }
0x75: {  	_ =	shalt  }
0x76: {  	_ =	shalt  }
0x77: {  	_ =	shalt  }
0x78: {  	_ =	shalt  }
0x79: {  	_ =	shalt  }
0x7a: {  	_ =	shalt  }
0x7b: {  	_ =	shalt  }
0x7c: {  	_ =	shalt  }
0x7d: {  	_ =	shalt  }
0x7e: {  	_ =	shalt  }
0x7f: {  	_ =	shalt  }
0x80: {  	_ =	shalt  }
0x81: {  	_ =	shalt  }
0x82: {  	_ =	shalt  }
0x83: {  	_ =	shalt  }
0x84: {  	_ =	shalt  }
0x85: {  	_ =	shalt  }
0x86: {  	_ =	shalt  }
0x87: {  	_ =	shalt  }
.Lfunc_end0:
.L_simem_size_0:
called_computation_lowered:
.L_overlay_start_0:
0x88: {  	s2 =	sld [smem:$0x3FD9]  }
0x89: {  	s3 =	sld [smem:$0x3FFE];
	_ =	sdelay $0x1  }
0x8a: {  	s1 =	srdreg.scid  }
0x8b: {  	s0 =	sand.u32 $0x1, s1  }
0x8c: {  	s16 =	sshll.u32 s0, $0xA;
	s2 =	sadd.s32 s3, s2  }
0x8d: {  	s2 =	sadd.s32 s2, s16  }
0x8e: {  	[smem:$0x3FB6] =	sst s2  }
0x8f: {  	_ = 	snop  }
0x90: {  	(tm) =	ssettm $0x1  }
0x91: {  	s17 =	sld [smem:$0x3FFB];
	_ =	sdelay $0x3  }
0x92: {  	_ =	strace s17  }
0x93: {  	s2 =	sld [smem:$0x3FFC];
	_ =	sdelay $0x3  }
0x94: {  	_ =	strace s2  }
0x95: {  	s2 =	sld [smem:$0x3FFD];
	_ =	sdelay $0x3  }
0x96: {  	_ =	strace s2  }
0x97: {  	_ =	strace $0x8FFFFFFF  }
0x98: {  	s18 =	sld [smem:$0x3FDB];
	_ =	sdelay $0x1  }
0x99: {  	s19 =	simm.s32 $_scs_section_size  }
0x9a: {  	s4 =	simm.s32 $_size__tile_overlayer_lowered;
	s5 =	simm.s32 $_tile_overlayer_lowered  }
0x9b: {  	s22 =	simm.s32 $0x1BFF;
	s21 =	sshll.u32 s5, $0x1;
	s2 =	sadd.s32 s19, s18  }
0x9c: {  	s6 =	simm.s32 $0x0;
	s20 =	sshll.u32 s4, $0x1;
	s4 =	sadd.s32 s21, s2  }
0x9d: {  	[timem:s6], [sflag:s22] =	dma.local [hbm:s4], s20  }
0x9e: {  	_ =	swait.ge [sflag:s22], s20  }
0x9f: {  	s3 =	ssub.s32 $0x0, s20;
	[sflag:s22] =	ssyncset.done $0x0  }
0xa0: {  	[sflag:s22] =	ssyncadd.s32 s3;
	_ =	sdelay $0x1  }
0xa1: {  	s23 =	simm.s32 $0x1B8B  }
0xa2: {  	_ =	swait.ge [sflag:s23], $0x1  }
0xa3: {  	[sflag:s23] =	ssyncset.done $0x0  }
0xa4: {  	s25 =	simm.s32 $0x1B8E;
	s24 =	sld [smem:$0x3FFE];
	[sflag:s23] =	ssyncadd.s32 $0xFFFFFFFF  }
0xa5: {  	s26 =	simm.s32 $execute0_lowered;
	[smem:$0x3FD2] =	sst s25  }
0xa6: {  	s4 =	sshll.u32 s26, $0x1;
	_ =	strace $0x80000046;
	[dreg:$0x1] =	wrdreg $0xFFFFFFFF  }
0xa7: {  	s28 =	simm.s32 $_size_execute0_lowered;
	s2 =	sadd.s32 s2, s4;
	[dreg:$0x0] =	wrdreg $0x0  }
0xa8: {  	s4 =	sshll.u32 s28, $0x1;
	[dreg:$0x2] =	wrdreg s2  }
0xa9: {  	[dreg:$0x3] =	wrdreg s4  }
0xaa: {  	[dreg:$0x4] =	wrdreg $0xC0  }
0xab: {  	_ =	task [dreg:s6], $0x5FFFF  }
0xac: {  	[dreg:$0x1] =	wrdreg $0xFFFFFFFF  }
0xad: {  	[dreg:$0x0] =	wrdreg $0x60  }
0xae: {  	[dreg:$0x2] =	wrdreg s24  }
0xaf: {  	[dreg:$0x3] =	wrdreg $0x9  }
0xb0: {  	_ =	task.clear_ibuf [dreg:s6], $0x4FFFF;
	_ =	strace $0x90000046  }
0xb1: {  	s29 =	simm.s32 $0x9;
	_ =	strace $0x80000048  }
0xb2: {  	_ =	swait.ge [sflag:s29], $0x1  }
0xb3: {  	[sflag:s29] =	ssyncadd.s32 $0xFFFFFFFF  }
0xb4: {  	_ =	strace $0x90000048  }
0xb5: {  	_ =	sfence  }
0xb6: {  	s30 =	sld [smem:$0x0];
	_ =	sdelay $0x2  }
0xb7: {  	s31 =	sshll.u32 s1, $0xD;
	s1 =	sshrl.u32 s1, $0x2  }
0xb8: {  	s3 =	sand.u32 $0x4000, s31;
	s1 =	sadd.s32 s1, s30  }
0xb9: {  	s0 =	sor.u32 s3, s0;
	s1 =	sshll.u32 s1, $0x11  }
0xba: {  	s0 =	sor.u32 s1, s0  }
0xbb: {  	s0 =	sadd.s32 $0x8F2B, s0  }
0xbc: {  	[sflag:s0] =	ssyncadd.remote.s32 $0x1  }
0xbd: {  	_ =	sfence.sel $0xFFFF  }
0xbe: {  	[dreg:$0x0] =	wrdreg $0xFFFFFFFF;
	(pc) =	sbr.abs _section_cstart, $3  }
0xbf: {  	[dreg:$0x1] =	wrdreg $0xFFFFFFFF  }
0xc0: {  	_ =	task.clear_ibuf [dreg:s6], $0x2FFFF;
	_ =	strace $0x9FFFFFFF  }
0xc1: {  	(tm) =	ssettm $0x7FFFFFFF  }
tec
execute0_lowered:
.L_overlay_start_1:
0x0: {  	(tag) =	ssettag $0x1  }
0x1: {  	s0 =	srdreg.scid  }
0x2: {  	s3 =	sand.u32 $0x1, s0  }
0x3: {  	s4 =	rddreg [dreg:$0x0];
	s0 =	stileid.u32;
	s1 =	sshll.u32 s3, $0x4  }
0x4: {  	s2 =	simm.s32 $0x0;
	s8 =	simm.s32 $0x0;
	s5 =	sor.u32 s0, s1  }
0x5: {  	[smem:$0x7FF] =	sst s2;
	s3 =	ssub.s32 $0x2, s3;
	s6 =	smul.u32 $0x4E2, s5  }
0x6: {  	s1 =	rddreg [dreg:$0x1];
	s7 =	sshrl.u32 s3, $0x1;
	s5 =	smul.u32 $0x500, s5  }
0x7: {  	_ =	strace $0x80000047;
	s31 =	ssub.s32 s3, s7;
	s7 =	simm.s32 $0x2710  }
0x8: {  	s6 =	sadd.s32 s6, s4;
	s4 =	sadd.s32 s5, s4;
	s5 =	smax.u32 s31, $0x1  }
0x9: {  	v0 =	vimm.f32 $0.0e+00;
	v1 =	vimm.f32 $1.000000000e+00;
	s3 =	sadd.s32 $0x7400, s6;
	s4 =	sadd.s32 $0x11200, s4;
	s6 =	simm.s32 $0x1  }
.LBB2_1:
0xa: {  	s9 =	simm.s32 $0x40;
	s10 =	simm.s32 $0x0  }
.LBB2_2:
0xb: {  	p0 =	sne.s32 s9, $0x9FC0;
	[tilespmem:s10+$0x2710] =	vst v0;
	s10 =	smov.u32 s9;
	s9 =	sadd.s32 $0x40, s9  }
.Ltmp0:
0xc: {  	(pc) =	sbr.rel @p0 .LBB2_2-.Ltmp0, $2  }
0xd: {  	_ =	sdelay $0x2  }
0xe: {  	s10 =	sshra.s32 s10, $0x2  }
0xf: {  	[tilespmem:s10+$0x2710] =	vst v0;
	s9 =	simm.s32 $0x0  }
0x10: {  	[tilespmem:s9], [sflag:$0x1] =	stream.linear.gather [hbm4b:s3+s9], $0x2710, $0x38;
	[tilespmem:$0x4F10] =	vst v63  }
0x11: {  	_ =	swait.ge [sflag:s6], $0x2710  }
0x12: {  	[sflag:s6] =	ssyncset.done $0x0  }
0x13: {  	s10 =	simm.s32 $0x0;
	s9 =	simm.s32 $0x40;
	[sflag:s6] =	ssyncadd.s32 $0xFFFFD8F0  }
.LBB2_4:
0x14: {  	p0 =	sne.s32 s9, $0x9C00;
	v2 =	vld [tilespmem:s10+$0x0];
	_ =	sdelay $0x3  }
.Ltmp1:
0x15: {  	(pc) =	sbr.rel @p0 .LBB2_4-.Ltmp1, $2  }
0x16: {  	_ =	sdelay $0x2  }
0x17: {  	s10 =	sshra.s32 s9, $0x2;
	s9 =	sadd.s32 $0x40, s9;
	[tilespmem:v2+s7+$0x0] =	vst.idx.add.f32.msk $0xffff, v1  }
0x18: {  	v2 =	vld [tilespmem:s10+$0x0];
	_ =	sdelay $0x5  }
0x19: {  	s8 =	sadd.s32 $0x1, s8  }
0x1a: {  	p0 =	sne.s32 s8, s5  }
.Ltmp2:
0x1b: {  	[tilespmem:v2+s7+$0x0] =	vst.idx.add.f32.msk $0xffff, v1;
	(pc) =	sbr.rel @p0 .LBB2_1-.Ltmp2, $4  }
0x1c: {  	[hbm4b:s4+s2] =	stream.linear.scatter [tilespmem:s7], [sflag:$0x1], $0x2800, $0x38;
	[tilespmem:$0x4F10] =	vst v63  }
0x1d: {  	_ =	swait.ge [sflag:s6], $0x2800  }
0x1e: {  	[sflag:s6] =	ssyncset.done $0x0  }
0x1f: {  	[sflag:s6] =	ssyncadd.s32 $0xFFFFD800  }
0x20: {  	_ =	sfence.sel $0x180000  }
0x21: {  	[bflag:$0x0] =	sbarrier.arrive $0xFFFF  }
0x22: {  	p0 =	sne.s32 s0, $0x0;
	_ =	strace $0x90000047  }
0x23: {  	s0 =	sadd.s32 @!p0 $0x100000, s1;
	[bflag:$0x2] =	sbarrier.arrive $0xFFFF  }
0x24: {  	[sflag:s0] =	ssyncadd.tile.s32 @!p0 $0x1;
	_ =	shalt  }
.Lfunc_end2:
_tile_overlayer_lowered:
.L_overlay_start_2:
0x25: {  	(tag) =	ssettag $0x2  }
0x26: {  	s0 =	rddreg [dreg:$0x0];
	s2 =	stileid.u32  }
0x27: {  	s1 =	rddreg [dreg:$0x1];
	p0 =	sne.s32 s2, $0x0  }
0x28: {  	s3 =	rddreg [dreg:$0x2];
	[bflag:$0x3] =	sbarrier.arrive $0xFFFF;
	s2 =	simm.s32 @!p0 $0x1C01  }
0x29: {  	[timem:s3], [sflag:s2] =	dma.local @!p0 [hbm:s0], s1  }
0x2a: {  	s0 =	simm.s32 @!p0 $0x1  }
0x2b: {  	_ =	swait.ge @!p0 [sflag:s0], s1  }
0x2c: {  	s1 =	ssub.s32 @!p0 $0x0, s1;
	[sflag:s0] =	ssyncset.done @!p0 $0x0  }
0x2d: {  	[sflag:s0] =	ssyncadd.s32 @!p0 s1  }
0x2e: {  	[bflag:$0x3] =	sbarrier.arrive $0xFFFF  }
0x2f: {  	_ =	shalt  }

// kernel: kernel.16.cloned.1.call-start
scs
__scs_entry_jumppad:
0x0: {  	(pc) =	sbr.rel $0x88, $3  }
0x1: {  	(tag) =	ssettag $0x0;
	lr =	simm.s32 $0x1  }
0x2: {  	[smem:$0x3F8F] =	sst lr;
	_ =	strace $0xD0000000  }
0x3: {  	_ = 	snop  }
0x4: {  	_ = 	snop  }
0x5: {  	_ = 	snop  }
0x6: {  	_ = 	snop  }
0x7: {  	_ = 	snop  }
__scs_overlays_trampoline_lowered:
0x8: {  	[smem:$0x3F9E] =	sst s0  }
0x9: {  	[smem:$0x3F9F] =	sst s1  }
0xa: {  	[smem:$0x3FA0] =	sst s2  }
0xb: {  	[smem:$0x3FA1] =	sst s3  }
0xc: {  	[smem:$0x3FA2] =	sst s4  }
0xd: {  	[smem:$0x3FA3] =	sst s5  }
0xe: {  	[smem:$0x3FA4] =	sst s6  }
0xf: {  	[smem:$0x3FA5] =	sst s7  }
0x10: {  	[smem:$0x3FA6] =	sst s8  }
0x11: {  	[smem:$0x3FA7] =	sst s9;
	s0 =	simm.s32 @!p0 $0x0  }
0x12: {  	s1 =	sld [smem:$0x3F8D];
	s0 =	simm.s32 @p0 $0x1  }
0x13: {  	[smem:$0x3FA8] =	sst s0;
	s0 =	simm.s32 @!p1 $0x0  }
0x14: {  	s2 =	sld [smem:$0x3F8C];
	s0 =	simm.s32 @p1 $0x1  }
0x15: {  	[smem:$0x3FA9] =	sst s0;
	s0 =	simm.s32 @!p2 $0x0  }
0x16: {  	s3 =	sld [smem:$0x3FDB];
	s0 =	simm.s32 @p2 $0x1  }
0x17: {  	s4 =	simm.s32 $0x1BF5;
	[smem:$0x3FAB] =	sst s0  }
0x18: {  	s0 =	sld [smem:$0x3F8E];
	_ =	swait.ge [sflag:s4], $0x0  }
0x19: {  	s7 =	sld [smem:$0x3F8F]  }
0x1a: {  	s8 =	sadd.s32 $0xFFFFE003, lr  }
0x1b: {  	s9 =	sadd.s32 $0xFFFFFEF7, lr;
	s5 =	simm.s32 $0xFFFFFFFF;
	p2 =	slt.u32 s8, $0xFFFFF086  }
0x1c: {  	p1 =	slt.u32 s9, $0xF7A;
	s5 =	simm.s32 @!p2 $0x0  }
0x1d: {  	s5 =	simm.s32 @p1 $0x1;
	p0 =	seq.s32 s7, s2  }
0x1e: {  	s7 =	smul.u32 @!p0 $0xF7A, s2;
	p2 =	seq.s32 @!p0 s5, $0x0  }
0x1f: {  	s9 =	smul.u32 $0xF7A, s1;
	s8 =	simm.s32 @!p0 $0x1BF5;
	p2 =	por !p2, p0  }
0x20: {  	[sflag:s8] =	ssyncset.s32 @!p0 $0xFFFFF086;
	s6 =	sadd.s32 @!p0 s3, s7;
	s7 =	simm.s32 @!p0 $0x108  }
0x21: {  	s3 =	sadd.s32 s3, s9;
	s6 =	sadd.s32 @!p0 $0x88, s6;
	s7 =	simm.s32 @p2 $0x1082  }
0x22: {  	[simem:s7], [sflag:s8] =	dma.local @!p0 [hbm:s6], $0xF7A  }
0x23: {  	s9 =	sor.u32 $0xD0000000, s2;
	s6 =	simm.s32 $0x108;
	_ =	swait.ge @!p0 [sflag:s8], $0x0  }
0x24: {  	s3 =	sadd.s32 $0x88, s3;
	s6 =	simm.s32 @!p1 $0x1082;
	[sflag:s4] =	ssyncset.s32 $0xFFFFF086  }
0x25: {  	[simem:s6], [sflag:s4] =	dma.local [hbm:s3], $0xF7A  }
0x26: {  	[smem:$0x3F8F] =	sst s1;
	(tag) =	ssettag s2;
	_ =	strace s9  }
0x27: {  	s1 =	sld [smem:$0x3F9F]  }
0x28: {  	s2 =	sld [smem:$0x3FA0]  }
0x29: {  	s4 =	sld [smem:$0x3FA2]  }
0x2a: {  	p0 =	seq.s32 s5, $0x0;
	s5 =	sld [smem:$0x3FA3]  }
0x2b: {  	s6 =	sld [smem:$0x3FA4]  }
0x2c: {  	s7 =	sld [smem:$0x3FA5]  }
0x2d: {  	s3 =	simm.s32 $0x108;
	s8 =	sld [smem:$0x3FA6]  }
0x2e: {  	s3 =	simm.s32 @!p0 $0x1082;
	s9 =	sld [smem:$0x3FA7]  }
0x2f: {  	lr =	sadd.s32 s0, s3;
	s0 =	sld [smem:$0x3F9E]  }
0x30: {  	s3 =	sld [smem:$0x3FA1]  }
0x31: {  	[smem:$0x3FAA] =	sst s10  }
0x32: {  	s10 =	sld [smem:$0x3FA8];
	_ =	sdelay $0x3  }
0x33: {  	p0 =	seq.s32 s10, $0x1;
	s10 =	sld [smem:$0x3FAA];
	_ =	sdelay $0x3  }
0x34: {  	[smem:$0x3FAA] =	sst s10  }
0x35: {  	s10 =	sld [smem:$0x3FA9];
	_ =	sdelay $0x3  }
0x36: {  	p1 =	seq.s32 s10, $0x1;
	s10 =	sld [smem:$0x3FAA];
	_ =	sdelay $0x3  }
0x37: {  	[smem:$0x3FAA] =	sst s10  }
0x38: {  	s10 =	sld [smem:$0x3FAB]  }
0x39: {  	_ = 	snop;
	(pc) =	sbr.ind lr, $3  }
0x3a: {  	_ = 	snop  }
0x3b: {  	_ = 	snop  }
0x3c: {  	p2 =	seq.s32 s10, $0x1;
	s10 =	sld [smem:$0x3FAA]  }
0x3d: {  	_ =	shalt  }
0x3e: {  	_ =	shalt  }
0x3f: {  	_ =	shalt  }
0x40: {  	_ =	shalt  }
0x41: {  	_ =	shalt  }
0x42: {  	_ =	shalt  }
0x43: {  	_ =	shalt  }
0x44: {  	_ =	shalt  }
0x45: {  	_ =	shalt  }
0x46: {  	_ =	shalt  }
0x47: {  	_ =	shalt  }
0x48: {  	_ =	shalt  }
0x49: {  	_ =	shalt  }
0x4a: {  	_ =	shalt  }
0x4b: {  	_ =	shalt  }
0x4c: {  	_ =	shalt  }
0x4d: {  	_ =	shalt  }
0x4e: {  	_ =	shalt  }
0x4f: {  	_ =	shalt  }
0x50: {  	_ =	shalt  }
0x51: {  	_ =	shalt  }
0x52: {  	_ =	shalt  }
0x53: {  	_ =	shalt  }
0x54: {  	_ =	shalt  }
0x55: {  	_ =	shalt  }
0x56: {  	_ =	shalt  }
0x57: {  	_ =	shalt  }
0x58: {  	_ =	shalt  }
0x59: {  	_ =	shalt  }
0x5a: {  	_ =	shalt  }
0x5b: {  	_ =	shalt  }
0x5c: {  	_ =	shalt  }
0x5d: {  	_ =	shalt  }
0x5e: {  	_ =	shalt  }
0x5f: {  	_ =	shalt  }
0x60: {  	_ =	shalt  }
0x61: {  	_ =	shalt  }
0x62: {  	_ =	shalt  }
0x63: {  	_ =	shalt  }
0x64: {  	_ =	shalt  }
0x65: {  	_ =	shalt  }
0x66: {  	_ =	shalt  }
0x67: {  	_ =	shalt  }
0x68: {  	_ =	shalt  }
0x69: {  	_ =	shalt  }
0x6a: {  	_ =	shalt  }
0x6b: {  	_ =	shalt  }
0x6c: {  	_ =	shalt  }
0x6d: {  	_ =	shalt  }
0x6e: {  	_ =	shalt  }
0x6f: {  	_ =	shalt  }
0x70: {  	_ =	shalt  }
0x71: {  	_ =	shalt  }
0x72: {  	_ =	shalt  }
0x73: {  	_ =	shalt  }
0x74: {  	_ =	shalt  }
0x75: {  	_ =	shalt  }
0x76: {  	_ =	shalt  }
0x77: {  	_ =	shalt  }
0x78: {  	_ =	shalt  }
0x79: {  	_ =	shalt  }
0x7a: {  	_ =	shalt  }
0x7b: {  	_ =	shalt  }
0x7c: {  	_ =	shalt  }
0x7d: {  	_ =	shalt  }
0x7e: {  	_ =	shalt  }
0x7f: {  	_ =	shalt  }
0x80: {  	_ =	shalt  }
0x81: {  	_ =	shalt  }
0x82: {  	_ =	shalt  }
0x83: {  	_ =	shalt  }
0x84: {  	_ =	shalt  }
0x85: {  	_ =	shalt  }
0x86: {  	_ =	shalt  }
0x87: {  	_ =	shalt  }
.Lfunc_end0:
.L_simem_size_0:
called_computation.1_lowered:
.L_overlay_start_0:
0x88: {  	s2 =	sld [smem:$0x3FD9]  }
0x89: {  	s3 =	sld [smem:$0x3FFE];
	_ =	sdelay $0x1  }
0x8a: {  	s1 =	srdreg.scid  }
0x8b: {  	s0 =	sand.u32 $0x1, s1  }
0x8c: {  	s16 =	sshll.u32 s0, $0xA;
	s2 =	sadd.s32 s3, s2  }
0x8d: {  	s2 =	sadd.s32 s2, s16  }
0x8e: {  	[smem:$0x3FB6] =	sst s2  }
0x8f: {  	_ = 	snop  }
0x90: {  	(tm) =	ssettm $0x1  }
0x91: {  	s17 =	sld [smem:$0x3FFB];
	_ =	sdelay $0x3  }
0x92: {  	_ =	strace s17  }
0x93: {  	s2 =	sld [smem:$0x3FFC];
	_ =	sdelay $0x3  }
0x94: {  	_ =	strace s2  }
0x95: {  	s2 =	sld [smem:$0x3FFD];
	_ =	sdelay $0x3  }
0x96: {  	_ =	strace s2  }
0x97: {  	_ =	strace $0x8FFFFFFF  }
0x98: {  	s18 =	sld [smem:$0x3FDB];
	_ =	sdelay $0x1  }
0x99: {  	s19 =	simm.s32 $_scs_section_size  }
0x9a: {  	s4 =	simm.s32 $_size__tile_overlayer_lowered;
	s5 =	simm.s32 $_tile_overlayer_lowered  }
0x9b: {  	s22 =	simm.s32 $0x1BFF;
	s21 =	sshll.u32 s5, $0x1;
	s2 =	sadd.s32 s19, s18  }
0x9c: {  	s6 =	simm.s32 $0x0;
	s20 =	sshll.u32 s4, $0x1;
	s4 =	sadd.s32 s21, s2  }
0x9d: {  	[timem:s6], [sflag:s22] =	dma.local [hbm:s4], s20  }
0x9e: {  	_ =	swait.ge [sflag:s22], s20  }
0x9f: {  	s3 =	ssub.s32 $0x0, s20;
	[sflag:s22] =	ssyncset.done $0x0  }
0xa0: {  	[sflag:s22] =	ssyncadd.s32 s3;
	_ =	sdelay $0x1  }
0xa1: {  	s23 =	simm.s32 $0x1B8B  }
0xa2: {  	_ =	swait.ge [sflag:s23], $0x1  }
0xa3: {  	[sflag:s23] =	ssyncset.done $0x0  }
0xa4: {  	s25 =	simm.s32 $0x1B8E;
	s24 =	sld [smem:$0x3FFE];
	[sflag:s23] =	ssyncadd.s32 $0xFFFFFFFF  }
0xa5: {  	s26 =	simm.s32 $execute0_lowered;
	[smem:$0x3FD2] =	sst s25  }
0xa6: {  	s4 =	sshll.u32 s26, $0x1;
	_ =	strace $0x80000049;
	[dreg:$0x1] =	wrdreg $0xFFFFFFFF  }
0xa7: {  	s28 =	simm.s32 $_size_execute0_lowered;
	s2 =	sadd.s32 s2, s4;
	[dreg:$0x0] =	wrdreg $0x0  }
0xa8: {  	s4 =	sshll.u32 s28, $0x1;
	[dreg:$0x2] =	wrdreg s2  }
0xa9: {  	[dreg:$0x3] =	wrdreg s4  }
0xaa: {  	[dreg:$0x4] =	wrdreg $0xC0  }
0xab: {  	_ =	task [dreg:s6], $0x5FFFF  }
0xac: {  	[dreg:$0x1] =	wrdreg $0xFFFFFFFF  }
0xad: {  	[dreg:$0x0] =	wrdreg $0x60  }
0xae: {  	[dreg:$0x2] =	wrdreg s24  }
0xaf: {  	[dreg:$0x3] =	wrdreg $0x9  }
0xb0: {  	_ =	task.clear_ibuf [dreg:s6], $0x4FFFF;
	_ =	strace $0x90000049  }
0xb1: {  	s29 =	simm.s32 $0x9;
	_ =	strace $0x8000004B  }
0xb2: {  	_ =	swait.ge [sflag:s29], $0x1  }
0xb3: {  	[sflag:s29] =	ssyncadd.s32 $0xFFFFFFFF  }
0xb4: {  	_ =	strace $0x9000004B  }
0xb5: {  	_ =	sfence  }
0xb6: {  	s30 =	sld [smem:$0x0];
	_ =	sdelay $0x2  }
0xb7: {  	s31 =	sshll.u32 s1, $0xD;
	s1 =	sshrl.u32 s1, $0x2  }
0xb8: {  	s3 =	sand.u32 $0x4000, s31;
	s1 =	sadd.s32 s1, s30  }
0xb9: {  	s0 =	sor.u32 s3, s0;
	s1 =	sshll.u32 s1, $0x11  }
0xba: {  	s0 =	sor.u32 s1, s0  }
0xbb: {  	s0 =	sadd.s32 $0x8F2B, s0  }
0xbc: {  	[sflag:s0] =	ssyncadd.remote.s32 $0x1  }
0xbd: {  	_ =	sfence.sel $0xFFFF  }
0xbe: {  	[dreg:$0x0] =	wrdreg $0xFFFFFFFF;
	(pc) =	sbr.abs _section_cstart, $3  }
0xbf: {  	[dreg:$0x1] =	wrdreg $0xFFFFFFFF  }
0xc0: {  	_ =	task.clear_ibuf [dreg:s6], $0x2FFFF;
	_ =	strace $0x9FFFFFFF  }
0xc1: {  	(tm) =	ssettm $0x7FFFFFFF  }
tec
execute0_lowered:
.L_overlay_start_1:
0x0: {  	(tag) =	ssettag $0x1  }
0x1: {  	v0 =	vlaneseq.u32  }
0x2: {  	v3 =	vmul.u32 $0x8, v0;
	_ =	sdelay $0x1  }
0x3: {  	s1 =	simm.s32 $0x0;
	v0 =	vor.u32 $0x100, v3  }
0x4: {  	[smem:$0x7FF] =	sst s1;
	[tilespmem:$0x1FE70] =	vst v0;
	v0 =	vor.u32 $0x180, v3  }
0x5: {  	s0 =	rddreg [dreg:$0x0];
	v2 =	vor.u32 $0x280, v3;
	_ =	strace $0x8000004A;
	[tilespmem:$0x1FE80] =	vst v0  }
0x6: {  	v4 =	vor.u32 $0x1, v3;
	[tilespmem:$0x1FEF0] =	vst v2  }
0x7: {  	v5 =	vor.u32 $0x2, v3;
	[tilespmem:$0x1FF90] =	vst v4  }
0x8: {  	v6 =	vor.u32 $0x3, v3;
	[tilespmem:$0x1FFA0] =	vst v5  }
0x9: {  	v7 =	vor.u32 $0x4, v3;
	[tilespmem:$0x1FFB0] =	vst v6  }
0xa: {  	v8 =	vor.u32 $0x5, v3;
	v9 =	vor.u32 $0x6, v3;
	[tilespmem:$0x1FFC0] =	vst v7  }
0xb: {  	v10 =	vor.u32 $0x7, v3;
	v19 =	vor.u32 $0x80, v3;
	v20 =	vor.u32 $0x81, v3;
	[tilespmem:$0x1FFD0] =	vst v8  }
0xc: {  	v21 =	vor.u32 $0x82, v3;
	v22 =	vor.u32 $0x83, v3;
	v23 =	vor.u32 $0x84, v3;
	[tilespmem:$0x1FFE0] =	vst v9  }
0xd: {  	v24 =	vor.u32 $0x85, v3;
	v25 =	vor.u32 $0x86, v3;
	v0 =	vor.u32 $0x181, v3;
	[tilespmem:$0x1FFF0] =	vst v10  }
0xe: {  	s2 =	srdreg.scid;
	s8 =	stileid.u32;
	s15 =	simm.s32 $0x3;
	v26 =	vor.u32 $0x87, v3;
	v28 =	vor.u32 $0x101, v3;
	v2 =	vor.u32 $0x306, v3;
	[tilespmem:$0x1FE90] =	vst v0  }
0xf: {  	s16 =	simm.s32 $0x80;
	s17 =	simm.s32 $0x3200;
	s18 =	simm.s32 $0x3600;
	v29 =	vor.u32 $0x102, v3;
	v30 =	vor.u32 $0x103, v3;
	v0 =	vor.u32 $0x182, v3;
	[tilespmem:$0x1FF00] =	vst v2  }
0x10: {  	s19 =	simm.s32 $0x1;
	s20 =	simm.s32 $0x3A00;
	s21 =	simm.s32 $0x6200;
	v31 =	vor.u32 $0x104, v3;
	v32 =	vor.u32 $0x105, v3;
	v2 =	vor.u32 $0x307, v3;
	[tilespmem:$0x1FEA0] =	vst v0  }
0x11: {  	s28 =	simm.s32 $0x15200;
	s2 =	sand.u32 $0x1, s2;
	s6 =	smul.u32 $0x14000, s8;
	v33 =	vor.u32 $0x106, v3;
	v34 =	vor.u32 $0x107, v3;
	v0 =	vor.u32 $0x200, v3;
	[tilespmem:$0x1FF10] =	vst v2  }
0x12: {  	s29 =	simm.s32 $0x2;
	s3 =	sadd.s32 $0x7400, s0;
	s5 =	smul.u32 $0x140000, s2;
	v38 =	vor.u32 $0x183, v3;
	v39 =	vor.u32 $0x184, v3;
	v2 =	vor.u32 $0x380, v3;
	[tilespmem:$0x1FEB0] =	vst v0  }
0x13: {  	s30 =	simm.s32 $0x0;
	s31 =	simm.s32 $0x0;
	s4 =	sadd.s32 $0x153A00, s0;
	v40 =	vor.u32 $0x185, v3;
	v41 =	vor.u32 $0x186, v3;
	v0 =	vor.u32 $0x201, v3;
	[tilespmem:$0x1FF20] =	vst v2  }
0x14: {  	s22 =	ssub.s32 $0x2, s2;
	s2 =	sshll.u32 s2, $0x4;
	v42 =	vor.u32 $0x187, v3;
	v47 =	vor.u32 $0x204, v3;
	s5 =	sadd.s32 s6, s5;
	v2 =	vor.u32 $0x381, v3;
	[tilespmem:$0x1FEC0] =	vst v0  }
0x15: {  	s7 =	sshrl.u32 s22, $0x1;
	s2 =	sor.u32 s8, s2;
	v48 =	vor.u32 $0x205, v3;
	v49 =	vor.u32 $0x206, v3;
	s5 =	sshrl.u32 s5, $0x3;
	v0 =	vor.u32 $0x202, v3;
	[tilespmem:$0x1FF30] =	vst v2  }
0x16: {  	v50 =	vor.u32 $0x207, v3;
	v51 =	vor.u32 $0x281, v3;
	s6 =	ssub.s32 s22, s7;
	s22 =	simm.s32 $0x8A00;
	s0 =	sadd.s32 s5, s0;
	v2 =	vor.u32 $0x382, v3;
	[tilespmem:$0x1FED0] =	vst v0  }
0x17: {  	v52 =	vor.u32 $0x282, v3;
	v53 =	vor.u32 $0x283, v3;
	s14 =	smax.u32 s6, $0x1;
	s5 =	smul.u32 $0x4E200, s2;
	s23 =	sadd.s32 $0x2E600, s0;
	v0 =	vor.u32 $0x203, v3;
	[tilespmem:$0x1FF40] =	vst v2  }
0x18: {  	v54 =	vor.u32 $0x284, v3;
	v55 =	vor.u32 $0x285, v3;
	s24 =	sadd.s32 $0x2EB00, s0;
	s25 =	sadd.s32 $0x2F000, s0;
	[dreg:$0x2] =	wrdreg s23;
	v2 =	vor.u32 $0x383, v3;
	[tilespmem:$0x1FEE0] =	vst v0  }
0x19: {  	v56 =	vor.u32 $0x286, v3;
	v57 =	vor.u32 $0x287, v3;
	s26 =	sadd.s32 $0x2F500, s0;
	s10 =	sadd.s32 $0x2FA00, s0;
	[dreg:$0x3] =	wrdreg s24;
	[tilespmem:$0x1FF50] =	vst v2;
	v2 =	vor.u32 $0x384, v3  }
0x1a: {  	v58 =	vor.u32 $0x300, v3;
	v59 =	vor.u32 $0x301, v3;
	s11 =	sadd.s32 $0x2FF00, s0;
	s12 =	sadd.s32 $0x30400, s0;
	[dreg:$0x4] =	wrdreg s25;
	[tilespmem:$0x1FF60] =	vst v2;
	v2 =	vor.u32 $0x385, v3  }
0x1b: {  	v60 =	vor.u32 $0x302, v3;
	v61 =	vor.u32 $0x303, v3;
	s13 =	sadd.s32 $0x30900, s0;
	[dreg:$0x5] =	wrdreg s26;
	s23 =	simm.s32 $0xB200;
	[tilespmem:$0x1FF70] =	vst v2;
	v2 =	vor.u32 $0x386, v3  }
0x1c: {  	v1 =	vimm.f32 $0.0e+00;
	v62 =	vor.u32 $0x304, v3;
	v63 =	vor.u32 $0x305, v3;
	v13 =	vmovc v3;
	s24 =	simm.s32 $0xDA00;
	s25 =	simm.s32 $0x10200;
	s26 =	simm.s32 $0x12A00;
	[tilespmem:$0x1FF80] =	vst v2  }
.LBB2_1:
0x1d: {  	s0 =	simm.s32 $0x0;
	s2 =	simm.s32 $0x40  }
.LBB2_2:
0x1e: {  	p0 =	sne.s32 s2, $0x9FC0;
	[tilespmem:s0+$0x15200] =	vst v1  }
0x1f: {  	[tilespmem:s0+$0x3A00] =	vst v1  }
0x20: {  	[tilespmem:s0+$0x6200] =	vst v1  }
.Ltmp0:
0x21: {  	[tilespmem:s0+$0x8A00] =	vst v1;
	(pc) =	sbr.rel @p0 .LBB2_2-.Ltmp0, $4  }
0x22: {  	[tilespmem:s0+$0xB200] =	vst v1  }
0x23: {  	[tilespmem:s0+$0xDA00] =	vst v1  }
0x24: {  	[tilespmem:s0+$0x10200] =	vst v1  }
0x25: {  	[tilespmem:s0+$0x12A00] =	vst v1;
	s0 =	sshra.s32 s2, $0x2;
	s2 =	sadd.s32 $0x40, s2  }
0x26: {  	[tilespmem:s0+$0x15200] =	vst v1  }
0x27: {  	[tilespmem:s0+$0x3A00] =	vst v1  }
0x28: {  	[tilespmem:s0+$0x6200] =	vst v1  }
0x29: {  	[tilespmem:s0+$0x8A00] =	vst v1  }
0x2a: {  	[tilespmem:s0+$0xB200] =	vst v1  }
0x2b: {  	[tilespmem:s0+$0xDA00] =	vst v1  }
0x2c: {  	[tilespmem:s0+$0x10200] =	vst v1  }
0x2d: {  	[tilespmem:s0+$0x12A00] =	vst v1;
	s0 =	simm.s32 $0x0;
	v1 =	vld [tilespmem:$0x1FF20]  }
.LBB2_4:
0x2e: {  	s2 =	smul.u32 $0x3200, s0;
	_ =	sdelay $0x1  }
0x2f: {  	s2 =	sadd.s32 s5, s2  }
0x30: {  	s2 =	sshrl.u32 s2, $0x3  }
0x31: {  	s2 =	sadd.s32 s4, s2  }
0x32: {  	[tilespmem:s31], [sflag:$0x3] =	stream.linear.gather [hbm4b:s2+s31], $0x3200, $0x38;
	[tilespmem:$0x17A00] =	vst v63  }
0x33: {  	_ =	swait.ge [sflag:s15], $0x3200  }
0x34: {  	[sflag:s15] =	ssyncset.done $0x0  }
0x35: {  	s2 =	simm.s32 $0x0;
	[sflag:s15] =	ssyncadd.s32 $0xFFFFCE00  }
0x36: {  	[tilespmem:s17], [sflag:$0x1] =	stream.indirect.gather [hbm4b:s3+s16], $0x8, s31, s16, $0xb8;
	[tilespmem:$0x17A00] =	vst v63  }
.LBB2_5:
0x37: {  	s6 =	sshra.s32 s2, $0x2  }
0x38: {  	s7 =	sadd.s32 $0x100, s6  }
0x39: {  	[tilespmem:s18], [sflag:$0x2] =	stream.indirect.gather [hbm4b:s3+s16], $0x8, s7, s16, $0xb8;
	[tilespmem:$0x17A00] =	vst v63  }
0x3a: {  	_ =	swait.ge [sflag:s19], $0x400  }
0x3b: {  	v4 =	vld [tilespmem:$0x1FF90]  }
0x3c: {  	v5 =	vld [tilespmem:$0x1FFA0]  }
0x3d: {  	v6 =	vld [tilespmem:$0x1FFB0]  }
0x3e: {  	v7 =	vld [tilespmem:$0x1FFC0]  }
0x3f: {  	v8 =	vld [tilespmem:$0x1FFD0]  }
0x40: {  	v9 =	vld [tilespmem:$0x1FFE0]  }
0x41: {  	v10 =	vld [tilespmem:$0x1FFF0]  }
0x42: {  	v27 =	vld [tilespmem:$0x1FE70]  }
0x43: {  	v35 =	vld [tilespmem:$0x1FE80]  }
0x44: {  	v36 =	vld [tilespmem:$0x1FE90]  }
0x45: {  	v37 =	vld [tilespmem:$0x1FEA0]  }
0x46: {  	v43 =	vld [tilespmem:$0x1FEB0]  }
0x47: {  	v44 =	vld [tilespmem:$0x1FEC0]  }
0x48: {  	v45 =	vld [tilespmem:$0x1FED0]  }
0x49: {  	v46 =	vld [tilespmem:$0x1FEE0]  }
0x4a: {  	v11 =	vld [tilespmem:$0x1FEF0]  }
0x4b: {  	v0 =	vld [tilespmem:$0x1FF00]  }
0x4c: {  	v12 =	vld [tilespmem:$0x1FF10]  }
0x4d: {  	v18 =	vld [tilespmem:$0x1FF40]  }
0x4e: {  	[sflag:s19] =	ssyncset.done $0x0;
	v17 =	vld [tilespmem:$0x1FF50]  }
0x4f: {  	v16 =	vld [tilespmem:$0x1FF60];
	[sflag:s19] =	ssyncadd.s32 $0xFFFFFC00  }
0x50: {  	v2 =	vld [tilespmem:s6+$0x80]  }
0x51: {  	v3 =	vld.idx.msk [tilespmem:v13+s17+$0x0], $0xffff  }
0x52: {  	v4 =	vld.idx.msk [tilespmem:v4+s17+$0x0], $0xffff  }
0x53: {  	v5 =	vld.idx.msk [tilespmem:v5+s17+$0x0], $0xffff  }
0x54: {  	v6 =	vld.idx.msk [tilespmem:v6+s17+$0x0], $0xffff  }
0x55: {  	v7 =	vld.idx.msk [tilespmem:v7+s17+$0x0], $0xffff  }
0x56: {  	v8 =	vld.idx.msk [tilespmem:v8+s17+$0x0], $0xffff  }
0x57: {  	v9 =	vld.idx.msk [tilespmem:v9+s17+$0x0], $0xffff  }
0x58: {  	v10 =	vld.idx.msk [tilespmem:v10+s17+$0x0], $0xffff  }
0x59: {  	[tilespmem:v2+s20+$0x0] =	vst.idx.add.f32.msk $0xffff, v3  }
0x5a: {  	[tilespmem:v2+s21+$0x0] =	vst.idx.add.f32.msk $0xffff, v4  }
0x5b: {  	[tilespmem:v2+s22+$0x0] =	vst.idx.add.f32.msk $0xffff, v5  }
0x5c: {  	[tilespmem:v2+s23+$0x0] =	vst.idx.add.f32.msk $0xffff, v6  }
0x5d: {  	[tilespmem:v2+s24+$0x0] =	vst.idx.add.f32.msk $0xffff, v7  }
0x5e: {  	[tilespmem:v2+s25+$0x0] =	vst.idx.add.f32.msk $0xffff, v8  }
0x5f: {  	[tilespmem:v2+s26+$0x0] =	vst.idx.add.f32.msk $0xffff, v9  }
0x60: {  	[tilespmem:v2+s28+$0x0] =	vst.idx.add.f32.msk $0xffff, v10  }
0x61: {  	v2 =	vld [tilespmem:s6+$0x90]  }
0x62: {  	v3 =	vld.idx.msk [tilespmem:v19+s17+$0x0], $0xffff  }
0x63: {  	v4 =	vld.idx.msk [tilespmem:v20+s17+$0x0], $0xffff  }
0x64: {  	v5 =	vld.idx.msk [tilespmem:v21+s17+$0x0], $0xffff  }
0x65: {  	v6 =	vld.idx.msk [tilespmem:v22+s17+$0x0], $0xffff  }
0x66: {  	v7 =	vld.idx.msk [tilespmem:v23+s17+$0x0], $0xffff  }
0x67: {  	v8 =	vld.idx.msk [tilespmem:v24+s17+$0x0], $0xffff  }
0x68: {  	v9 =	vld.idx.msk [tilespmem:v25+s17+$0x0], $0xffff  }
0x69: {  	v10 =	vld.idx.msk [tilespmem:v26+s17+$0x0], $0xffff  }
0x6a: {  	[tilespmem:v2+s20+$0x0] =	vst.idx.add.f32.msk $0xffff, v3  }
0x6b: {  	[tilespmem:v2+s21+$0x0] =	vst.idx.add.f32.msk $0xffff, v4  }
0x6c: {  	[tilespmem:v2+s22+$0x0] =	vst.idx.add.f32.msk $0xffff, v5  }
0x6d: {  	[tilespmem:v2+s23+$0x0] =	vst.idx.add.f32.msk $0xffff, v6  }
0x6e: {  	[tilespmem:v2+s24+$0x0] =	vst.idx.add.f32.msk $0xffff, v7  }
0x6f: {  	[tilespmem:v2+s25+$0x0] =	vst.idx.add.f32.msk $0xffff, v8  }
0x70: {  	[tilespmem:v2+s26+$0x0] =	vst.idx.add.f32.msk $0xffff, v9  }
0x71: {  	[tilespmem:v2+s28+$0x0] =	vst.idx.add.f32.msk $0xffff, v10  }
0x72: {  	v2 =	vld [tilespmem:s6+$0xA0]  }
0x73: {  	v3 =	vld.idx.msk [tilespmem:v27+s17+$0x0], $0xffff  }
0x74: {  	v4 =	vld.idx.msk [tilespmem:v28+s17+$0x0], $0xffff  }
0x75: {  	v5 =	vld.idx.msk [tilespmem:v29+s17+$0x0], $0xffff  }
0x76: {  	v6 =	vld.idx.msk [tilespmem:v30+s17+$0x0], $0xffff  }
0x77: {  	v7 =	vld.idx.msk [tilespmem:v31+s17+$0x0], $0xffff  }
0x78: {  	v8 =	vld.idx.msk [tilespmem:v32+s17+$0x0], $0xffff  }
0x79: {  	v9 =	vld.idx.msk [tilespmem:v33+s17+$0x0], $0xffff  }
0x7a: {  	v10 =	vld.idx.msk [tilespmem:v34+s17+$0x0], $0xffff  }
0x7b: {  	[tilespmem:v2+s20+$0x0] =	vst.idx.add.f32.msk $0xffff, v3  }
0x7c: {  	[tilespmem:v2+s21+$0x0] =	vst.idx.add.f32.msk $0xffff, v4  }
0x7d: {  	[tilespmem:v2+s22+$0x0] =	vst.idx.add.f32.msk $0xffff, v5  }
0x7e: {  	[tilespmem:v2+s23+$0x0] =	vst.idx.add.f32.msk $0xffff, v6  }
0x7f: {  	[tilespmem:v2+s24+$0x0] =	vst.idx.add.f32.msk $0xffff, v7  }
0x80: {  	[tilespmem:v2+s25+$0x0] =	vst.idx.add.f32.msk $0xffff, v8  }
0x81: {  	[tilespmem:v2+s26+$0x0] =	vst.idx.add.f32.msk $0xffff, v9  }
0x82: {  	[tilespmem:v2+s28+$0x0] =	vst.idx.add.f32.msk $0xffff, v10  }
0x83: {  	v2 =	vld [tilespmem:s6+$0xB0]  }
0x84: {  	v3 =	vld.idx.msk [tilespmem:v35+s17+$0x0], $0xffff  }
0x85: {  	v4 =	vld.idx.msk [tilespmem:v36+s17+$0x0], $0xffff  }
0x86: {  	v5 =	vld.idx.msk [tilespmem:v37+s17+$0x0], $0xffff  }
0x87: {  	v6 =	vld.idx.msk [tilespmem:v38+s17+$0x0], $0xffff  }
0x88: {  	v7 =	vld.idx.msk [tilespmem:v39+s17+$0x0], $0xffff  }
0x89: {  	v8 =	vld.idx.msk [tilespmem:v40+s17+$0x0], $0xffff  }
0x8a: {  	v9 =	vld.idx.msk [tilespmem:v41+s17+$0x0], $0xffff  }
0x8b: {  	v10 =	vld.idx.msk [tilespmem:v42+s17+$0x0], $0xffff  }
0x8c: {  	[tilespmem:v2+s20+$0x0] =	vst.idx.add.f32.msk $0xffff, v3  }
0x8d: {  	[tilespmem:v2+s21+$0x0] =	vst.idx.add.f32.msk $0xffff, v4  }
0x8e: {  	[tilespmem:v2+s22+$0x0] =	vst.idx.add.f32.msk $0xffff, v5  }
0x8f: {  	[tilespmem:v2+s23+$0x0] =	vst.idx.add.f32.msk $0xffff, v6  }
0x90: {  	[tilespmem:v2+s24+$0x0] =	vst.idx.add.f32.msk $0xffff, v7  }
0x91: {  	[tilespmem:v2+s25+$0x0] =	vst.idx.add.f32.msk $0xffff, v8  }
0x92: {  	[tilespmem:v2+s26+$0x0] =	vst.idx.add.f32.msk $0xffff, v9  }
0x93: {  	[tilespmem:v2+s28+$0x0] =	vst.idx.add.f32.msk $0xffff, v10  }
0x94: {  	v2 =	vld [tilespmem:s6+$0xC0]  }
0x95: {  	v3 =	vld.idx.msk [tilespmem:v43+s17+$0x0], $0xffff  }
0x96: {  	v4 =	vld.idx.msk [tilespmem:v44+s17+$0x0], $0xffff  }
0x97: {  	v5 =	vld.idx.msk [tilespmem:v45+s17+$0x0], $0xffff  }
0x98: {  	v6 =	vld.idx.msk [tilespmem:v46+s17+$0x0], $0xffff  }
0x99: {  	v7 =	vld.idx.msk [tilespmem:v47+s17+$0x0], $0xffff  }
0x9a: {  	v8 =	vld.idx.msk [tilespmem:v48+s17+$0x0], $0xffff  }
0x9b: {  	v9 =	vld.idx.msk [tilespmem:v49+s17+$0x0], $0xffff  }
0x9c: {  	v10 =	vld.idx.msk [tilespmem:v50+s17+$0x0], $0xffff  }
0x9d: {  	[tilespmem:v2+s20+$0x0] =	vst.idx.add.f32.msk $0xffff, v3  }
0x9e: {  	[tilespmem:v2+s21+$0x0] =	vst.idx.add.f32.msk $0xffff, v4  }
0x9f: {  	[tilespmem:v2+s22+$0x0] =	vst.idx.add.f32.msk $0xffff, v5  }
0xa0: {  	[tilespmem:v2+s23+$0x0] =	vst.idx.add.f32.msk $0xffff, v6  }
0xa1: {  	[tilespmem:v2+s24+$0x0] =	vst.idx.add.f32.msk $0xffff, v7  }
0xa2: {  	[tilespmem:v2+s25+$0x0] =	vst.idx.add.f32.msk $0xffff, v8  }
0xa3: {  	[tilespmem:v2+s26+$0x0] =	vst.idx.add.f32.msk $0xffff, v9  }
0xa4: {  	[tilespmem:v2+s28+$0x0] =	vst.idx.add.f32.msk $0xffff, v10  }
0xa5: {  	v2 =	vld [tilespmem:s6+$0xD0]  }
0xa6: {  	v3 =	vld.idx.msk [tilespmem:v11+s17+$0x0], $0xffff  }
0xa7: {  	v4 =	vld.idx.msk [tilespmem:v51+s17+$0x0], $0xffff  }
0xa8: {  	v5 =	vld.idx.msk [tilespmem:v52+s17+$0x0], $0xffff  }
0xa9: {  	v6 =	vld.idx.msk [tilespmem:v53+s17+$0x0], $0xffff  }
0xaa: {  	v7 =	vld.idx.msk [tilespmem:v54+s17+$0x0], $0xffff  }
0xab: {  	v8 =	vld.idx.msk [tilespmem:v55+s17+$0x0], $0xffff  }
0xac: {  	v9 =	vld.idx.msk [tilespmem:v56+s17+$0x0], $0xffff  }
0xad: {  	v10 =	vld.idx.msk [tilespmem:v57+s17+$0x0], $0xffff  }
0xae: {  	[tilespmem:v2+s20+$0x0] =	vst.idx.add.f32.msk $0xffff, v3  }
0xaf: {  	[tilespmem:v2+s21+$0x0] =	vst.idx.add.f32.msk $0xffff, v4  }
0xb0: {  	[tilespmem:v2+s22+$0x0] =	vst.idx.add.f32.msk $0xffff, v5  }
0xb1: {  	[tilespmem:v2+s23+$0x0] =	vst.idx.add.f32.msk $0xffff, v6  }
0xb2: {  	[tilespmem:v2+s24+$0x0] =	vst.idx.add.f32.msk $0xffff, v7  }
0xb3: {  	[tilespmem:v2+s25+$0x0] =	vst.idx.add.f32.msk $0xffff, v8  }
0xb4: {  	[tilespmem:v2+s26+$0x0] =	vst.idx.add.f32.msk $0xffff, v9  }
0xb5: {  	[tilespmem:v2+s28+$0x0] =	vst.idx.add.f32.msk $0xffff, v10  }
0xb6: {  	v2 =	vld [tilespmem:s6+$0xE0]  }
0xb7: {  	v3 =	vld.idx.msk [tilespmem:v58+s17+$0x0], $0xffff  }
0xb8: {  	v4 =	vld.idx.msk [tilespmem:v59+s17+$0x0], $0xffff  }
0xb9: {  	v5 =	vld.idx.msk [tilespmem:v60+s17+$0x0], $0xffff  }
0xba: {  	v6 =	vld.idx.msk [tilespmem:v61+s17+$0x0], $0xffff  }
0xbb: {  	v7 =	vld.idx.msk [tilespmem:v62+s17+$0x0], $0xffff  }
0xbc: {  	v8 =	vld.idx.msk [tilespmem:v63+s17+$0x0], $0xffff  }
0xbd: {  	v9 =	vld.idx.msk [tilespmem:v0+s17+$0x0], $0xffff  }
0xbe: {  	v10 =	vld.idx.msk [tilespmem:v12+s17+$0x0], $0xffff  }
0xbf: {  	[tilespmem:v2+s20+$0x0] =	vst.idx.add.f32.msk $0xffff, v3  }
0xc0: {  	[tilespmem:v2+s21+$0x0] =	vst.idx.add.f32.msk $0xffff, v4  }
0xc1: {  	[tilespmem:v2+s22+$0x0] =	vst.idx.add.f32.msk $0xffff, v5  }
0xc2: {  	[tilespmem:v2+s23+$0x0] =	vst.idx.add.f32.msk $0xffff, v6  }
0xc3: {  	[tilespmem:v2+s24+$0x0] =	vst.idx.add.f32.msk $0xffff, v7  }
0xc4: {  	[tilespmem:v2+s25+$0x0] =	vst.idx.add.f32.msk $0xffff, v8  }
0xc5: {  	[tilespmem:v2+s26+$0x0] =	vst.idx.add.f32.msk $0xffff, v9  }
0xc6: {  	[tilespmem:v2+s28+$0x0] =	vst.idx.add.f32.msk $0xffff, v10  }
0xc7: {  	v4 =	vld.idx.msk [tilespmem:v1+s17+$0x0], $0xffff  }
0xc8: {  	v1 =	vld [tilespmem:$0x1FF30]  }
0xc9: {  	v15 =	vld [tilespmem:$0x1FF70]  }
0xca: {  	v14 =	vld [tilespmem:$0x1FF80];
	_ =	sdelay $0x1  }
0xcb: {  	v3 =	vld [tilespmem:s6+$0xF0]  }
0xcc: {  	v6 =	vld.idx.msk [tilespmem:v18+s17+$0x0], $0xffff  }
0xcd: {  	v2 =	vor.u32 $0x387, v13;
	v7 =	vld.idx.msk [tilespmem:v17+s17+$0x0], $0xffff  }
0xce: {  	v8 =	vld.idx.msk [tilespmem:v16+s17+$0x0], $0xffff  }
0xcf: {  	v5 =	vld.idx.msk [tilespmem:v1+s17+$0x0], $0xffff  }
0xd0: {  	v9 =	vld.idx.msk [tilespmem:v15+s17+$0x0], $0xffff;
	v1 =	vmovc v63;
	v63 =	vmov v62;
	v62 =	vmov v61;
	v61 =	vmov v60  }
0xd1: {  	v10 =	vld.idx.msk [tilespmem:v14+s17+$0x0], $0xffff;
	v60 =	vmovc v59;
	v59 =	vmovc v58;
	v58 =	vmov v57;
	v57 =	vmov v56;
	v56 =	vmov v55  }
0xd2: {  	v55 =	vmovc v54;
	v54 =	vmovc v53;
	v53 =	vmov v52;
	v52 =	vmov v51;
	v51 =	vmov v11;
	v11 =	vld.idx.msk [tilespmem:v2+s17+$0x0], $0xffff  }
0xd3: {  	[tilespmem:v3+s20+$0x0] =	vst.idx.add.f32.msk $0xffff, v4  }
0xd4: {  	[tilespmem:v3+s21+$0x0] =	vst.idx.add.f32.msk $0xffff, v5  }
0xd5: {  	[tilespmem:v3+s22+$0x0] =	vst.idx.add.f32.msk $0xffff, v6  }
0xd6: {  	[tilespmem:v3+s23+$0x0] =	vst.idx.add.f32.msk $0xffff, v7  }
0xd7: {  	[tilespmem:v3+s24+$0x0] =	vst.idx.add.f32.msk $0xffff, v8  }
0xd8: {  	p0 =	seq.s32 s2, $0xC000;
	[tilespmem:v3+s25+$0x0] =	vst.idx.add.f32.msk $0xffff, v9  }
0xd9: {  	s7 =	sshra.s32 @!p0 s2, $0x2;
	[tilespmem:v3+s26+$0x0] =	vst.idx.add.f32.msk $0xffff, v10  }
0xda: {  	s8 =	simm.s32 @!p0 $0x80;
	s9 =	simm.s32 @!p0 $0x3200;
	s7 =	sadd.s32 @!p0 $0x200, s7;
	[tilespmem:v3+s28+$0x0] =	vst.idx.add.f32.msk $0xffff, v11  }
0xdb: {  	[tilespmem:s9], [sflag:$0x1] =	stream.indirect.gather @!p0 [hbm4b:s3+s8], $0x8, s7, s8, $0xb8;
	[tilespmem:$0x17A00] =	vst v63  }
0xdc: {  	_ =	swait.ge [sflag:s29], $0x400  }
0xdd: {  	v9 =	vld [tilespmem:$0x1FF90]  }
0xde: {  	v10 =	vld [tilespmem:$0x1FFA0]  }
0xdf: {  	v11 =	vld [tilespmem:$0x1FFB0];
	_ =	sdelay $0x3  }
0xe0: {  	[sflag:s29] =	ssyncset.done $0x0  }
0xe1: {  	v8 =	vld [tilespmem:$0x1FFC0];
	[sflag:s29] =	ssyncadd.s32 $0xFFFFFC00  }
0xe2: {  	v5 =	vld.idx.msk [tilespmem:v9+s18+$0x0], $0xffff  }
0xe3: {  	v6 =	vld.idx.msk [tilespmem:v10+s18+$0x0], $0xffff  }
0xe4: {  	v7 =	vld.idx.msk [tilespmem:v11+s18+$0x0], $0xffff  }
0xe5: {  	v9 =	vld [tilespmem:$0x1FFD0]  }
0xe6: {  	v10 =	vld [tilespmem:$0x1FFE0]  }
0xe7: {  	v11 =	vld [tilespmem:$0x1FFF0]  }
0xe8: {  	v3 =	vld [tilespmem:s6+$0x180];
	_ =	sdelay $0x2  }
0xe9: {  	v4 =	vld.idx.msk [tilespmem:v13+s18+$0x0], $0xffff  }
0xea: {  	v8 =	vld.idx.msk [tilespmem:v8+s18+$0x0], $0xffff  }
0xeb: {  	v9 =	vld.idx.msk [tilespmem:v9+s18+$0x0], $0xffff  }
0xec: {  	v10 =	vld.idx.msk [tilespmem:v10+s18+$0x0], $0xffff  }
0xed: {  	v11 =	vld.idx.msk [tilespmem:v11+s18+$0x0], $0xffff  }
0xee: {  	[tilespmem:v3+s20+$0x0] =	vst.idx.add.f32.msk $0xffff, v4  }
0xef: {  	[tilespmem:v3+s21+$0x0] =	vst.idx.add.f32.msk $0xffff, v5  }
0xf0: {  	[tilespmem:v3+s22+$0x0] =	vst.idx.add.f32.msk $0xffff, v6  }
0xf1: {  	[tilespmem:v3+s23+$0x0] =	vst.idx.add.f32.msk $0xffff, v7  }
0xf2: {  	[tilespmem:v3+s24+$0x0] =	vst.idx.add.f32.msk $0xffff, v8  }
0xf3: {  	[tilespmem:v3+s25+$0x0] =	vst.idx.add.f32.msk $0xffff, v9  }
0xf4: {  	[tilespmem:v3+s26+$0x0] =	vst.idx.add.f32.msk $0xffff, v10  }
0xf5: {  	[tilespmem:v3+s28+$0x0] =	vst.idx.add.f32.msk $0xffff, v11  }
0xf6: {  	v3 =	vld [tilespmem:s6+$0x190]  }
0xf7: {  	v4 =	vld.idx.msk [tilespmem:v19+s18+$0x0], $0xffff  }
0xf8: {  	v5 =	vld.idx.msk [tilespmem:v20+s18+$0x0], $0xffff  }
0xf9: {  	v6 =	vld.idx.msk [tilespmem:v21+s18+$0x0], $0xffff  }
0xfa: {  	v7 =	vld.idx.msk [tilespmem:v22+s18+$0x0], $0xffff  }
0xfb: {  	v8 =	vld.idx.msk [tilespmem:v23+s18+$0x0], $0xffff  }
0xfc: {  	v9 =	vld.idx.msk [tilespmem:v24+s18+$0x0], $0xffff  }
0xfd: {  	v10 =	vld.idx.msk [tilespmem:v25+s18+$0x0], $0xffff  }
0xfe: {  	v11 =	vld.idx.msk [tilespmem:v26+s18+$0x0], $0xffff  }
0xff: {  	[tilespmem:v3+s20+$0x0] =	vst.idx.add.f32.msk $0xffff, v4  }
0x100: {  	[tilespmem:v3+s21+$0x0] =	vst.idx.add.f32.msk $0xffff, v5  }
0x101: {  	[tilespmem:v3+s22+$0x0] =	vst.idx.add.f32.msk $0xffff, v6  }
0x102: {  	[tilespmem:v3+s23+$0x0] =	vst.idx.add.f32.msk $0xffff, v7  }
0x103: {  	[tilespmem:v3+s24+$0x0] =	vst.idx.add.f32.msk $0xffff, v8  }
0x104: {  	[tilespmem:v3+s25+$0x0] =	vst.idx.add.f32.msk $0xffff, v9  }
0x105: {  	[tilespmem:v3+s26+$0x0] =	vst.idx.add.f32.msk $0xffff, v10  }
0x106: {  	[tilespmem:v3+s28+$0x0] =	vst.idx.add.f32.msk $0xffff, v11  }
0x107: {  	v3 =	vld [tilespmem:s6+$0x1A0]  }
0x108: {  	v4 =	vld.idx.msk [tilespmem:v27+s18+$0x0], $0xffff  }
0x109: {  	v5 =	vld.idx.msk [tilespmem:v28+s18+$0x0], $0xffff  }
0x10a: {  	v6 =	vld.idx.msk [tilespmem:v29+s18+$0x0], $0xffff  }
0x10b: {  	v7 =	vld.idx.msk [tilespmem:v30+s18+$0x0], $0xffff  }
0x10c: {  	v8 =	vld.idx.msk [tilespmem:v31+s18+$0x0], $0xffff  }
0x10d: {  	v9 =	vld.idx.msk [tilespmem:v32+s18+$0x0], $0xffff  }
0x10e: {  	v10 =	vld.idx.msk [tilespmem:v33+s18+$0x0], $0xffff  }
0x10f: {  	v11 =	vld.idx.msk [tilespmem:v34+s18+$0x0], $0xffff  }
0x110: {  	[tilespmem:v3+s20+$0x0] =	vst.idx.add.f32.msk $0xffff, v4  }
0x111: {  	[tilespmem:v3+s21+$0x0] =	vst.idx.add.f32.msk $0xffff, v5  }
0x112: {  	[tilespmem:v3+s22+$0x0] =	vst.idx.add.f32.msk $0xffff, v6  }
0x113: {  	[tilespmem:v3+s23+$0x0] =	vst.idx.add.f32.msk $0xffff, v7  }
0x114: {  	[tilespmem:v3+s24+$0x0] =	vst.idx.add.f32.msk $0xffff, v8  }
0x115: {  	[tilespmem:v3+s25+$0x0] =	vst.idx.add.f32.msk $0xffff, v9  }
0x116: {  	[tilespmem:v3+s26+$0x0] =	vst.idx.add.f32.msk $0xffff, v10  }
0x117: {  	[tilespmem:v3+s28+$0x0] =	vst.idx.add.f32.msk $0xffff, v11  }
0x118: {  	v3 =	vld [tilespmem:s6+$0x1B0]  }
0x119: {  	v4 =	vld.idx.msk [tilespmem:v35+s18+$0x0], $0xffff  }
0x11a: {  	v5 =	vld.idx.msk [tilespmem:v36+s18+$0x0], $0xffff  }
0x11b: {  	v6 =	vld.idx.msk [tilespmem:v37+s18+$0x0], $0xffff  }
0x11c: {  	v7 =	vld.idx.msk [tilespmem:v38+s18+$0x0], $0xffff  }
0x11d: {  	v8 =	vld.idx.msk [tilespmem:v39+s18+$0x0], $0xffff  }
0x11e: {  	v9 =	vld.idx.msk [tilespmem:v40+s18+$0x0], $0xffff  }
0x11f: {  	v10 =	vld.idx.msk [tilespmem:v41+s18+$0x0], $0xffff  }
0x120: {  	v11 =	vld.idx.msk [tilespmem:v42+s18+$0x0], $0xffff  }
0x121: {  	[tilespmem:v3+s20+$0x0] =	vst.idx.add.f32.msk $0xffff, v4  }
0x122: {  	[tilespmem:v3+s21+$0x0] =	vst.idx.add.f32.msk $0xffff, v5  }
0x123: {  	[tilespmem:v3+s22+$0x0] =	vst.idx.add.f32.msk $0xffff, v6  }
0x124: {  	[tilespmem:v3+s23+$0x0] =	vst.idx.add.f32.msk $0xffff, v7  }
0x125: {  	[tilespmem:v3+s24+$0x0] =	vst.idx.add.f32.msk $0xffff, v8  }
0x126: {  	[tilespmem:v3+s25+$0x0] =	vst.idx.add.f32.msk $0xffff, v9  }
0x127: {  	[tilespmem:v3+s26+$0x0] =	vst.idx.add.f32.msk $0xffff, v10  }
0x128: {  	[tilespmem:v3+s28+$0x0] =	vst.idx.add.f32.msk $0xffff, v11  }
0x129: {  	v3 =	vld [tilespmem:s6+$0x1C0]  }
0x12a: {  	v4 =	vld.idx.msk [tilespmem:v43+s18+$0x0], $0xffff  }
0x12b: {  	v5 =	vld.idx.msk [tilespmem:v44+s18+$0x0], $0xffff  }
0x12c: {  	v6 =	vld.idx.msk [tilespmem:v45+s18+$0x0], $0xffff  }
0x12d: {  	v7 =	vld.idx.msk [tilespmem:v46+s18+$0x0], $0xffff  }
0x12e: {  	v8 =	vld.idx.msk [tilespmem:v47+s18+$0x0], $0xffff  }
0x12f: {  	v9 =	vld.idx.msk [tilespmem:v48+s18+$0x0], $0xffff  }
0x130: {  	v10 =	vld.idx.msk [tilespmem:v49+s18+$0x0], $0xffff  }
0x131: {  	v11 =	vld.idx.msk [tilespmem:v50+s18+$0x0], $0xffff  }
0x132: {  	v46 =	vld [tilespmem:$0x1FF30]  }
0x133: {  	[tilespmem:v3+s20+$0x0] =	vst.idx.add.f32.msk $0xffff, v4  }
0x134: {  	[tilespmem:v3+s21+$0x0] =	vst.idx.add.f32.msk $0xffff, v5  }
0x135: {  	[tilespmem:v3+s22+$0x0] =	vst.idx.add.f32.msk $0xffff, v6  }
0x136: {  	[tilespmem:v3+s23+$0x0] =	vst.idx.add.f32.msk $0xffff, v7  }
0x137: {  	[tilespmem:v3+s24+$0x0] =	vst.idx.add.f32.msk $0xffff, v8  }
0x138: {  	[tilespmem:v3+s25+$0x0] =	vst.idx.add.f32.msk $0xffff, v9  }
0x139: {  	[tilespmem:v3+s26+$0x0] =	vst.idx.add.f32.msk $0xffff, v10  }
0x13a: {  	[tilespmem:v3+s28+$0x0] =	vst.idx.add.f32.msk $0xffff, v11  }
0x13b: {  	v3 =	vld [tilespmem:s6+$0x1D0]  }
0x13c: {  	v4 =	vld.idx.msk [tilespmem:v51+s18+$0x0], $0xffff  }
0x13d: {  	v5 =	vld.idx.msk [tilespmem:v52+s18+$0x0], $0xffff  }
0x13e: {  	v6 =	vld.idx.msk [tilespmem:v53+s18+$0x0], $0xffff  }
0x13f: {  	v7 =	vld.idx.msk [tilespmem:v54+s18+$0x0], $0xffff  }
0x140: {  	v8 =	vld.idx.msk [tilespmem:v55+s18+$0x0], $0xffff  }
0x141: {  	v9 =	vld.idx.msk [tilespmem:v56+s18+$0x0], $0xffff  }
0x142: {  	v10 =	vld.idx.msk [tilespmem:v57+s18+$0x0], $0xffff  }
0x143: {  	v11 =	vld.idx.msk [tilespmem:v58+s18+$0x0], $0xffff  }
0x144: {  	[tilespmem:v3+s20+$0x0] =	vst.idx.add.f32.msk $0xffff, v4  }
0x145: {  	[tilespmem:v3+s21+$0x0] =	vst.idx.add.f32.msk $0xffff, v5  }
0x146: {  	[tilespmem:v3+s22+$0x0] =	vst.idx.add.f32.msk $0xffff, v6  }
0x147: {  	[tilespmem:v3+s23+$0x0] =	vst.idx.add.f32.msk $0xffff, v7  }
0x148: {  	[tilespmem:v3+s24+$0x0] =	vst.idx.add.f32.msk $0xffff, v8  }
0x149: {  	[tilespmem:v3+s25+$0x0] =	vst.idx.add.f32.msk $0xffff, v9  }
0x14a: {  	[tilespmem:v3+s26+$0x0] =	vst.idx.add.f32.msk $0xffff, v10  }
0x14b: {  	[tilespmem:v3+s28+$0x0] =	vst.idx.add.f32.msk $0xffff, v11  }
0x14c: {  	v3 =	vld [tilespmem:s6+$0x1E0]  }
0x14d: {  	v4 =	vld.idx.msk [tilespmem:v59+s18+$0x0], $0xffff  }
0x14e: {  	v5 =	vld.idx.msk [tilespmem:v60+s18+$0x0], $0xffff  }
0x14f: {  	v6 =	vld.idx.msk [tilespmem:v61+s18+$0x0], $0xffff  }
0x150: {  	v7 =	vld.idx.msk [tilespmem:v62+s18+$0x0], $0xffff  }
0x151: {  	v8 =	vld.idx.msk [tilespmem:v63+s18+$0x0], $0xffff  }
0x152: {  	v9 =	vld.idx.msk [tilespmem:v1+s18+$0x0], $0xffff  }
0x153: {  	v51 =	vmov v52;
	v52 =	vmov v53;
	v53 =	vmov v54;
	v10 =	vld.idx.msk [tilespmem:v0+s18+$0x0], $0xffff  }
0x154: {  	v54 =	vmovc v55;
	v55 =	vmovc v56;
	v56 =	vmov v57;
	v57 =	vmov v58;
	v58 =	vmov v59;
	v11 =	vld.idx.msk [tilespmem:v12+s18+$0x0], $0xffff  }
0x155: {  	v59 =	vmovc v60;
	v60 =	vmovc v61;
	v61 =	vmov v62;
	v62 =	vmov v63;
	v63 =	vmov v1;
	v1 =	vld [tilespmem:$0x1FF20]  }
0x156: {  	[tilespmem:v3+s20+$0x0] =	vst.idx.add.f32.msk $0xffff, v4  }
0x157: {  	[tilespmem:v3+s21+$0x0] =	vst.idx.add.f32.msk $0xffff, v5  }
0x158: {  	[tilespmem:v3+s22+$0x0] =	vst.idx.add.f32.msk $0xffff, v6  }
0x159: {  	[tilespmem:v3+s23+$0x0] =	vst.idx.add.f32.msk $0xffff, v7  }
0x15a: {  	[tilespmem:v3+s24+$0x0] =	vst.idx.add.f32.msk $0xffff, v8  }
0x15b: {  	[tilespmem:v3+s25+$0x0] =	vst.idx.add.f32.msk $0xffff, v9  }
0x15c: {  	[tilespmem:v3+s26+$0x0] =	vst.idx.add.f32.msk $0xffff, v10  }
0x15d: {  	[tilespmem:v3+s28+$0x0] =	vst.idx.add.f32.msk $0xffff, v11  }
0x15e: {  	v3 =	vld [tilespmem:s6+$0x1F0]  }
0x15f: {  	v4 =	vld.idx.msk [tilespmem:v1+s18+$0x0], $0xffff  }
0x160: {  	v5 =	vld.idx.msk [tilespmem:v46+s18+$0x0], $0xffff  }
0x161: {  	v6 =	vld.idx.msk [tilespmem:v18+s18+$0x0], $0xffff  }
0x162: {  	v7 =	vld.idx.msk [tilespmem:v17+s18+$0x0], $0xffff  }
0x163: {  	v8 =	vld.idx.msk [tilespmem:v16+s18+$0x0], $0xffff  }
0x164: {  	v9 =	vld.idx.msk [tilespmem:v15+s18+$0x0], $0xffff  }
0x165: {  	v10 =	vld.idx.msk [tilespmem:v14+s18+$0x0], $0xffff  }
0x166: {  	v2 =	vld.idx.msk [tilespmem:v2+s18+$0x0], $0xffff  }
0x167: {  	[tilespmem:v3+s20+$0x0] =	vst.idx.add.f32.msk $0xffff, v4  }
0x168: {  	s2 =	sadd.s32 $0x800, s2;
	[tilespmem:v3+s21+$0x0] =	vst.idx.add.f32.msk $0xffff, v5  }
0x169: {  	p0 =	sne.s32 s2, $0xC800;
	[tilespmem:v3+s22+$0x0] =	vst.idx.add.f32.msk $0xffff, v6  }
.Ltmp1:
0x16a: {  	[tilespmem:v3+s23+$0x0] =	vst.idx.add.f32.msk $0xffff, v7;
	(pc) =	sbr.rel @p0 .LBB2_5-.Ltmp1, $4  }
0x16b: {  	[tilespmem:v3+s24+$0x0] =	vst.idx.add.f32.msk $0xffff, v8  }
0x16c: {  	[tilespmem:v3+s25+$0x0] =	vst.idx.add.f32.msk $0xffff, v9  }
0x16d: {  	[tilespmem:v3+s26+$0x0] =	vst.idx.add.f32.msk $0xffff, v10  }
0x16e: {  	[tilespmem:v3+s28+$0x0] =	vst.idx.add.f32.msk $0xffff, v2  }
0x16f: {  	s0 =	sadd.s32 $0x1, s0  }
0x170: {  	p0 =	sne.s32 s0, $0x19  }
.Ltmp2:
0x171: {  	_ = 	snop;
	(pc) =	sbr.rel @p0 .LBB2_4-.Ltmp2, $1  }
0x172: {  	_ =	sdelay $0x3  }
0x173: {  	s0 =	rddreg [dreg:$0x2]  }
0x174: {  	[hbm4b:s0+s1] =	stream.linear.scatter [tilespmem:s20], [sflag:$0x3], $0x2800, $0x38;
	[tilespmem:$0x17A00] =	vst v63  }
0x175: {  	_ =	swait.ge [sflag:s15], $0x2800  }
0x176: {  	[sflag:s15] =	ssyncset.done $0x0  }
0x177: {  	s7 =	rddreg [dreg:$0x3];
	[sflag:s15] =	ssyncadd.s32 $0xFFFFD800  }
0x178: {  	[hbm4b:s7+s1] =	stream.linear.scatter [tilespmem:s21], [sflag:$0x3], $0x2800, $0x38;
	[tilespmem:$0x17A00] =	vst v63  }
0x179: {  	_ =	swait.ge [sflag:s15], $0x2800  }
0x17a: {  	[sflag:s15] =	ssyncset.done $0x0  }
0x17b: {  	s8 =	rddreg [dreg:$0x4];
	[sflag:s15] =	ssyncadd.s32 $0xFFFFD800  }
0x17c: {  	[hbm4b:s8+s1] =	stream.linear.scatter [tilespmem:s22], [sflag:$0x3], $0x2800, $0x38;
	[tilespmem:$0x17A00] =	vst v63  }
0x17d: {  	_ =	swait.ge [sflag:s15], $0x2800  }
0x17e: {  	[sflag:s15] =	ssyncset.done $0x0  }
0x17f: {  	s9 =	rddreg [dreg:$0x5];
	[sflag:s15] =	ssyncadd.s32 $0xFFFFD800  }
0x180: {  	[hbm4b:s9+s1] =	stream.linear.scatter [tilespmem:s23], [sflag:$0x3], $0x2800, $0x38;
	[tilespmem:$0x17A00] =	vst v63  }
0x181: {  	_ =	swait.ge [sflag:s15], $0x2800  }
0x182: {  	[sflag:s15] =	ssyncset.done $0x0  }
0x183: {  	[sflag:s15] =	ssyncadd.s32 $0xFFFFD800  }
0x184: {  	[hbm4b:s10+s1] =	stream.linear.scatter [tilespmem:s24], [sflag:$0x3], $0x2800, $0x38;
	[tilespmem:$0x17A00] =	vst v63  }
0x185: {  	_ =	swait.ge [sflag:s15], $0x2800  }
0x186: {  	[sflag:s15] =	ssyncset.done $0x0  }
0x187: {  	[sflag:s15] =	ssyncadd.s32 $0xFFFFD800  }
0x188: {  	[hbm4b:s11+s1] =	stream.linear.scatter [tilespmem:s25], [sflag:$0x3], $0x2800, $0x38;
	[tilespmem:$0x17A00] =	vst v63  }
0x189: {  	_ =	swait.ge [sflag:s15], $0x2800  }
0x18a: {  	[sflag:s15] =	ssyncset.done $0x0  }
0x18b: {  	[sflag:s15] =	ssyncadd.s32 $0xFFFFD800  }
0x18c: {  	[hbm4b:s12+s1] =	stream.linear.scatter [tilespmem:s26], [sflag:$0x3], $0x2800, $0x38;
	[tilespmem:$0x17A00] =	vst v63  }
0x18d: {  	s30 =	sadd.s32 $0x1, s30;
	_ =	swait.ge [sflag:s15], $0x2800  }
0x18e: {  	p0 =	sne.s32 s30, s14;
	[sflag:s15] =	ssyncset.done $0x0  }
.Ltmp3:
0x18f: {  	[sflag:s15] =	ssyncadd.s32 $0xFFFFD800;
	(pc) =	sbr.rel @p0 .LBB2_1-.Ltmp3, $4  }
0x190: {  	[hbm4b:s13+s1] =	stream.linear.scatter [tilespmem:s28], [sflag:$0x3], $0x2800, $0x38;
	[tilespmem:$0x17A00] =	vst v63  }
0x191: {  	_ =	swait.ge [sflag:s15], $0x2800  }
0x192: {  	[sflag:s15] =	ssyncset.done $0x0  }
0x193: {  	v1 =	vimm.f32 $0.0e+00;
	[sflag:s15] =	ssyncadd.s32 $0xFFFFD800  }
0x194: {  	_ =	sfence.sel $0x180000  }
0x195: {  	[bflag:$0x0] =	sbarrier.arrive $0xFFFF  }
0x196: {  	_ =	strace $0x9000004A  }
0x197: {  	s0 =	stileid.u32;
	[bflag:$0x2] =	sbarrier.arrive $0xFFFF  }
0x198: {  	p0 =	sne.s32 s0, $0x0;
	s0 =	rddreg [dreg:$0x1]  }
0x199: {  	s0 =	sadd.s32 @!p0 $0x100000, s0  }
0x19a: {  	[sflag:s0] =	ssyncadd.tile.s32 @!p0 $0x1;
	_ =	shalt  }
.Lfunc_end2:
_tile_overlayer_lowered:
.L_overlay_start_2:
0x19b: {  	(tag) =	ssettag $0x2  }
0x19c: {  	s0 =	rddreg [dreg:$0x0];
	s2 =	stileid.u32  }
0x19d: {  	s1 =	rddreg [dreg:$0x1];
	p0 =	sne.s32 s2, $0x0  }
0x19e: {  	s3 =	rddreg [dreg:$0x2];
	[bflag:$0x3] =	sbarrier.arrive $0xFFFF;
	s2 =	simm.s32 @!p0 $0x1C03  }
0x19f: {  	[timem:s3], [sflag:s2] =	dma.local @!p0 [hbm:s0], s1  }
0x1a0: {  	s0 =	simm.s32 @!p0 $0x3  }
0x1a1: {  	_ =	swait.ge @!p0 [sflag:s0], s1  }
0x1a2: {  	s1 =	ssub.s32 @!p0 $0x0, s1;
	[sflag:s0] =	ssyncset.done @!p0 $0x0  }
0x1a3: {  	[sflag:s0] =	ssyncadd.s32 @!p0 s1  }
0x1a4: {  	[bflag:$0x3] =	sbarrier.arrive $0xFFFF  }
0x1a5: {  	_ =	shalt  }

// kernel: kernel.19.cloned.1.call-start
scs
__scs_entry_jumppad:
0x0: {  	(pc) =	sbr.rel $0x88, $3  }
0x1: {  	(tag) =	ssettag $0x0;
	lr =	simm.s32 $0x1  }
0x2: {  	[smem:$0x3F8F] =	sst lr;
	_ =	strace $0xD0000000  }
0x3: {  	_ = 	snop  }
0x4: {  	_ = 	snop  }
0x5: {  	_ = 	snop  }
0x6: {  	_ = 	snop  }
0x7: {  	_ = 	snop  }
__scs_overlays_trampoline_lowered:
0x8: {  	[smem:$0x3F9E] =	sst s0  }
0x9: {  	[smem:$0x3F9F] =	sst s1  }
0xa: {  	[smem:$0x3FA0] =	sst s2  }
0xb: {  	[smem:$0x3FA1] =	sst s3  }
0xc: {  	[smem:$0x3FA2] =	sst s4  }
0xd: {  	[smem:$0x3FA3] =	sst s5  }
0xe: {  	[smem:$0x3FA4] =	sst s6  }
0xf: {  	[smem:$0x3FA5] =	sst s7  }
0x10: {  	[smem:$0x3FA6] =	sst s8  }
0x11: {  	[smem:$0x3FA7] =	sst s9;
	s0 =	simm.s32 @!p0 $0x0  }
0x12: {  	s1 =	sld [smem:$0x3F8D];
	s0 =	simm.s32 @p0 $0x1  }
0x13: {  	[smem:$0x3FA8] =	sst s0;
	s0 =	simm.s32 @!p1 $0x0  }
0x14: {  	s2 =	sld [smem:$0x3F8C];
	s0 =	simm.s32 @p1 $0x1  }
0x15: {  	[smem:$0x3FA9] =	sst s0;
	s0 =	simm.s32 @!p2 $0x0  }
0x16: {  	s3 =	sld [smem:$0x3FDB];
	s0 =	simm.s32 @p2 $0x1  }
0x17: {  	s4 =	simm.s32 $0x1BF5;
	[smem:$0x3FAB] =	sst s0  }
0x18: {  	s0 =	sld [smem:$0x3F8E];
	_ =	swait.ge [sflag:s4], $0x0  }
0x19: {  	s7 =	sld [smem:$0x3F8F]  }
0x1a: {  	s8 =	sadd.s32 $0xFFFFE003, lr  }
0x1b: {  	s9 =	sadd.s32 $0xFFFFFEF7, lr;
	s5 =	simm.s32 $0xFFFFFFFF;
	p2 =	slt.u32 s8, $0xFFFFF086  }
0x1c: {  	p1 =	slt.u32 s9, $0xF7A;
	s5 =	simm.s32 @!p2 $0x0  }
0x1d: {  	s5 =	simm.s32 @p1 $0x1;
	p0 =	seq.s32 s7, s2  }
0x1e: {  	s7 =	smul.u32 @!p0 $0xF7A, s2;
	p2 =	seq.s32 @!p0 s5, $0x0  }
0x1f: {  	s9 =	smul.u32 $0xF7A, s1;
	s8 =	simm.s32 @!p0 $0x1BF5;
	p2 =	por !p2, p0  }
0x20: {  	[sflag:s8] =	ssyncset.s32 @!p0 $0xFFFFF086;
	s6 =	sadd.s32 @!p0 s3, s7;
	s7 =	simm.s32 @!p0 $0x108  }
0x21: {  	s3 =	sadd.s32 s3, s9;
	s6 =	sadd.s32 @!p0 $0x88, s6;
	s7 =	simm.s32 @p2 $0x1082  }
0x22: {  	[simem:s7], [sflag:s8] =	dma.local @!p0 [hbm:s6], $0xF7A  }
0x23: {  	s9 =	sor.u32 $0xD0000000, s2;
	s6 =	simm.s32 $0x108;
	_ =	swait.ge @!p0 [sflag:s8], $0x0  }
0x24: {  	s3 =	sadd.s32 $0x88, s3;
	s6 =	simm.s32 @!p1 $0x1082;
	[sflag:s4] =	ssyncset.s32 $0xFFFFF086  }
0x25: {  	[simem:s6], [sflag:s4] =	dma.local [hbm:s3], $0xF7A  }
0x26: {  	[smem:$0x3F8F] =	sst s1;
	(tag) =	ssettag s2;
	_ =	strace s9  }
0x27: {  	s1 =	sld [smem:$0x3F9F]  }
0x28: {  	s2 =	sld [smem:$0x3FA0]  }
0x29: {  	s4 =	sld [smem:$0x3FA2]  }
0x2a: {  	p0 =	seq.s32 s5, $0x0;
	s5 =	sld [smem:$0x3FA3]  }
0x2b: {  	s6 =	sld [smem:$0x3FA4]  }
0x2c: {  	s7 =	sld [smem:$0x3FA5]  }
0x2d: {  	s3 =	simm.s32 $0x108;
	s8 =	sld [smem:$0x3FA6]  }
0x2e: {  	s3 =	simm.s32 @!p0 $0x1082;
	s9 =	sld [smem:$0x3FA7]  }
0x2f: {  	lr =	sadd.s32 s0, s3;
	s0 =	sld [smem:$0x3F9E]  }
0x30: {  	s3 =	sld [smem:$0x3FA1]  }
0x31: {  	[smem:$0x3FAA] =	sst s10  }
0x32: {  	s10 =	sld [smem:$0x3FA8];
	_ =	sdelay $0x3  }
0x33: {  	p0 =	seq.s32 s10, $0x1;
	s10 =	sld [smem:$0x3FAA];
	_ =	sdelay $0x3  }
0x34: {  	[smem:$0x3FAA] =	sst s10  }
0x35: {  	s10 =	sld [smem:$0x3FA9];
	_ =	sdelay $0x3  }
0x36: {  	p1 =	seq.s32 s10, $0x1;
	s10 =	sld [smem:$0x3FAA];
	_ =	sdelay $0x3  }
0x37: {  	[smem:$0x3FAA] =	sst s10  }
0x38: {  	s10 =	sld [smem:$0x3FAB]  }
0x39: {  	_ = 	snop;
	(pc) =	sbr.ind lr, $3  }
0x3a: {  	_ = 	snop  }
0x3b: {  	_ = 	snop  }
0x3c: {  	p2 =	seq.s32 s10, $0x1;
	s10 =	sld [smem:$0x3FAA]  }
0x3d: {  	_ =	shalt  }
0x3e: {  	_ =	shalt  }
0x3f: {  	_ =	shalt  }
0x40: {  	_ =	shalt  }
0x41: {  	_ =	shalt  }
0x42: {  	_ =	shalt  }
0x43: {  	_ =	shalt  }
0x44: {  	_ =	shalt  }
0x45: {  	_ =	shalt  }
0x46: {  	_ =	shalt  }
0x47: {  	_ =	shalt  }
0x48: {  	_ =	shalt  }
0x49: {  	_ =	shalt  }
0x4a: {  	_ =	shalt  }
0x4b: {  	_ =	shalt  }
0x4c: {  	_ =	shalt  }
0x4d: {  	_ =	shalt  }
0x4e: {  	_ =	shalt  }
0x4f: {  	_ =	shalt  }
0x50: {  	_ =	shalt  }
0x51: {  	_ =	shalt  }
0x52: {  	_ =	shalt  }
0x53: {  	_ =	shalt  }
0x54: {  	_ =	shalt  }
0x55: {  	_ =	shalt  }
0x56: {  	_ =	shalt  }
0x57: {  	_ =	shalt  }
0x58: {  	_ =	shalt  }
0x59: {  	_ =	shalt  }
0x5a: {  	_ =	shalt  }
0x5b: {  	_ =	shalt  }
0x5c: {  	_ =	shalt  }
0x5d: {  	_ =	shalt  }
0x5e: {  	_ =	shalt  }
0x5f: {  	_ =	shalt  }
0x60: {  	_ =	shalt  }
0x61: {  	_ =	shalt  }
0x62: {  	_ =	shalt  }
0x63: {  	_ =	shalt  }
0x64: {  	_ =	shalt  }
0x65: {  	_ =	shalt  }
0x66: {  	_ =	shalt  }
0x67: {  	_ =	shalt  }
0x68: {  	_ =	shalt  }
0x69: {  	_ =	shalt  }
0x6a: {  	_ =	shalt  }
0x6b: {  	_ =	shalt  }
0x6c: {  	_ =	shalt  }
0x6d: {  	_ =	shalt  }
0x6e: {  	_ =	shalt  }
0x6f: {  	_ =	shalt  }
0x70: {  	_ =	shalt  }
0x71: {  	_ =	shalt  }
0x72: {  	_ =	shalt  }
0x73: {  	_ =	shalt  }
0x74: {  	_ =	shalt  }
0x75: {  	_ =	shalt  }
0x76: {  	_ =	shalt  }
0x77: {  	_ =	shalt  }
0x78: {  	_ =	shalt  }
0x79: {  	_ =	shalt  }
0x7a: {  	_ =	shalt  }
0x7b: {  	_ =	shalt  }
0x7c: {  	_ =	shalt  }
0x7d: {  	_ =	shalt  }
0x7e: {  	_ =	shalt  }
0x7f: {  	_ =	shalt  }
0x80: {  	_ =	shalt  }
0x81: {  	_ =	shalt  }
0x82: {  	_ =	shalt  }
0x83: {  	_ =	shalt  }
0x84: {  	_ =	shalt  }
0x85: {  	_ =	shalt  }
0x86: {  	_ =	shalt  }
0x87: {  	_ =	shalt  }
.Lfunc_end0:
.L_simem_size_0:
called_computation.2_lowered:
.L_overlay_start_0:
0x88: {  	s2 =	sld [smem:$0x3FD9]  }
0x89: {  	s3 =	sld [smem:$0x3FFE];
	_ =	sdelay $0x1  }
0x8a: {  	s1 =	srdreg.scid  }
0x8b: {  	s0 =	sand.u32 $0x1, s1  }
0x8c: {  	s16 =	sshll.u32 s0, $0xA;
	s2 =	sadd.s32 s3, s2  }
0x8d: {  	s2 =	sadd.s32 s2, s16  }
0x8e: {  	[smem:$0x3FB6] =	sst s2  }
0x8f: {  	_ = 	snop  }
0x90: {  	(tm) =	ssettm $0x1  }
0x91: {  	s17 =	sld [smem:$0x3FFB];
	_ =	sdelay $0x3  }
0x92: {  	_ =	strace s17  }
0x93: {  	s2 =	sld [smem:$0x3FFC];
	_ =	sdelay $0x3  }
0x94: {  	_ =	strace s2  }
0x95: {  	s2 =	sld [smem:$0x3FFD];
	_ =	sdelay $0x3  }
0x96: {  	_ =	strace s2  }
0x97: {  	_ =	strace $0x8FFFFFFF  }
0x98: {  	s18 =	sld [smem:$0x3FDB];
	_ =	sdelay $0x1  }
0x99: {  	s19 =	simm.s32 $_scs_section_size  }
0x9a: {  	s4 =	simm.s32 $_size__tile_overlayer_lowered;
	s5 =	simm.s32 $_tile_overlayer_lowered  }
0x9b: {  	s22 =	simm.s32 $0x1BFF;
	s21 =	sshll.u32 s5, $0x1;
	s2 =	sadd.s32 s19, s18  }
0x9c: {  	s6 =	simm.s32 $0x0;
	s20 =	sshll.u32 s4, $0x1;
	s4 =	sadd.s32 s21, s2  }
0x9d: {  	[timem:s6], [sflag:s22] =	dma.local [hbm:s4], s20  }
0x9e: {  	_ =	swait.ge [sflag:s22], s20  }
0x9f: {  	s3 =	ssub.s32 $0x0, s20;
	[sflag:s22] =	ssyncset.done $0x0  }
0xa0: {  	[sflag:s22] =	ssyncadd.s32 s3;
	_ =	sdelay $0x1  }
0xa1: {  	s23 =	simm.s32 $0x1B8B  }
0xa2: {  	_ =	swait.ge [sflag:s23], $0x1  }
0xa3: {  	[sflag:s23] =	ssyncset.done $0x0  }
0xa4: {  	s25 =	simm.s32 $0x1B8E;
	s24 =	sld [smem:$0x3FFE];
	[sflag:s23] =	ssyncadd.s32 $0xFFFFFFFF  }
0xa5: {  	s26 =	simm.s32 $execute0_lowered;
	[smem:$0x3FD2] =	sst s25  }
0xa6: {  	s4 =	sshll.u32 s26, $0x1;
	_ =	strace $0x8000004C;
	[dreg:$0x1] =	wrdreg $0xFFFFFFFF  }
0xa7: {  	s28 =	simm.s32 $_size_execute0_lowered;
	s2 =	sadd.s32 s2, s4;
	[dreg:$0x0] =	wrdreg $0x0  }
0xa8: {  	s4 =	sshll.u32 s28, $0x1;
	[dreg:$0x2] =	wrdreg s2  }
0xa9: {  	[dreg:$0x3] =	wrdreg s4  }
0xaa: {  	[dreg:$0x4] =	wrdreg $0xC0  }
0xab: {  	_ =	task [dreg:s6], $0x5FFFF  }
0xac: {  	[dreg:$0x1] =	wrdreg $0xFFFFFFFF  }
0xad: {  	[dreg:$0x0] =	wrdreg $0x60  }
0xae: {  	[dreg:$0x2] =	wrdreg s24  }
0xaf: {  	[dreg:$0x3] =	wrdreg $0x9  }
0xb0: {  	_ =	task.clear_ibuf [dreg:s6], $0x4FFFF;
	_ =	strace $0x9000004C  }
0xb1: {  	s29 =	simm.s32 $0x9;
	_ =	strace $0x8000004E  }
0xb2: {  	_ =	swait.ge [sflag:s29], $0x1  }
0xb3: {  	[sflag:s29] =	ssyncadd.s32 $0xFFFFFFFF  }
0xb4: {  	_ =	strace $0x9000004E  }
0xb5: {  	_ =	sfence  }
0xb6: {  	s30 =	sld [smem:$0x0];
	_ =	sdelay $0x2  }
0xb7: {  	s31 =	sshll.u32 s1, $0xD;
	s1 =	sshrl.u32 s1, $0x2  }
0xb8: {  	s3 =	sand.u32 $0x4000, s31;
	s1 =	sadd.s32 s1, s30  }
0xb9: {  	s0 =	sor.u32 s3, s0;
	s1 =	sshll.u32 s1, $0x11  }
0xba: {  	s0 =	sor.u32 s1, s0  }
0xbb: {  	s0 =	sadd.s32 $0x8F2B, s0  }
0xbc: {  	[sflag:s0] =	ssyncadd.remote.s32 $0x1  }
0xbd: {  	_ =	sfence.sel $0xFFFF  }
0xbe: {  	[dreg:$0x0] =	wrdreg $0xFFFFFFFF;
	(pc) =	sbr.abs _section_cstart, $3  }
0xbf: {  	[dreg:$0x1] =	wrdreg $0xFFFFFFFF  }
0xc0: {  	_ =	task.clear_ibuf [dreg:s6], $0x2FFFF;
	_ =	strace $0x9FFFFFFF  }
0xc1: {  	(tm) =	ssettm $0x7FFFFFFF  }
tec
execute0_lowered:
.L_overlay_start_1:
0x0: {  	(tag) =	ssettag $0x1  }
0x1: {  	v0 =	vlaneseq.u32  }
0x2: {  	v3 =	vmul.u32 $0x8, v0;
	_ =	sdelay $0x1  }
0x3: {  	s1 =	simm.s32 $0x0;
	v0 =	vor.u32 $0x100, v3  }
0x4: {  	[smem:$0x7FF] =	sst s1;
	[tilespmem:$0x1FE70] =	vst v0;
	v0 =	vor.u32 $0x180, v3  }
0x5: {  	s0 =	rddreg [dreg:$0x0];
	v2 =	vor.u32 $0x280, v3;
	_ =	strace $0x8000004D;
	[tilespmem:$0x1FE80] =	vst v0  }
0x6: {  	v4 =	vor.u32 $0x1, v3;
	[tilespmem:$0x1FEF0] =	vst v2  }
0x7: {  	v5 =	vor.u32 $0x2, v3;
	[tilespmem:$0x1FF90] =	vst v4  }
0x8: {  	v6 =	vor.u32 $0x3, v3;
	[tilespmem:$0x1FFA0] =	vst v5  }
0x9: {  	v7 =	vor.u32 $0x4, v3;
	[tilespmem:$0x1FFB0] =	vst v6  }
0xa: {  	v8 =	vor.u32 $0x5, v3;
	v9 =	vor.u32 $0x6, v3;
	[tilespmem:$0x1FFC0] =	vst v7  }
0xb: {  	v10 =	vor.u32 $0x7, v3;
	v19 =	vor.u32 $0x80, v3;
	v20 =	vor.u32 $0x81, v3;
	[tilespmem:$0x1FFD0] =	vst v8  }
0xc: {  	v21 =	vor.u32 $0x82, v3;
	v22 =	vor.u32 $0x83, v3;
	v23 =	vor.u32 $0x84, v3;
	[tilespmem:$0x1FFE0] =	vst v9  }
0xd: {  	v24 =	vor.u32 $0x85, v3;
	v25 =	vor.u32 $0x86, v3;
	v0 =	vor.u32 $0x181, v3;
	[tilespmem:$0x1FFF0] =	vst v10  }
0xe: {  	s2 =	srdreg.scid;
	s8 =	stileid.u32;
	s15 =	simm.s32 $0x3;
	v26 =	vor.u32 $0x87, v3;
	v28 =	vor.u32 $0x101, v3;
	v2 =	vor.u32 $0x306, v3;
	[tilespmem:$0x1FE90] =	vst v0  }
0xf: {  	s16 =	simm.s32 $0x80;
	s17 =	simm.s32 $0x3200;
	s18 =	simm.s32 $0x3600;
	v29 =	vor.u32 $0x102, v3;
	v30 =	vor.u32 $0x103, v3;
	v0 =	vor.u32 $0x182, v3;
	[tilespmem:$0x1FF00] =	vst v2  }
0x10: {  	s19 =	simm.s32 $0x1;
	s20 =	simm.s32 $0x3A00;
	s21 =	simm.s32 $0x6200;
	v31 =	vor.u32 $0x104, v3;
	v32 =	vor.u32 $0x105, v3;
	v2 =	vor.u32 $0x307, v3;
	[tilespmem:$0x1FEA0] =	vst v0  }
0x11: {  	s28 =	simm.s32 $0x15200;
	s2 =	sand.u32 $0x1, s2;
	s6 =	smul.u32 $0x14000, s8;
	v33 =	vor.u32 $0x106, v3;
	v34 =	vor.u32 $0x107, v3;
	v0 =	vor.u32 $0x200, v3;
	[tilespmem:$0x1FF10] =	vst v2  }
0x12: {  	s29 =	simm.s32 $0x2;
	s3 =	sadd.s32 $0x7400, s0;
	s5 =	smul.u32 $0x140000, s2;
	v38 =	vor.u32 $0x183, v3;
	v39 =	vor.u32 $0x184, v3;
	v2 =	vor.u32 $0x380, v3;
	[tilespmem:$0x1FEB0] =	vst v0  }
0x13: {  	s30 =	simm.s32 $0x0;
	s31 =	simm.s32 $0x0;
	s4 =	sadd.s32 $0x153A00, s0;
	v40 =	vor.u32 $0x185, v3;
	v41 =	vor.u32 $0x186, v3;
	v0 =	vor.u32 $0x201, v3;
	[tilespmem:$0x1FF20] =	vst v2  }
0x14: {  	s22 =	ssub.s32 $0x2, s2;
	s2 =	sshll.u32 s2, $0x4;
	v42 =	vor.u32 $0x187, v3;
	v47 =	vor.u32 $0x204, v3;
	s5 =	sadd.s32 s6, s5;
	v2 =	vor.u32 $0x381, v3;
	[tilespmem:$0x1FEC0] =	vst v0  }
0x15: {  	s7 =	sshrl.u32 s22, $0x1;
	s2 =	sor.u32 s8, s2;
	v48 =	vor.u32 $0x205, v3;
	v49 =	vor.u32 $0x206, v3;
	s5 =	sshrl.u32 s5, $0x3;
	v0 =	vor.u32 $0x202, v3;
	[tilespmem:$0x1FF30] =	vst v2  }
0x16: {  	v50 =	vor.u32 $0x207, v3;
	v51 =	vor.u32 $0x281, v3;
	s6 =	ssub.s32 s22, s7;
	s22 =	simm.s32 $0x8A00;
	s0 =	sadd.s32 s5, s0;
	v2 =	vor.u32 $0x382, v3;
	[tilespmem:$0x1FED0] =	vst v0  }
0x17: {  	v52 =	vor.u32 $0x282, v3;
	v53 =	vor.u32 $0x283, v3;
	s14 =	smax.u32 s6, $0x1;
	s5 =	smul.u32 $0x4E200, s2;
	s23 =	sadd.s32 $0x55800, s0;
	v0 =	vor.u32 $0x203, v3;
	[tilespmem:$0x1FF40] =	vst v2  }
0x18: {  	v54 =	vor.u32 $0x284, v3;
	v55 =	vor.u32 $0x285, v3;
	s24 =	sadd.s32 $0x55D00, s0;
	s25 =	sadd.s32 $0x56200, s0;
	[dreg:$0x2] =	wrdreg s23;
	v2 =	vor.u32 $0x383, v3;
	[tilespmem:$0x1FEE0] =	vst v0  }
0x19: {  	v56 =	vor.u32 $0x286, v3;
	v57 =	vor.u32 $0x287, v3;
	s26 =	sadd.s32 $0x56700, s0;
	s10 =	sadd.s32 $0x56C00, s0;
	[dreg:$0x3] =	wrdreg s24;
	[tilespmem:$0x1FF50] =	vst v2;
	v2 =	vor.u32 $0x384, v3  }
0x1a: {  	v58 =	vor.u32 $0x300, v3;
	v59 =	vor.u32 $0x301, v3;
	s11 =	sadd.s32 $0x57100, s0;
	s12 =	sadd.s32 $0x57600, s0;
	[dreg:$0x4] =	wrdreg s25;
	[tilespmem:$0x1FF60] =	vst v2;
	v2 =	vor.u32 $0x385, v3  }
0x1b: {  	v60 =	vor.u32 $0x302, v3;
	v61 =	vor.u32 $0x303, v3;
	s13 =	sadd.s32 $0x57B00, s0;
	[dreg:$0x5] =	wrdreg s26;
	s23 =	simm.s32 $0xB200;
	[tilespmem:$0x1FF70] =	vst v2;
	v2 =	vor.u32 $0x386, v3  }
0x1c: {  	v1 =	vimm.f32 $0.0e+00;
	v62 =	vor.u32 $0x304, v3;
	v63 =	vor.u32 $0x305, v3;
	v13 =	vmovc v3;
	s24 =	simm.s32 $0xDA00;
	s25 =	simm.s32 $0x10200;
	s26 =	simm.s32 $0x12A00;
	[tilespmem:$0x1FF80] =	vst v2  }
.LBB2_1:
0x1d: {  	s0 =	simm.s32 $0x0;
	s2 =	simm.s32 $0x40  }
.LBB2_2:
0x1e: {  	p0 =	sne.s32 s2, $0x9FC0;
	[tilespmem:s0+$0x15200] =	vst v1  }
0x1f: {  	[tilespmem:s0+$0x3A00] =	vst v1  }
0x20: {  	[tilespmem:s0+$0x6200] =	vst v1  }
.Ltmp0:
0x21: {  	[tilespmem:s0+$0x8A00] =	vst v1;
	(pc) =	sbr.rel @p0 .LBB2_2-.Ltmp0, $4  }
0x22: {  	[tilespmem:s0+$0xB200] =	vst v1  }
0x23: {  	[tilespmem:s0+$0xDA00] =	vst v1  }
0x24: {  	[tilespmem:s0+$0x10200] =	vst v1  }
0x25: {  	[tilespmem:s0+$0x12A00] =	vst v1;
	s0 =	sshra.s32 s2, $0x2;
	s2 =	sadd.s32 $0x40, s2  }
0x26: {  	[tilespmem:s0+$0x15200] =	vst v1  }
0x27: {  	[tilespmem:s0+$0x3A00] =	vst v1  }
0x28: {  	[tilespmem:s0+$0x6200] =	vst v1  }
0x29: {  	[tilespmem:s0+$0x8A00] =	vst v1  }
0x2a: {  	[tilespmem:s0+$0xB200] =	vst v1  }
0x2b: {  	[tilespmem:s0+$0xDA00] =	vst v1  }
0x2c: {  	[tilespmem:s0+$0x10200] =	vst v1  }
0x2d: {  	[tilespmem:s0+$0x12A00] =	vst v1;
	s0 =	simm.s32 $0x0;
	v1 =	vld [tilespmem:$0x1FF20]  }
.LBB2_4:
0x2e: {  	s2 =	smul.u32 $0x3200, s0;
	_ =	sdelay $0x1  }
0x2f: {  	s2 =	sadd.s32 s5, s2  }
0x30: {  	s2 =	sshrl.u32 s2, $0x3  }
0x31: {  	s2 =	sadd.s32 s4, s2  }
0x32: {  	[tilespmem:s31], [sflag:$0x3] =	stream.linear.gather [hbm4b:s2+s31], $0x3200, $0x38;
	[tilespmem:$0x17A00] =	vst v63  }
0x33: {  	_ =	swait.ge [sflag:s15], $0x3200  }
0x34: {  	[sflag:s15] =	ssyncset.done $0x0  }
0x35: {  	s2 =	simm.s32 $0x0;
	[sflag:s15] =	ssyncadd.s32 $0xFFFFCE00  }
0x36: {  	[tilespmem:s17], [sflag:$0x1] =	stream.indirect.gather [hbm4b:s3+s16], $0x8, s31, s16, $0xb8;
	[tilespmem:$0x17A00] =	vst v63  }
.LBB2_5:
0x37: {  	s6 =	sshra.s32 s2, $0x2  }
0x38: {  	s7 =	sadd.s32 $0x100, s6  }
0x39: {  	[tilespmem:s18], [sflag:$0x2] =	stream.indirect.gather [hbm4b:s3+s16], $0x8, s7, s16, $0xb8;
	[tilespmem:$0x17A00] =	vst v63  }
0x3a: {  	_ =	swait.ge [sflag:s19], $0x400  }
0x3b: {  	v4 =	vld [tilespmem:$0x1FF90]  }
0x3c: {  	v5 =	vld [tilespmem:$0x1FFA0]  }
0x3d: {  	v6 =	vld [tilespmem:$0x1FFB0]  }
0x3e: {  	v7 =	vld [tilespmem:$0x1FFC0]  }
0x3f: {  	v8 =	vld [tilespmem:$0x1FFD0]  }
0x40: {  	v9 =	vld [tilespmem:$0x1FFE0]  }
0x41: {  	v10 =	vld [tilespmem:$0x1FFF0]  }
0x42: {  	v27 =	vld [tilespmem:$0x1FE70]  }
0x43: {  	v35 =	vld [tilespmem:$0x1FE80]  }
0x44: {  	v36 =	vld [tilespmem:$0x1FE90]  }
0x45: {  	v37 =	vld [tilespmem:$0x1FEA0]  }
0x46: {  	v43 =	vld [tilespmem:$0x1FEB0]  }
0x47: {  	v44 =	vld [tilespmem:$0x1FEC0]  }
0x48: {  	v45 =	vld [tilespmem:$0x1FED0]  }
0x49: {  	v46 =	vld [tilespmem:$0x1FEE0]  }
0x4a: {  	v11 =	vld [tilespmem:$0x1FEF0]  }
0x4b: {  	v0 =	vld [tilespmem:$0x1FF00]  }
0x4c: {  	v12 =	vld [tilespmem:$0x1FF10]  }
0x4d: {  	v18 =	vld [tilespmem:$0x1FF40]  }
0x4e: {  	[sflag:s19] =	ssyncset.done $0x0;
	v17 =	vld [tilespmem:$0x1FF50]  }
0x4f: {  	v16 =	vld [tilespmem:$0x1FF60];
	[sflag:s19] =	ssyncadd.s32 $0xFFFFFC00  }
0x50: {  	v2 =	vld [tilespmem:s6+$0x80]  }
0x51: {  	v3 =	vld.idx.msk [tilespmem:v13+s17+$0x0], $0xffff  }
0x52: {  	v4 =	vld.idx.msk [tilespmem:v4+s17+$0x0], $0xffff  }
0x53: {  	v5 =	vld.idx.msk [tilespmem:v5+s17+$0x0], $0xffff  }
0x54: {  	v6 =	vld.idx.msk [tilespmem:v6+s17+$0x0], $0xffff  }
0x55: {  	v7 =	vld.idx.msk [tilespmem:v7+s17+$0x0], $0xffff  }
0x56: {  	v8 =	vld.idx.msk [tilespmem:v8+s17+$0x0], $0xffff  }
0x57: {  	v9 =	vld.idx.msk [tilespmem:v9+s17+$0x0], $0xffff  }
0x58: {  	v10 =	vld.idx.msk [tilespmem:v10+s17+$0x0], $0xffff  }
0x59: {  	[tilespmem:v2+s20+$0x0] =	vst.idx.add.f32.msk $0xffff, v3  }
0x5a: {  	[tilespmem:v2+s21+$0x0] =	vst.idx.add.f32.msk $0xffff, v4  }
0x5b: {  	[tilespmem:v2+s22+$0x0] =	vst.idx.add.f32.msk $0xffff, v5  }
0x5c: {  	[tilespmem:v2+s23+$0x0] =	vst.idx.add.f32.msk $0xffff, v6  }
0x5d: {  	[tilespmem:v2+s24+$0x0] =	vst.idx.add.f32.msk $0xffff, v7  }
0x5e: {  	[tilespmem:v2+s25+$0x0] =	vst.idx.add.f32.msk $0xffff, v8  }
0x5f: {  	[tilespmem:v2+s26+$0x0] =	vst.idx.add.f32.msk $0xffff, v9  }
0x60: {  	[tilespmem:v2+s28+$0x0] =	vst.idx.add.f32.msk $0xffff, v10  }
0x61: {  	v2 =	vld [tilespmem:s6+$0x90]  }
0x62: {  	v3 =	vld.idx.msk [tilespmem:v19+s17+$0x0], $0xffff  }
0x63: {  	v4 =	vld.idx.msk [tilespmem:v20+s17+$0x0], $0xffff  }
0x64: {  	v5 =	vld.idx.msk [tilespmem:v21+s17+$0x0], $0xffff  }
0x65: {  	v6 =	vld.idx.msk [tilespmem:v22+s17+$0x0], $0xffff  }
0x66: {  	v7 =	vld.idx.msk [tilespmem:v23+s17+$0x0], $0xffff  }
0x67: {  	v8 =	vld.idx.msk [tilespmem:v24+s17+$0x0], $0xffff  }
0x68: {  	v9 =	vld.idx.msk [tilespmem:v25+s17+$0x0], $0xffff  }
0x69: {  	v10 =	vld.idx.msk [tilespmem:v26+s17+$0x0], $0xffff  }
0x6a: {  	[tilespmem:v2+s20+$0x0] =	vst.idx.add.f32.msk $0xffff, v3  }
0x6b: {  	[tilespmem:v2+s21+$0x0] =	vst.idx.add.f32.msk $0xffff, v4  }
0x6c: {  	[tilespmem:v2+s22+$0x0] =	vst.idx.add.f32.msk $0xffff, v5  }
0x6d: {  	[tilespmem:v2+s23+$0x0] =	vst.idx.add.f32.msk $0xffff, v6  }
0x6e: {  	[tilespmem:v2+s24+$0x0] =	vst.idx.add.f32.msk $0xffff, v7  }
0x6f: {  	[tilespmem:v2+s25+$0x0] =	vst.idx.add.f32.msk $0xffff, v8  }
0x70: {  	[tilespmem:v2+s26+$0x0] =	vst.idx.add.f32.msk $0xffff, v9  }
0x71: {  	[tilespmem:v2+s28+$0x0] =	vst.idx.add.f32.msk $0xffff, v10  }
0x72: {  	v2 =	vld [tilespmem:s6+$0xA0]  }
0x73: {  	v3 =	vld.idx.msk [tilespmem:v27+s17+$0x0], $0xffff  }
0x74: {  	v4 =	vld.idx.msk [tilespmem:v28+s17+$0x0], $0xffff  }
0x75: {  	v5 =	vld.idx.msk [tilespmem:v29+s17+$0x0], $0xffff  }
0x76: {  	v6 =	vld.idx.msk [tilespmem:v30+s17+$0x0], $0xffff  }
0x77: {  	v7 =	vld.idx.msk [tilespmem:v31+s17+$0x0], $0xffff  }
0x78: {  	v8 =	vld.idx.msk [tilespmem:v32+s17+$0x0], $0xffff  }
0x79: {  	v9 =	vld.idx.msk [tilespmem:v33+s17+$0x0], $0xffff  }
0x7a: {  	v10 =	vld.idx.msk [tilespmem:v34+s17+$0x0], $0xffff  }
0x7b: {  	[tilespmem:v2+s20+$0x0] =	vst.idx.add.f32.msk $0xffff, v3  }
0x7c: {  	[tilespmem:v2+s21+$0x0] =	vst.idx.add.f32.msk $0xffff, v4  }
0x7d: {  	[tilespmem:v2+s22+$0x0] =	vst.idx.add.f32.msk $0xffff, v5  }
0x7e: {  	[tilespmem:v2+s23+$0x0] =	vst.idx.add.f32.msk $0xffff, v6  }
0x7f: {  	[tilespmem:v2+s24+$0x0] =	vst.idx.add.f32.msk $0xffff, v7  }
0x80: {  	[tilespmem:v2+s25+$0x0] =	vst.idx.add.f32.msk $0xffff, v8  }
0x81: {  	[tilespmem:v2+s26+$0x0] =	vst.idx.add.f32.msk $0xffff, v9  }
0x82: {  	[tilespmem:v2+s28+$0x0] =	vst.idx.add.f32.msk $0xffff, v10  }
0x83: {  	v2 =	vld [tilespmem:s6+$0xB0]  }
0x84: {  	v3 =	vld.idx.msk [tilespmem:v35+s17+$0x0], $0xffff  }
0x85: {  	v4 =	vld.idx.msk [tilespmem:v36+s17+$0x0], $0xffff  }
0x86: {  	v5 =	vld.idx.msk [tilespmem:v37+s17+$0x0], $0xffff  }
0x87: {  	v6 =	vld.idx.msk [tilespmem:v38+s17+$0x0], $0xffff  }
0x88: {  	v7 =	vld.idx.msk [tilespmem:v39+s17+$0x0], $0xffff  }
0x89: {  	v8 =	vld.idx.msk [tilespmem:v40+s17+$0x0], $0xffff  }
0x8a: {  	v9 =	vld.idx.msk [tilespmem:v41+s17+$0x0], $0xffff  }
0x8b: {  	v10 =	vld.idx.msk [tilespmem:v42+s17+$0x0], $0xffff  }
0x8c: {  	[tilespmem:v2+s20+$0x0] =	vst.idx.add.f32.msk $0xffff, v3  }
0x8d: {  	[tilespmem:v2+s21+$0x0] =	vst.idx.add.f32.msk $0xffff, v4  }
0x8e: {  	[tilespmem:v2+s22+$0x0] =	vst.idx.add.f32.msk $0xffff, v5  }
0x8f: {  	[tilespmem:v2+s23+$0x0] =	vst.idx.add.f32.msk $0xffff, v6  }
0x90: {  	[tilespmem:v2+s24+$0x0] =	vst.idx.add.f32.msk $0xffff, v7  }
0x91: {  	[tilespmem:v2+s25+$0x0] =	vst.idx.add.f32.msk $0xffff, v8  }
0x92: {  	[tilespmem:v2+s26+$0x0] =	vst.idx.add.f32.msk $0xffff, v9  }
0x93: {  	[tilespmem:v2+s28+$0x0] =	vst.idx.add.f32.msk $0xffff, v10  }
0x94: {  	v2 =	vld [tilespmem:s6+$0xC0]  }
0x95: {  	v3 =	vld.idx.msk [tilespmem:v43+s17+$0x0], $0xffff  }
0x96: {  	v4 =	vld.idx.msk [tilespmem:v44+s17+$0x0], $0xffff  }
0x97: {  	v5 =	vld.idx.msk [tilespmem:v45+s17+$0x0], $0xffff  }
0x98: {  	v6 =	vld.idx.msk [tilespmem:v46+s17+$0x0], $0xffff  }
0x99: {  	v7 =	vld.idx.msk [tilespmem:v47+s17+$0x0], $0xffff  }
0x9a: {  	v8 =	vld.idx.msk [tilespmem:v48+s17+$0x0], $0xffff  }
0x9b: {  	v9 =	vld.idx.msk [tilespmem:v49+s17+$0x0], $0xffff  }
0x9c: {  	v10 =	vld.idx.msk [tilespmem:v50+s17+$0x0], $0xffff  }
0x9d: {  	[tilespmem:v2+s20+$0x0] =	vst.idx.add.f32.msk $0xffff, v3  }
0x9e: {  	[tilespmem:v2+s21+$0x0] =	vst.idx.add.f32.msk $0xffff, v4  }
0x9f: {  	[tilespmem:v2+s22+$0x0] =	vst.idx.add.f32.msk $0xffff, v5  }
0xa0: {  	[tilespmem:v2+s23+$0x0] =	vst.idx.add.f32.msk $0xffff, v6  }
0xa1: {  	[tilespmem:v2+s24+$0x0] =	vst.idx.add.f32.msk $0xffff, v7  }
0xa2: {  	[tilespmem:v2+s25+$0x0] =	vst.idx.add.f32.msk $0xffff, v8  }
0xa3: {  	[tilespmem:v2+s26+$0x0] =	vst.idx.add.f32.msk $0xffff, v9  }
0xa4: {  	[tilespmem:v2+s28+$0x0] =	vst.idx.add.f32.msk $0xffff, v10  }
0xa5: {  	v2 =	vld [tilespmem:s6+$0xD0]  }
0xa6: {  	v3 =	vld.idx.msk [tilespmem:v11+s17+$0x0], $0xffff  }
0xa7: {  	v4 =	vld.idx.msk [tilespmem:v51+s17+$0x0], $0xffff  }
0xa8: {  	v5 =	vld.idx.msk [tilespmem:v52+s17+$0x0], $0xffff  }
0xa9: {  	v6 =	vld.idx.msk [tilespmem:v53+s17+$0x0], $0xffff  }
0xaa: {  	v7 =	vld.idx.msk [tilespmem:v54+s17+$0x0], $0xffff  }
0xab: {  	v8 =	vld.idx.msk [tilespmem:v55+s17+$0x0], $0xffff  }
0xac: {  	v9 =	vld.idx.msk [tilespmem:v56+s17+$0x0], $0xffff  }
0xad: {  	v10 =	vld.idx.msk [tilespmem:v57+s17+$0x0], $0xffff  }
0xae: {  	[tilespmem:v2+s20+$0x0] =	vst.idx.add.f32.msk $0xffff, v3  }
0xaf: {  	[tilespmem:v2+s21+$0x0] =	vst.idx.add.f32.msk $0xffff, v4  }
0xb0: {  	[tilespmem:v2+s22+$0x0] =	vst.idx.add.f32.msk $0xffff, v5  }
0xb1: {  	[tilespmem:v2+s23+$0x0] =	vst.idx.add.f32.msk $0xffff, v6  }
0xb2: {  	[tilespmem:v2+s24+$0x0] =	vst.idx.add.f32.msk $0xffff, v7  }
0xb3: {  	[tilespmem:v2+s25+$0x0] =	vst.idx.add.f32.msk $0xffff, v8  }
0xb4: {  	[tilespmem:v2+s26+$0x0] =	vst.idx.add.f32.msk $0xffff, v9  }
0xb5: {  	[tilespmem:v2+s28+$0x0] =	vst.idx.add.f32.msk $0xffff, v10  }
0xb6: {  	v2 =	vld [tilespmem:s6+$0xE0]  }
0xb7: {  	v3 =	vld.idx.msk [tilespmem:v58+s17+$0x0], $0xffff  }
0xb8: {  	v4 =	vld.idx.msk [tilespmem:v59+s17+$0x0], $0xffff  }
0xb9: {  	v5 =	vld.idx.msk [tilespmem:v60+s17+$0x0], $0xffff  }
0xba: {  	v6 =	vld.idx.msk [tilespmem:v61+s17+$0x0], $0xffff  }
0xbb: {  	v7 =	vld.idx.msk [tilespmem:v62+s17+$0x0], $0xffff  }
0xbc: {  	v8 =	vld.idx.msk [tilespmem:v63+s17+$0x0], $0xffff  }
0xbd: {  	v9 =	vld.idx.msk [tilespmem:v0+s17+$0x0], $0xffff  }
0xbe: {  	v10 =	vld.idx.msk [tilespmem:v12+s17+$0x0], $0xffff  }
0xbf: {  	[tilespmem:v2+s20+$0x0] =	vst.idx.add.f32.msk $0xffff, v3  }
0xc0: {  	[tilespmem:v2+s21+$0x0] =	vst.idx.add.f32.msk $0xffff, v4  }
0xc1: {  	[tilespmem:v2+s22+$0x0] =	vst.idx.add.f32.msk $0xffff, v5  }
0xc2: {  	[tilespmem:v2+s23+$0x0] =	vst.idx.add.f32.msk $0xffff, v6  }
0xc3: {  	[tilespmem:v2+s24+$0x0] =	vst.idx.add.f32.msk $0xffff, v7  }
0xc4: {  	[tilespmem:v2+s25+$0x0] =	vst.idx.add.f32.msk $0xffff, v8  }
0xc5: {  	[tilespmem:v2+s26+$0x0] =	vst.idx.add.f32.msk $0xffff, v9  }
0xc6: {  	[tilespmem:v2+s28+$0x0] =	vst.idx.add.f32.msk $0xffff, v10  }
0xc7: {  	v4 =	vld.idx.msk [tilespmem:v1+s17+$0x0], $0xffff  }
0xc8: {  	v1 =	vld [tilespmem:$0x1FF30]  }
0xc9: {  	v15 =	vld [tilespmem:$0x1FF70]  }
0xca: {  	v14 =	vld [tilespmem:$0x1FF80];
	_ =	sdelay $0x1  }
0xcb: {  	v3 =	vld [tilespmem:s6+$0xF0]  }
0xcc: {  	v6 =	vld.idx.msk [tilespmem:v18+s17+$0x0], $0xffff  }
0xcd: {  	v2 =	vor.u32 $0x387, v13;
	v7 =	vld.idx.msk [tilespmem:v17+s17+$0x0], $0xffff  }
0xce: {  	v8 =	vld.idx.msk [tilespmem:v16+s17+$0x0], $0xffff  }
0xcf: {  	v5 =	vld.idx.msk [tilespmem:v1+s17+$0x0], $0xffff  }
0xd0: {  	v9 =	vld.idx.msk [tilespmem:v15+s17+$0x0], $0xffff;
	v1 =	vmovc v63;
	v63 =	vmov v62;
	v62 =	vmov v61;
	v61 =	vmov v60  }
0xd1: {  	v10 =	vld.idx.msk [tilespmem:v14+s17+$0x0], $0xffff;
	v60 =	vmovc v59;
	v59 =	vmovc v58;
	v58 =	vmov v57;
	v57 =	vmov v56;
	v56 =	vmov v55  }
0xd2: {  	v55 =	vmovc v54;
	v54 =	vmovc v53;
	v53 =	vmov v52;
	v52 =	vmov v51;
	v51 =	vmov v11;
	v11 =	vld.idx.msk [tilespmem:v2+s17+$0x0], $0xffff  }
0xd3: {  	[tilespmem:v3+s20+$0x0] =	vst.idx.add.f32.msk $0xffff, v4  }
0xd4: {  	[tilespmem:v3+s21+$0x0] =	vst.idx.add.f32.msk $0xffff, v5  }
0xd5: {  	[tilespmem:v3+s22+$0x0] =	vst.idx.add.f32.msk $0xffff, v6  }
0xd6: {  	[tilespmem:v3+s23+$0x0] =	vst.idx.add.f32.msk $0xffff, v7  }
0xd7: {  	[tilespmem:v3+s24+$0x0] =	vst.idx.add.f32.msk $0xffff, v8  }
0xd8: {  	p0 =	seq.s32 s2, $0xC000;
	[tilespmem:v3+s25+$0x0] =	vst.idx.add.f32.msk $0xffff, v9  }
0xd9: {  	s7 =	sshra.s32 @!p0 s2, $0x2;
	[tilespmem:v3+s26+$0x0] =	vst.idx.add.f32.msk $0xffff, v10  }
0xda: {  	s8 =	simm.s32 @!p0 $0x80;
	s9 =	simm.s32 @!p0 $0x3200;
	s7 =	sadd.s32 @!p0 $0x200, s7;
	[tilespmem:v3+s28+$0x0] =	vst.idx.add.f32.msk $0xffff, v11  }
0xdb: {  	[tilespmem:s9], [sflag:$0x1] =	stream.indirect.gather @!p0 [hbm4b:s3+s8], $0x8, s7, s8, $0xb8;
	[tilespmem:$0x17A00] =	vst v63  }
0xdc: {  	_ =	swait.ge [sflag:s29], $0x400  }
0xdd: {  	v9 =	vld [tilespmem:$0x1FF90]  }
0xde: {  	v10 =	vld [tilespmem:$0x1FFA0]  }
0xdf: {  	v11 =	vld [tilespmem:$0x1FFB0];
	_ =	sdelay $0x3  }
0xe0: {  	[sflag:s29] =	ssyncset.done $0x0  }
0xe1: {  	v8 =	vld [tilespmem:$0x1FFC0];
	[sflag:s29] =	ssyncadd.s32 $0xFFFFFC00  }
0xe2: {  	v5 =	vld.idx.msk [tilespmem:v9+s18+$0x0], $0xffff  }
0xe3: {  	v6 =	vld.idx.msk [tilespmem:v10+s18+$0x0], $0xffff  }
0xe4: {  	v7 =	vld.idx.msk [tilespmem:v11+s18+$0x0], $0xffff  }
0xe5: {  	v9 =	vld [tilespmem:$0x1FFD0]  }
0xe6: {  	v10 =	vld [tilespmem:$0x1FFE0]  }
0xe7: {  	v11 =	vld [tilespmem:$0x1FFF0]  }
0xe8: {  	v3 =	vld [tilespmem:s6+$0x180];
	_ =	sdelay $0x2  }
0xe9: {  	v4 =	vld.idx.msk [tilespmem:v13+s18+$0x0], $0xffff  }
0xea: {  	v8 =	vld.idx.msk [tilespmem:v8+s18+$0x0], $0xffff  }
0xeb: {  	v9 =	vld.idx.msk [tilespmem:v9+s18+$0x0], $0xffff  }
0xec: {  	v10 =	vld.idx.msk [tilespmem:v10+s18+$0x0], $0xffff  }
0xed: {  	v11 =	vld.idx.msk [tilespmem:v11+s18+$0x0], $0xffff  }
0xee: {  	[tilespmem:v3+s20+$0x0] =	vst.idx.add.f32.msk $0xffff, v4  }
0xef: {  	[tilespmem:v3+s21+$0x0] =	vst.idx.add.f32.msk $0xffff, v5  }
0xf0: {  	[tilespmem:v3+s22+$0x0] =	vst.idx.add.f32.msk $0xffff, v6  }
0xf1: {  	[tilespmem:v3+s23+$0x0] =	vst.idx.add.f32.msk $0xffff, v7  }
0xf2: {  	[tilespmem:v3+s24+$0x0] =	vst.idx.add.f32.msk $0xffff, v8  }
0xf3: {  	[tilespmem:v3+s25+$0x0] =	vst.idx.add.f32.msk $0xffff, v9  }
0xf4: {  	[tilespmem:v3+s26+$0x0] =	vst.idx.add.f32.msk $0xffff, v10  }
0xf5: {  	[tilespmem:v3+s28+$0x0] =	vst.idx.add.f32.msk $0xffff, v11  }
0xf6: {  	v3 =	vld [tilespmem:s6+$0x190]  }
0xf7: {  	v4 =	vld.idx.msk [tilespmem:v19+s18+$0x0], $0xffff  }
0xf8: {  	v5 =	vld.idx.msk [tilespmem:v20+s18+$0x0], $0xffff  }
0xf9: {  	v6 =	vld.idx.msk [tilespmem:v21+s18+$0x0], $0xffff  }
0xfa: {  	v7 =	vld.idx.msk [tilespmem:v22+s18+$0x0], $0xffff  }
0xfb: {  	v8 =	vld.idx.msk [tilespmem:v23+s18+$0x0], $0xffff  }
0xfc: {  	v9 =	vld.idx.msk [tilespmem:v24+s18+$0x0], $0xffff  }
0xfd: {  	v10 =	vld.idx.msk [tilespmem:v25+s18+$0x0], $0xffff  }
0xfe: {  	v11 =	vld.idx.msk [tilespmem:v26+s18+$0x0], $0xffff  }
0xff: {  	[tilespmem:v3+s20+$0x0] =	vst.idx.add.f32.msk $0xffff, v4  }
0x100: {  	[tilespmem:v3+s21+$0x0] =	vst.idx.add.f32.msk $0xffff, v5  }
0x101: {  	[tilespmem:v3+s22+$0x0] =	vst.idx.add.f32.msk $0xffff, v6  }
0x102: {  	[tilespmem:v3+s23+$0x0] =	vst.idx.add.f32.msk $0xffff, v7  }
0x103: {  	[tilespmem:v3+s24+$0x0] =	vst.idx.add.f32.msk $0xffff, v8  }
0x104: {  	[tilespmem:v3+s25+$0x0] =	vst.idx.add.f32.msk $0xffff, v9  }
0x105: {  	[tilespmem:v3+s26+$0x0] =	vst.idx.add.f32.msk $0xffff, v10  }
0x106: {  	[tilespmem:v3+s28+$0x0] =	vst.idx.add.f32.msk $0xffff, v11  }
0x107: {  	v3 =	vld [tilespmem:s6+$0x1A0]  }
0x108: {  	v4 =	vld.idx.msk [tilespmem:v27+s18+$0x0], $0xffff  }
0x109: {  	v5 =	vld.idx.msk [tilespmem:v28+s18+$0x0], $0xffff  }
0x10a: {  	v6 =	vld.idx.msk [tilespmem:v29+s18+$0x0], $0xffff  }
0x10b: {  	v7 =	vld.idx.msk [tilespmem:v30+s18+$0x0], $0xffff  }
0x10c: {  	v8 =	vld.idx.msk [tilespmem:v31+s18+$0x0], $0xffff  }
0x10d: {  	v9 =	vld.idx.msk [tilespmem:v32+s18+$0x0], $0xffff  }
0x10e: {  	v10 =	vld.idx.msk [tilespmem:v33+s18+$0x0], $0xffff  }
0x10f: {  	v11 =	vld.idx.msk [tilespmem:v34+s18+$0x0], $0xffff  }
0x110: {  	[tilespmem:v3+s20+$0x0] =	vst.idx.add.f32.msk $0xffff, v4  }
0x111: {  	[tilespmem:v3+s21+$0x0] =	vst.idx.add.f32.msk $0xffff, v5  }
0x112: {  	[tilespmem:v3+s22+$0x0] =	vst.idx.add.f32.msk $0xffff, v6  }
0x113: {  	[tilespmem:v3+s23+$0x0] =	vst.idx.add.f32.msk $0xffff, v7  }
0x114: {  	[tilespmem:v3+s24+$0x0] =	vst.idx.add.f32.msk $0xffff, v8  }
0x115: {  	[tilespmem:v3+s25+$0x0] =	vst.idx.add.f32.msk $0xffff, v9  }
0x116: {  	[tilespmem:v3+s26+$0x0] =	vst.idx.add.f32.msk $0xffff, v10  }
0x117: {  	[tilespmem:v3+s28+$0x0] =	vst.idx.add.f32.msk $0xffff, v11  }
0x118: {  	v3 =	vld [tilespmem:s6+$0x1B0]  }
0x119: {  	v4 =	vld.idx.msk [tilespmem:v35+s18+$0x0], $0xffff  }
0x11a: {  	v5 =	vld.idx.msk [tilespmem:v36+s18+$0x0], $0xffff  }
0x11b: {  	v6 =	vld.idx.msk [tilespmem:v37+s18+$0x0], $0xffff  }
0x11c: {  	v7 =	vld.idx.msk [tilespmem:v38+s18+$0x0], $0xffff  }
0x11d: {  	v8 =	vld.idx.msk [tilespmem:v39+s18+$0x0], $0xffff  }
0x11e: {  	v9 =	vld.idx.msk [tilespmem:v40+s18+$0x0], $0xffff  }
0x11f: {  	v10 =	vld.idx.msk [tilespmem:v41+s18+$0x0], $0xffff  }
0x120: {  	v11 =	vld.idx.msk [tilespmem:v42+s18+$0x0], $0xffff  }
0x121: {  	[tilespmem:v3+s20+$0x0] =	vst.idx.add.f32.msk $0xffff, v4  }
0x122: {  	[tilespmem:v3+s21+$0x0] =	vst.idx.add.f32.msk $0xffff, v5  }
0x123: {  	[tilespmem:v3+s22+$0x0] =	vst.idx.add.f32.msk $0xffff, v6  }
0x124: {  	[tilespmem:v3+s23+$0x0] =	vst.idx.add.f32.msk $0xffff, v7  }
0x125: {  	[tilespmem:v3+s24+$0x0] =	vst.idx.add.f32.msk $0xffff, v8  }
0x126: {  	[tilespmem:v3+s25+$0x0] =	vst.idx.add.f32.msk $0xffff, v9  }
0x127: {  	[tilespmem:v3+s26+$0x0] =	vst.idx.add.f32.msk $0xffff, v10  }
0x128: {  	[tilespmem:v3+s28+$0x0] =	vst.idx.add.f32.msk $0xffff, v11  }
0x129: {  	v3 =	vld [tilespmem:s6+$0x1C0]  }
0x12a: {  	v4 =	vld.idx.msk [tilespmem:v43+s18+$0x0], $0xffff  }
0x12b: {  	v5 =	vld.idx.msk [tilespmem:v44+s18+$0x0], $0xffff  }
0x12c: {  	v6 =	vld.idx.msk [tilespmem:v45+s18+$0x0], $0xffff  }
0x12d: {  	v7 =	vld.idx.msk [tilespmem:v46+s18+$0x0], $0xffff  }
0x12e: {  	v8 =	vld.idx.msk [tilespmem:v47+s18+$0x0], $0xffff  }
0x12f: {  	v9 =	vld.idx.msk [tilespmem:v48+s18+$0x0], $0xffff  }
0x130: {  	v10 =	vld.idx.msk [tilespmem:v49+s18+$0x0], $0xffff  }
0x131: {  	v11 =	vld.idx.msk [tilespmem:v50+s18+$0x0], $0xffff  }
0x132: {  	v46 =	vld [tilespmem:$0x1FF30]  }
0x133: {  	[tilespmem:v3+s20+$0x0] =	vst.idx.add.f32.msk $0xffff, v4  }
0x134: {  	[tilespmem:v3+s21+$0x0] =	vst.idx.add.f32.msk $0xffff, v5  }
0x135: {  	[tilespmem:v3+s22+$0x0] =	vst.idx.add.f32.msk $0xffff, v6  }
0x136: {  	[tilespmem:v3+s23+$0x0] =	vst.idx.add.f32.msk $0xffff, v7  }
0x137: {  	[tilespmem:v3+s24+$0x0] =	vst.idx.add.f32.msk $0xffff, v8  }
0x138: {  	[tilespmem:v3+s25+$0x0] =	vst.idx.add.f32.msk $0xffff, v9  }
0x139: {  	[tilespmem:v3+s26+$0x0] =	vst.idx.add.f32.msk $0xffff, v10  }
0x13a: {  	[tilespmem:v3+s28+$0x0] =	vst.idx.add.f32.msk $0xffff, v11  }
0x13b: {  	v3 =	vld [tilespmem:s6+$0x1D0]  }
0x13c: {  	v4 =	vld.idx.msk [tilespmem:v51+s18+$0x0], $0xffff  }
0x13d: {  	v5 =	vld.idx.msk [tilespmem:v52+s18+$0x0], $0xffff  }
0x13e: {  	v6 =	vld.idx.msk [tilespmem:v53+s18+$0x0], $0xffff  }
0x13f: {  	v7 =	vld.idx.msk [tilespmem:v54+s18+$0x0], $0xffff  }
0x140: {  	v8 =	vld.idx.msk [tilespmem:v55+s18+$0x0], $0xffff  }
0x141: {  	v9 =	vld.idx.msk [tilespmem:v56+s18+$0x0], $0xffff  }
0x142: {  	v10 =	vld.idx.msk [tilespmem:v57+s18+$0x0], $0xffff  }
0x143: {  	v11 =	vld.idx.msk [tilespmem:v58+s18+$0x0], $0xffff  }
0x144: {  	[tilespmem:v3+s20+$0x0] =	vst.idx.add.f32.msk $0xffff, v4  }
0x145: {  	[tilespmem:v3+s21+$0x0] =	vst.idx.add.f32.msk $0xffff, v5  }
0x146: {  	[tilespmem:v3+s22+$0x0] =	vst.idx.add.f32.msk $0xffff, v6  }
0x147: {  	[tilespmem:v3+s23+$0x0] =	vst.idx.add.f32.msk $0xffff, v7  }
0x148: {  	[tilespmem:v3+s24+$0x0] =	vst.idx.add.f32.msk $0xffff, v8  }
0x149: {  	[tilespmem:v3+s25+$0x0] =	vst.idx.add.f32.msk $0xffff, v9  }
0x14a: {  	[tilespmem:v3+s26+$0x0] =	vst.idx.add.f32.msk $0xffff, v10  }
0x14b: {  	[tilespmem:v3+s28+$0x0] =	vst.idx.add.f32.msk $0xffff, v11  }
0x14c: {  	v3 =	vld [tilespmem:s6+$0x1E0]  }
0x14d: {  	v4 =	vld.idx.msk [tilespmem:v59+s18+$0x0], $0xffff  }
0x14e: {  	v5 =	vld.idx.msk [tilespmem:v60+s18+$0x0], $0xffff  }
0x14f: {  	v6 =	vld.idx.msk [tilespmem:v61+s18+$0x0], $0xffff  }
0x150: {  	v7 =	vld.idx.msk [tilespmem:v62+s18+$0x0], $0xffff  }
0x151: {  	v8 =	vld.idx.msk [tilespmem:v63+s18+$0x0], $0xffff  }
0x152: {  	v9 =	vld.idx.msk [tilespmem:v1+s18+$0x0], $0xffff  }
0x153: {  	v51 =	vmov v52;
	v52 =	vmov v53;
	v53 =	vmov v54;
	v10 =	vld.idx.msk [tilespmem:v0+s18+$0x0], $0xffff  }
0x154: {  	v54 =	vmovc v55;
	v55 =	vmovc v56;
	v56 =	vmov v57;
	v57 =	vmov v58;
	v58 =	vmov v59;
	v11 =	vld.idx.msk [tilespmem:v12+s18+$0x0], $0xffff  }
0x155: {  	v59 =	vmovc v60;
	v60 =	vmovc v61;
	v61 =	vmov v62;
	v62 =	vmov v63;
	v63 =	vmov v1;
	v1 =	vld [tilespmem:$0x1FF20]  }
0x156: {  	[tilespmem:v3+s20+$0x0] =	vst.idx.add.f32.msk $0xffff, v4  }
0x157: {  	[tilespmem:v3+s21+$0x0] =	vst.idx.add.f32.msk $0xffff, v5  }
0x158: {  	[tilespmem:v3+s22+$0x0] =	vst.idx.add.f32.msk $0xffff, v6  }
0x159: {  	[tilespmem:v3+s23+$0x0] =	vst.idx.add.f32.msk $0xffff, v7  }
0x15a: {  	[tilespmem:v3+s24+$0x0] =	vst.idx.add.f32.msk $0xffff, v8  }
0x15b: {  	[tilespmem:v3+s25+$0x0] =	vst.idx.add.f32.msk $0xffff, v9  }
0x15c: {  	[tilespmem:v3+s26+$0x0] =	vst.idx.add.f32.msk $0xffff, v10  }
0x15d: {  	[tilespmem:v3+s28+$0x0] =	vst.idx.add.f32.msk $0xffff, v11  }
0x15e: {  	v3 =	vld [tilespmem:s6+$0x1F0]  }
0x15f: {  	v4 =	vld.idx.msk [tilespmem:v1+s18+$0x0], $0xffff  }
0x160: {  	v5 =	vld.idx.msk [tilespmem:v46+s18+$0x0], $0xffff  }
0x161: {  	v6 =	vld.idx.msk [tilespmem:v18+s18+$0x0], $0xffff  }
0x162: {  	v7 =	vld.idx.msk [tilespmem:v17+s18+$0x0], $0xffff  }
0x163: {  	v8 =	vld.idx.msk [tilespmem:v16+s18+$0x0], $0xffff  }
0x164: {  	v9 =	vld.idx.msk [tilespmem:v15+s18+$0x0], $0xffff  }
0x165: {  	v10 =	vld.idx.msk [tilespmem:v14+s18+$0x0], $0xffff  }
0x166: {  	v2 =	vld.idx.msk [tilespmem:v2+s18+$0x0], $0xffff  }
0x167: {  	[tilespmem:v3+s20+$0x0] =	vst.idx.add.f32.msk $0xffff, v4  }
0x168: {  	s2 =	sadd.s32 $0x800, s2;
	[tilespmem:v3+s21+$0x0] =	vst.idx.add.f32.msk $0xffff, v5  }
0x169: {  	p0 =	sne.s32 s2, $0xC800;
	[tilespmem:v3+s22+$0x0] =	vst.idx.add.f32.msk $0xffff, v6  }
.Ltmp1:
0x16a: {  	[tilespmem:v3+s23+$0x0] =	vst.idx.add.f32.msk $0xffff, v7;
	(pc) =	sbr.rel @p0 .LBB2_5-.Ltmp1, $4  }
0x16b: {  	[tilespmem:v3+s24+$0x0] =	vst.idx.add.f32.msk $0xffff, v8  }
0x16c: {  	[tilespmem:v3+s25+$0x0] =	vst.idx.add.f32.msk $0xffff, v9  }
0x16d: {  	[tilespmem:v3+s26+$0x0] =	vst.idx.add.f32.msk $0xffff, v10  }
0x16e: {  	[tilespmem:v3+s28+$0x0] =	vst.idx.add.f32.msk $0xffff, v2  }
0x16f: {  	s0 =	sadd.s32 $0x1, s0  }
0x170: {  	p0 =	sne.s32 s0, $0x19  }
.Ltmp2:
0x171: {  	_ = 	snop;
	(pc) =	sbr.rel @p0 .LBB2_4-.Ltmp2, $1  }
0x172: {  	_ =	sdelay $0x3  }
0x173: {  	s0 =	rddreg [dreg:$0x2]  }
0x174: {  	[hbm4b:s0+s1] =	stream.linear.scatter [tilespmem:s20], [sflag:$0x3], $0x2800, $0x38;
	[tilespmem:$0x17A00] =	vst v63  }
0x175: {  	_ =	swait.ge [sflag:s15], $0x2800  }
0x176: {  	[sflag:s15] =	ssyncset.done $0x0  }
0x177: {  	s7 =	rddreg [dreg:$0x3];
	[sflag:s15] =	ssyncadd.s32 $0xFFFFD800  }
0x178: {  	[hbm4b:s7+s1] =	stream.linear.scatter [tilespmem:s21], [sflag:$0x3], $0x2800, $0x38;
	[tilespmem:$0x17A00] =	vst v63  }
0x179: {  	_ =	swait.ge [sflag:s15], $0x2800  }
0x17a: {  	[sflag:s15] =	ssyncset.done $0x0  }
0x17b: {  	s8 =	rddreg [dreg:$0x4];
	[sflag:s15] =	ssyncadd.s32 $0xFFFFD800  }
0x17c: {  	[hbm4b:s8+s1] =	stream.linear.scatter [tilespmem:s22], [sflag:$0x3], $0x2800, $0x38;
	[tilespmem:$0x17A00] =	vst v63  }
0x17d: {  	_ =	swait.ge [sflag:s15], $0x2800  }
0x17e: {  	[sflag:s15] =	ssyncset.done $0x0  }
0x17f: {  	s9 =	rddreg [dreg:$0x5];
	[sflag:s15] =	ssyncadd.s32 $0xFFFFD800  }
0x180: {  	[hbm4b:s9+s1] =	stream.linear.scatter [tilespmem:s23], [sflag:$0x3], $0x2800, $0x38;
	[tilespmem:$0x17A00] =	vst v63  }
0x181: {  	_ =	swait.ge [sflag:s15], $0x2800  }
0x182: {  	[sflag:s15] =	ssyncset.done $0x0  }
0x183: {  	[sflag:s15] =	ssyncadd.s32 $0xFFFFD800  }
0x184: {  	[hbm4b:s10+s1] =	stream.linear.scatter [tilespmem:s24], [sflag:$0x3], $0x2800, $0x38;
	[tilespmem:$0x17A00] =	vst v63  }
0x185: {  	_ =	swait.ge [sflag:s15], $0x2800  }
0x186: {  	[sflag:s15] =	ssyncset.done $0x0  }
0x187: {  	[sflag:s15] =	ssyncadd.s32 $0xFFFFD800  }
0x188: {  	[hbm4b:s11+s1] =	stream.linear.scatter [tilespmem:s25], [sflag:$0x3], $0x2800, $0x38;
	[tilespmem:$0x17A00] =	vst v63  }
0x189: {  	_ =	swait.ge [sflag:s15], $0x2800  }
0x18a: {  	[sflag:s15] =	ssyncset.done $0x0  }
0x18b: {  	[sflag:s15] =	ssyncadd.s32 $0xFFFFD800  }
0x18c: {  	[hbm4b:s12+s1] =	stream.linear.scatter [tilespmem:s26], [sflag:$0x3], $0x2800, $0x38;
	[tilespmem:$0x17A00] =	vst v63  }
0x18d: {  	s30 =	sadd.s32 $0x1, s30;
	_ =	swait.ge [sflag:s15], $0x2800  }
0x18e: {  	p0 =	sne.s32 s30, s14;
	[sflag:s15] =	ssyncset.done $0x0  }
.Ltmp3:
0x18f: {  	[sflag:s15] =	ssyncadd.s32 $0xFFFFD800;
	(pc) =	sbr.rel @p0 .LBB2_1-.Ltmp3, $4  }
0x190: {  	[hbm4b:s13+s1] =	stream.linear.scatter [tilespmem:s28], [sflag:$0x3], $0x2800, $0x38;
	[tilespmem:$0x17A00] =	vst v63  }
0x191: {  	_ =	swait.ge [sflag:s15], $0x2800  }
0x192: {  	[sflag:s15] =	ssyncset.done $0x0  }
0x193: {  	v1 =	vimm.f32 $0.0e+00;
	[sflag:s15] =	ssyncadd.s32 $0xFFFFD800  }
0x194: {  	_ =	sfence.sel $0x180000  }
0x195: {  	[bflag:$0x0] =	sbarrier.arrive $0xFFFF  }
0x196: {  	_ =	strace $0x9000004D  }
0x197: {  	s0 =	stileid.u32;
	[bflag:$0x2] =	sbarrier.arrive $0xFFFF  }
0x198: {  	p0 =	sne.s32 s0, $0x0;
	s0 =	rddreg [dreg:$0x1]  }
0x199: {  	s0 =	sadd.s32 @!p0 $0x100000, s0  }
0x19a: {  	[sflag:s0] =	ssyncadd.tile.s32 @!p0 $0x1;
	_ =	shalt  }
.Lfunc_end2:
_tile_overlayer_lowered:
.L_overlay_start_2:
0x19b: {  	(tag) =	ssettag $0x2  }
0x19c: {  	s0 =	rddreg [dreg:$0x0];
	s2 =	stileid.u32  }
0x19d: {  	s1 =	rddreg [dreg:$0x1];
	p0 =	sne.s32 s2, $0x0  }
0x19e: {  	s3 =	rddreg [dreg:$0x2];
	[bflag:$0x3] =	sbarrier.arrive $0xFFFF;
	s2 =	simm.s32 @!p0 $0x1C03  }
0x19f: {  	[timem:s3], [sflag:s2] =	dma.local @!p0 [hbm:s0], s1  }
0x1a0: {  	s0 =	simm.s32 @!p0 $0x3  }
0x1a1: {  	_ =	swait.ge @!p0 [sflag:s0], s1  }
0x1a2: {  	s1 =	ssub.s32 @!p0 $0x0, s1;
	[sflag:s0] =	ssyncset.done @!p0 $0x0  }
0x1a3: {  	[sflag:s0] =	ssyncadd.s32 @!p0 s1  }
0x1a4: {  	[bflag:$0x3] =	sbarrier.arrive $0xFFFF  }
0x1a5: {  	_ =	shalt  }

// kernel: kernel.22.cloned.1.call-start
scs
__scs_entry_jumppad:
0x0: {  	(pc) =	sbr.rel $0x88, $3  }
0x1: {  	(tag) =	ssettag $0x0;
	lr =	simm.s32 $0x1  }
0x2: {  	[smem:$0x3F8F] =	sst lr;
	_ =	strace $0xD0000000  }
0x3: {  	_ = 	snop  }
0x4: {  	_ = 	snop  }
0x5: {  	_ = 	snop  }
0x6: {  	_ = 	snop  }
0x7: {  	_ = 	snop  }
__scs_overlays_trampoline_lowered:
0x8: {  	[smem:$0x3F9E] =	sst s0  }
0x9: {  	[smem:$0x3F9F] =	sst s1  }
0xa: {  	[smem:$0x3FA0] =	sst s2  }
0xb: {  	[smem:$0x3FA1] =	sst s3  }
0xc: {  	[smem:$0x3FA2] =	sst s4  }
0xd: {  	[smem:$0x3FA3] =	sst s5  }
0xe: {  	[smem:$0x3FA4] =	sst s6  }
0xf: {  	[smem:$0x3FA5] =	sst s7  }
0x10: {  	[smem:$0x3FA6] =	sst s8  }
0x11: {  	[smem:$0x3FA7] =	sst s9;
	s0 =	simm.s32 @!p0 $0x0  }
0x12: {  	s1 =	sld [smem:$0x3F8D];
	s0 =	simm.s32 @p0 $0x1  }
0x13: {  	[smem:$0x3FA8] =	sst s0;
	s0 =	simm.s32 @!p1 $0x0  }
0x14: {  	s2 =	sld [smem:$0x3F8C];
	s0 =	simm.s32 @p1 $0x1  }
0x15: {  	[smem:$0x3FA9] =	sst s0;
	s0 =	simm.s32 @!p2 $0x0  }
0x16: {  	s3 =	sld [smem:$0x3FDB];
	s0 =	simm.s32 @p2 $0x1  }
0x17: {  	s4 =	simm.s32 $0x1BF5;
	[smem:$0x3FAB] =	sst s0  }
0x18: {  	s0 =	sld [smem:$0x3F8E];
	_ =	swait.ge [sflag:s4], $0x0  }
0x19: {  	s7 =	sld [smem:$0x3F8F]  }
0x1a: {  	s8 =	sadd.s32 $0xFFFFE003, lr  }
0x1b: {  	s9 =	sadd.s32 $0xFFFFFEF7, lr;
	s5 =	simm.s32 $0xFFFFFFFF;
	p2 =	slt.u32 s8, $0xFFFFF086  }
0x1c: {  	p1 =	slt.u32 s9, $0xF7A;
	s5 =	simm.s32 @!p2 $0x0  }
0x1d: {  	s5 =	simm.s32 @p1 $0x1;
	p0 =	seq.s32 s7, s2  }
0x1e: {  	s7 =	smul.u32 @!p0 $0xF7A, s2;
	p2 =	seq.s32 @!p0 s5, $0x0  }
0x1f: {  	s9 =	smul.u32 $0xF7A, s1;
	s8 =	simm.s32 @!p0 $0x1BF5;
	p2 =	por !p2, p0  }
0x20: {  	[sflag:s8] =	ssyncset.s32 @!p0 $0xFFFFF086;
	s6 =	sadd.s32 @!p0 s3, s7;
	s7 =	simm.s32 @!p0 $0x108  }
0x21: {  	s3 =	sadd.s32 s3, s9;
	s6 =	sadd.s32 @!p0 $0x88, s6;
	s7 =	simm.s32 @p2 $0x1082  }
0x22: {  	[simem:s7], [sflag:s8] =	dma.local @!p0 [hbm:s6], $0xF7A  }
0x23: {  	s9 =	sor.u32 $0xD0000000, s2;
	s6 =	simm.s32 $0x108;
	_ =	swait.ge @!p0 [sflag:s8], $0x0  }
0x24: {  	s3 =	sadd.s32 $0x88, s3;
	s6 =	simm.s32 @!p1 $0x1082;
	[sflag:s4] =	ssyncset.s32 $0xFFFFF086  }
0x25: {  	[simem:s6], [sflag:s4] =	dma.local [hbm:s3], $0xF7A  }
0x26: {  	[smem:$0x3F8F] =	sst s1;
	(tag) =	ssettag s2;
	_ =	strace s9  }
0x27: {  	s1 =	sld [smem:$0x3F9F]  }
0x28: {  	s2 =	sld [smem:$0x3FA0]  }
0x29: {  	s4 =	sld [smem:$0x3FA2]  }
0x2a: {  	p0 =	seq.s32 s5, $0x0;
	s5 =	sld [smem:$0x3FA3]  }
0x2b: {  	s6 =	sld [smem:$0x3FA4]  }
0x2c: {  	s7 =	sld [smem:$0x3FA5]  }
0x2d: {  	s3 =	simm.s32 $0x108;
	s8 =	sld [smem:$0x3FA6]  }
0x2e: {  	s3 =	simm.s32 @!p0 $0x1082;
	s9 =	sld [smem:$0x3FA7]  }
0x2f: {  	lr =	sadd.s32 s0, s3;
	s0 =	sld [smem:$0x3F9E]  }
0x30: {  	s3 =	sld [smem:$0x3FA1]  }
0x31: {  	[smem:$0x3FAA] =	sst s10  }
0x32: {  	s10 =	sld [smem:$0x3FA8];
	_ =	sdelay $0x3  }
0x33: {  	p0 =	seq.s32 s10, $0x1;
	s10 =	sld [smem:$0x3FAA];
	_ =	sdelay $0x3  }
0x34: {  	[smem:$0x3FAA] =	sst s10  }
0x35: {  	s10 =	sld [smem:$0x3FA9];
	_ =	sdelay $0x3  }
0x36: {  	p1 =	seq.s32 s10, $0x1;
	s10 =	sld [smem:$0x3FAA];
	_ =	sdelay $0x3  }
0x37: {  	[smem:$0x3FAA] =	sst s10  }
0x38: {  	s10 =	sld [smem:$0x3FAB]  }
0x39: {  	_ = 	snop;
	(pc) =	sbr.ind lr, $3  }
0x3a: {  	_ = 	snop  }
0x3b: {  	_ = 	snop  }
0x3c: {  	p2 =	seq.s32 s10, $0x1;
	s10 =	sld [smem:$0x3FAA]  }
0x3d: {  	_ =	shalt  }
0x3e: {  	_ =	shalt  }
0x3f: {  	_ =	shalt  }
0x40: {  	_ =	shalt  }
0x41: {  	_ =	shalt  }
0x42: {  	_ =	shalt  }
0x43: {  	_ =	shalt  }
0x44: {  	_ =	shalt  }
0x45: {  	_ =	shalt  }
0x46: {  	_ =	shalt  }
0x47: {  	_ =	shalt  }
0x48: {  	_ =	shalt  }
0x49: {  	_ =	shalt  }
0x4a: {  	_ =	shalt  }
0x4b: {  	_ =	shalt  }
0x4c: {  	_ =	shalt  }
0x4d: {  	_ =	shalt  }
0x4e: {  	_ =	shalt  }
0x4f: {  	_ =	shalt  }
0x50: {  	_ =	shalt  }
0x51: {  	_ =	shalt  }
0x52: {  	_ =	shalt  }
0x53: {  	_ =	shalt  }
0x54: {  	_ =	shalt  }
0x55: {  	_ =	shalt  }
0x56: {  	_ =	shalt  }
0x57: {  	_ =	shalt  }
0x58: {  	_ =	shalt  }
0x59: {  	_ =	shalt  }
0x5a: {  	_ =	shalt  }
0x5b: {  	_ =	shalt  }
0x5c: {  	_ =	shalt  }
0x5d: {  	_ =	shalt  }
0x5e: {  	_ =	shalt  }
0x5f: {  	_ =	shalt  }
0x60: {  	_ =	shalt  }
0x61: {  	_ =	shalt  }
0x62: {  	_ =	shalt  }
0x63: {  	_ =	shalt  }
0x64: {  	_ =	shalt  }
0x65: {  	_ =	shalt  }
0x66: {  	_ =	shalt  }
0x67: {  	_ =	shalt  }
0x68: {  	_ =	shalt  }
0x69: {  	_ =	shalt  }
0x6a: {  	_ =	shalt  }
0x6b: {  	_ =	shalt  }
0x6c: {  	_ =	shalt  }
0x6d: {  	_ =	shalt  }
0x6e: {  	_ =	shalt  }
0x6f: {  	_ =	shalt  }
0x70: {  	_ =	shalt  }
0x71: {  	_ =	shalt  }
0x72: {  	_ =	shalt  }
0x73: {  	_ =	shalt  }
0x74: {  	_ =	shalt  }
0x75: {  	_ =	shalt  }
0x76: {  	_ =	shalt  }
0x77: {  	_ =	shalt  }
0x78: {  	_ =	shalt  }
0x79: {  	_ =	shalt  }
0x7a: {  	_ =	shalt  }
0x7b: {  	_ =	shalt  }
0x7c: {  	_ =	shalt  }
0x7d: {  	_ =	shalt  }
0x7e: {  	_ =	shalt  }
0x7f: {  	_ =	shalt  }
0x80: {  	_ =	shalt  }
0x81: {  	_ =	shalt  }
0x82: {  	_ =	shalt  }
0x83: {  	_ =	shalt  }
0x84: {  	_ =	shalt  }
0x85: {  	_ =	shalt  }
0x86: {  	_ =	shalt  }
0x87: {  	_ =	shalt  }
.Lfunc_end0:
.L_simem_size_0:
called_computation.3_lowered:
.L_overlay_start_0:
0x88: {  	s2 =	sld [smem:$0x3FD9]  }
0x89: {  	s3 =	sld [smem:$0x3FFE];
	_ =	sdelay $0x1  }
0x8a: {  	s1 =	srdreg.scid  }
0x8b: {  	s0 =	sand.u32 $0x1, s1  }
0x8c: {  	s16 =	sshll.u32 s0, $0xA;
	s2 =	sadd.s32 s3, s2  }
0x8d: {  	s2 =	sadd.s32 s2, s16  }
0x8e: {  	[smem:$0x3FB6] =	sst s2  }
0x8f: {  	_ = 	snop  }
0x90: {  	(tm) =	ssettm $0x1  }
0x91: {  	s17 =	sld [smem:$0x3FFB];
	_ =	sdelay $0x3  }
0x92: {  	_ =	strace s17  }
0x93: {  	s2 =	sld [smem:$0x3FFC];
	_ =	sdelay $0x3  }
0x94: {  	_ =	strace s2  }
0x95: {  	s2 =	sld [smem:$0x3FFD];
	_ =	sdelay $0x3  }
0x96: {  	_ =	strace s2  }
0x97: {  	_ =	strace $0x8FFFFFFF  }
0x98: {  	s18 =	sld [smem:$0x3FDB];
	_ =	sdelay $0x1  }
0x99: {  	s19 =	simm.s32 $_scs_section_size  }
0x9a: {  	s4 =	simm.s32 $_size__tile_overlayer_lowered;
	s5 =	simm.s32 $_tile_overlayer_lowered  }
0x9b: {  	s22 =	simm.s32 $0x1BFF;
	s21 =	sshll.u32 s5, $0x1;
	s2 =	sadd.s32 s19, s18  }
0x9c: {  	s6 =	simm.s32 $0x0;
	s20 =	sshll.u32 s4, $0x1;
	s4 =	sadd.s32 s21, s2  }
0x9d: {  	[timem:s6], [sflag:s22] =	dma.local [hbm:s4], s20  }
0x9e: {  	_ =	swait.ge [sflag:s22], s20  }
0x9f: {  	s3 =	ssub.s32 $0x0, s20;
	[sflag:s22] =	ssyncset.done $0x0  }
0xa0: {  	[sflag:s22] =	ssyncadd.s32 s3;
	_ =	sdelay $0x1  }
0xa1: {  	s23 =	simm.s32 $0x1B8B  }
0xa2: {  	_ =	swait.ge [sflag:s23], $0x1  }
0xa3: {  	[sflag:s23] =	ssyncset.done $0x0  }
0xa4: {  	s25 =	simm.s32 $0x1B8E;
	s24 =	sld [smem:$0x3FFE];
	[sflag:s23] =	ssyncadd.s32 $0xFFFFFFFF  }
0xa5: {  	s26 =	simm.s32 $execute0_lowered;
	[smem:$0x3FD2] =	sst s25  }
0xa6: {  	s4 =	sshll.u32 s26, $0x1;
	_ =	strace $0x8000004F;
	[dreg:$0x1] =	wrdreg $0xFFFFFFFF  }
0xa7: {  	s28 =	simm.s32 $_size_execute0_lowered;
	s2 =	sadd.s32 s2, s4;
	[dreg:$0x0] =	wrdreg $0x0  }
0xa8: {  	s4 =	sshll.u32 s28, $0x1;
	[dreg:$0x2] =	wrdreg s2  }
0xa9: {  	[dreg:$0x3] =	wrdreg s4  }
0xaa: {  	[dreg:$0x4] =	wrdreg $0xC0  }
0xab: {  	_ =	task [dreg:s6], $0x5FFFF  }
0xac: {  	[dreg:$0x1] =	wrdreg $0xFFFFFFFF  }
0xad: {  	[dreg:$0x0] =	wrdreg $0x60  }
0xae: {  	[dreg:$0x2] =	wrdreg s24  }
0xaf: {  	[dreg:$0x3] =	wrdreg $0x9  }
0xb0: {  	_ =	task.clear_ibuf [dreg:s6], $0x4FFFF;
	_ =	strace $0x9000004F  }
0xb1: {  	s29 =	simm.s32 $0x9;
	_ =	strace $0x80000051  }
0xb2: {  	_ =	swait.ge [sflag:s29], $0x1  }
0xb3: {  	[sflag:s29] =	ssyncadd.s32 $0xFFFFFFFF  }
0xb4: {  	_ =	strace $0x90000051  }
0xb5: {  	_ =	sfence  }
0xb6: {  	s30 =	sld [smem:$0x0];
	_ =	sdelay $0x2  }
0xb7: {  	s31 =	sshll.u32 s1, $0xD;
	s1 =	sshrl.u32 s1, $0x2  }
0xb8: {  	s3 =	sand.u32 $0x4000, s31;
	s1 =	sadd.s32 s1, s30  }
0xb9: {  	s0 =	sor.u32 s3, s0;
	s1 =	sshll.u32 s1, $0x11  }
0xba: {  	s0 =	sor.u32 s1, s0  }
0xbb: {  	s0 =	sadd.s32 $0x8F2B, s0  }
0xbc: {  	[sflag:s0] =	ssyncadd.remote.s32 $0x1  }
0xbd: {  	_ =	sfence.sel $0xFFFF  }
0xbe: {  	[dreg:$0x0] =	wrdreg $0xFFFFFFFF;
	(pc) =	sbr.abs _section_cstart, $3  }
0xbf: {  	[dreg:$0x1] =	wrdreg $0xFFFFFFFF  }
0xc0: {  	_ =	task.clear_ibuf [dreg:s6], $0x2FFFF;
	_ =	strace $0x9FFFFFFF  }
0xc1: {  	(tm) =	ssettm $0x7FFFFFFF  }
tec
execute0_lowered:
.L_overlay_start_1:
0x0: {  	(tag) =	ssettag $0x1  }
0x1: {  	v0 =	vlaneseq.u32  }
0x2: {  	v3 =	vmul.u32 $0x8, v0;
	_ =	sdelay $0x1  }
0x3: {  	s1 =	simm.s32 $0x0;
	v0 =	vor.u32 $0x100, v3  }
0x4: {  	[smem:$0x7FF] =	sst s1;
	[tilespmem:$0x1FE70] =	vst v0;
	v0 =	vor.u32 $0x180, v3  }
0x5: {  	s0 =	rddreg [dreg:$0x0];
	v2 =	vor.u32 $0x280, v3;
	_ =	strace $0x80000050;
	[tilespmem:$0x1FE80] =	vst v0  }
0x6: {  	v4 =	vor.u32 $0x1, v3;
	[tilespmem:$0x1FEF0] =	vst v2  }
0x7: {  	v5 =	vor.u32 $0x2, v3;
	[tilespmem:$0x1FF90] =	vst v4  }
0x8: {  	v6 =	vor.u32 $0x3, v3;
	[tilespmem:$0x1FFA0] =	vst v5  }
0x9: {  	v7 =	vor.u32 $0x4, v3;
	[tilespmem:$0x1FFB0] =	vst v6  }
0xa: {  	v8 =	vor.u32 $0x5, v3;
	v9 =	vor.u32 $0x6, v3;
	[tilespmem:$0x1FFC0] =	vst v7  }
0xb: {  	v10 =	vor.u32 $0x7, v3;
	v19 =	vor.u32 $0x80, v3;
	v20 =	vor.u32 $0x81, v3;
	[tilespmem:$0x1FFD0] =	vst v8  }
0xc: {  	v21 =	vor.u32 $0x82, v3;
	v22 =	vor.u32 $0x83, v3;
	v23 =	vor.u32 $0x84, v3;
	[tilespmem:$0x1FFE0] =	vst v9  }
0xd: {  	v24 =	vor.u32 $0x85, v3;
	v25 =	vor.u32 $0x86, v3;
	v0 =	vor.u32 $0x181, v3;
	[tilespmem:$0x1FFF0] =	vst v10  }
0xe: {  	s2 =	srdreg.scid;
	s8 =	stileid.u32;
	s15 =	simm.s32 $0x3;
	v26 =	vor.u32 $0x87, v3;
	v28 =	vor.u32 $0x101, v3;
	v2 =	vor.u32 $0x306, v3;
	[tilespmem:$0x1FE90] =	vst v0  }
0xf: {  	s16 =	simm.s32 $0x80;
	s17 =	simm.s32 $0x3200;
	s18 =	simm.s32 $0x3600;
	v29 =	vor.u32 $0x102, v3;
	v30 =	vor.u32 $0x103, v3;
	v0 =	vor.u32 $0x182, v3;
	[tilespmem:$0x1FF00] =	vst v2  }
0x10: {  	s19 =	simm.s32 $0x1;
	s20 =	simm.s32 $0x3A00;
	s21 =	simm.s32 $0x6200;
	v31 =	vor.u32 $0x104, v3;
	v32 =	vor.u32 $0x105, v3;
	v2 =	vor.u32 $0x307, v3;
	[tilespmem:$0x1FEA0] =	vst v0  }
0x11: {  	s28 =	simm.s32 $0x15200;
	s2 =	sand.u32 $0x1, s2;
	s6 =	smul.u32 $0x14000, s8;
	v33 =	vor.u32 $0x106, v3;
	v34 =	vor.u32 $0x107, v3;
	v0 =	vor.u32 $0x200, v3;
	[tilespmem:$0x1FF10] =	vst v2  }
0x12: {  	s29 =	simm.s32 $0x2;
	s3 =	sadd.s32 $0x7400, s0;
	s5 =	smul.u32 $0x140000, s2;
	v38 =	vor.u32 $0x183, v3;
	v39 =	vor.u32 $0x184, v3;
	v2 =	vor.u32 $0x380, v3;
	[tilespmem:$0x1FEB0] =	vst v0  }
0x13: {  	s30 =	simm.s32 $0x0;
	s31 =	simm.s32 $0x0;
	s4 =	sadd.s32 $0x153A00, s0;
	v40 =	vor.u32 $0x185, v3;
	v41 =	vor.u32 $0x186, v3;
	v0 =	vor.u32 $0x201, v3;
	[tilespmem:$0x1FF20] =	vst v2  }
0x14: {  	s22 =	ssub.s32 $0x2, s2;
	s2 =	sshll.u32 s2, $0x4;
	v42 =	vor.u32 $0x187, v3;
	v47 =	vor.u32 $0x204, v3;
	s5 =	sadd.s32 s6, s5;
	v2 =	vor.u32 $0x381, v3;
	[tilespmem:$0x1FEC0] =	vst v0  }
0x15: {  	s7 =	sshrl.u32 s22, $0x1;
	s2 =	sor.u32 s8, s2;
	v48 =	vor.u32 $0x205, v3;
	v49 =	vor.u32 $0x206, v3;
	s5 =	sshrl.u32 s5, $0x3;
	v0 =	vor.u32 $0x202, v3;
	[tilespmem:$0x1FF30] =	vst v2  }
0x16: {  	v50 =	vor.u32 $0x207, v3;
	v51 =	vor.u32 $0x281, v3;
	s6 =	ssub.s32 s22, s7;
	s22 =	simm.s32 $0x8A00;
	s0 =	sadd.s32 s5, s0;
	v2 =	vor.u32 $0x382, v3;
	[tilespmem:$0x1FED0] =	vst v0  }
0x17: {  	v52 =	vor.u32 $0x282, v3;
	v53 =	vor.u32 $0x283, v3;
	s14 =	smax.u32 s6, $0x1;
	s5 =	smul.u32 $0x4E200, s2;
	s23 =	sadd.s32 $0x55800, s0;
	v0 =	vor.u32 $0x203, v3;
	[tilespmem:$0x1FF40] =	vst v2  }
0x18: {  	v54 =	vor.u32 $0x284, v3;
	v55 =	vor.u32 $0x285, v3;
	s24 =	sadd.s32 $0x55D00, s0;
	s25 =	sadd.s32 $0x56200, s0;
	[dreg:$0x2] =	wrdreg s23;
	v2 =	vor.u32 $0x383, v3;
	[tilespmem:$0x1FEE0] =	vst v0  }
0x19: {  	v56 =	vor.u32 $0x286, v3;
	v57 =	vor.u32 $0x287, v3;
	s26 =	sadd.s32 $0x56700, s0;
	s10 =	sadd.s32 $0x56C00, s0;
	[dreg:$0x3] =	wrdreg s24;
	[tilespmem:$0x1FF50] =	vst v2;
	v2 =	vor.u32 $0x384, v3  }
0x1a: {  	v58 =	vor.u32 $0x300, v3;
	v59 =	vor.u32 $0x301, v3;
	s11 =	sadd.s32 $0x57100, s0;
	s12 =	sadd.s32 $0x57600, s0;
	[dreg:$0x4] =	wrdreg s25;
	[tilespmem:$0x1FF60] =	vst v2;
	v2 =	vor.u32 $0x385, v3  }
0x1b: {  	v60 =	vor.u32 $0x302, v3;
	v61 =	vor.u32 $0x303, v3;
	s13 =	sadd.s32 $0x57B00, s0;
	[dreg:$0x5] =	wrdreg s26;
	s23 =	simm.s32 $0xB200;
	[tilespmem:$0x1FF70] =	vst v2;
	v2 =	vor.u32 $0x386, v3  }
0x1c: {  	v1 =	vimm.f32 $0.0e+00;
	v62 =	vor.u32 $0x304, v3;
	v63 =	vor.u32 $0x305, v3;
	v13 =	vmovc v3;
	s24 =	simm.s32 $0xDA00;
	s25 =	simm.s32 $0x10200;
	s26 =	simm.s32 $0x12A00;
	[tilespmem:$0x1FF80] =	vst v2  }
.LBB2_1:
0x1d: {  	s0 =	simm.s32 $0x0;
	s2 =	simm.s32 $0x40  }
.LBB2_2:
0x1e: {  	p0 =	sne.s32 s2, $0x9FC0;
	[tilespmem:s0+$0x15200] =	vst v1  }
0x1f: {  	[tilespmem:s0+$0x3A00] =	vst v1  }
0x20: {  	[tilespmem:s0+$0x6200] =	vst v1  }
.Ltmp0:
0x21: {  	[tilespmem:s0+$0x8A00] =	vst v1;
	(pc) =	sbr.rel @p0 .LBB2_2-.Ltmp0, $4  }
0x22: {  	[tilespmem:s0+$0xB200] =	vst v1  }
0x23: {  	[tilespmem:s0+$0xDA00] =	vst v1  }
0x24: {  	[tilespmem:s0+$0x10200] =	vst v1  }
0x25: {  	[tilespmem:s0+$0x12A00] =	vst v1;
	s0 =	sshra.s32 s2, $0x2;
	s2 =	sadd.s32 $0x40, s2  }
0x26: {  	[tilespmem:s0+$0x15200] =	vst v1  }
0x27: {  	[tilespmem:s0+$0x3A00] =	vst v1  }
0x28: {  	[tilespmem:s0+$0x6200] =	vst v1  }
0x29: {  	[tilespmem:s0+$0x8A00] =	vst v1  }
0x2a: {  	[tilespmem:s0+$0xB200] =	vst v1  }
0x2b: {  	[tilespmem:s0+$0xDA00] =	vst v1  }
0x2c: {  	[tilespmem:s0+$0x10200] =	vst v1  }
0x2d: {  	[tilespmem:s0+$0x12A00] =	vst v1;
	s0 =	simm.s32 $0x0;
	v1 =	vld [tilespmem:$0x1FF20]  }
.LBB2_4:
0x2e: {  	s2 =	smul.u32 $0x3200, s0;
	_ =	sdelay $0x1  }
0x2f: {  	s2 =	sadd.s32 s5, s2  }
0x30: {  	s2 =	sshrl.u32 s2, $0x3  }
0x31: {  	s2 =	sadd.s32 s4, s2  }
0x32: {  	[tilespmem:s31], [sflag:$0x3] =	stream.linear.gather [hbm4b:s2+s31], $0x3200, $0x38;
	[tilespmem:$0x17A00] =	vst v63  }
0x33: {  	_ =	swait.ge [sflag:s15], $0x3200  }
0x34: {  	[sflag:s15] =	ssyncset.done $0x0  }
0x35: {  	s2 =	simm.s32 $0x0;
	[sflag:s15] =	ssyncadd.s32 $0xFFFFCE00  }
0x36: {  	[tilespmem:s17], [sflag:$0x1] =	stream.indirect.gather [hbm4b:s3+s16], $0x8, s31, s16, $0xb8;
	[tilespmem:$0x17A00] =	vst v63  }
.LBB2_5:
0x37: {  	s6 =	sshra.s32 s2, $0x2  }
0x38: {  	s7 =	sadd.s32 $0x100, s6  }
0x39: {  	[tilespmem:s18], [sflag:$0x2] =	stream.indirect.gather [hbm4b:s3+s16], $0x8, s7, s16, $0xb8;
	[tilespmem:$0x17A00] =	vst v63  }
0x3a: {  	_ =	swait.ge [sflag:s19], $0x400  }
0x3b: {  	v4 =	vld [tilespmem:$0x1FF90]  }
0x3c: {  	v5 =	vld [tilespmem:$0x1FFA0]  }
0x3d: {  	v6 =	vld [tilespmem:$0x1FFB0]  }
0x3e: {  	v7 =	vld [tilespmem:$0x1FFC0]  }
0x3f: {  	v8 =	vld [tilespmem:$0x1FFD0]  }
0x40: {  	v9 =	vld [tilespmem:$0x1FFE0]  }
0x41: {  	v10 =	vld [tilespmem:$0x1FFF0]  }
0x42: {  	v27 =	vld [tilespmem:$0x1FE70]  }
0x43: {  	v35 =	vld [tilespmem:$0x1FE80]  }
0x44: {  	v36 =	vld [tilespmem:$0x1FE90]  }
0x45: {  	v37 =	vld [tilespmem:$0x1FEA0]  }
0x46: {  	v43 =	vld [tilespmem:$0x1FEB0]  }
0x47: {  	v44 =	vld [tilespmem:$0x1FEC0]  }
0x48: {  	v45 =	vld [tilespmem:$0x1FED0]  }
0x49: {  	v46 =	vld [tilespmem:$0x1FEE0]  }
0x4a: {  	v11 =	vld [tilespmem:$0x1FEF0]  }
0x4b: {  	v0 =	vld [tilespmem:$0x1FF00]  }
0x4c: {  	v12 =	vld [tilespmem:$0x1FF10]  }
0x4d: {  	v18 =	vld [tilespmem:$0x1FF40]  }
0x4e: {  	[sflag:s19] =	ssyncset.done $0x0;
	v17 =	vld [tilespmem:$0x1FF50]  }
0x4f: {  	v16 =	vld [tilespmem:$0x1FF60];
	[sflag:s19] =	ssyncadd.s32 $0xFFFFFC00  }
0x50: {  	v2 =	vld [tilespmem:s6+$0x80]  }
0x51: {  	v3 =	vld.idx.msk [tilespmem:v13+s17+$0x0], $0xffff  }
0x52: {  	v4 =	vld.idx.msk [tilespmem:v4+s17+$0x0], $0xffff  }
0x53: {  	v5 =	vld.idx.msk [tilespmem:v5+s17+$0x0], $0xffff  }
0x54: {  	v6 =	vld.idx.msk [tilespmem:v6+s17+$0x0], $0xffff  }
0x55: {  	v7 =	vld.idx.msk [tilespmem:v7+s17+$0x0], $0xffff  }
0x56: {  	v8 =	vld.idx.msk [tilespmem:v8+s17+$0x0], $0xffff  }
0x57: {  	v9 =	vld.idx.msk [tilespmem:v9+s17+$0x0], $0xffff  }
0x58: {  	v10 =	vld.idx.msk [tilespmem:v10+s17+$0x0], $0xffff  }
0x59: {  	[tilespmem:v2+s20+$0x0] =	vst.idx.add.f32.msk $0xffff, v3  }
0x5a: {  	[tilespmem:v2+s21+$0x0] =	vst.idx.add.f32.msk $0xffff, v4  }
0x5b: {  	[tilespmem:v2+s22+$0x0] =	vst.idx.add.f32.msk $0xffff, v5  }
0x5c: {  	[tilespmem:v2+s23+$0x0] =	vst.idx.add.f32.msk $0xffff, v6  }
0x5d: {  	[tilespmem:v2+s24+$0x0] =	vst.idx.add.f32.msk $0xffff, v7  }
0x5e: {  	[tilespmem:v2+s25+$0x0] =	vst.idx.add.f32.msk $0xffff, v8  }
0x5f: {  	[tilespmem:v2+s26+$0x0] =	vst.idx.add.f32.msk $0xffff, v9  }
0x60: {  	[tilespmem:v2+s28+$0x0] =	vst.idx.add.f32.msk $0xffff, v10  }
0x61: {  	v2 =	vld [tilespmem:s6+$0x90]  }
0x62: {  	v3 =	vld.idx.msk [tilespmem:v19+s17+$0x0], $0xffff  }
0x63: {  	v4 =	vld.idx.msk [tilespmem:v20+s17+$0x0], $0xffff  }
0x64: {  	v5 =	vld.idx.msk [tilespmem:v21+s17+$0x0], $0xffff  }
0x65: {  	v6 =	vld.idx.msk [tilespmem:v22+s17+$0x0], $0xffff  }
0x66: {  	v7 =	vld.idx.msk [tilespmem:v23+s17+$0x0], $0xffff  }
0x67: {  	v8 =	vld.idx.msk [tilespmem:v24+s17+$0x0], $0xffff  }
0x68: {  	v9 =	vld.idx.msk [tilespmem:v25+s17+$0x0], $0xffff  }
0x69: {  	v10 =	vld.idx.msk [tilespmem:v26+s17+$0x0], $0xffff  }
0x6a: {  	[tilespmem:v2+s20+$0x0] =	vst.idx.add.f32.msk $0xffff, v3  }
0x6b: {  	[tilespmem:v2+s21+$0x0] =	vst.idx.add.f32.msk $0xffff, v4  }
0x6c: {  	[tilespmem:v2+s22+$0x0] =	vst.idx.add.f32.msk $0xffff, v5  }
0x6d: {  	[tilespmem:v2+s23+$0x0] =	vst.idx.add.f32.msk $0xffff, v6  }
0x6e: {  	[tilespmem:v2+s24+$0x0] =	vst.idx.add.f32.msk $0xffff, v7  }
0x6f: {  	[tilespmem:v2+s25+$0x0] =	vst.idx.add.f32.msk $0xffff, v8  }
0x70: {  	[tilespmem:v2+s26+$0x0] =	vst.idx.add.f32.msk $0xffff, v9  }
0x71: {  	[tilespmem:v2+s28+$0x0] =	vst.idx.add.f32.msk $0xffff, v10  }
0x72: {  	v2 =	vld [tilespmem:s6+$0xA0]  }
0x73: {  	v3 =	vld.idx.msk [tilespmem:v27+s17+$0x0], $0xffff  }
0x74: {  	v4 =	vld.idx.msk [tilespmem:v28+s17+$0x0], $0xffff  }
0x75: {  	v5 =	vld.idx.msk [tilespmem:v29+s17+$0x0], $0xffff  }
0x76: {  	v6 =	vld.idx.msk [tilespmem:v30+s17+$0x0], $0xffff  }
0x77: {  	v7 =	vld.idx.msk [tilespmem:v31+s17+$0x0], $0xffff  }
0x78: {  	v8 =	vld.idx.msk [tilespmem:v32+s17+$0x0], $0xffff  }
0x79: {  	v9 =	vld.idx.msk [tilespmem:v33+s17+$0x0], $0xffff  }
0x7a: {  	v10 =	vld.idx.msk [tilespmem:v34+s17+$0x0], $0xffff  }
0x7b: {  	[tilespmem:v2+s20+$0x0] =	vst.idx.add.f32.msk $0xffff, v3  }
0x7c: {  	[tilespmem:v2+s21+$0x0] =	vst.idx.add.f32.msk $0xffff, v4  }
0x7d: {  	[tilespmem:v2+s22+$0x0] =	vst.idx.add.f32.msk $0xffff, v5  }
0x7e: {  	[tilespmem:v2+s23+$0x0] =	vst.idx.add.f32.msk $0xffff, v6  }
0x7f: {  	[tilespmem:v2+s24+$0x0] =	vst.idx.add.f32.msk $0xffff, v7  }
0x80: {  	[tilespmem:v2+s25+$0x0] =	vst.idx.add.f32.msk $0xffff, v8  }
0x81: {  	[tilespmem:v2+s26+$0x0] =	vst.idx.add.f32.msk $0xffff, v9  }
0x82: {  	[tilespmem:v2+s28+$0x0] =	vst.idx.add.f32.msk $0xffff, v10  }
0x83: {  	v2 =	vld [tilespmem:s6+$0xB0]  }
0x84: {  	v3 =	vld.idx.msk [tilespmem:v35+s17+$0x0], $0xffff  }
0x85: {  	v4 =	vld.idx.msk [tilespmem:v36+s17+$0x0], $0xffff  }
0x86: {  	v5 =	vld.idx.msk [tilespmem:v37+s17+$0x0], $0xffff  }
0x87: {  	v6 =	vld.idx.msk [tilespmem:v38+s17+$0x0], $0xffff  }
0x88: {  	v7 =	vld.idx.msk [tilespmem:v39+s17+$0x0], $0xffff  }
0x89: {  	v8 =	vld.idx.msk [tilespmem:v40+s17+$0x0], $0xffff  }
0x8a: {  	v9 =	vld.idx.msk [tilespmem:v41+s17+$0x0], $0xffff  }
0x8b: {  	v10 =	vld.idx.msk [tilespmem:v42+s17+$0x0], $0xffff  }
0x8c: {  	[tilespmem:v2+s20+$0x0] =	vst.idx.add.f32.msk $0xffff, v3  }
0x8d: {  	[tilespmem:v2+s21+$0x0] =	vst.idx.add.f32.msk $0xffff, v4  }
0x8e: {  	[tilespmem:v2+s22+$0x0] =	vst.idx.add.f32.msk $0xffff, v5  }
0x8f: {  	[tilespmem:v2+s23+$0x0] =	vst.idx.add.f32.msk $0xffff, v6  }
0x90: {  	[tilespmem:v2+s24+$0x0] =	vst.idx.add.f32.msk $0xffff, v7  }
0x91: {  	[tilespmem:v2+s25+$0x0] =	vst.idx.add.f32.msk $0xffff, v8  }
0x92: {  	[tilespmem:v2+s26+$0x0] =	vst.idx.add.f32.msk $0xffff, v9  }
0x93: {  	[tilespmem:v2+s28+$0x0] =	vst.idx.add.f32.msk $0xffff, v10  }
0x94: {  	v2 =	vld [tilespmem:s6+$0xC0]  }
0x95: {  	v3 =	vld.idx.msk [tilespmem:v43+s17+$0x0], $0xffff  }
0x96: {  	v4 =	vld.idx.msk [tilespmem:v44+s17+$0x0], $0xffff  }
0x97: {  	v5 =	vld.idx.msk [tilespmem:v45+s17+$0x0], $0xffff  }
0x98: {  	v6 =	vld.idx.msk [tilespmem:v46+s17+$0x0], $0xffff  }
0x99: {  	v7 =	vld.idx.msk [tilespmem:v47+s17+$0x0], $0xffff  }
0x9a: {  	v8 =	vld.idx.msk [tilespmem:v48+s17+$0x0], $0xffff  }
0x9b: {  	v9 =	vld.idx.msk [tilespmem:v49+s17+$0x0], $0xffff  }
0x9c: {  	v10 =	vld.idx.msk [tilespmem:v50+s17+$0x0], $0xffff  }
0x9d: {  	[tilespmem:v2+s20+$0x0] =	vst.idx.add.f32.msk $0xffff, v3  }
0x9e: {  	[tilespmem:v2+s21+$0x0] =	vst.idx.add.f32.msk $0xffff, v4  }
0x9f: {  	[tilespmem:v2+s22+$0x0] =	vst.idx.add.f32.msk $0xffff, v5  }
0xa0: {  	[tilespmem:v2+s23+$0x0] =	vst.idx.add.f32.msk $0xffff, v6  }
0xa1: {  	[tilespmem:v2+s24+$0x0] =	vst.idx.add.f32.msk $0xffff, v7  }
0xa2: {  	[tilespmem:v2+s25+$0x0] =	vst.idx.add.f32.msk $0xffff, v8  }
0xa3: {  	[tilespmem:v2+s26+$0x0] =	vst.idx.add.f32.msk $0xffff, v9  }
0xa4: {  	[tilespmem:v2+s28+$0x0] =	vst.idx.add.f32.msk $0xffff, v10  }
0xa5: {  	v2 =	vld [tilespmem:s6+$0xD0]  }
0xa6: {  	v3 =	vld.idx.msk [tilespmem:v11+s17+$0x0], $0xffff  }
0xa7: {  	v4 =	vld.idx.msk [tilespmem:v51+s17+$0x0], $0xffff  }
0xa8: {  	v5 =	vld.idx.msk [tilespmem:v52+s17+$0x0], $0xffff  }
0xa9: {  	v6 =	vld.idx.msk [tilespmem:v53+s17+$0x0], $0xffff  }
0xaa: {  	v7 =	vld.idx.msk [tilespmem:v54+s17+$0x0], $0xffff  }
0xab: {  	v8 =	vld.idx.msk [tilespmem:v55+s17+$0x0], $0xffff  }
0xac: {  	v9 =	vld.idx.msk [tilespmem:v56+s17+$0x0], $0xffff  }
0xad: {  	v10 =	vld.idx.msk [tilespmem:v57+s17+$0x0], $0xffff  }
0xae: {  	[tilespmem:v2+s20+$0x0] =	vst.idx.add.f32.msk $0xffff, v3  }
0xaf: {  	[tilespmem:v2+s21+$0x0] =	vst.idx.add.f32.msk $0xffff, v4  }
0xb0: {  	[tilespmem:v2+s22+$0x0] =	vst.idx.add.f32.msk $0xffff, v5  }
0xb1: {  	[tilespmem:v2+s23+$0x0] =	vst.idx.add.f32.msk $0xffff, v6  }
0xb2: {  	[tilespmem:v2+s24+$0x0] =	vst.idx.add.f32.msk $0xffff, v7  }
0xb3: {  	[tilespmem:v2+s25+$0x0] =	vst.idx.add.f32.msk $0xffff, v8  }
0xb4: {  	[tilespmem:v2+s26+$0x0] =	vst.idx.add.f32.msk $0xffff, v9  }
0xb5: {  	[tilespmem:v2+s28+$0x0] =	vst.idx.add.f32.msk $0xffff, v10  }
0xb6: {  	v2 =	vld [tilespmem:s6+$0xE0]  }
0xb7: {  	v3 =	vld.idx.msk [tilespmem:v58+s17+$0x0], $0xffff  }
0xb8: {  	v4 =	vld.idx.msk [tilespmem:v59+s17+$0x0], $0xffff  }
0xb9: {  	v5 =	vld.idx.msk [tilespmem:v60+s17+$0x0], $0xffff  }
0xba: {  	v6 =	vld.idx.msk [tilespmem:v61+s17+$0x0], $0xffff  }
0xbb: {  	v7 =	vld.idx.msk [tilespmem:v62+s17+$0x0], $0xffff  }
0xbc: {  	v8 =	vld.idx.msk [tilespmem:v63+s17+$0x0], $0xffff  }
0xbd: {  	v9 =	vld.idx.msk [tilespmem:v0+s17+$0x0], $0xffff  }
0xbe: {  	v10 =	vld.idx.msk [tilespmem:v12+s17+$0x0], $0xffff  }
0xbf: {  	[tilespmem:v2+s20+$0x0] =	vst.idx.add.f32.msk $0xffff, v3  }
0xc0: {  	[tilespmem:v2+s21+$0x0] =	vst.idx.add.f32.msk $0xffff, v4  }
0xc1: {  	[tilespmem:v2+s22+$0x0] =	vst.idx.add.f32.msk $0xffff, v5  }
0xc2: {  	[tilespmem:v2+s23+$0x0] =	vst.idx.add.f32.msk $0xffff, v6  }
0xc3: {  	[tilespmem:v2+s24+$0x0] =	vst.idx.add.f32.msk $0xffff, v7  }
0xc4: {  	[tilespmem:v2+s25+$0x0] =	vst.idx.add.f32.msk $0xffff, v8  }
0xc5: {  	[tilespmem:v2+s26+$0x0] =	vst.idx.add.f32.msk $0xffff, v9  }
0xc6: {  	[tilespmem:v2+s28+$0x0] =	vst.idx.add.f32.msk $0xffff, v10  }
0xc7: {  	v4 =	vld.idx.msk [tilespmem:v1+s17+$0x0], $0xffff  }
0xc8: {  	v1 =	vld [tilespmem:$0x1FF30]  }
0xc9: {  	v15 =	vld [tilespmem:$0x1FF70]  }
0xca: {  	v14 =	vld [tilespmem:$0x1FF80];
	_ =	sdelay $0x1  }
0xcb: {  	v3 =	vld [tilespmem:s6+$0xF0]  }
0xcc: {  	v6 =	vld.idx.msk [tilespmem:v18+s17+$0x0], $0xffff  }
0xcd: {  	v2 =	vor.u32 $0x387, v13;
	v7 =	vld.idx.msk [tilespmem:v17+s17+$0x0], $0xffff  }
0xce: {  	v8 =	vld.idx.msk [tilespmem:v16+s17+$0x0], $0xffff  }
0xcf: {  	v5 =	vld.idx.msk [tilespmem:v1+s17+$0x0], $0xffff  }
0xd0: {  	v9 =	vld.idx.msk [tilespmem:v15+s17+$0x0], $0xffff;
	v1 =	vmovc v63;
	v63 =	vmov v62;
	v62 =	vmov v61;
	v61 =	vmov v60  }
0xd1: {  	v10 =	vld.idx.msk [tilespmem:v14+s17+$0x0], $0xffff;
	v60 =	vmovc v59;
	v59 =	vmovc v58;
	v58 =	vmov v57;
	v57 =	vmov v56;
	v56 =	vmov v55  }
0xd2: {  	v55 =	vmovc v54;
	v54 =	vmovc v53;
	v53 =	vmov v52;
	v52 =	vmov v51;
	v51 =	vmov v11;
	v11 =	vld.idx.msk [tilespmem:v2+s17+$0x0], $0xffff  }
0xd3: {  	[tilespmem:v3+s20+$0x0] =	vst.idx.add.f32.msk $0xffff, v4  }
0xd4: {  	[tilespmem:v3+s21+$0x0] =	vst.idx.add.f32.msk $0xffff, v5  }
0xd5: {  	[tilespmem:v3+s22+$0x0] =	vst.idx.add.f32.msk $0xffff, v6  }
0xd6: {  	[tilespmem:v3+s23+$0x0] =	vst.idx.add.f32.msk $0xffff, v7  }
0xd7: {  	[tilespmem:v3+s24+$0x0] =	vst.idx.add.f32.msk $0xffff, v8  }
0xd8: {  	p0 =	seq.s32 s2, $0xC000;
	[tilespmem:v3+s25+$0x0] =	vst.idx.add.f32.msk $0xffff, v9  }
0xd9: {  	s7 =	sshra.s32 @!p0 s2, $0x2;
	[tilespmem:v3+s26+$0x0] =	vst.idx.add.f32.msk $0xffff, v10  }
0xda: {  	s8 =	simm.s32 @!p0 $0x80;
	s9 =	simm.s32 @!p0 $0x3200;
	s7 =	sadd.s32 @!p0 $0x200, s7;
	[tilespmem:v3+s28+$0x0] =	vst.idx.add.f32.msk $0xffff, v11  }
0xdb: {  	[tilespmem:s9], [sflag:$0x1] =	stream.indirect.gather @!p0 [hbm4b:s3+s8], $0x8, s7, s8, $0xb8;
	[tilespmem:$0x17A00] =	vst v63  }
0xdc: {  	_ =	swait.ge [sflag:s29], $0x400  }
0xdd: {  	v9 =	vld [tilespmem:$0x1FF90]  }
0xde: {  	v10 =	vld [tilespmem:$0x1FFA0]  }
0xdf: {  	v11 =	vld [tilespmem:$0x1FFB0];
	_ =	sdelay $0x3  }
0xe0: {  	[sflag:s29] =	ssyncset.done $0x0  }
0xe1: {  	v8 =	vld [tilespmem:$0x1FFC0];
	[sflag:s29] =	ssyncadd.s32 $0xFFFFFC00  }
0xe2: {  	v5 =	vld.idx.msk [tilespmem:v9+s18+$0x0], $0xffff  }
0xe3: {  	v6 =	vld.idx.msk [tilespmem:v10+s18+$0x0], $0xffff  }
0xe4: {  	v7 =	vld.idx.msk [tilespmem:v11+s18+$0x0], $0xffff  }
0xe5: {  	v9 =	vld [tilespmem:$0x1FFD0]  }
0xe6: {  	v10 =	vld [tilespmem:$0x1FFE0]  }
0xe7: {  	v11 =	vld [tilespmem:$0x1FFF0]  }
0xe8: {  	v3 =	vld [tilespmem:s6+$0x180];
	_ =	sdelay $0x2  }
0xe9: {  	v4 =	vld.idx.msk [tilespmem:v13+s18+$0x0], $0xffff  }
0xea: {  	v8 =	vld.idx.msk [tilespmem:v8+s18+$0x0], $0xffff  }
0xeb: {  	v9 =	vld.idx.msk [tilespmem:v9+s18+$0x0], $0xffff  }
0xec: {  	v10 =	vld.idx.msk [tilespmem:v10+s18+$0x0], $0xffff  }
0xed: {  	v11 =	vld.idx.msk [tilespmem:v11+s18+$0x0], $0xffff  }
0xee: {  	[tilespmem:v3+s20+$0x0] =	vst.idx.add.f32.msk $0xffff, v4  }
0xef: {  	[tilespmem:v3+s21+$0x0] =	vst.idx.add.f32.msk $0xffff, v5  }
0xf0: {  	[tilespmem:v3+s22+$0x0] =	vst.idx.add.f32.msk $0xffff, v6  }
0xf1: {  	[tilespmem:v3+s23+$0x0] =	vst.idx.add.f32.msk $0xffff, v7  }
0xf2: {  	[tilespmem:v3+s24+$0x0] =	vst.idx.add.f32.msk $0xffff, v8  }
0xf3: {  	[tilespmem:v3+s25+$0x0] =	vst.idx.add.f32.msk $0xffff, v9  }
0xf4: {  	[tilespmem:v3+s26+$0x0] =	vst.idx.add.f32.msk $0xffff, v10  }
0xf5: {  	[tilespmem:v3+s28+$0x0] =	vst.idx.add.f32.msk $0xffff, v11  }
0xf6: {  	v3 =	vld [tilespmem:s6+$0x190]  }
0xf7: {  	v4 =	vld.idx.msk [tilespmem:v19+s18+$0x0], $0xffff  }
0xf8: {  	v5 =	vld.idx.msk [tilespmem:v20+s18+$0x0], $0xffff  }
0xf9: {  	v6 =	vld.idx.msk [tilespmem:v21+s18+$0x0], $0xffff  }
0xfa: {  	v7 =	vld.idx.msk [tilespmem:v22+s18+$0x0], $0xffff  }
0xfb: {  	v8 =	vld.idx.msk [tilespmem:v23+s18+$0x0], $0xffff  }
0xfc: {  	v9 =	vld.idx.msk [tilespmem:v24+s18+$0x0], $0xffff  }
0xfd: {  	v10 =	vld.idx.msk [tilespmem:v25+s18+$0x0], $0xffff  }
0xfe: {  	v11 =	vld.idx.msk [tilespmem:v26+s18+$0x0], $0xffff  }
0xff: {  	[tilespmem:v3+s20+$0x0] =	vst.idx.add.f32.msk $0xffff, v4  }
0x100: {  	[tilespmem:v3+s21+$0x0] =	vst.idx.add.f32.msk $0xffff, v5  }
0x101: {  	[tilespmem:v3+s22+$0x0] =	vst.idx.add.f32.msk $0xffff, v6  }
0x102: {  	[tilespmem:v3+s23+$0x0] =	vst.idx.add.f32.msk $0xffff, v7  }
0x103: {  	[tilespmem:v3+s24+$0x0] =	vst.idx.add.f32.msk $0xffff, v8  }
0x104: {  	[tilespmem:v3+s25+$0x0] =	vst.idx.add.f32.msk $0xffff, v9  }
0x105: {  	[tilespmem:v3+s26+$0x0] =	vst.idx.add.f32.msk $0xffff, v10  }
0x106: {  	[tilespmem:v3+s28+$0x0] =	vst.idx.add.f32.msk $0xffff, v11  }
0x107: {  	v3 =	vld [tilespmem:s6+$0x1A0]  }
0x108: {  	v4 =	vld.idx.msk [tilespmem:v27+s18+$0x0], $0xffff  }
0x109: {  	v5 =	vld.idx.msk [tilespmem:v28+s18+$0x0], $0xffff  }
0x10a: {  	v6 =	vld.idx.msk [tilespmem:v29+s18+$0x0], $0xffff  }
0x10b: {  	v7 =	vld.idx.msk [tilespmem:v30+s18+$0x0], $0xffff  }
0x10c: {  	v8 =	vld.idx.msk [tilespmem:v31+s18+$0x0], $0xffff  }
0x10d: {  	v9 =	vld.idx.msk [tilespmem:v32+s18+$0x0], $0xffff  }
0x10e: {  	v10 =	vld.idx.msk [tilespmem:v33+s18+$0x0], $0xffff  }
0x10f: {  	v11 =	vld.idx.msk [tilespmem:v34+s18+$0x0], $0xffff  }
0x110: {  	[tilespmem:v3+s20+$0x0] =	vst.idx.add.f32.msk $0xffff, v4  }
0x111: {  	[tilespmem:v3+s21+$0x0] =	vst.idx.add.f32.msk $0xffff, v5  }
0x112: {  	[tilespmem:v3+s22+$0x0] =	vst.idx.add.f32.msk $0xffff, v6  }
0x113: {  	[tilespmem:v3+s23+$0x0] =	vst.idx.add.f32.msk $0xffff, v7  }
0x114: {  	[tilespmem:v3+s24+$0x0] =	vst.idx.add.f32.msk $0xffff, v8  }
0x115: {  	[tilespmem:v3+s25+$0x0] =	vst.idx.add.f32.msk $0xffff, v9  }
0x116: {  	[tilespmem:v3+s26+$0x0] =	vst.idx.add.f32.msk $0xffff, v10  }
0x117: {  	[tilespmem:v3+s28+$0x0] =	vst.idx.add.f32.msk $0xffff, v11  }
0x118: {  	v3 =	vld [tilespmem:s6+$0x1B0]  }
0x119: {  	v4 =	vld.idx.msk [tilespmem:v35+s18+$0x0], $0xffff  }
0x11a: {  	v5 =	vld.idx.msk [tilespmem:v36+s18+$0x0], $0xffff  }
0x11b: {  	v6 =	vld.idx.msk [tilespmem:v37+s18+$0x0], $0xffff  }
0x11c: {  	v7 =	vld.idx.msk [tilespmem:v38+s18+$0x0], $0xffff  }
0x11d: {  	v8 =	vld.idx.msk [tilespmem:v39+s18+$0x0], $0xffff  }
0x11e: {  	v9 =	vld.idx.msk [tilespmem:v40+s18+$0x0], $0xffff  }
0x11f: {  	v10 =	vld.idx.msk [tilespmem:v41+s18+$0x0], $0xffff  }
0x120: {  	v11 =	vld.idx.msk [tilespmem:v42+s18+$0x0], $0xffff  }
0x121: {  	[tilespmem:v3+s20+$0x0] =	vst.idx.add.f32.msk $0xffff, v4  }
0x122: {  	[tilespmem:v3+s21+$0x0] =	vst.idx.add.f32.msk $0xffff, v5  }
0x123: {  	[tilespmem:v3+s22+$0x0] =	vst.idx.add.f32.msk $0xffff, v6  }
0x124: {  	[tilespmem:v3+s23+$0x0] =	vst.idx.add.f32.msk $0xffff, v7  }
0x125: {  	[tilespmem:v3+s24+$0x0] =	vst.idx.add.f32.msk $0xffff, v8  }
0x126: {  	[tilespmem:v3+s25+$0x0] =	vst.idx.add.f32.msk $0xffff, v9  }
0x127: {  	[tilespmem:v3+s26+$0x0] =	vst.idx.add.f32.msk $0xffff, v10  }
0x128: {  	[tilespmem:v3+s28+$0x0] =	vst.idx.add.f32.msk $0xffff, v11  }
0x129: {  	v3 =	vld [tilespmem:s6+$0x1C0]  }
0x12a: {  	v4 =	vld.idx.msk [tilespmem:v43+s18+$0x0], $0xffff  }
0x12b: {  	v5 =	vld.idx.msk [tilespmem:v44+s18+$0x0], $0xffff  }
0x12c: {  	v6 =	vld.idx.msk [tilespmem:v45+s18+$0x0], $0xffff  }
0x12d: {  	v7 =	vld.idx.msk [tilespmem:v46+s18+$0x0], $0xffff  }
0x12e: {  	v8 =	vld.idx.msk [tilespmem:v47+s18+$0x0], $0xffff  }
0x12f: {  	v9 =	vld.idx.msk [tilespmem:v48+s18+$0x0], $0xffff  }
0x130: {  	v10 =	vld.idx.msk [tilespmem:v49+s18+$0x0], $0xffff  }
0x131: {  	v11 =	vld.idx.msk [tilespmem:v50+s18+$0x0], $0xffff  }
0x132: {  	v46 =	vld [tilespmem:$0x1FF30]  }
0x133: {  	[tilespmem:v3+s20+$0x0] =	vst.idx.add.f32.msk $0xffff, v4  }
0x134: {  	[tilespmem:v3+s21+$0x0] =	vst.idx.add.f32.msk $0xffff, v5  }
0x135: {  	[tilespmem:v3+s22+$0x0] =	vst.idx.add.f32.msk $0xffff, v6  }
0x136: {  	[tilespmem:v3+s23+$0x0] =	vst.idx.add.f32.msk $0xffff, v7  }
0x137: {  	[tilespmem:v3+s24+$0x0] =	vst.idx.add.f32.msk $0xffff, v8  }
0x138: {  	[tilespmem:v3+s25+$0x0] =	vst.idx.add.f32.msk $0xffff, v9  }
0x139: {  	[tilespmem:v3+s26+$0x0] =	vst.idx.add.f32.msk $0xffff, v10  }
0x13a: {  	[tilespmem:v3+s28+$0x0] =	vst.idx.add.f32.msk $0xffff, v11  }
0x13b: {  	v3 =	vld [tilespmem:s6+$0x1D0]  }
0x13c: {  	v4 =	vld.idx.msk [tilespmem:v51+s18+$0x0], $0xffff  }
0x13d: {  	v5 =	vld.idx.msk [tilespmem:v52+s18+$0x0], $0xffff  }
0x13e: {  	v6 =	vld.idx.msk [tilespmem:v53+s18+$0x0], $0xffff  }
0x13f: {  	v7 =	vld.idx.msk [tilespmem:v54+s18+$0x0], $0xffff  }
0x140: {  	v8 =	vld.idx.msk [tilespmem:v55+s18+$0x0], $0xffff  }
0x141: {  	v9 =	vld.idx.msk [tilespmem:v56+s18+$0x0], $0xffff  }
0x142: {  	v10 =	vld.idx.msk [tilespmem:v57+s18+$0x0], $0xffff  }
0x143: {  	v11 =	vld.idx.msk [tilespmem:v58+s18+$0x0], $0xffff  }
0x144: {  	[tilespmem:v3+s20+$0x0] =	vst.idx.add.f32.msk $0xffff, v4  }
0x145: {  	[tilespmem:v3+s21+$0x0] =	vst.idx.add.f32.msk $0xffff, v5  }
0x146: {  	[tilespmem:v3+s22+$0x0] =	vst.idx.add.f32.msk $0xffff, v6  }
0x147: {  	[tilespmem:v3+s23+$0x0] =	vst.idx.add.f32.msk $0xffff, v7  }
0x148: {  	[tilespmem:v3+s24+$0x0] =	vst.idx.add.f32.msk $0xffff, v8  }
0x149: {  	[tilespmem:v3+s25+$0x0] =	vst.idx.add.f32.msk $0xffff, v9  }
0x14a: {  	[tilespmem:v3+s26+$0x0] =	vst.idx.add.f32.msk $0xffff, v10  }
0x14b: {  	[tilespmem:v3+s28+$0x0] =	vst.idx.add.f32.msk $0xffff, v11  }
0x14c: {  	v3 =	vld [tilespmem:s6+$0x1E0]  }
0x14d: {  	v4 =	vld.idx.msk [tilespmem:v59+s18+$0x0], $0xffff  }
0x14e: {  	v5 =	vld.idx.msk [tilespmem:v60+s18+$0x0], $0xffff  }
0x14f: {  	v6 =	vld.idx.msk [tilespmem:v61+s18+$0x0], $0xffff  }
0x150: {  	v7 =	vld.idx.msk [tilespmem:v62+s18+$0x0], $0xffff  }
0x151: {  	v8 =	vld.idx.msk [tilespmem:v63+s18+$0x0], $0xffff  }
0x152: {  	v9 =	vld.idx.msk [tilespmem:v1+s18+$0x0], $0xffff  }
0x153: {  	v51 =	vmov v52;
	v52 =	vmov v53;
	v53 =	vmov v54;
	v10 =	vld.idx.msk [tilespmem:v0+s18+$0x0], $0xffff  }
0x154: {  	v54 =	vmovc v55;
	v55 =	vmovc v56;
	v56 =	vmov v57;
	v57 =	vmov v58;
	v58 =	vmov v59;
	v11 =	vld.idx.msk [tilespmem:v12+s18+$0x0], $0xffff  }
0x155: {  	v59 =	vmovc v60;
	v60 =	vmovc v61;
	v61 =	vmov v62;
	v62 =	vmov v63;
	v63 =	vmov v1;
	v1 =	vld [tilespmem:$0x1FF20]  }
0x156: {  	[tilespmem:v3+s20+$0x0] =	vst.idx.add.f32.msk $0xffff, v4  }
0x157: {  	[tilespmem:v3+s21+$0x0] =	vst.idx.add.f32.msk $0xffff, v5  }
0x158: {  	[tilespmem:v3+s22+$0x0] =	vst.idx.add.f32.msk $0xffff, v6  }
0x159: {  	[tilespmem:v3+s23+$0x0] =	vst.idx.add.f32.msk $0xffff, v7  }
0x15a: {  	[tilespmem:v3+s24+$0x0] =	vst.idx.add.f32.msk $0xffff, v8  }
0x15b: {  	[tilespmem:v3+s25+$0x0] =	vst.idx.add.f32.msk $0xffff, v9  }
0x15c: {  	[tilespmem:v3+s26+$0x0] =	vst.idx.add.f32.msk $0xffff, v10  }
0x15d: {  	[tilespmem:v3+s28+$0x0] =	vst.idx.add.f32.msk $0xffff, v11  }
0x15e: {  	v3 =	vld [tilespmem:s6+$0x1F0]  }
0x15f: {  	v4 =	vld.idx.msk [tilespmem:v1+s18+$0x0], $0xffff  }
0x160: {  	v5 =	vld.idx.msk [tilespmem:v46+s18+$0x0], $0xffff  }
0x161: {  	v6 =	vld.idx.msk [tilespmem:v18+s18+$0x0], $0xffff  }
0x162: {  	v7 =	vld.idx.msk [tilespmem:v17+s18+$0x0], $0xffff  }
0x163: {  	v8 =	vld.idx.msk [tilespmem:v16+s18+$0x0], $0xffff  }
0x164: {  	v9 =	vld.idx.msk [tilespmem:v15+s18+$0x0], $0xffff  }
0x165: {  	v10 =	vld.idx.msk [tilespmem:v14+s18+$0x0], $0xffff  }
0x166: {  	v2 =	vld.idx.msk [tilespmem:v2+s18+$0x0], $0xffff  }
0x167: {  	[tilespmem:v3+s20+$0x0] =	vst.idx.add.f32.msk $0xffff, v4  }
0x168: {  	s2 =	sadd.s32 $0x800, s2;
	[tilespmem:v3+s21+$0x0] =	vst.idx.add.f32.msk $0xffff, v5  }
0x169: {  	p0 =	sne.s32 s2, $0xC800;
	[tilespmem:v3+s22+$0x0] =	vst.idx.add.f32.msk $0xffff, v6  }
.Ltmp1:
0x16a: {  	[tilespmem:v3+s23+$0x0] =	vst.idx.add.f32.msk $0xffff, v7;
	(pc) =	sbr.rel @p0 .LBB2_5-.Ltmp1, $4  }
0x16b: {  	[tilespmem:v3+s24+$0x0] =	vst.idx.add.f32.msk $0xffff, v8  }
0x16c: {  	[tilespmem:v3+s25+$0x0] =	vst.idx.add.f32.msk $0xffff, v9  }
0x16d: {  	[tilespmem:v3+s26+$0x0] =	vst.idx.add.f32.msk $0xffff, v10  }
0x16e: {  	[tilespmem:v3+s28+$0x0] =	vst.idx.add.f32.msk $0xffff, v2  }
0x16f: {  	s0 =	sadd.s32 $0x1, s0  }
0x170: {  	p0 =	sne.s32 s0, $0x19  }
.Ltmp2:
0x171: {  	_ = 	snop;
	(pc) =	sbr.rel @p0 .LBB2_4-.Ltmp2, $1  }
0x172: {  	_ =	sdelay $0x3  }
0x173: {  	s0 =	rddreg [dreg:$0x2]  }
0x174: {  	[hbm4b:s0+s1] =	stream.linear.scatter [tilespmem:s20], [sflag:$0x3], $0x2800, $0x38;
	[tilespmem:$0x17A00] =	vst v63  }
0x175: {  	_ =	swait.ge [sflag:s15], $0x2800  }
0x176: {  	[sflag:s15] =	ssyncset.done $0x0  }
0x177: {  	s7 =	rddreg [dreg:$0x3];
	[sflag:s15] =	ssyncadd.s32 $0xFFFFD800  }
0x178: {  	[hbm4b:s7+s1] =	stream.linear.scatter [tilespmem:s21], [sflag:$0x3], $0x2800, $0x38;
	[tilespmem:$0x17A00] =	vst v63  }
0x179: {  	_ =	swait.ge [sflag:s15], $0x2800  }
0x17a: {  	[sflag:s15] =	ssyncset.done $0x0  }
0x17b: {  	s8 =	rddreg [dreg:$0x4];
	[sflag:s15] =	ssyncadd.s32 $0xFFFFD800  }
0x17c: {  	[hbm4b:s8+s1] =	stream.linear.scatter [tilespmem:s22], [sflag:$0x3], $0x2800, $0x38;
	[tilespmem:$0x17A00] =	vst v63  }
0x17d: {  	_ =	swait.ge [sflag:s15], $0x2800  }
0x17e: {  	[sflag:s15] =	ssyncset.done $0x0  }
0x17f: {  	s9 =	rddreg [dreg:$0x5];
	[sflag:s15] =	ssyncadd.s32 $0xFFFFD800  }
0x180: {  	[hbm4b:s9+s1] =	stream.linear.scatter [tilespmem:s23], [sflag:$0x3], $0x2800, $0x38;
	[tilespmem:$0x17A00] =	vst v63  }
0x181: {  	_ =	swait.ge [sflag:s15], $0x2800  }
0x182: {  	[sflag:s15] =	ssyncset.done $0x0  }
0x183: {  	[sflag:s15] =	ssyncadd.s32 $0xFFFFD800  }
0x184: {  	[hbm4b:s10+s1] =	stream.linear.scatter [tilespmem:s24], [sflag:$0x3], $0x2800, $0x38;
	[tilespmem:$0x17A00] =	vst v63  }
0x185: {  	_ =	swait.ge [sflag:s15], $0x2800  }
0x186: {  	[sflag:s15] =	ssyncset.done $0x0  }
0x187: {  	[sflag:s15] =	ssyncadd.s32 $0xFFFFD800  }
0x188: {  	[hbm4b:s11+s1] =	stream.linear.scatter [tilespmem:s25], [sflag:$0x3], $0x2800, $0x38;
	[tilespmem:$0x17A00] =	vst v63  }
0x189: {  	_ =	swait.ge [sflag:s15], $0x2800  }
0x18a: {  	[sflag:s15] =	ssyncset.done $0x0  }
0x18b: {  	[sflag:s15] =	ssyncadd.s32 $0xFFFFD800  }
0x18c: {  	[hbm4b:s12+s1] =	stream.linear.scatter [tilespmem:s26], [sflag:$0x3], $0x2800, $0x38;
	[tilespmem:$0x17A00] =	vst v63  }
0x18d: {  	s30 =	sadd.s32 $0x1, s30;
	_ =	swait.ge [sflag:s15], $0x2800  }
0x18e: {  	p0 =	sne.s32 s30, s14;
	[sflag:s15] =	ssyncset.done $0x0  }
.Ltmp3:
0x18f: {  	[sflag:s15] =	ssyncadd.s32 $0xFFFFD800;
	(pc) =	sbr.rel @p0 .LBB2_1-.Ltmp3, $4  }
0x190: {  	[hbm4b:s13+s1] =	stream.linear.scatter [tilespmem:s28], [sflag:$0x3], $0x2800, $0x38;
	[tilespmem:$0x17A00] =	vst v63  }
0x191: {  	_ =	swait.ge [sflag:s15], $0x2800  }
0x192: {  	[sflag:s15] =	ssyncset.done $0x0  }
0x193: {  	v1 =	vimm.f32 $0.0e+00;
	[sflag:s15] =	ssyncadd.s32 $0xFFFFD800  }
0x194: {  	_ =	sfence.sel $0x180000  }
0x195: {  	[bflag:$0x0] =	sbarrier.arrive $0xFFFF  }
0x196: {  	_ =	strace $0x90000050  }
0x197: {  	s0 =	stileid.u32;
	[bflag:$0x2] =	sbarrier.arrive $0xFFFF  }
0x198: {  	p0 =	sne.s32 s0, $0x0;
	s0 =	rddreg [dreg:$0x1]  }
0x199: {  	s0 =	sadd.s32 @!p0 $0x100000, s0  }
0x19a: {  	[sflag:s0] =	ssyncadd.tile.s32 @!p0 $0x1;
	_ =	shalt  }
.Lfunc_end2:
_tile_overlayer_lowered:
.L_overlay_start_2:
0x19b: {  	(tag) =	ssettag $0x2  }
0x19c: {  	s0 =	rddreg [dreg:$0x0];
	s2 =	stileid.u32  }
0x19d: {  	s1 =	rddreg [dreg:$0x1];
	p0 =	sne.s32 s2, $0x0  }
0x19e: {  	s3 =	rddreg [dreg:$0x2];
	[bflag:$0x3] =	sbarrier.arrive $0xFFFF;
	s2 =	simm.s32 @!p0 $0x1C03  }
0x19f: {  	[timem:s3], [sflag:s2] =	dma.local @!p0 [hbm:s0], s1  }
0x1a0: {  	s0 =	simm.s32 @!p0 $0x3  }
0x1a1: {  	_ =	swait.ge @!p0 [sflag:s0], s1  }
0x1a2: {  	s1 =	ssub.s32 @!p0 $0x0, s1;
	[sflag:s0] =	ssyncset.done @!p0 $0x0  }
0x1a3: {  	[sflag:s0] =	ssyncadd.s32 @!p0 s1  }
0x1a4: {  	[bflag:$0x3] =	sbarrier.arrive $0xFFFF  }
0x1a5: {  	_ =	shalt  }

</sc_bundles>
